<compile_context>
chip_gen: v7x
topology: tpu7x:2x2x1
jax: 0.10.2.dev20260603
libtpu: 0.0.44.dev20260713+nightly
codegen_flags: <defaults>
</compile_context>

<pallas_src>
import functools

import jax
import jax.numpy as jnp
from jax import lax
from jax.experimental import pallas as pl
from jax.experimental.pallas import tpu as pltpu
from jax.experimental.pallas import tpu_sc as plsc

N = 10000
E = 320000
HID = 128
STAT = 16
EFEAT = 16
NUM_HEADS = 8
HEAD_SIZE = HID // NUM_HEADS
ROW = HID + 2 * NUM_HEADS
MLP_WIDTH = 2 * HID

NC = 2
NS = 16
NW = NC * NS
EA = 192000
EB = E - EA
K = 80
KR = 80
NBR = (E // NW) // KR
NPAD = N
ZCH = NPAD // NS
DCH = N // NS

_SC_MESH = dict(core_axis_name="c", subcore_axis_name="s",
                num_cores=NC, num_subcores=NS)
_CP = dict(compiler_params=pltpu.CompilerParams(use_tc_tiling_on_sc=False))


def _wid():
    return lax.axis_index("s") * NC + lax.axis_index("c")


def _gather_body(off, epw, h_tab, xs_tab, srcf, dstf, ghs_out, ghd_out,
                 xp_out, idx_s, idx_d, bufs, bufd, bufxs, bufxd, xpbuf,
                 semi0, semi1, semg0, semg1, semw0, semw1):
    base0 = _wid() * epw
    nb_blocks = epw // K
    semi = (semi0, semi1)
    semg = (semg0, semg1)
    semw = (semw0, semw1)

    def idx_refs(b):
        return idx_s.at[b], idx_d.at[b]

    def issue_idx(j, b):
        base = off + base0 + j * K
        ii_s, ii_d = idx_refs(b)
        pltpu.async_copy(srcf.at[pl.ds(base, K)], ii_s, semi[b])
        pltpu.async_copy(dstf.at[pl.ds(base, K)], ii_d, semi[b])

    def wait_idx(b):
        ii_s, ii_d = idx_refs(b)
        pltpu.make_async_copy(srcf.at[pl.ds(0, K)], ii_s, semi[b]).wait()
        pltpu.make_async_copy(dstf.at[pl.ds(0, K)], ii_d, semi[b]).wait()

    def issue_gather(b):
        ii_s, ii_d = idx_refs(b)
        pltpu.async_copy(h_tab.at[ii_s], bufs.at[b], semg[b])
        pltpu.async_copy(h_tab.at[ii_d], bufd.at[b], semg[b])
        pltpu.async_copy(xs_tab.at[ii_s], bufxs.at[b], semg[b])
        pltpu.async_copy(xs_tab.at[ii_d], bufxd.at[b], semg[b])

    def wait_gather(b):
        ii_s, ii_d = idx_refs(b)
        pltpu.make_async_copy(h_tab.at[ii_s], bufs.at[b], semg[b]).wait()
        pltpu.make_async_copy(h_tab.at[ii_d], bufd.at[b], semg[b]).wait()
        pltpu.make_async_copy(xs_tab.at[ii_s], bufxs.at[b], semg[b]).wait()
        pltpu.make_async_copy(xs_tab.at[ii_d], bufxd.at[b], semg[b]).wait()

    def issue_write(j, b):
        base = base0 + j * K
        pltpu.async_copy(bufs.at[b], ghs_out.at[pl.ds(base, K)], semw[b])
        pltpu.async_copy(bufd.at[b], ghd_out.at[pl.ds(base, K)], semw[b])
        pltpu.async_copy(xpbuf.at[b], xp_out.at[pl.ds(base, K)], semw[b])

    def wait_write(b):
        pltpu.make_async_copy(bufs.at[b], ghs_out.at[pl.ds(0, K)],
                              semw[b]).wait()
        pltpu.make_async_copy(bufd.at[b], ghd_out.at[pl.ds(0, K)],
                              semw[b]).wait()
        pltpu.make_async_copy(xpbuf.at[b], xp_out.at[pl.ds(0, K)],
                              semw[b]).wait()

    def pack(b):
        def row(i, pc):
            xpbuf[b, i, pl.ds(0, STAT)] = bufxs[b, i, pl.ds(0, STAT)]
            xpbuf[b, i, pl.ds(STAT, STAT)] = bufxd[b, i, pl.ds(0, STAT)]
            return pc

        lax.fori_loop(0, K, row, 0)

    issue_idx(0, 0)
    issue_idx(1, 1)
    wait_idx(0)
    issue_gather(0)

    def body(j, carry):
        def steady(b, nb):
            wait_gather(b)
            pack(b)

            @pl.when(j >= 1)
            def _():
                wait_write(nb)

            @pl.when(j + 1 < nb_blocks)
            def _():
                wait_idx(nb)
                issue_gather(nb)

            @pl.when(j + 2 < nb_blocks)
            def _():
                issue_idx(j + 2, b)

            issue_write(j, b)

        @pl.when(lax.rem(j, 2) == 0)
        def _():
            steady(0, 1)

        @pl.when(lax.rem(j, 2) == 1)
        def _():
            steady(1, 0)

        return carry

    lax.fori_loop(0, nb_blocks, body, 0)
    wait_write((nb_blocks - 1) % 2)


def _scatter_body(off, epw, gs, dstf, expsf, zrows, part_out, idxd, gbuf,
                  ebuf, msgbuf, acc, semL0, semL1, semS):
    c = lax.axis_index("c")
    s = lax.axis_index("s")
    wid = s * NC + c
    pltpu.sync_copy(zrows, acc.at[pl.ds(s * ZCH, ZCH)])
    ebuf[0, pl.ds(K * 8, 16)] = jnp.zeros((16,), jnp.float32)
    ebuf[1, pl.ds(K * 8, 16)] = jnp.zeros((16,), jnp.float32)
    plsc.subcore_barrier()

    nb_blocks = epw // K
    semL = (semL0, semL1)

    def issue_loads(j, b):
        base = wid * epw + j * K
        pltpu.async_copy(dstf.at[pl.ds(off + base, K)], idxd.at[b], semL[b])
        pltpu.async_copy(gs.at[pl.ds(base, K)], gbuf.at[b], semL[b])
        pltpu.async_copy(expsf.at[pl.ds(base * 8, K * 8)],
                         ebuf.at[b].at[pl.ds(0, K * 8)], semL[b])

    def wait_loads(b):
        pltpu.make_async_copy(dstf.at[pl.ds(0, K)], idxd.at[b],
                              semL[b]).wait()
        pltpu.make_async_copy(gs.at[pl.ds(0, K)], gbuf.at[b], semL[b]).wait()
        pltpu.make_async_copy(expsf.at[pl.ds(0, K * 8)],
                              ebuf.at[b].at[pl.ds(0, K * 8)], semL[b]).wait()

    def wait_scatter(b):
        pltpu.make_async_copy(msgbuf, acc.at[idxd.at[b]], semS).wait()

    issue_loads(0, 0)

    def body(j, carry):
        def steady(b, nb):
            wait_loads(b)

            @pl.when(j >= 1)
            def _():
                wait_scatter(nb)

            @pl.when(j + 1 < nb_blocks)
            def _():
                issue_loads(j + 1, nb)

            def row(i, rc):
                erow = ebuf[b, pl.ds(8 * i, 16)]
                for v in range(NUM_HEADS):
                    ev = jnp.full((16,), erow[v], dtype=jnp.float32)
                    hv = gbuf[b, i, pl.ds(16 * v, 16)]
                    msgbuf[i, pl.ds(16 * v, 16)] = hv * ev
                msgbuf[i, pl.ds(HID, 16)] = erow
                return rc

            lax.fori_loop(0, K, row, 0)
            pltpu.async_copy(msgbuf, acc.at[idxd.at[b]], semS, add=True)

        @pl.when(lax.rem(j, 2) == 0)
        def _():
            steady(0, 1)

        @pl.when(lax.rem(j, 2) == 1)
        def _():
            steady(1, 0)

        return carry

    lax.fori_loop(0, nb_blocks, body, 0)
    wait_scatter((nb_blocks - 1) % 2)
    plsc.subcore_barrier()
    pltpu.sync_copy(acc.at[pl.ds(s * DCH, DCH)],
                    part_out.at[c].at[pl.ds(s * DCH, DCH)])


def _recip_gather_body(recip, dstf, out, idxd, rbuf, semi0, semi1, semg0,
                       semg1, semw0, semw1):
    base0 = _wid() * (E // NW)
    semi = (semi0, semi1)
    semg = (semg0, semg1)
    semw = (semw0, semw1)

    def issue_idx(j, b):
        pltpu.async_copy(dstf.at[pl.ds(base0 + j * KR, KR)], idxd.at[b],
                         semi[b])

    def wait_idx(b):
        pltpu.make_async_copy(dstf.at[pl.ds(0, KR)], idxd.at[b],
                              semi[b]).wait()

    def issue_gather(b):
        pltpu.async_copy(recip.at[idxd.at[b]], rbuf.at[b], semg[b])

    def wait_gather(b):
        pltpu.make_async_copy(recip.at[idxd.at[b]], rbuf.at[b],
                              semg[b]).wait()

    def issue_write(j, b):
        pltpu.async_copy(rbuf.at[b], out.at[pl.ds(base0 + j * KR, KR)],
                         semw[b])

    def wait_write(b):
        pltpu.make_async_copy(rbuf.at[b], out.at[pl.ds(0, KR)],
                              semw[b]).wait()

    issue_idx(0, 0)
    issue_idx(1, 1)
    wait_idx(0)
    issue_gather(0)

    def body(j, carry):
        def steady(b, nb):
            wait_gather(b)

            @pl.when(j >= 1)
            def _():
                wait_write(nb)

            @pl.when(j + 1 < NBR)
            def _():
                wait_idx(nb)
                issue_gather(nb)

            @pl.when(j + 2 < NBR)
            def _():
                issue_idx(j + 2, b)

            issue_write(j, b)

        @pl.when(lax.rem(j, 2) == 0)
        def _():
            steady(0, 1)

        @pl.when(lax.rem(j, 2) == 1)
        def _():
            steady(1, 0)

        return carry

    lax.fori_loop(0, NBR, body, 0)
    wait_write((NBR - 1) % 2)


def _mlp_body(gs_ref, gd_ref, xp_ref, ef_ref, w1s_ref, w1d_ref, w1x_ref,
              w1e_ref, w2_ref, out_ref):
    bf16 = jnp.bfloat16
    pre = jnp.dot(gs_ref[...].astype(bf16), w1s_ref[...],
                  preferred_element_type=jnp.float32)
    pre = pre + jnp.dot(gd_ref[...].astype(bf16), w1d_ref[...],
                        preferred_element_type=jnp.float32)
    pre = pre + jnp.dot(xp_ref[:, :2 * STAT].astype(bf16), w1x_ref[...],
                        preferred_element_type=jnp.float32)
    pre = pre + jnp.dot(ef_ref[...].astype(bf16), w1e_ref[...],
                        preferred_element_type=jnp.float32)
    z = jnp.maximum(pre, 0.0)
    raw = jnp.dot(z.astype(bf16), w2_ref[...],
                  preferred_element_type=jnp.float32)
    sc = jnp.maximum(raw, 0.01 * raw) * (1.0 / jnp.sqrt(jnp.float32(HEAD_SIZE)))
    out_ref[...] = jnp.exp(sc)


def _reduce_body(pa0_ref, pa1_ref, pb0_ref, pb1_ref, r_ref, wout_ref,
                 proj_ref, recip_ref):
    tot = (pa0_ref[...] + pa1_ref[...]) + (pb0_ref[...] + pb1_ref[...])
    u = tot[:, :HID]
    se = tot[:, HID:HID + NUM_HEADS]
    rec = 1.0 / (se + 1e-9)
    recip_ref[...] = rec
    rep = jnp.dot(rec, r_ref[...], preferred_element_type=jnp.float32)
    proj_ref[...] = jnp.dot(u * rep, wout_ref[...],
                            preferred_element_type=jnp.float32)


def _mul_body(a_ref, b_ref, o_ref):
    o_ref[...] = a_ref[...] * b_ref[...]


def kernel(h, x_s, edge_index, edge_features, W1, W2, W_out):
    f32 = jnp.float32
    bf16 = jnp.bfloat16
    src = edge_index[0]
    dst = edge_index[1]
    w1sT = W1[:, :HID].T.astype(bf16)
    w1dT = W1[:, HID:2 * HID].T.astype(bf16)
    w1xT = W1[:, 2 * HID:2 * HID + 2 * STAT].T.astype(bf16)
    w1eT = W1[:, 2 * HID + 2 * STAT:].T.astype(bf16)
    w2T = W2.T.astype(bf16)
    woutT = W_out.T
    rbc = jnp.repeat(jnp.eye(NUM_HEADS, dtype=f32), HEAD_SIZE, axis=1)
    zrows = jnp.zeros((ZCH, ROW), f32)

    mesh = plsc.VectorSubcoreMesh(**_SC_MESH)

    def gather_half(off, eh):
        return pl.kernel(
            functools.partial(_gather_body, off, eh // NW),
            out_type=(jax.ShapeDtypeStruct((eh, HID), f32),
                      jax.ShapeDtypeStruct((eh, HID), f32),
                      jax.ShapeDtypeStruct((eh, HID), f32)),
            mesh=mesh, **_CP,
            scratch_types=[
                pltpu.VMEM((2, K), jnp.int32),
                pltpu.VMEM((2, K), jnp.int32),
                pltpu.VMEM((2, K, HID), f32),
                pltpu.VMEM((2, K, HID), f32),
                pltpu.VMEM((2, K, STAT), f32),
                pltpu.VMEM((2, K, STAT), f32),
                pltpu.VMEM((2, K, HID), f32),
                pltpu.SemaphoreType.DMA,
                pltpu.SemaphoreType.DMA,
                pltpu.SemaphoreType.DMA,
                pltpu.SemaphoreType.DMA,
                pltpu.SemaphoreType.DMA,
                pltpu.SemaphoreType.DMA,
            ],
        )(h, x_s, src, dst)

    be = 2000

    def mlp_half(gs, gd, xp, ef_half):
        eh = gs.shape[0]
        return pl.pallas_call(
            _mlp_body,
            grid=(eh // be,),
            in_specs=[
                pl.BlockSpec((be, HID), lambda i: (i, 0)),
                pl.BlockSpec((be, HID), lambda i: (i, 0)),
                pl.BlockSpec((be, HID), lambda i: (i, 0)),
                pl.BlockSpec((be, EFEAT), lambda i: (i, 0)),
                pl.BlockSpec((HID, MLP_WIDTH), lambda i: (0, 0)),
                pl.BlockSpec((HID, MLP_WIDTH), lambda i: (0, 0)),
                pl.BlockSpec((2 * STAT, MLP_WIDTH), lambda i: (0, 0)),
                pl.BlockSpec((EFEAT, MLP_WIDTH), lambda i: (0, 0)),
                pl.BlockSpec((MLP_WIDTH, NUM_HEADS), lambda i: (0, 0)),
            ],
            out_specs=pl.BlockSpec((be, NUM_HEADS), lambda i: (i, 0)),
            out_shape=jax.ShapeDtypeStruct((eh, NUM_HEADS), f32),
        )(gs, gd, xp, ef_half, w1sT, w1dT, w1xT, w1eT, w2T)

    def scatter_half(off, gs, exps):
        return pl.kernel(
            functools.partial(_scatter_body, off, gs.shape[0] // NW),
            out_type=jax.ShapeDtypeStruct((NC, N, ROW), f32),
            mesh=mesh, **_CP,
            scratch_types=[
                pltpu.VMEM((2, K), jnp.int32),
                pltpu.VMEM((2, K, HID), f32),
                pltpu.VMEM((2, K * 8 + 16), f32),
                pltpu.VMEM((K, ROW), f32),
                pltpu.VMEM_SHARED((NPAD, ROW), f32),
                pltpu.SemaphoreType.DMA,
                pltpu.SemaphoreType.DMA,
                pltpu.SemaphoreType.DMA,
            ],
        )(gs, dst, exps.reshape(-1), zrows)

    gsa, gda, xpa = gather_half(0, EA)
    gsb, gdb, xpb = gather_half(EA, EB)
    expsa = mlp_half(gsa, gda, xpa, edge_features[:EA])
    expsb = mlp_half(gsb, gdb, xpb, edge_features[EA:])
    parta = scatter_half(0, gsa, expsa)
    partb = scatter_half(EA, gsb, expsb)

    bn = 400
    proj, recip = pl.pallas_call(
        _reduce_body,
        grid=(N // bn,),
        in_specs=[
            pl.BlockSpec((bn, ROW), lambda i: (i, 0)),
            pl.BlockSpec((bn, ROW), lambda i: (i, 0)),
            pl.BlockSpec((bn, ROW), lambda i: (i, 0)),
            pl.BlockSpec((bn, ROW), lambda i: (i, 0)),
            pl.BlockSpec((NUM_HEADS, HID), lambda i: (0, 0)),
            pl.BlockSpec((HID, HID), lambda i: (0, 0)),
        ],
        out_specs=[
            pl.BlockSpec((bn, HID), lambda i: (i, 0)),
            pl.BlockSpec((bn, NUM_HEADS), lambda i: (i, 0)),
        ],
        out_shape=[
            jax.ShapeDtypeStruct((N, HID), f32),
            jax.ShapeDtypeStruct((N, NUM_HEADS), f32),
        ],
    )(parta[0], parta[1], partb[0], partb[1], rbc, woutT)

    recipg = pl.kernel(
        _recip_gather_body,
        out_type=jax.ShapeDtypeStruct((E, NUM_HEADS), f32),
        mesh=mesh, **_CP,
        scratch_types=[
            pltpu.VMEM((2, KR), jnp.int32),
            pltpu.VMEM((2, KR, NUM_HEADS), f32),
            pltpu.SemaphoreType.DMA,
            pltpu.SemaphoreType.DMA,
            pltpu.SemaphoreType.DMA,
            pltpu.SemaphoreType.DMA,
            pltpu.SemaphoreType.DMA,
            pltpu.SemaphoreType.DMA,
        ],
    )(recip, dst)

    exps = jnp.concatenate([expsa, expsb], axis=0)
    rows = E * NUM_HEADS // 128
    bw = 2000
    weights = pl.pallas_call(
        _mul_body,
        grid=(rows // bw,),
        in_specs=[
            pl.BlockSpec((bw, 128), lambda i: (i, 0)),
            pl.BlockSpec((bw, 128), lambda i: (i, 0)),
        ],
        out_specs=pl.BlockSpec((bw, 128), lambda i: (i, 0)),
        out_shape=jax.ShapeDtypeStruct((rows, 128), f32),
    )(exps.reshape(rows, 128), recipg.reshape(rows, 128))

    return (proj, weights.reshape(E, NUM_HEADS))

# --- scband reference (transcript-rebuilt; emitter-appended) ---
"""Pipeline reference for scband-multi-head-fwd-attention-layer-5987184410674 (READ-ONLY COPY).

The authoritative reference and input builder live on the scoring server;
editing this copy changes nothing except your own understanding.
"""

import jax, jax.numpy as jnp
import numpy as np

N = 10000
E = 320000
HID = 128
STAT = 16
EFEAT = 16
NUM_HEADS = 8
HEAD_SIZE = HID // NUM_HEADS
MLP_IN = HID * 2 + STAT * 2 + EFEAT
MLP_WIDTH = HID * 2


def setup_inputs(seed: int = 0) -> dict:
    key = jax.random.key(seed)
    ks = jax.random.split(key, 7)
    h = jax.random.normal(ks[0], (N, HID), dtype=jnp.float32)
    x_s = jax.random.normal(ks[1], (N, STAT), dtype=jnp.float32)
    edge_index = jax.random.randint(ks[2], (2, E), 0, N, dtype=jnp.int32)
    edge_features = jax.random.normal(ks[3], (E, EFEAT), dtype=jnp.float32)
    lim1 = 1.0 / np.sqrt(MLP_IN)
    W1 = jax.random.uniform(ks[4], (MLP_WIDTH, MLP_IN), minval=-lim1, maxval=lim1, dtype=jnp.float32)
    lim2 = 1.0 / np.sqrt(MLP_WIDTH)
    W2 = jax.random.uniform(ks[5], (NUM_HEADS, MLP_WIDTH), minval=-lim2, maxval=lim2, dtype=jnp.float32)
    lim3 = 1.0 / np.sqrt(HID)
    W_out = jax.random.uniform(ks[6], (HID, HID), minval=-lim3, maxval=lim3, dtype=jnp.float32)
    return {"h": h, "x_s": x_s, "edge_index": edge_index, "edge_features": edge_features, "W1": W1, "W2": W2, "W_out": W_out}


def reference(h, x_s, edge_index, edge_features, W1, W2, W_out):
    num_nodes, hidden_size = h.shape
    src = edge_index[0]
    dest = edge_index[1]
    h_src = h[src]
    h_dest = h[dest]
    mlp_input = jnp.concatenate([h_src, h_dest, x_s[src], x_s[dest], edge_features], axis=-1)
    # eqx.nn.MLP(depth=1, use_bias=False, default relu activation): W2 @ relu(W1 @ x)
    hidden = jax.nn.relu(mlp_input @ W1.T)
    raw_scores = hidden @ W2.T
    raw_scores = jax.nn.leaky_relu(raw_scores)
    temperature = jnp.sqrt(jnp.float32(HEAD_SIZE))
    scaled_scores = raw_scores / temperature
    # segment softmax over dest, per head (segment ops broadcast over trailing dims)
    max_s = jax.ops.segment_max(scaled_scores, dest, num_segments=num_nodes)
    stable = scaled_scores - max_s[dest]
    exp_s = jnp.exp(stable)
    sum_exp = jax.ops.segment_sum(exp_s, dest, num_segments=num_nodes)
    weights = exp_s / (sum_exp[dest] + 1e-09)
    h_reshaped = h.reshape(num_nodes, NUM_HEADS, HEAD_SIZE)
    weighted_messages = h_reshaped[src] * weights[:, :, None]
    aggregated = jax.ops.segment_sum(weighted_messages, dest, num_segments=num_nodes)
    aggregated = aggregated.reshape(num_nodes, hidden_size)
    projected = aggregated @ W_out.T
    return (projected, weights)

if __name__ == "__main__":
    import jax
    _d = setup_inputs()
    print(jax.jit(kernel)(*tuple(_d.values())))

</pallas_src>

<mosaic_0001>
#map = affine_map<(d0, d1) -> (0, 0)>
#map1 = affine_map<(d0, d1) -> (0)>
#map2 = affine_map<(d0, d1) -> (0, 0, 0)>
module attributes {stable_mosaic.version = 14 : i64} {
  func.func @_scatter_body(%arg0: i32, %arg1: i32, %arg2: memref<128000x128xf32, #tpu.memory_space<hbm>>, %arg3: memref<320000xi32, #tpu.memory_space<hbm>>, %arg4: memref<1024000xf32, #tpu.memory_space<hbm>>, %arg5: memref<625x144xf32, #tpu.memory_space<hbm>>, %arg6: memref<2x10000x144xf32, #tpu.memory_space<hbm>>, %arg7: memref<2x80xi32, #tpu.memory_space<vmem>>, %arg8: memref<2x80x128xf32, #tpu.memory_space<vmem>>, %arg9: memref<2x656xf32, #tpu.memory_space<vmem>>, %arg10: memref<80x144xf32, #tpu.memory_space<vmem>>, %arg11: memref<10000x144xf32, #tpu.memory_space<vmem_shared>>, %arg12: memref<!tpu.dma_semaphore, #tpu.memory_space<semaphore_mem>>, %arg13: memref<!tpu.dma_semaphore, #tpu.memory_space<semaphore_mem>>, %arg14: memref<!tpu.dma_semaphore, #tpu.memory_space<semaphore_mem>>) attributes {dimension_semantics = [#tpu.dimension_semantics<core_parallel>, #tpu.dimension_semantics<subcore_parallel>], iteration_bounds = array<i64: 2, 16>, scalar_prefetch = 0 : i64, scratch_operands = 8 : i64, tpu.core_type = #tpu.core_type<sc_vector_subcore>, window_params = [{transform_indices = #map}, {transform_indices = #map1}, {transform_indices = #map1}, {transform_indices = #map}, {transform_indices = #map2}]} {
    %mul3A = arith.constant 2 : i32
    %mul3A_0 = arith.muli %arg1, %mul3A : i32
    %add3A = arith.addi %mul3A_0, %arg0 : i32
    %mul3A_1 = arith.constant 625 : i32
    %mul3A_2 = arith.muli %arg1, %mul3A_1 : i32
    "tpu.region"() ({
      %run_scoped3A = tpu.sem_alloc : memref<!tpu.dma_semaphore, #tpu.memory_space<semaphore_mem>>
      %dma_start3A_75 = arith.constant 0 : i32
      %dma_start3A_76 = tpu.memref_slice %arg11[%mul3A_2, %dma_start3A_75] : memref<10000x144xf32, #tpu.memory_space<vmem_shared>> -> memref<625x144xf32, #tpu.memory_space<vmem_shared>>
      tpu.enqueue_dma source(%arg5 : memref<625x144xf32, #tpu.memory_space<hbm>>) target(%dma_start3A_76 : memref<625x144xf32, #tpu.memory_space<vmem_shared>>) target_semaphore(%run_scoped3A : memref<!tpu.dma_semaphore, #tpu.memory_space<semaphore_mem>>)
      %dma_wait3A_77 = arith.constant 0 : i32
      %dma_wait3A_78 = tpu.memref_slice %arg11[%mul3A_2, %dma_wait3A_77] : memref<10000x144xf32, #tpu.memory_space<vmem_shared>> -> memref<625x144xf32, #tpu.memory_space<vmem_shared>>
      tpu.wait_dma2 semaphore(%run_scoped3A : memref<!tpu.dma_semaphore, #tpu.memory_space<semaphore_mem>>) src(%arg5 : memref<625x144xf32, #tpu.memory_space<hbm>>) dst(%dma_wait3A_78 : memref<625x144xf32, #tpu.memory_space<vmem_shared>>)
      tpu.yield
    }) : () -> ()
    %broadcast_in_dim3A = arith.constant 0.000000e+00 : f32
    %broadcast_in_dim3A_3 = vector.broadcast %broadcast_in_dim3A : f32 to vector<16xf32>
    %swap3A = arith.constant 0 : i32
    %swap3A_4 = arith.index_cast %swap3A : i32 to index
    %swap3A_5 = arith.constant 640 : index
    %swap3A_6 = tpu.vector_load %arg9[%swap3A_4, %swap3A_5] {strides = array<i32>} : memref<2x656xf32, #tpu.memory_space<vmem>>, vector<1x16xf32>,
    %swap3A_7 = vector.shape_cast %swap3A_6 : vector<1x16xf32> to vector<16xf32>
    %swap3A_8 = vector.shape_cast %broadcast_in_dim3A_3 : vector<16xf32> to vector<1x16xf32>
    tpu.vector_store %arg9[%swap3A_4, %swap3A_5], %swap3A_8 {strides = array<i32>} : memref<2x656xf32, #tpu.memory_space<vmem>>, vector<1x16xf32>,
    %broadcast_in_dim3A_9 = arith.constant 0.000000e+00 : f32
    %broadcast_in_dim3A_10 = vector.broadcast %broadcast_in_dim3A_9 : f32 to vector<16xf32>
    %swap3A_11 = arith.constant 1 : i32
    %swap3A_12 = arith.index_cast %swap3A_11 : i32 to index
    %swap3A_13 = arith.constant 640 : index
    %swap3A_14 = tpu.vector_load %arg9[%swap3A_12, %swap3A_13] {strides = array<i32>} : memref<2x656xf32, #tpu.memory_space<vmem>>, vector<1x16xf32>,
    %swap3A_15 = vector.shape_cast %swap3A_14 : vector<1x16xf32> to vector<16xf32>
    %swap3A_16 = vector.shape_cast %broadcast_in_dim3A_10 : vector<16xf32> to vector<1x16xf32>
    tpu.vector_store %arg9[%swap3A_12, %swap3A_13], %swap3A_16 {strides = array<i32>} : memref<2x656xf32, #tpu.memory_space<vmem>>, vector<1x16xf32>,
    %barrier3A = arith.constant 0 : index
    tpu.barrier barrier_id(%barrier3A)
    %mul3A_17 = arith.constant 4000 : i32
    %mul3A_18 = arith.muli %add3A, %mul3A_17 : i32
    %add3A_19 = arith.constant 0 : i32
    %add3A_20 = arith.addi %mul3A_18, %add3A_19 : i32
    %add3A_21 = arith.constant 192000 : i32
    %add3A_22 = arith.addi %add3A_21, %add3A_20 : i32
    %dma_start3A = arith.constant 0 : i32
    %dma_start3A_23 = arith.constant 0 : i32
    %dma_start3A_24 = tpu.memref_slice %arg7[%dma_start3A, %dma_start3A_23] : memref<2x80xi32, #tpu.memory_space<vmem>> -> memref<1x80xi32, #tpu.memory_space<vmem>>
    %dma_start3A_25 = tpu.memref_squeeze %dma_start3A_24 : memref<1x80xi32, #tpu.memory_space<vmem>> -> memref<80xi32, #tpu.memory_space<vmem>>
    %dma_start3A_26 = tpu.memref_slice %arg3[%add3A_22] : memref<320000xi32, #tpu.memory_space<hbm>> -> memref<80xi32, #tpu.memory_space<hbm>>
    %dma_start3A_27 = arith.constant 0 : i32
    %dma_start3A_28 = tpu.memref_slice %arg7[%dma_start3A, %dma_start3A_27] : memref<2x80xi32, #tpu.memory_space<vmem>> -> memref<1x80xi32, #tpu.memory_space<vmem>>
    %dma_start3A_29 = tpu.memref_squeeze %dma_start3A_28 : memref<1x80xi32, #tpu.memory_space<vmem>> -> memref<80xi32, #tpu.memory_space<vmem>>
    %dma_start3A_30 = tpu.memref_slice %arg3[%add3A_22] : memref<320000xi32, #tpu.memory_space<hbm>> -> memref<80xi32, #tpu.memory_space<hbm>>
    tpu.enqueue_dma source(%dma_start3A_30 : memref<80xi32, #tpu.memory_space<hbm>>) target(%dma_start3A_29 : memref<80xi32, #tpu.memory_space<vmem>>) target_semaphore(%arg12 : memref<!tpu.dma_semaphore, #tpu.memory_space<semaphore_mem>>)
    %dma_start3A_31 = arith.constant 0 : i32
    %dma_start3A_32 = arith.constant 0 : i32
    %dma_start3A_33 = arith.constant 0 : i32
    %dma_start3A_34 = tpu.memref_slice %arg8[%dma_start3A_31, %dma_start3A_32, %dma_start3A_33] : memref<2x80x128xf32, #tpu.memory_space<vmem>> -> memref<1x80x128xf32, #tpu.memory_space<vmem>>
    %dma_start3A_35 = tpu.memref_squeeze %dma_start3A_34 : memref<1x80x128xf32, #tpu.memory_space<vmem>> -> memref<80x128xf32, #tpu.memory_space<vmem>>
    %dma_start3A_36 = arith.constant 0 : i32
    %dma_start3A_37 = tpu.memref_slice %arg2[%add3A_20, %dma_start3A_36] : memref<128000x128xf32, #tpu.memory_space<hbm>> -> memref<80x128xf32, #tpu.memory_space<hbm>>
    %dma_start3A_38 = arith.constant 0 : i32
    %dma_start3A_39 = arith.constant 0 : i32
    %dma_start3A_40 = tpu.memref_slice %arg8[%dma_start3A_31, %dma_start3A_38, %dma_start3A_39] : memref<2x80x128xf32, #tpu.memory_space<vmem>> -> memref<1x80x128xf32, #tpu.memory_space<vmem>>
    %dma_start3A_41 = tpu.memref_squeeze %dma_start3A_40 : memref<1x80x128xf32, #tpu.memory_space<vmem>> -> memref<80x128xf32, #tpu.memory_space<vmem>>
    %dma_start3A_42 = arith.constant 0 : i32
    %dma_start3A_43 = tpu.memref_slice %arg2[%add3A_20, %dma_start3A_42] : memref<128000x128xf32, #tpu.memory_space<hbm>> -> memref<80x128xf32, #tpu.memory_space<hbm>>
    tpu.enqueue_dma source(%dma_start3A_43 : memref<80x128xf32, #tpu.memory_space<hbm>>) target(%dma_start3A_41 : memref<80x128xf32, #tpu.memory_space<vmem>>) target_semaphore(%arg12 : memref<!tpu.dma_semaphore, #tpu.memory_space<semaphore_mem>>)
    %mul3A_44 = arith.constant 8 : i32
    %mul3A_45 = arith.muli %add3A_20, %mul3A_44 : i32
    %dma_start3A_46 = arith.constant 0 : i32
    %dma_start3A_47 = arith.constant 0 : i32
    %dma_start3A_48 = tpu.memref_slice %arg9[%dma_start3A_46, %dma_start3A_47] : memref<2x656xf32, #tpu.memory_space<vmem>> -> memref<1x656xf32, #tpu.memory_space<vmem>>
    %dma_start3A_49 = tpu.memref_squeeze %dma_start3A_48 : memref<1x656xf32, #tpu.memory_space<vmem>> -> memref<656xf32, #tpu.memory_space<vmem>>
    %dma_start3A_50 = arith.constant 0 : i32
    %dma_start3A_51 = tpu.memref_slice %dma_start3A_49[%dma_start3A_50] : memref<656xf32, #tpu.memory_space<vmem>> -> memref<640xf32, #tpu.memory_space<vmem>>
    %dma_start3A_52 = tpu.memref_slice %arg4[%mul3A_45] : memref<1024000xf32, #tpu.memory_space<hbm>> -> memref<640xf32, #tpu.memory_space<hbm>>
    %dma_start3A_53 = arith.constant 0 : i32
    %dma_start3A_54 = tpu.memref_slice %arg9[%dma_start3A_46, %dma_start3A_53] : memref<2x656xf32, #tpu.memory_space<vmem>> -> memref<1x656xf32, #tpu.memory_space<vmem>>
    %dma_start3A_55 = tpu.memref_squeeze %dma_start3A_54 : memref<1x656xf32, #tpu.memory_space<vmem>> -> memref<656xf32, #tpu.memory_space<vmem>>
    %dma_start3A_56 = arith.constant 0 : i32
    %dma_start3A_57 = tpu.memref_slice %dma_start3A_55[%dma_start3A_56] : memref<656xf32, #tpu.memory_space<vmem>> -> memref<640xf32, #tpu.memory_space<vmem>>
    %dma_start3A_58 = tpu.memref_slice %arg4[%mul3A_45] : memref<1024000xf32, #tpu.memory_space<hbm>> -> memref<640xf32, #tpu.memory_space<hbm>>
    tpu.enqueue_dma source(%dma_start3A_58 : memref<640xf32, #tpu.memory_space<hbm>>) target(%dma_start3A_57 : memref<640xf32, #tpu.memory_space<vmem>>) target_semaphore(%arg12 : memref<!tpu.dma_semaphore, #tpu.memory_space<semaphore_mem>>)
    %scan3A = arith.constant 0 : i32
    %scan3A_59 = arith.constant 0 : i32
    %scan3A_60 = arith.constant 50 : i32
    %scan3A_61 = arith.addi %scan3A_59, %scan3A_60 : i32
    %scan3A_62 = arith.constant 1 : i32
    scf.for %scan3A_75 = %scan3A_59 to %scan3A_61 step %scan3A_62  : i32 {
      %rem3A = arith.constant 2 : i32
      %rem3A_76 = arith.remsi %scan3A_75, %rem3A : i32
      %eq3A = arith.constant 0 : i32
      %eq3A_77 = arith.cmpi eq, %rem3A_76, %eq3A : i32
      %convert_element_type3A = arith.extui %eq3A_77 : i1 to i32
      %cond3A = arith.constant 0 : i32
      %cond3A_78 = arith.cmpi ne, %convert_element_type3A, %cond3A : i32
      scf.if %cond3A_78 {
        %dma_wait3A_86 = arith.constant 0 : i32
        %dma_wait3A_87 = arith.constant 0 : i32
        %dma_wait3A_88 = tpu.memref_slice %arg7[%dma_wait3A_86, %dma_wait3A_87] : memref<2x80xi32, #tpu.memory_space<vmem>> -> memref<1x80xi32, #tpu.memory_space<vmem>>
        %dma_wait3A_89 = tpu.memref_squeeze %dma_wait3A_88 : memref<1x80xi32, #tpu.memory_space<vmem>> -> memref<80xi32, #tpu.memory_space<vmem>>
        %dma_wait3A_90 = arith.constant 0 : i32
        %dma_wait3A_91 = tpu.memref_slice %arg3[%dma_wait3A_90] : memref<320000xi32, #tpu.memory_space<hbm>> -> memref<80xi32, #tpu.memory_space<hbm>>
        %dma_wait3A_92 = arith.constant 0 : i32
        %dma_wait3A_93 = tpu.memref_slice %arg7[%dma_wait3A_86, %dma_wait3A_92] : memref<2x80xi32, #tpu.memory_space<vmem>> -> memref<1x80xi32, #tpu.memory_space<vmem>>
        %dma_wait3A_94 = tpu.memref_squeeze %dma_wait3A_93 : memref<1x80xi32, #tpu.memory_space<vmem>> -> memref<80xi32, #tpu.memory_space<vmem>>
        %dma_wait3A_95 = arith.constant 0 : i32
        %dma_wait3A_96 = tpu.memref_slice %arg3[%dma_wait3A_95] : memref<320000xi32, #tpu.memory_space<hbm>> -> memref<80xi32, #tpu.memory_space<hbm>>
        tpu.wait_dma2 semaphore(%arg12 : memref<!tpu.dma_semaphore, #tpu.memory_space<semaphore_mem>>) src(%dma_wait3A_96 : memref<80xi32, #tpu.memory_space<hbm>>) dst(%dma_wait3A_94 : memref<80xi32, #tpu.memory_space<vmem>>)
        %dma_wait3A_97 = arith.constant 0 : i32
        %dma_wait3A_98 = arith.constant 0 : i32
        %dma_wait3A_99 = arith.constant 0 : i32
        %dma_wait3A_100 = tpu.memref_slice %arg8[%dma_wait3A_97, %dma_wait3A_98, %dma_wait3A_99] : memref<2x80x128xf32, #tpu.memory_space<vmem>> -> memref<1x80x128xf32, #tpu.memory_space<vmem>>
        %dma_wait3A_101 = tpu.memref_squeeze %dma_wait3A_100 : memref<1x80x128xf32, #tpu.memory_space<vmem>> -> memref<80x128xf32, #tpu.memory_space<vmem>>
        %dma_wait3A_102 = arith.constant 0 : i32
        %dma_wait3A_103 = arith.constant 0 : i32
        %dma_wait3A_104 = tpu.memref_slice %arg2[%dma_wait3A_102, %dma_wait3A_103] : memref<128000x128xf32, #tpu.memory_space<hbm>> -> memref<80x128xf32, #tpu.memory_space<hbm>>
        %dma_wait3A_105 = arith.constant 0 : i32
        %dma_wait3A_106 = arith.constant 0 : i32
        %dma_wait3A_107 = tpu.memref_slice %arg8[%dma_wait3A_97, %dma_wait3A_105, %dma_wait3A_106] : memref<2x80x128xf32, #tpu.memory_space<vmem>> -> memref<1x80x128xf32, #tpu.memory_space<vmem>>
        %dma_wait3A_108 = tpu.memref_squeeze %dma_wait3A_107 : memref<1x80x128xf32, #tpu.memory_space<vmem>> -> memref<80x128xf32, #tpu.memory_space<vmem>>
        %dma_wait3A_109 = arith.constant 0 : i32
        %dma_wait3A_110 = arith.constant 0 : i32
        %dma_wait3A_111 = tpu.memref_slice %arg2[%dma_wait3A_109, %dma_wait3A_110] : memref<128000x128xf32, #tpu.memory_space<hbm>> -> memref<80x128xf32, #tpu.memory_space<hbm>>
        tpu.wait_dma2 semaphore(%arg12 : memref<!tpu.dma_semaphore, #tpu.memory_space<semaphore_mem>>) src(%dma_wait3A_111 : memref<80x128xf32, #tpu.memory_space<hbm>>) dst(%dma_wait3A_108 : memref<80x128xf32, #tpu.memory_space<vmem>>)
        %dma_wait3A_112 = arith.constant 0 : i32
        %dma_wait3A_113 = arith.constant 0 : i32
        %dma_wait3A_114 = tpu.memref_slice %arg9[%dma_wait3A_112, %dma_wait3A_113] : memref<2x656xf32, #tpu.memory_space<vmem>> -> memref<1x656xf32, #tpu.memory_space<vmem>>
        %dma_wait3A_115 = tpu.memref_squeeze %dma_wait3A_114 : memref<1x656xf32, #tpu.memory_space<vmem>> -> memref<656xf32, #tpu.memory_space<vmem>>
        %dma_wait3A_116 = arith.constant 0 : i32
        %dma_wait3A_117 = tpu.memref_slice %dma_wait3A_115[%dma_wait3A_116] : memref<656xf32, #tpu.memory_space<vmem>> -> memref<640xf32, #tpu.memory_space<vmem>>
        %dma_wait3A_118 = arith.constant 0 : i32
        %dma_wait3A_119 = tpu.memref_slice %arg4[%dma_wait3A_118] : memref<1024000xf32, #tpu.memory_space<hbm>> -> memref<640xf32, #tpu.memory_space<hbm>>
        %dma_wait3A_120 = arith.constant 0 : i32
        %dma_wait3A_121 = tpu.memref_slice %arg9[%dma_wait3A_112, %dma_wait3A_120] : memref<2x656xf32, #tpu.memory_space<vmem>> -> memref<1x656xf32, #tpu.memory_space<vmem>>
        %dma_wait3A_122 = tpu.memref_squeeze %dma_wait3A_121 : memref<1x656xf32, #tpu.memory_space<vmem>> -> memref<656xf32, #tpu.memory_space<vmem>>
        %dma_wait3A_123 = arith.constant 0 : i32
        %dma_wait3A_124 = tpu.memref_slice %dma_wait3A_122[%dma_wait3A_123] : memref<656xf32, #tpu.memory_space<vmem>> -> memref<640xf32, #tpu.memory_space<vmem>>
        %dma_wait3A_125 = arith.constant 0 : i32
        %dma_wait3A_126 = tpu.memref_slice %arg4[%dma_wait3A_125] : memref<1024000xf32, #tpu.memory_space<hbm>> -> memref<640xf32, #tpu.memory_space<hbm>>
        tpu.wait_dma2 semaphore(%arg12 : memref<!tpu.dma_semaphore, #tpu.memory_space<semaphore_mem>>) src(%dma_wait3A_126 : memref<640xf32, #tpu.memory_space<hbm>>) dst(%dma_wait3A_124 : memref<640xf32, #tpu.memory_space<vmem>>)
        %ge3A = arith.constant 1 : i32
        %ge3A_127 = arith.cmpi sge, %scan3A_75, %ge3A : i32
        %convert_element_type3A_128 = arith.extui %ge3A_127 : i1 to i32
        %cond3A_129 = arith.constant 0 : i32
        %cond3A_130 = arith.cmpi ne, %convert_element_type3A_128, %cond3A_129 : i32
        scf.if %cond3A_130 {
          %dma_wait3A_150 = arith.constant 1 : i32
          %dma_wait3A_151 = arith.constant 0 : i32
          %dma_wait3A_152 = tpu.memref_slice %arg7[%dma_wait3A_150, %dma_wait3A_151] : memref<2x80xi32, #tpu.memory_space<vmem>> -> memref<1x80xi32, #tpu.memory_space<vmem>>
          %dma_wait3A_153 = tpu.memref_squeeze %dma_wait3A_152 : memref<1x80xi32, #tpu.memory_space<vmem>> -> memref<80xi32, #tpu.memory_space<vmem>>
          %dma_wait3A_154 = arith.constant 0 : i32
          %dma_wait3A_155 = arith.constant 0 : i32
          %dma_wait3A_156 = tpu.memref_slice %arg11[%dma_wait3A_154, %dma_wait3A_155] : memref<10000x144xf32, #tpu.memory_space<vmem_shared>> -> memref<10000x144xf32, #tpu.memory_space<vmem_shared>>
          tpu.wait_indirect_dma semaphore(%arg14 : memref<!tpu.dma_semaphore, #tpu.memory_space<semaphore_mem>>) src(%arg10 : memref<80x144xf32, #tpu.memory_space<vmem>>) dst(%dma_wait3A_156 : memref<10000x144xf32, #tpu.memory_space<vmem_shared>>)
        } else {
        }
        %add3A_131 = arith.constant 1 : i32
        %add3A_132 = arith.addi %scan3A_75, %add3A_131 : i32
        %lt3A = arith.constant 50 : i32
        %lt3A_133 = arith.cmpi slt, %add3A_132, %lt3A : i32
        %convert_element_type3A_134 = arith.extui %lt3A_133 : i1 to i32
        %cond3A_135 = arith.constant 0 : i32
        %cond3A_136 = arith.cmpi ne, %convert_element_type3A_134, %cond3A_135 : i32
        scf.if %cond3A_136 {
          %add3A_150 = arith.constant 1 : i32
          %add3A_151 = arith.addi %scan3A_75, %add3A_150 : i32
          %mul3A_152 = arith.constant 4000 : i32
          %mul3A_153 = arith.muli %add3A, %mul3A_152 : i32
          %mul3A_154 = arith.constant 80 : i32
          %mul3A_155 = arith.muli %add3A_151, %mul3A_154 : i32
          %add3A_156 = arith.addi %mul3A_153, %mul3A_155 : i32
          %add3A_157 = arith.constant 192000 : i32
          %add3A_158 = arith.addi %add3A_157, %add3A_156 : i32
          %dma_start3A_159 = arith.constant 1 : i32
          %dma_start3A_160 = arith.constant 0 : i32
          %dma_start3A_161 = tpu.memref_slice %arg7[%dma_start3A_159, %dma_start3A_160] : memref<2x80xi32, #tpu.memory_space<vmem>> -> memref<1x80xi32, #tpu.memory_space<vmem>>
          %dma_start3A_162 = tpu.memref_squeeze %dma_start3A_161 : memref<1x80xi32, #tpu.memory_space<vmem>> -> memref<80xi32, #tpu.memory_space<vmem>>
          %dma_start3A_163 = tpu.memref_slice %arg3[%add3A_158] : memref<320000xi32, #tpu.memory_space<hbm>> -> memref<80xi32, #tpu.memory_space<hbm>>
          %dma_start3A_164 = arith.constant 0 : i32
          %dma_start3A_165 = tpu.memref_slice %arg7[%dma_start3A_159, %dma_start3A_164] : memref<2x80xi32, #tpu.memory_space<vmem>> -> memref<1x80xi32, #tpu.memory_space<vmem>>
          %dma_start3A_166 = tpu.memref_squeeze %dma_start3A_165 : memref<1x80xi32, #tpu.memory_space<vmem>> -> memref<80xi32, #tpu.memory_space<vmem>>
          %dma_start3A_167 = tpu.memref_slice %arg3[%add3A_158] : memref<320000xi32, #tpu.memory_space<hbm>> -> memref<80xi32, #tpu.memory_space<hbm>>
          tpu.enqueue_dma source(%dma_start3A_167 : memref<80xi32, #tpu.memory_space<hbm>>) target(%dma_start3A_166 : memref<80xi32, #tpu.memory_space<vmem>>) target_semaphore(%arg13 : memref<!tpu.dma_semaphore, #tpu.memory_space<semaphore_mem>>)
          %dma_start3A_168 = arith.constant 1 : i32
          %dma_start3A_169 = arith.constant 0 : i32
          %dma_start3A_170 = arith.constant 0 : i32
          %dma_start3A_171 = tpu.memref_slice %arg8[%dma_start3A_168, %dma_start3A_169, %dma_start3A_170] : memref<2x80x128xf32, #tpu.memory_space<vmem>> -> memref<1x80x128xf32, #tpu.memory_space<vmem>>
          %dma_start3A_172 = tpu.memref_squeeze %dma_start3A_171 : memref<1x80x128xf32, #tpu.memory_space<vmem>> -> memref<80x128xf32, #tpu.memory_space<vmem>>
          %dma_start3A_173 = arith.constant 0 : i32
          %dma_start3A_174 = tpu.memref_slice %arg2[%add3A_156, %dma_start3A_173] : memref<128000x128xf32, #tpu.memory_space<hbm>> -> memref<80x128xf32, #tpu.memory_space<hbm>>
          %dma_start3A_175 = arith.constant 0 : i32
          %dma_start3A_176 = arith.constant 0 : i32
          %dma_start3A_177 = tpu.memref_slice %arg8[%dma_start3A_168, %dma_start3A_175, %dma_start3A_176] : memref<2x80x128xf32, #tpu.memory_space<vmem>> -> memref<1x80x128xf32, #tpu.memory_space<vmem>>
          %dma_start3A_178 = tpu.memref_squeeze %dma_start3A_177 : memref<1x80x128xf32, #tpu.memory_space<vmem>> -> memref<80x128xf32, #tpu.memory_space<vmem>>
          %dma_start3A_179 = arith.constant 0 : i32
          %dma_start3A_180 = tpu.memref_slice %arg2[%add3A_156, %dma_start3A_179] : memref<128000x128xf32, #tpu.memory_space<hbm>> -> memref<80x128xf32, #tpu.memory_space<hbm>>
          tpu.enqueue_dma source(%dma_start3A_180 : memref<80x128xf32, #tpu.memory_space<hbm>>) target(%dma_start3A_178 : memref<80x128xf32, #tpu.memory_space<vmem>>) target_semaphore(%arg13 : memref<!tpu.dma_semaphore, #tpu.memory_space<semaphore_mem>>)
          %mul3A_181 = arith.constant 8 : i32
          %mul3A_182 = arith.muli %add3A_156, %mul3A_181 : i32
          %dma_start3A_183 = arith.constant 1 : i32
          %dma_start3A_184 = arith.constant 0 : i32
          %dma_start3A_185 = tpu.memref_slice %arg9[%dma_start3A_183, %dma_start3A_184] : memref<2x656xf32, #tpu.memory_space<vmem>> -> memref<1x656xf32, #tpu.memory_space<vmem>>
          %dma_start3A_186 = tpu.memref_squeeze %dma_start3A_185 : memref<1x656xf32, #tpu.memory_space<vmem>> -> memref<656xf32, #tpu.memory_space<vmem>>
          %dma_start3A_187 = arith.constant 0 : i32
          %dma_start3A_188 = tpu.memref_slice %dma_start3A_186[%dma_start3A_187] : memref<656xf32, #tpu.memory_space<vmem>> -> memref<640xf32, #tpu.memory_space<vmem>>
          %dma_start3A_189 = tpu.memref_slice %arg4[%mul3A_182] : memref<1024000xf32, #tpu.memory_space<hbm>> -> memref<640xf32, #tpu.memory_space<hbm>>
          %dma_start3A_190 = arith.constant 0 : i32
          %dma_start3A_191 = tpu.memref_slice %arg9[%dma_start3A_183, %dma_start3A_190] : memref<2x656xf32, #tpu.memory_space<vmem>> -> memref<1x656xf32, #tpu.memory_space<vmem>>
          %dma_start3A_192 = tpu.memref_squeeze %dma_start3A_191 : memref<1x656xf32, #tpu.memory_space<vmem>> -> memref<656xf32, #tpu.memory_space<vmem>>
          %dma_start3A_193 = arith.constant 0 : i32
          %dma_start3A_194 = tpu.memref_slice %dma_start3A_192[%dma_start3A_193] : memref<656xf32, #tpu.memory_space<vmem>> -> memref<640xf32, #tpu.memory_space<vmem>>
          %dma_start3A_195 = tpu.memref_slice %arg4[%mul3A_182] : memref<1024000xf32, #tpu.memory_space<hbm>> -> memref<640xf32, #tpu.memory_space<hbm>>
          tpu.enqueue_dma source(%dma_start3A_195 : memref<640xf32, #tpu.memory_space<hbm>>) target(%dma_start3A_194 : memref<640xf32, #tpu.memory_space<vmem>>) target_semaphore(%arg13 : memref<!tpu.dma_semaphore, #tpu.memory_space<semaphore_mem>>)
        } else {
        }
        %scan3A_137 = arith.constant 0 : i32
        %scan3A_138 = arith.constant 0 : i32
        %scan3A_139 = arith.constant 80 : i32
        %scan3A_140 = arith.addi %scan3A_138, %scan3A_139 : i32
        %scan3A_141 = arith.constant 1 : i32
        scf.for %scan3A_150 = %scan3A_138 to %scan3A_140 step %scan3A_141  : i32 {
          %mul3A_151 = arith.constant 8 : i32
          %mul3A_152 = arith.muli %mul3A_151, %scan3A_150 : i32
          %get3A = arith.constant 0 : i32
          %get3A_153 = arith.index_cast %get3A : i32 to index
          %get3A_154 = arith.index_cast %mul3A_152 : i32 to index
          %get3A_155 = tpu.vector_load %arg9[%get3A_153, %get3A_154] {strides = array<i32>} : memref<2x656xf32, #tpu.memory_space<vmem>>, vector<1x16xf32>,
          %get3A_156 = vector.shape_cast %get3A_155 : vector<1x16xf32> to vector<16xf32>
          %slice3A = vector.extract_strided_slice %get3A_156 {offsets = [0], sizes = [1], strides = [1]} : vector<16xf32> to vector<1xf32>
          %squeeze3A = vector.extract %slice3A[0] : f32 from vector<1xf32>
          %broadcast_in_dim3A_157 = vector.broadcast %squeeze3A : f32 to vector<16xf32>
          %get3A_158 = arith.constant 0 : i32
          %get3A_159 = arith.index_cast %get3A_158 : i32 to index
          %get3A_160 = arith.index_cast %scan3A_150 : i32 to index
          %get3A_161 = arith.constant 0 : index
          %get3A_162 = tpu.vector_load %arg8[%get3A_159, %get3A_160, %get3A_161] {strides = array<i32>} : memref<2x80x128xf32, #tpu.memory_space<vmem>>, vector<1x1x16xf32>,
          %get3A_163 = vector.shape_cast %get3A_162 : vector<1x1x16xf32> to vector<16xf32>
          %mul3A_164 = arith.mulf %get3A_163, %broadcast_in_dim3A_157 : vector<16xf32>
          %swap3A_165 = arith.index_cast %scan3A_150 : i32 to index
          %swap3A_166 = arith.constant 0 : index
          %swap3A_167 = tpu.vector_load %arg10[%swap3A_165, %swap3A_166] {strides = array<i32>} : memref<80x144xf32, #tpu.memory_space<vmem>>, vector<1x16xf32>,
          %swap3A_168 = vector.shape_cast %swap3A_167 : vector<1x16xf32> to vector<16xf32>
          %swap3A_169 = vector.shape_cast %mul3A_164 : vector<16xf32> to vector<1x16xf32>
          tpu.vector_store %arg10[%swap3A_165, %swap3A_166], %swap3A_169 {strides = array<i32>} : memref<80x144xf32, #tpu.memory_space<vmem>>, vector<1x16xf32>,
          %slice3A_170 = vector.extract_strided_slice %get3A_156 {offsets = [1], sizes = [1], strides = [1]} : vector<16xf32> to vector<1xf32>
          %squeeze3A_171 = vector.extract %slice3A_170[0] : f32 from vector<1xf32>
          %broadcast_in_dim3A_172 = vector.broadcast %squeeze3A_171 : f32 to vector<16xf32>
          %get3A_173 = arith.constant 0 : i32
          %get3A_174 = arith.index_cast %get3A_173 : i32 to index
          %get3A_175 = arith.index_cast %scan3A_150 : i32 to index
          %get3A_176 = arith.constant 16 : index
          %get3A_177 = tpu.vector_load %arg8[%get3A_174, %get3A_175, %get3A_176] {strides = array<i32>} : memref<2x80x128xf32, #tpu.memory_space<vmem>>, vector<1x1x16xf32>,
          %get3A_178 = vector.shape_cast %get3A_177 : vector<1x1x16xf32> to vector<16xf32>
          %mul3A_179 = arith.mulf %get3A_178, %broadcast_in_dim3A_172 : vector<16xf32>
          %swap3A_180 = arith.index_cast %scan3A_150 : i32 to index
          %swap3A_181 = arith.constant 16 : index
          %swap3A_182 = tpu.vector_load %arg10[%swap3A_180, %swap3A_181] {strides = array<i32>} : memref<80x144xf32, #tpu.memory_space<vmem>>, vector<1x16xf32>,
          %swap3A_183 = vector.shape_cast %swap3A_182 : vector<1x16xf32> to vector<16xf32>
          %swap3A_184 = vector.shape_cast %mul3A_179 : vector<16xf32> to vector<1x16xf32>
          tpu.vector_store %arg10[%swap3A_180, %swap3A_181], %swap3A_184 {strides = array<i32>} : memref<80x144xf32, #tpu.memory_space<vmem>>, vector<1x16xf32>,
          %slice3A_185 = vector.extract_strided_slice %get3A_156 {offsets = [2], sizes = [1], strides = [1]} : vector<16xf32> to vector<1xf32>
          %squeeze3A_186 = vector.extract %slice3A_185[0] : f32 from vector<1xf32>
          %broadcast_in_dim3A_187 = vector.broadcast %squeeze3A_186 : f32 to vector<16xf32>
          %get3A_188 = arith.constant 0 : i32
          %get3A_189 = arith.index_cast %get3A_188 : i32 to index
          %get3A_190 = arith.index_cast %scan3A_150 : i32 to index
          %get3A_191 = arith.constant 32 : index
          %get3A_192 = tpu.vector_load %arg8[%get3A_189, %get3A_190, %get3A_191] {strides = array<i32>} : memref<2x80x128xf32, #tpu.memory_space<vmem>>, vector<1x1x16xf32>,
          %get3A_193 = vector.shape_cast %get3A_192 : vector<1x1x16xf32> to vector<16xf32>
          %mul3A_194 = arith.mulf %get3A_193, %broadcast_in_dim3A_187 : vector<16xf32>
          %swap3A_195 = arith.index_cast %scan3A_150 : i32 to index
          %swap3A_196 = arith.constant 32 : index
          %swap3A_197 = tpu.vector_load %arg10[%swap3A_195, %swap3A_196] {strides = array<i32>} : memref<80x144xf32, #tpu.memory_space<vmem>>, vector<1x16xf32>,
          %swap3A_198 = vector.shape_cast %swap3A_197 : vector<1x16xf32> to vector<16xf32>
          %swap3A_199 = vector.shape_cast %mul3A_194 : vector<16xf32> to vector<1x16xf32>
          tpu.vector_store %arg10[%swap3A_195, %swap3A_196], %swap3A_199 {strides = array<i32>} : memref<80x144xf32, #tpu.memory_space<vmem>>, vector<1x16xf32>,
          %slice3A_200 = vector.extract_strided_slice %get3A_156 {offsets = [3], sizes = [1], strides = [1]} : vector<16xf32> to vector<1xf32>
          %squeeze3A_201 = vector.extract %slice3A_200[0] : f32 from vector<1xf32>
          %broadcast_in_dim3A_202 = vector.broadcast %squeeze3A_201 : f32 to vector<16xf32>
          %get3A_203 = arith.constant 0 : i32
          %get3A_204 = arith.index_cast %get3A_203 : i32 to index
          %get3A_205 = arith.index_cast %scan3A_150 : i32 to index
          %get3A_206 = arith.constant 48 : index
          %get3A_207 = tpu.vector_load %arg8[%get3A_204, %get3A_205, %get3A_206] {strides = array<i32>} : memref<2x80x128xf32, #tpu.memory_space<vmem>>, vector<1x1x16xf32>,
          %get3A_208 = vector.shape_cast %get3A_207 : vector<1x1x16xf32> to vector<16xf32>
          %mul3A_209 = arith.mulf %get3A_208, %broadcast_in_dim3A_202 : vector<16xf32>
          %swap3A_210 = arith.index_cast %scan3A_150 : i32 to index
          %swap3A_211 = arith.constant 48 : index
          %swap3A_212 = tpu.vector_load %arg10[%swap3A_210, %swap3A_211] {strides = array<i32>} : memref<80x144xf32, #tpu.memory_space<vmem>>, vector<1x16xf32>,
          %swap3A_213 = vector.shape_cast %swap3A_212 : vector<1x16xf32> to vector<16xf32>
          %swap3A_214 = vector.shape_cast %mul3A_209 : vector<16xf32> to vector<1x16xf32>
          tpu.vector_store %arg10[%swap3A_210, %swap3A_211], %swap3A_214 {strides = array<i32>} : memref<80x144xf32, #tpu.memory_space<vmem>>, vector<1x16xf32>,
          %slice3A_215 = vector.extract_strided_slice %get3A_156 {offsets = [4], sizes = [1], strides = [1]} : vector<16xf32> to vector<1xf32>
          %squeeze3A_216 = vector.extract %slice3A_215[0] : f32 from vector<1xf32>
          %broadcast_in_dim3A_217 = vector.broadcast %squeeze3A_216 : f32 to vector<16xf32>
          %get3A_218 = arith.constant 0 : i32
          %get3A_219 = arith.index_cast %get3A_218 : i32 to index
          %get3A_220 = arith.index_cast %scan3A_150 : i32 to index
          %get3A_221 = arith.constant 64 : index
          %get3A_222 = tpu.vector_load %arg8[%get3A_219, %get3A_220, %get3A_221] {strides = array<i32>} : memref<2x80x128xf32, #tpu.memory_space<vmem>>, vector<1x1x16xf32>,
          %get3A_223 = vector.shape_cast %get3A_222 : vector<1x1x16xf32> to vector<16xf32>
          %mul3A_224 = arith.mulf %get3A_223, %broadcast_in_dim3A_217 : vector<16xf32>
          %swap3A_225 = arith.index_cast %scan3A_150 : i32 to index
          %swap3A_226 = arith.constant 64 : index
          %swap3A_227 = tpu.vector_load %arg10[%swap3A_225, %swap3A_226] {strides = array<i32>} : memref<80x144xf32, #tpu.memory_space<vmem>>, vector<1x16xf32>,
          %swap3A_228 = vector.shape_cast %swap3A_227 : vector<1x16xf32> to vector<16xf32>
          %swap3A_229 = vector.shape_cast %mul3A_224 : vector<16xf32> to vector<1x16xf32>
          tpu.vector_store %arg10[%swap3A_225, %swap3A_226], %swap3A_229 {strides = array<i32>} : memref<80x144xf32, #tpu.memory_space<vmem>>, vector<1x16xf32>,
          %slice3A_230 = vector.extract_strided_slice %get3A_156 {offsets = [5], sizes = [1], strides = [1]} : vector<16xf32> to vector<1xf32>
          %squeeze3A_231 = vector.extract %slice3A_230[0] : f32 from vector<1xf32>
          %broadcast_in_dim3A_232 = vector.broadcast %squeeze3A_231 : f32 to vector<16xf32>
          %get3A_233 = arith.constant 0 : i32
          %get3A_234 = arith.index_cast %get3A_233 : i32 to index
          %get3A_235 = arith.index_cast %scan3A_150 : i32 to index
          %get3A_236 = arith.constant 80 : index
          %get3A_237 = tpu.vector_load %arg8[%get3A_234, %get3A_235, %get3A_236] {strides = array<i32>} : memref<2x80x128xf32, #tpu.memory_space<vmem>>, vector<1x1x16xf32>,
          %get3A_238 = vector.shape_cast %get3A_237 : vector<1x1x16xf32> to vector<16xf32>
          %mul3A_239 = arith.mulf %get3A_238, %broadcast_in_dim3A_232 : vector<16xf32>
          %swap3A_240 = arith.index_cast %scan3A_150 : i32 to index
          %swap3A_241 = arith.constant 80 : index
          %swap3A_242 = tpu.vector_load %arg10[%swap3A_240, %swap3A_241] {strides = array<i32>} : memref<80x144xf32, #tpu.memory_space<vmem>>, vector<1x16xf32>,
          %swap3A_243 = vector.shape_cast %swap3A_242 : vector<1x16xf32> to vector<16xf32>
          %swap3A_244 = vector.shape_cast %mul3A_239 : vector<16xf32> to vector<1x16xf32>
          tpu.vector_store %arg10[%swap3A_240, %swap3A_241], %swap3A_244 {strides = array<i32>} : memref<80x144xf32, #tpu.memory_space<vmem>>, vector<1x16xf32>,
          %slice3A_245 = vector.extract_strided_slice %get3A_156 {offsets = [6], sizes = [1], strides = [1]} : vector<16xf32> to vector<1xf32>
          %squeeze3A_246 = vector.extract %slice3A_245[0] : f32 from vector<1xf32>
          %broadcast_in_dim3A_247 = vector.broadcast %squeeze3A_246 : f32 to vector<16xf32>
          %get3A_248 = arith.constant 0 : i32
          %get3A_249 = arith.index_cast %get3A_248 : i32 to index
          %get3A_250 = arith.index_cast %scan3A_150 : i32 to index
          %get3A_251 = arith.constant 96 : index
          %get3A_252 = tpu.vector_load %arg8[%get3A_249, %get3A_250, %get3A_251] {strides = array<i32>} : memref<2x80x128xf32, #tpu.memory_space<vmem>>, vector<1x1x16xf32>,
          %get3A_253 = vector.shape_cast %get3A_252 : vector<1x1x16xf32> to vector<16xf32>
          %mul3A_254 = arith.mulf %get3A_253, %broadcast_in_dim3A_247 : vector<16xf32>
          %swap3A_255 = arith.index_cast %scan3A_150 : i32 to index
          %swap3A_256 = arith.constant 96 : index
          %swap3A_257 = tpu.vector_load %arg10[%swap3A_255, %swap3A_256] {strides = array<i32>} : memref<80x144xf32, #tpu.memory_space<vmem>>, vector<1x16xf32>,
          %swap3A_258 = vector.shape_cast %swap3A_257 : vector<1x16xf32> to vector<16xf32>
          %swap3A_259 = vector.shape_cast %mul3A_254 : vector<16xf32> to vector<1x16xf32>
          tpu.vector_store %arg10[%swap3A_255, %swap3A_256], %swap3A_259 {strides = array<i32>} : memref<80x144xf32, #tpu.memory_space<vmem>>, vector<1x16xf32>,
          %slice3A_260 = vector.extract_strided_slice %get3A_156 {offsets = [7], sizes = [1], strides = [1]} : vector<16xf32> to vector<1xf32>
          %squeeze3A_261 = vector.extract %slice3A_260[0] : f32 from vector<1xf32>
          %broadcast_in_dim3A_262 = vector.broadcast %squeeze3A_261 : f32 to vector<16xf32>
          %get3A_263 = arith.constant 0 : i32
          %get3A_264 = arith.index_cast %get3A_263 : i32 to index
          %get3A_265 = arith.index_cast %scan3A_150 : i32 to index
          %get3A_266 = arith.constant 112 : index
          %get3A_267 = tpu.vector_load %arg8[%get3A_264, %get3A_265, %get3A_266] {strides = array<i32>} : memref<2x80x128xf32, #tpu.memory_space<vmem>>, vector<1x1x16xf32>,
          %get3A_268 = vector.shape_cast %get3A_267 : vector<1x1x16xf32> to vector<16xf32>
          %mul3A_269 = arith.mulf %get3A_268, %broadcast_in_dim3A_262 : vector<16xf32>
          %swap3A_270 = arith.index_cast %scan3A_150 : i32 to index
          %swap3A_271 = arith.constant 112 : index
          %swap3A_272 = tpu.vector_load %arg10[%swap3A_270, %swap3A_271] {strides = array<i32>} : memref<80x144xf32, #tpu.memory_space<vmem>>, vector<1x16xf32>,
          %swap3A_273 = vector.shape_cast %swap3A_272 : vector<1x16xf32> to vector<16xf32>
          %swap3A_274 = vector.shape_cast %mul3A_269 : vector<16xf32> to vector<1x16xf32>
          tpu.vector_store %arg10[%swap3A_270, %swap3A_271], %swap3A_274 {strides = array<i32>} : memref<80x144xf32, #tpu.memory_space<vmem>>, vector<1x16xf32>,
          %swap3A_275 = arith.index_cast %scan3A_150 : i32 to index
          %swap3A_276 = arith.constant 128 : index
          %swap3A_277 = tpu.vector_load %arg10[%swap3A_275, %swap3A_276] {strides = array<i32>} : memref<80x144xf32, #tpu.memory_space<vmem>>, vector<1x16xf32>,
          %swap3A_278 = vector.shape_cast %swap3A_277 : vector<1x16xf32> to vector<16xf32>
          %swap3A_279 = vector.shape_cast %get3A_156 : vector<16xf32> to vector<1x16xf32>
          tpu.vector_store %arg10[%swap3A_275, %swap3A_276], %swap3A_279 {strides = array<i32>} : memref<80x144xf32, #tpu.memory_space<vmem>>, vector<1x16xf32>,
        }
        %scan3A_142 = arith.constant 80 : i32
        %dma_start3A_143 = arith.constant 0 : i32
        %dma_start3A_144 = arith.constant 0 : i32
        %dma_start3A_145 = tpu.memref_slice %arg7[%dma_start3A_143, %dma_start3A_144] : memref<2x80xi32, #tpu.memory_space<vmem>> -> memref<1x80xi32, #tpu.memory_space<vmem>>
        %dma_start3A_146 = tpu.memref_squeeze %dma_start3A_145 : memref<1x80xi32, #tpu.memory_space<vmem>> -> memref<80xi32, #tpu.memory_space<vmem>>
        %dma_start3A_147 = arith.constant 0 : i32
        %dma_start3A_148 = arith.constant 0 : i32
        %dma_start3A_149 = tpu.memref_slice %arg11[%dma_start3A_147, %dma_start3A_148] : memref<10000x144xf32, #tpu.memory_space<vmem_shared>> -> memref<10000x144xf32, #tpu.memory_space<vmem_shared>>
        tpu.enqueue_indirect_dma source(%arg10 : memref<80x144xf32, #tpu.memory_space<vmem>>) target(%dma_start3A_149 : memref<10000x144xf32, #tpu.memory_space<vmem_shared>>) offsets(%dma_start3A_146 : memref<80xi32, #tpu.memory_space<vmem>>) semaphore(%arg14 : memref<!tpu.dma_semaphore, #tpu.memory_space<semaphore_mem>>) {add = true}
      } else {
      }
      %rem3A_79 = arith.constant 2 : i32
      %rem3A_80 = arith.remsi %scan3A_75, %rem3A_79 : i32
      %eq3A_81 = arith.constant 1 : i32
      %eq3A_82 = arith.cmpi eq, %rem3A_80, %eq3A_81 : i32
      %convert_element_type3A_83 = arith.extui %eq3A_82 : i1 to i32
      %cond3A_84 = arith.constant 0 : i32
      %cond3A_85 = arith.cmpi ne, %convert_element_type3A_83, %cond3A_84 : i32
      scf.if %cond3A_85 {
        %dma_wait3A_86 = arith.constant 1 : i32
        %dma_wait3A_87 = arith.constant 0 : i32
        %dma_wait3A_88 = tpu.memref_slice %arg7[%dma_wait3A_86, %dma_wait3A_87] : memref<2x80xi32, #tpu.memory_space<vmem>> -> memref<1x80xi32, #tpu.memory_space<vmem>>
        %dma_wait3A_89 = tpu.memref_squeeze %dma_wait3A_88 : memref<1x80xi32, #tpu.memory_space<vmem>> -> memref<80xi32, #tpu.memory_space<vmem>>
        %dma_wait3A_90 = arith.constant 0 : i32
        %dma_wait3A_91 = tpu.memref_slice %arg3[%dma_wait3A_90] : memref<320000xi32, #tpu.memory_space<hbm>> -> memref<80xi32, #tpu.memory_space<hbm>>
        %dma_wait3A_92 = arith.constant 0 : i32
        %dma_wait3A_93 = tpu.memref_slice %arg7[%dma_wait3A_86, %dma_wait3A_92] : memref<2x80xi32, #tpu.memory_space<vmem>> -> memref<1x80xi32, #tpu.memory_space<vmem>>
        %dma_wait3A_94 = tpu.memref_squeeze %dma_wait3A_93 : memref<1x80xi32, #tpu.memory_space<vmem>> -> memref<80xi32, #tpu.memory_space<vmem>>
        %dma_wait3A_95 = arith.constant 0 : i32
        %dma_wait3A_96 = tpu.memref_slice %arg3[%dma_wait3A_95] : memref<320000xi32, #tpu.memory_space<hbm>> -> memref<80xi32, #tpu.memory_space<hbm>>
        tpu.wait_dma2 semaphore(%arg13 : memref<!tpu.dma_semaphore, #tpu.memory_space<semaphore_mem>>) src(%dma_wait3A_96 : memref<80xi32, #tpu.memory_space<hbm>>) dst(%dma_wait3A_94 : memref<80xi32, #tpu.memory_space<vmem>>)
        %dma_wait3A_97 = arith.constant 1 : i32
        %dma_wait3A_98 = arith.constant 0 : i32
        %dma_wait3A_99 = arith.constant 0 : i32
        %dma_wait3A_100 = tpu.memref_slice %arg8[%dma_wait3A_97, %dma_wait3A_98, %dma_wait3A_99] : memref<2x80x128xf32, #tpu.memory_space<vmem>> -> memref<1x80x128xf32, #tpu.memory_space<vmem>>
        %dma_wait3A_101 = tpu.memref_squeeze %dma_wait3A_100 : memref<1x80x128xf32, #tpu.memory_space<vmem>> -> memref<80x128xf32, #tpu.memory_space<vmem>>
        %dma_wait3A_102 = arith.constant 0 : i32
        %dma_wait3A_103 = arith.constant 0 : i32
        %dma_wait3A_104 = tpu.memref_slice %arg2[%dma_wait3A_102, %dma_wait3A_103] : memref<128000x128xf32, #tpu.memory_space<hbm>> -> memref<80x128xf32, #tpu.memory_space<hbm>>
        %dma_wait3A_105 = arith.constant 0 : i32
        %dma_wait3A_106 = arith.constant 0 : i32
        %dma_wait3A_107 = tpu.memref_slice %arg8[%dma_wait3A_97, %dma_wait3A_105, %dma_wait3A_106] : memref<2x80x128xf32, #tpu.memory_space<vmem>> -> memref<1x80x128xf32, #tpu.memory_space<vmem>>
        %dma_wait3A_108 = tpu.memref_squeeze %dma_wait3A_107 : memref<1x80x128xf32, #tpu.memory_space<vmem>> -> memref<80x128xf32, #tpu.memory_space<vmem>>
        %dma_wait3A_109 = arith.constant 0 : i32
        %dma_wait3A_110 = arith.constant 0 : i32
        %dma_wait3A_111 = tpu.memref_slice %arg2[%dma_wait3A_109, %dma_wait3A_110] : memref<128000x128xf32, #tpu.memory_space<hbm>> -> memref<80x128xf32, #tpu.memory_space<hbm>>
        tpu.wait_dma2 semaphore(%arg13 : memref<!tpu.dma_semaphore, #tpu.memory_space<semaphore_mem>>) src(%dma_wait3A_111 : memref<80x128xf32, #tpu.memory_space<hbm>>) dst(%dma_wait3A_108 : memref<80x128xf32, #tpu.memory_space<vmem>>)
        %dma_wait3A_112 = arith.constant 1 : i32
        %dma_wait3A_113 = arith.constant 0 : i32
        %dma_wait3A_114 = tpu.memref_slice %arg9[%dma_wait3A_112, %dma_wait3A_113] : memref<2x656xf32, #tpu.memory_space<vmem>> -> memref<1x656xf32, #tpu.memory_space<vmem>>
        %dma_wait3A_115 = tpu.memref_squeeze %dma_wait3A_114 : memref<1x656xf32, #tpu.memory_space<vmem>> -> memref<656xf32, #tpu.memory_space<vmem>>
        %dma_wait3A_116 = arith.constant 0 : i32
        %dma_wait3A_117 = tpu.memref_slice %dma_wait3A_115[%dma_wait3A_116] : memref<656xf32, #tpu.memory_space<vmem>> -> memref<640xf32, #tpu.memory_space<vmem>>
        %dma_wait3A_118 = arith.constant 0 : i32
        %dma_wait3A_119 = tpu.memref_slice %arg4[%dma_wait3A_118] : memref<1024000xf32, #tpu.memory_space<hbm>> -> memref<640xf32, #tpu.memory_space<hbm>>
        %dma_wait3A_120 = arith.constant 0 : i32
        %dma_wait3A_121 = tpu.memref_slice %arg9[%dma_wait3A_112, %dma_wait3A_120] : memref<2x656xf32, #tpu.memory_space<vmem>> -> memref<1x656xf32, #tpu.memory_space<vmem>>
        %dma_wait3A_122 = tpu.memref_squeeze %dma_wait3A_121 : memref<1x656xf32, #tpu.memory_space<vmem>> -> memref<656xf32, #tpu.memory_space<vmem>>
        %dma_wait3A_123 = arith.constant 0 : i32
        %dma_wait3A_124 = tpu.memref_slice %dma_wait3A_122[%dma_wait3A_123] : memref<656xf32, #tpu.memory_space<vmem>> -> memref<640xf32, #tpu.memory_space<vmem>>
        %dma_wait3A_125 = arith.constant 0 : i32
        %dma_wait3A_126 = tpu.memref_slice %arg4[%dma_wait3A_125] : memref<1024000xf32, #tpu.memory_space<hbm>> -> memref<640xf32, #tpu.memory_space<hbm>>
        tpu.wait_dma2 semaphore(%arg13 : memref<!tpu.dma_semaphore, #tpu.memory_space<semaphore_mem>>) src(%dma_wait3A_126 : memref<640xf32, #tpu.memory_space<hbm>>) dst(%dma_wait3A_124 : memref<640xf32, #tpu.memory_space<vmem>>)
        %ge3A = arith.constant 1 : i32
        %ge3A_127 = arith.cmpi sge, %scan3A_75, %ge3A : i32
        %convert_element_type3A_128 = arith.extui %ge3A_127 : i1 to i32
        %cond3A_129 = arith.constant 0 : i32
        %cond3A_130 = arith.cmpi ne, %convert_element_type3A_128, %cond3A_129 : i32
        scf.if %cond3A_130 {
          %dma_wait3A_150 = arith.constant 0 : i32
          %dma_wait3A_151 = arith.constant 0 : i32
          %dma_wait3A_152 = tpu.memref_slice %arg7[%dma_wait3A_150, %dma_wait3A_151] : memref<2x80xi32, #tpu.memory_space<vmem>> -> memref<1x80xi32, #tpu.memory_space<vmem>>
          %dma_wait3A_153 = tpu.memref_squeeze %dma_wait3A_152 : memref<1x80xi32, #tpu.memory_space<vmem>> -> memref<80xi32, #tpu.memory_space<vmem>>
          %dma_wait3A_154 = arith.constant 0 : i32
          %dma_wait3A_155 = arith.constant 0 : i32
          %dma_wait3A_156 = tpu.memref_slice %arg11[%dma_wait3A_154, %dma_wait3A_155] : memref<10000x144xf32, #tpu.memory_space<vmem_shared>> -> memref<10000x144xf32, #tpu.memory_space<vmem_shared>>
          tpu.wait_indirect_dma semaphore(%arg14 : memref<!tpu.dma_semaphore, #tpu.memory_space<semaphore_mem>>) src(%arg10 : memref<80x144xf32, #tpu.memory_space<vmem>>) dst(%dma_wait3A_156 : memref<10000x144xf32, #tpu.memory_space<vmem_shared>>)
        } else {
        }
        %add3A_131 = arith.constant 1 : i32
        %add3A_132 = arith.addi %scan3A_75, %add3A_131 : i32
        %lt3A = arith.constant 50 : i32
        %lt3A_133 = arith.cmpi slt, %add3A_132, %lt3A : i32
        %convert_element_type3A_134 = arith.extui %lt3A_133 : i1 to i32
        %cond3A_135 = arith.constant 0 : i32
        %cond3A_136 = arith.cmpi ne, %convert_element_type3A_134, %cond3A_135 : i32
        scf.if %cond3A_136 {
          %add3A_150 = arith.constant 1 : i32
          %add3A_151 = arith.addi %scan3A_75, %add3A_150 : i32
          %mul3A_152 = arith.constant 4000 : i32
          %mul3A_153 = arith.muli %add3A, %mul3A_152 : i32
          %mul3A_154 = arith.constant 80 : i32
          %mul3A_155 = arith.muli %add3A_151, %mul3A_154 : i32
          %add3A_156 = arith.addi %mul3A_153, %mul3A_155 : i32
          %add3A_157 = arith.constant 192000 : i32
          %add3A_158 = arith.addi %add3A_157, %add3A_156 : i32
          %dma_start3A_159 = arith.constant 0 : i32
          %dma_start3A_160 = arith.constant 0 : i32
          %dma_start3A_161 = tpu.memref_slice %arg7[%dma_start3A_159, %dma_start3A_160] : memref<2x80xi32, #tpu.memory_space<vmem>> -> memref<1x80xi32, #tpu.memory_space<vmem>>
          %dma_start3A_162 = tpu.memref_squeeze %dma_start3A_161 : memref<1x80xi32, #tpu.memory_space<vmem>> -> memref<80xi32, #tpu.memory_space<vmem>>
          %dma_start3A_163 = tpu.memref_slice %arg3[%add3A_158] : memref<320000xi32, #tpu.memory_space<hbm>> -> memref<80xi32, #tpu.memory_space<hbm>>
          %dma_start3A_164 = arith.constant 0 : i32
          %dma_start3A_165 = tpu.memref_slice %arg7[%dma_start3A_159, %dma_start3A_164] : memref<2x80xi32, #tpu.memory_space<vmem>> -> memref<1x80xi32, #tpu.memory_space<vmem>>
          %dma_start3A_166 = tpu.memref_squeeze %dma_start3A_165 : memref<1x80xi32, #tpu.memory_space<vmem>> -> memref<80xi32, #tpu.memory_space<vmem>>
          %dma_start3A_167 = tpu.memref_slice %arg3[%add3A_158] : memref<320000xi32, #tpu.memory_space<hbm>> -> memref<80xi32, #tpu.memory_space<hbm>>
          tpu.enqueue_dma source(%dma_start3A_167 : memref<80xi32, #tpu.memory_space<hbm>>) target(%dma_start3A_166 : memref<80xi32, #tpu.memory_space<vmem>>) target_semaphore(%arg12 : memref<!tpu.dma_semaphore, #tpu.memory_space<semaphore_mem>>)
          %dma_start3A_168 = arith.constant 0 : i32
          %dma_start3A_169 = arith.constant 0 : i32
          %dma_start3A_170 = arith.constant 0 : i32
          %dma_start3A_171 = tpu.memref_slice %arg8[%dma_start3A_168, %dma_start3A_169, %dma_start3A_170] : memref<2x80x128xf32, #tpu.memory_space<vmem>> -> memref<1x80x128xf32, #tpu.memory_space<vmem>>
          %dma_start3A_172 = tpu.memref_squeeze %dma_start3A_171 : memref<1x80x128xf32, #tpu.memory_space<vmem>> -> memref<80x128xf32, #tpu.memory_space<vmem>>
          %dma_start3A_173 = arith.constant 0 : i32
          %dma_start3A_174 = tpu.memref_slice %arg2[%add3A_156, %dma_start3A_173] : memref<128000x128xf32, #tpu.memory_space<hbm>> -> memref<80x128xf32, #tpu.memory_space<hbm>>
          %dma_start3A_175 = arith.constant 0 : i32
          %dma_start3A_176 = arith.constant 0 : i32
          %dma_start3A_177 = tpu.memref_slice %arg8[%dma_start3A_168, %dma_start3A_175, %dma_start3A_176] : memref<2x80x128xf32, #tpu.memory_space<vmem>> -> memref<1x80x128xf32, #tpu.memory_space<vmem>>
          %dma_start3A_178 = tpu.memref_squeeze %dma_start3A_177 : memref<1x80x128xf32, #tpu.memory_space<vmem>> -> memref<80x128xf32, #tpu.memory_space<vmem>>
          %dma_start3A_179 = arith.constant 0 : i32
          %dma_start3A_180 = tpu.memref_slice %arg2[%add3A_156, %dma_start3A_179] : memref<128000x128xf32, #tpu.memory_space<hbm>> -> memref<80x128xf32, #tpu.memory_space<hbm>>
          tpu.enqueue_dma source(%dma_start3A_180 : memref<80x128xf32, #tpu.memory_space<hbm>>) target(%dma_start3A_178 : memref<80x128xf32, #tpu.memory_space<vmem>>) target_semaphore(%arg12 : memref<!tpu.dma_semaphore, #tpu.memory_space<semaphore_mem>>)
          %mul3A_181 = arith.constant 8 : i32
          %mul3A_182 = arith.muli %add3A_156, %mul3A_181 : i32
          %dma_start3A_183 = arith.constant 0 : i32
          %dma_start3A_184 = arith.constant 0 : i32
          %dma_start3A_185 = tpu.memref_slice %arg9[%dma_start3A_183, %dma_start3A_184] : memref<2x656xf32, #tpu.memory_space<vmem>> -> memref<1x656xf32, #tpu.memory_space<vmem>>
          %dma_start3A_186 = tpu.memref_squeeze %dma_start3A_185 : memref<1x656xf32, #tpu.memory_space<vmem>> -> memref<656xf32, #tpu.memory_space<vmem>>
          %dma_start3A_187 = arith.constant 0 : i32
          %dma_start3A_188 = tpu.memref_slice %dma_start3A_186[%dma_start3A_187] : memref<656xf32, #tpu.memory_space<vmem>> -> memref<640xf32, #tpu.memory_space<vmem>>
          %dma_start3A_189 = tpu.memref_slice %arg4[%mul3A_182] : memref<1024000xf32, #tpu.memory_space<hbm>> -> memref<640xf32, #tpu.memory_space<hbm>>
          %dma_start3A_190 = arith.constant 0 : i32
          %dma_start3A_191 = tpu.memref_slice %arg9[%dma_start3A_183, %dma_start3A_190] : memref<2x656xf32, #tpu.memory_space<vmem>> -> memref<1x656xf32, #tpu.memory_space<vmem>>
          %dma_start3A_192 = tpu.memref_squeeze %dma_start3A_191 : memref<1x656xf32, #tpu.memory_space<vmem>> -> memref<656xf32, #tpu.memory_space<vmem>>
          %dma_start3A_193 = arith.constant 0 : i32
          %dma_start3A_194 = tpu.memref_slice %dma_start3A_192[%dma_start3A_193] : memref<656xf32, #tpu.memory_space<vmem>> -> memref<640xf32, #tpu.memory_space<vmem>>
          %dma_start3A_195 = tpu.memref_slice %arg4[%mul3A_182] : memref<1024000xf32, #tpu.memory_space<hbm>> -> memref<640xf32, #tpu.memory_space<hbm>>
          tpu.enqueue_dma source(%dma_start3A_195 : memref<640xf32, #tpu.memory_space<hbm>>) target(%dma_start3A_194 : memref<640xf32, #tpu.memory_space<vmem>>) target_semaphore(%arg12 : memref<!tpu.dma_semaphore, #tpu.memory_space<semaphore_mem>>)
        } else {
        }
        %scan3A_137 = arith.constant 0 : i32
        %scan3A_138 = arith.constant 0 : i32
        %scan3A_139 = arith.constant 80 : i32
        %scan3A_140 = arith.addi %scan3A_138, %scan3A_139 : i32
        %scan3A_141 = arith.constant 1 : i32
        scf.for %scan3A_150 = %scan3A_138 to %scan3A_140 step %scan3A_141  : i32 {
          %mul3A_151 = arith.constant 8 : i32
          %mul3A_152 = arith.muli %mul3A_151, %scan3A_150 : i32
          %get3A = arith.constant 1 : i32
          %get3A_153 = arith.index_cast %get3A : i32 to index
          %get3A_154 = arith.index_cast %mul3A_152 : i32 to index
          %get3A_155 = tpu.vector_load %arg9[%get3A_153, %get3A_154] {strides = array<i32>} : memref<2x656xf32, #tpu.memory_space<vmem>>, vector<1x16xf32>,
          %get3A_156 = vector.shape_cast %get3A_155 : vector<1x16xf32> to vector<16xf32>
          %slice3A = vector.extract_strided_slice %get3A_156 {offsets = [0], sizes = [1], strides = [1]} : vector<16xf32> to vector<1xf32>
          %squeeze3A = vector.extract %slice3A[0] : f32 from vector<1xf32>
          %broadcast_in_dim3A_157 = vector.broadcast %squeeze3A : f32 to vector<16xf32>
          %get3A_158 = arith.constant 1 : i32
          %get3A_159 = arith.index_cast %get3A_158 : i32 to index
          %get3A_160 = arith.index_cast %scan3A_150 : i32 to index
          %get3A_161 = arith.constant 0 : index
          %get3A_162 = tpu.vector_load %arg8[%get3A_159, %get3A_160, %get3A_161] {strides = array<i32>} : memref<2x80x128xf32, #tpu.memory_space<vmem>>, vector<1x1x16xf32>,
          %get3A_163 = vector.shape_cast %get3A_162 : vector<1x1x16xf32> to vector<16xf32>
          %mul3A_164 = arith.mulf %get3A_163, %broadcast_in_dim3A_157 : vector<16xf32>
          %swap3A_165 = arith.index_cast %scan3A_150 : i32 to index
          %swap3A_166 = arith.constant 0 : index
          %swap3A_167 = tpu.vector_load %arg10[%swap3A_165, %swap3A_166] {strides = array<i32>} : memref<80x144xf32, #tpu.memory_space<vmem>>, vector<1x16xf32>,
          %swap3A_168 = vector.shape_cast %swap3A_167 : vector<1x16xf32> to vector<16xf32>
          %swap3A_169 = vector.shape_cast %mul3A_164 : vector<16xf32> to vector<1x16xf32>
          tpu.vector_store %arg10[%swap3A_165, %swap3A_166], %swap3A_169 {strides = array<i32>} : memref<80x144xf32, #tpu.memory_space<vmem>>, vector<1x16xf32>,
          %slice3A_170 = vector.extract_strided_slice %get3A_156 {offsets = [1], sizes = [1], strides = [1]} : vector<16xf32> to vector<1xf32>
          %squeeze3A_171 = vector.extract %slice3A_170[0] : f32 from vector<1xf32>
          %broadcast_in_dim3A_172 = vector.broadcast %squeeze3A_171 : f32 to vector<16xf32>
          %get3A_173 = arith.constant 1 : i32
          %get3A_174 = arith.index_cast %get3A_173 : i32 to index
          %get3A_175 = arith.index_cast %scan3A_150 : i32 to index
          %get3A_176 = arith.constant 16 : index
          %get3A_177 = tpu.vector_load %arg8[%get3A_174, %get3A_175, %get3A_176] {strides = array<i32>} : memref<2x80x128xf32, #tpu.memory_space<vmem>>, vector<1x1x16xf32>,
          %get3A_178 = vector.shape_cast %get3A_177 : vector<1x1x16xf32> to vector<16xf32>
          %mul3A_179 = arith.mulf %get3A_178, %broadcast_in_dim3A_172 : vector<16xf32>
          %swap3A_180 = arith.index_cast %scan3A_150 : i32 to index
          %swap3A_181 = arith.constant 16 : index
          %swap3A_182 = tpu.vector_load %arg10[%swap3A_180, %swap3A_181] {strides = array<i32>} : memref<80x144xf32, #tpu.memory_space<vmem>>, vector<1x16xf32>,
          %swap3A_183 = vector.shape_cast %swap3A_182 : vector<1x16xf32> to vector<16xf32>
          %swap3A_184 = vector.shape_cast %mul3A_179 : vector<16xf32> to vector<1x16xf32>
          tpu.vector_store %arg10[%swap3A_180, %swap3A_181], %swap3A_184 {strides = array<i32>} : memref<80x144xf32, #tpu.memory_space<vmem>>, vector<1x16xf32>,
          %slice3A_185 = vector.extract_strided_slice %get3A_156 {offsets = [2], sizes = [1], strides = [1]} : vector<16xf32> to vector<1xf32>
          %squeeze3A_186 = vector.extract %slice3A_185[0] : f32 from vector<1xf32>
          %broadcast_in_dim3A_187 = vector.broadcast %squeeze3A_186 : f32 to vector<16xf32>
          %get3A_188 = arith.constant 1 : i32
          %get3A_189 = arith.index_cast %get3A_188 : i32 to index
          %get3A_190 = arith.index_cast %scan3A_150 : i32 to index
          %get3A_191 = arith.constant 32 : index
          %get3A_192 = tpu.vector_load %arg8[%get3A_189, %get3A_190, %get3A_191] {strides = array<i32>} : memref<2x80x128xf32, #tpu.memory_space<vmem>>, vector<1x1x16xf32>,
          %get3A_193 = vector.shape_cast %get3A_192 : vector<1x1x16xf32> to vector<16xf32>
          %mul3A_194 = arith.mulf %get3A_193, %broadcast_in_dim3A_187 : vector<16xf32>
          %swap3A_195 = arith.index_cast %scan3A_150 : i32 to index
          %swap3A_196 = arith.constant 32 : index
          %swap3A_197 = tpu.vector_load %arg10[%swap3A_195, %swap3A_196] {strides = array<i32>} : memref<80x144xf32, #tpu.memory_space<vmem>>, vector<1x16xf32>,
          %swap3A_198 = vector.shape_cast %swap3A_197 : vector<1x16xf32> to vector<16xf32>
          %swap3A_199 = vector.shape_cast %mul3A_194 : vector<16xf32> to vector<1x16xf32>
          tpu.vector_store %arg10[%swap3A_195, %swap3A_196], %swap3A_199 {strides = array<i32>} : memref<80x144xf32, #tpu.memory_space<vmem>>, vector<1x16xf32>,
          %slice3A_200 = vector.extract_strided_slice %get3A_156 {offsets = [3], sizes = [1], strides = [1]} : vector<16xf32> to vector<1xf32>
          %squeeze3A_201 = vector.extract %slice3A_200[0] : f32 from vector<1xf32>
          %broadcast_in_dim3A_202 = vector.broadcast %squeeze3A_201 : f32 to vector<16xf32>
          %get3A_203 = arith.constant 1 : i32
          %get3A_204 = arith.index_cast %get3A_203 : i32 to index
          %get3A_205 = arith.index_cast %scan3A_150 : i32 to index
          %get3A_206 = arith.constant 48 : index
          %get3A_207 = tpu.vector_load %arg8[%get3A_204, %get3A_205, %get3A_206] {strides = array<i32>} : memref<2x80x128xf32, #tpu.memory_space<vmem>>, vector<1x1x16xf32>,
          %get3A_208 = vector.shape_cast %get3A_207 : vector<1x1x16xf32> to vector<16xf32>
          %mul3A_209 = arith.mulf %get3A_208, %broadcast_in_dim3A_202 : vector<16xf32>
          %swap3A_210 = arith.index_cast %scan3A_150 : i32 to index
          %swap3A_211 = arith.constant 48 : index
          %swap3A_212 = tpu.vector_load %arg10[%swap3A_210, %swap3A_211] {strides = array<i32>} : memref<80x144xf32, #tpu.memory_space<vmem>>, vector<1x16xf32>,
          %swap3A_213 = vector.shape_cast %swap3A_212 : vector<1x16xf32> to vector<16xf32>
          %swap3A_214 = vector.shape_cast %mul3A_209 : vector<16xf32> to vector<1x16xf32>
          tpu.vector_store %arg10[%swap3A_210, %swap3A_211], %swap3A_214 {strides = array<i32>} : memref<80x144xf32, #tpu.memory_space<vmem>>, vector<1x16xf32>,
          %slice3A_215 = vector.extract_strided_slice %get3A_156 {offsets = [4], sizes = [1], strides = [1]} : vector<16xf32> to vector<1xf32>
          %squeeze3A_216 = vector.extract %slice3A_215[0] : f32 from vector<1xf32>
          %broadcast_in_dim3A_217 = vector.broadcast %squeeze3A_216 : f32 to vector<16xf32>
          %get3A_218 = arith.constant 1 : i32
          %get3A_219 = arith.index_cast %get3A_218 : i32 to index
          %get3A_220 = arith.index_cast %scan3A_150 : i32 to index
          %get3A_221 = arith.constant 64 : index
          %get3A_222 = tpu.vector_load %arg8[%get3A_219, %get3A_220, %get3A_221] {strides = array<i32>} : memref<2x80x128xf32, #tpu.memory_space<vmem>>, vector<1x1x16xf32>,
          %get3A_223 = vector.shape_cast %get3A_222 : vector<1x1x16xf32> to vector<16xf32>
          %mul3A_224 = arith.mulf %get3A_223, %broadcast_in_dim3A_217 : vector<16xf32>
          %swap3A_225 = arith.index_cast %scan3A_150 : i32 to index
          %swap3A_226 = arith.constant 64 : index
          %swap3A_227 = tpu.vector_load %arg10[%swap3A_225, %swap3A_226] {strides = array<i32>} : memref<80x144xf32, #tpu.memory_space<vmem>>, vector<1x16xf32>,
          %swap3A_228 = vector.shape_cast %swap3A_227 : vector<1x16xf32> to vector<16xf32>
          %swap3A_229 = vector.shape_cast %mul3A_224 : vector<16xf32> to vector<1x16xf32>
          tpu.vector_store %arg10[%swap3A_225, %swap3A_226], %swap3A_229 {strides = array<i32>} : memref<80x144xf32, #tpu.memory_space<vmem>>, vector<1x16xf32>,
          %slice3A_230 = vector.extract_strided_slice %get3A_156 {offsets = [5], sizes = [1], strides = [1]} : vector<16xf32> to vector<1xf32>
          %squeeze3A_231 = vector.extract %slice3A_230[0] : f32 from vector<1xf32>
          %broadcast_in_dim3A_232 = vector.broadcast %squeeze3A_231 : f32 to vector<16xf32>
          %get3A_233 = arith.constant 1 : i32
          %get3A_234 = arith.index_cast %get3A_233 : i32 to index
          %get3A_235 = arith.index_cast %scan3A_150 : i32 to index
          %get3A_236 = arith.constant 80 : index
          %get3A_237 = tpu.vector_load %arg8[%get3A_234, %get3A_235, %get3A_236] {strides = array<i32>} : memref<2x80x128xf32, #tpu.memory_space<vmem>>, vector<1x1x16xf32>,
          %get3A_238 = vector.shape_cast %get3A_237 : vector<1x1x16xf32> to vector<16xf32>
          %mul3A_239 = arith.mulf %get3A_238, %broadcast_in_dim3A_232 : vector<16xf32>
          %swap3A_240 = arith.index_cast %scan3A_150 : i32 to index
          %swap3A_241 = arith.constant 80 : index
          %swap3A_242 = tpu.vector_load %arg10[%swap3A_240, %swap3A_241] {strides = array<i32>} : memref<80x144xf32, #tpu.memory_space<vmem>>, vector<1x16xf32>,
          %swap3A_243 = vector.shape_cast %swap3A_242 : vector<1x16xf32> to vector<16xf32>
          %swap3A_244 = vector.shape_cast %mul3A_239 : vector<16xf32> to vector<1x16xf32>
          tpu.vector_store %arg10[%swap3A_240, %swap3A_241], %swap3A_244 {strides = array<i32>} : memref<80x144xf32, #tpu.memory_space<vmem>>, vector<1x16xf32>,
          %slice3A_245 = vector.extract_strided_slice %get3A_156 {offsets = [6], sizes = [1], strides = [1]} : vector<16xf32> to vector<1xf32>
          %squeeze3A_246 = vector.extract %slice3A_245[0] : f32 from vector<1xf32>
          %broadcast_in_dim3A_247 = vector.broadcast %squeeze3A_246 : f32 to vector<16xf32>
          %get3A_248 = arith.constant 1 : i32
          %get3A_249 = arith.index_cast %get3A_248 : i32 to index
          %get3A_250 = arith.index_cast %scan3A_150 : i32 to index
          %get3A_251 = arith.constant 96 : index
          %get3A_252 = tpu.vector_load %arg8[%get3A_249, %get3A_250, %get3A_251] {strides = array<i32>} : memref<2x80x128xf32, #tpu.memory_space<vmem>>, vector<1x1x16xf32>,
          %get3A_253 = vector.shape_cast %get3A_252 : vector<1x1x16xf32> to vector<16xf32>
          %mul3A_254 = arith.mulf %get3A_253, %broadcast_in_dim3A_247 : vector<16xf32>
          %swap3A_255 = arith.index_cast %scan3A_150 : i32 to index
          %swap3A_256 = arith.constant 96 : index
          %swap3A_257 = tpu.vector_load %arg10[%swap3A_255, %swap3A_256] {strides = array<i32>} : memref<80x144xf32, #tpu.memory_space<vmem>>, vector<1x16xf32>,
          %swap3A_258 = vector.shape_cast %swap3A_257 : vector<1x16xf32> to vector<16xf32>
          %swap3A_259 = vector.shape_cast %mul3A_254 : vector<16xf32> to vector<1x16xf32>
          tpu.vector_store %arg10[%swap3A_255, %swap3A_256], %swap3A_259 {strides = array<i32>} : memref<80x144xf32, #tpu.memory_space<vmem>>, vector<1x16xf32>,
          %slice3A_260 = vector.extract_strided_slice %get3A_156 {offsets = [7], sizes = [1], strides = [1]} : vector<16xf32> to vector<1xf32>
          %squeeze3A_261 = vector.extract %slice3A_260[0] : f32 from vector<1xf32>
          %broadcast_in_dim3A_262 = vector.broadcast %squeeze3A_261 : f32 to vector<16xf32>
          %get3A_263 = arith.constant 1 : i32
          %get3A_264 = arith.index_cast %get3A_263 : i32 to index
          %get3A_265 = arith.index_cast %scan3A_150 : i32 to index
          %get3A_266 = arith.constant 112 : index
          %get3A_267 = tpu.vector_load %arg8[%get3A_264, %get3A_265, %get3A_266] {strides = array<i32>} : memref<2x80x128xf32, #tpu.memory_space<vmem>>, vector<1x1x16xf32>,
          %get3A_268 = vector.shape_cast %get3A_267 : vector<1x1x16xf32> to vector<16xf32>
          %mul3A_269 = arith.mulf %get3A_268, %broadcast_in_dim3A_262 : vector<16xf32>
          %swap3A_270 = arith.index_cast %scan3A_150 : i32 to index
          %swap3A_271 = arith.constant 112 : index
          %swap3A_272 = tpu.vector_load %arg10[%swap3A_270, %swap3A_271] {strides = array<i32>} : memref<80x144xf32, #tpu.memory_space<vmem>>, vector<1x16xf32>,
          %swap3A_273 = vector.shape_cast %swap3A_272 : vector<1x16xf32> to vector<16xf32>
          %swap3A_274 = vector.shape_cast %mul3A_269 : vector<16xf32> to vector<1x16xf32>
          tpu.vector_store %arg10[%swap3A_270, %swap3A_271], %swap3A_274 {strides = array<i32>} : memref<80x144xf32, #tpu.memory_space<vmem>>, vector<1x16xf32>,
          %swap3A_275 = arith.index_cast %scan3A_150 : i32 to index
          %swap3A_276 = arith.constant 128 : index
          %swap3A_277 = tpu.vector_load %arg10[%swap3A_275, %swap3A_276] {strides = array<i32>} : memref<80x144xf32, #tpu.memory_space<vmem>>, vector<1x16xf32>,
          %swap3A_278 = vector.shape_cast %swap3A_277 : vector<1x16xf32> to vector<16xf32>
          %swap3A_279 = vector.shape_cast %get3A_156 : vector<16xf32> to vector<1x16xf32>
          tpu.vector_store %arg10[%swap3A_275, %swap3A_276], %swap3A_279 {strides = array<i32>} : memref<80x144xf32, #tpu.memory_space<vmem>>, vector<1x16xf32>,
        }
        %scan3A_142 = arith.constant 80 : i32
        %dma_start3A_143 = arith.constant 1 : i32
        %dma_start3A_144 = arith.constant 0 : i32
        %dma_start3A_145 = tpu.memref_slice %arg7[%dma_start3A_143, %dma_start3A_144] : memref<2x80xi32, #tpu.memory_space<vmem>> -> memref<1x80xi32, #tpu.memory_space<vmem>>
        %dma_start3A_146 = tpu.memref_squeeze %dma_start3A_145 : memref<1x80xi32, #tpu.memory_space<vmem>> -> memref<80xi32, #tpu.memory_space<vmem>>
        %dma_start3A_147 = arith.constant 0 : i32
        %dma_start3A_148 = arith.constant 0 : i32
        %dma_start3A_149 = tpu.memref_slice %arg11[%dma_start3A_147, %dma_start3A_148] : memref<10000x144xf32, #tpu.memory_space<vmem_shared>> -> memref<10000x144xf32, #tpu.memory_space<vmem_shared>>
        tpu.enqueue_indirect_dma source(%arg10 : memref<80x144xf32, #tpu.memory_space<vmem>>) target(%dma_start3A_149 : memref<10000x144xf32, #tpu.memory_space<vmem_shared>>) offsets(%dma_start3A_146 : memref<80xi32, #tpu.memory_space<vmem>>) semaphore(%arg14 : memref<!tpu.dma_semaphore, #tpu.memory_space<semaphore_mem>>) {add = true}
      } else {
      }
    }
    %scan3A_63 = arith.constant 50 : i32
    %dma_wait3A = arith.constant 1 : i32
    %dma_wait3A_64 = arith.constant 0 : i32
    %dma_wait3A_65 = tpu.memref_slice %arg7[%dma_wait3A, %dma_wait3A_64] : memref<2x80xi32, #tpu.memory_space<vmem>> -> memref<1x80xi32, #tpu.memory_space<vmem>>
    %dma_wait3A_66 = tpu.memref_squeeze %dma_wait3A_65 : memref<1x80xi32, #tpu.memory_space<vmem>> -> memref<80xi32, #tpu.memory_space<vmem>>
    %dma_wait3A_67 = arith.constant 0 : i32
    %dma_wait3A_68 = arith.constant 0 : i32
    %dma_wait3A_69 = tpu.memref_slice %arg11[%dma_wait3A_67, %dma_wait3A_68] : memref<10000x144xf32, #tpu.memory_space<vmem_shared>> -> memref<10000x144xf32, #tpu.memory_space<vmem_shared>>
    tpu.wait_indirect_dma semaphore(%arg14 : memref<!tpu.dma_semaphore, #tpu.memory_space<semaphore_mem>>) src(%arg10 : memref<80x144xf32, #tpu.memory_space<vmem>>) dst(%dma_wait3A_69 : memref<10000x144xf32, #tpu.memory_space<vmem_shared>>)
    %barrier3A_70 = arith.constant 0 : index
    tpu.barrier barrier_id(%barrier3A_70)
    %mul3A_71 = arith.constant 625 : i32
    %mul3A_72 = arith.muli %arg1, %mul3A_71 : i32
    %mul3A_73 = arith.constant 625 : i32
    %mul3A_74 = arith.muli %arg1, %mul3A_73 : i32
    "tpu.region"() ({
      %run_scoped3A = tpu.sem_alloc : memref<!tpu.dma_semaphore, #tpu.memory_space<semaphore_mem>>
      %dma_start3A_75 = arith.constant 0 : i32
      %dma_start3A_76 = arith.constant 0 : i32
      %dma_start3A_77 = tpu.memref_slice %arg6[%arg0, %dma_start3A_75, %dma_start3A_76] : memref<2x10000x144xf32, #tpu.memory_space<hbm>> -> memref<1x10000x144xf32, #tpu.memory_space<hbm>>
      %dma_start3A_78 = tpu.memref_squeeze %dma_start3A_77 : memref<1x10000x144xf32, #tpu.memory_space<hbm>> -> memref<10000x144xf32, #tpu.memory_space<hbm>>
      %dma_start3A_79 = arith.constant 0 : i32
      %dma_start3A_80 = tpu.memref_slice %dma_start3A_78[%mul3A_74, %dma_start3A_79] : memref<10000x144xf32, #tpu.memory_space<hbm>> -> memref<625x144xf32, #tpu.memory_space<hbm>>
      %dma_start3A_81 = arith.constant 0 : i32
      %dma_start3A_82 = tpu.memref_slice %arg11[%mul3A_72, %dma_start3A_81] : memref<10000x144xf32, #tpu.memory_space<vmem_shared>> -> memref<625x144xf32, #tpu.memory_space<vmem_shared>>
      tpu.enqueue_dma source(%dma_start3A_82 : memref<625x144xf32, #tpu.memory_space<vmem_shared>>) target(%dma_start3A_80 : memref<625x144xf32, #tpu.memory_space<hbm>>) target_semaphore(%run_scoped3A : memref<!tpu.dma_semaphore, #tpu.memory_space<semaphore_mem>>)
      %dma_wait3A_83 = arith.constant 0 : i32
      %dma_wait3A_84 = arith.constant 0 : i32
      %dma_wait3A_85 = tpu.memref_slice %arg6[%arg0, %dma_wait3A_83, %dma_wait3A_84] : memref<2x10000x144xf32, #tpu.memory_space<hbm>> -> memref<1x10000x144xf32, #tpu.memory_space<hbm>>
      %dma_wait3A_86 = tpu.memref_squeeze %dma_wait3A_85 : memref<1x10000x144xf32, #tpu.memory_space<hbm>> -> memref<10000x144xf32, #tpu.memory_space<hbm>>
      %dma_wait3A_87 = arith.constant 0 : i32
      %dma_wait3A_88 = tpu.memref_slice %dma_wait3A_86[%mul3A_74, %dma_wait3A_87] : memref<10000x144xf32, #tpu.memory_space<hbm>> -> memref<625x144xf32, #tpu.memory_space<hbm>>
      %dma_wait3A_89 = arith.constant 0 : i32
      %dma_wait3A_90 = tpu.memref_slice %arg11[%mul3A_72, %dma_wait3A_89] : memref<10000x144xf32, #tpu.memory_space<vmem_shared>> -> memref<625x144xf32, #tpu.memory_space<vmem_shared>>
      tpu.wait_dma2 semaphore(%run_scoped3A : memref<!tpu.dma_semaphore, #tpu.memory_space<semaphore_mem>>) src(%dma_wait3A_90 : memref<625x144xf32, #tpu.memory_space<vmem_shared>>) dst(%dma_wait3A_88 : memref<625x144xf32, #tpu.memory_space<hbm>>)
      tpu.yield
    }) : () -> ()
    return
  }
}

#map = affine_map<(d0, d1) -> (0, 0)>
#map1 = affine_map<(d0, d1) -> (0)>
module attributes {stable_mosaic.version = 14 : i64} {
  func.func @_gather_body(%arg0: i32, %arg1: i32, %arg2: memref<10000x128xf32, #tpu.memory_space<hbm>>, %arg3: memref<10000x16xf32, #tpu.memory_space<hbm>>, %arg4: memref<320000xi32, #tpu.memory_space<hbm>>, %arg5: memref<320000xi32, #tpu.memory_space<hbm>>, %arg6: memref<128000x128xf32, #tpu.memory_space<hbm>>, %arg7: memref<128000x128xf32, #tpu.memory_space<hbm>>, %arg8: memref<128000x128xf32, #tpu.memory_space<hbm>>, %arg9: memref<2x80xi32, #tpu.memory_space<vmem>>, %arg10: memref<2x80xi32, #tpu.memory_space<vmem>>, %arg11: memref<2x80x128xf32, #tpu.memory_space<vmem>>, %arg12: memref<2x80x128xf32, #tpu.memory_space<vmem>>, %arg13: memref<2x80x16xf32, #tpu.memory_space<vmem>>, %arg14: memref<2x80x16xf32, #tpu.memory_space<vmem>>, %arg15: memref<2x80x128xf32, #tpu.memory_space<vmem>>, %arg16: memref<!tpu.dma_semaphore, #tpu.memory_space<semaphore_mem>>, %arg17: memref<!tpu.dma_semaphore, #tpu.memory_space<semaphore_mem>>, %arg18: memref<!tpu.dma_semaphore, #tpu.memory_space<semaphore_mem>>, %arg19: memref<!tpu.dma_semaphore, #tpu.memory_space<semaphore_mem>>, %arg20: memref<!tpu.dma_semaphore, #tpu.memory_space<semaphore_mem>>, %arg21: memref<!tpu.dma_semaphore, #tpu.memory_space<semaphore_mem>>) attributes {dimension_semantics = [#tpu.dimension_semantics<core_parallel>, #tpu.dimension_semantics<subcore_parallel>], iteration_bounds = array<i64: 2, 16>, scalar_prefetch = 0 : i64, scratch_operands = 13 : i64, tpu.core_type = #tpu.core_type<sc_vector_subcore>, window_params = [{transform_indices = #map}, {transform_indices = #map}, {transform_indices = #map1}, {transform_indices = #map1}, {transform_indices = #map}, {transform_indices = #map}, {transform_indices = #map}]} {
    %mul3A = arith.constant 2 : i32
    %mul3A_0 = arith.muli %arg1, %mul3A : i32
    %add3A = arith.addi %mul3A_0, %arg0 : i32
    %mul3A_1 = arith.constant 4000 : i32
    %mul3A_2 = arith.muli %add3A, %mul3A_1 : i32
    %add3A_3 = arith.constant 192000 : i32
    %add3A_4 = arith.addi %add3A_3, %mul3A_2 : i32
    %add3A_5 = arith.constant 0 : i32
    %add3A_6 = arith.addi %add3A_4, %add3A_5 : i32
    %dma_start3A = arith.constant 0 : i32
    %dma_start3A_7 = arith.constant 0 : i32
    %dma_start3A_8 = tpu.memref_slice %arg9[%dma_start3A, %dma_start3A_7] : memref<2x80xi32, #tpu.memory_space<vmem>> -> memref<1x80xi32, #tpu.memory_space<vmem>>
    %dma_start3A_9 = tpu.memref_squeeze %dma_start3A_8 : memref<1x80xi32, #tpu.memory_space<vmem>> -> memref<80xi32, #tpu.memory_space<vmem>>
    %dma_start3A_10 = tpu.memref_slice %arg4[%add3A_6] : memref<320000xi32, #tpu.memory_space<hbm>> -> memref<80xi32, #tpu.memory_space<hbm>>
    %dma_start3A_11 = arith.constant 0 : i32
    %dma_start3A_12 = tpu.memref_slice %arg9[%dma_start3A, %dma_start3A_11] : memref<2x80xi32, #tpu.memory_space<vmem>> -> memref<1x80xi32, #tpu.memory_space<vmem>>
    %dma_start3A_13 = tpu.memref_squeeze %dma_start3A_12 : memref<1x80xi32, #tpu.memory_space<vmem>> -> memref<80xi32, #tpu.memory_space<vmem>>
    %dma_start3A_14 = tpu.memref_slice %arg4[%add3A_6] : memref<320000xi32, #tpu.memory_space<hbm>> -> memref<80xi32, #tpu.memory_space<hbm>>
    tpu.enqueue_dma source(%dma_start3A_14 : memref<80xi32, #tpu.memory_space<hbm>>) target(%dma_start3A_13 : memref<80xi32, #tpu.memory_space<vmem>>) target_semaphore(%arg16 : memref<!tpu.dma_semaphore, #tpu.memory_space<semaphore_mem>>)
    %dma_start3A_15 = arith.constant 0 : i32
    %dma_start3A_16 = arith.constant 0 : i32
    %dma_start3A_17 = tpu.memref_slice %arg10[%dma_start3A_15, %dma_start3A_16] : memref<2x80xi32, #tpu.memory_space<vmem>> -> memref<1x80xi32, #tpu.memory_space<vmem>>
    %dma_start3A_18 = tpu.memref_squeeze %dma_start3A_17 : memref<1x80xi32, #tpu.memory_space<vmem>> -> memref<80xi32, #tpu.memory_space<vmem>>
    %dma_start3A_19 = tpu.memref_slice %arg5[%add3A_6] : memref<320000xi32, #tpu.memory_space<hbm>> -> memref<80xi32, #tpu.memory_space<hbm>>
    %dma_start3A_20 = arith.constant 0 : i32
    %dma_start3A_21 = tpu.memref_slice %arg10[%dma_start3A_15, %dma_start3A_20] : memref<2x80xi32, #tpu.memory_space<vmem>> -> memref<1x80xi32, #tpu.memory_space<vmem>>
    %dma_start3A_22 = tpu.memref_squeeze %dma_start3A_21 : memref<1x80xi32, #tpu.memory_space<vmem>> -> memref<80xi32, #tpu.memory_space<vmem>>
    %dma_start3A_23 = tpu.memref_slice %arg5[%add3A_6] : memref<320000xi32, #tpu.memory_space<hbm>> -> memref<80xi32, #tpu.memory_space<hbm>>
    tpu.enqueue_dma source(%dma_start3A_23 : memref<80xi32, #tpu.memory_space<hbm>>) target(%dma_start3A_22 : memref<80xi32, #tpu.memory_space<vmem>>) target_semaphore(%arg16 : memref<!tpu.dma_semaphore, #tpu.memory_space<semaphore_mem>>)
    %add3A_24 = arith.constant 192000 : i32
    %add3A_25 = arith.addi %add3A_24, %mul3A_2 : i32
    %add3A_26 = arith.constant 80 : i32
    %add3A_27 = arith.addi %add3A_25, %add3A_26 : i32
    %dma_start3A_28 = arith.constant 1 : i32
    %dma_start3A_29 = arith.constant 0 : i32
    %dma_start3A_30 = tpu.memref_slice %arg9[%dma_start3A_28, %dma_start3A_29] : memref<2x80xi32, #tpu.memory_space<vmem>> -> memref<1x80xi32, #tpu.memory_space<vmem>>
    %dma_start3A_31 = tpu.memref_squeeze %dma_start3A_30 : memref<1x80xi32, #tpu.memory_space<vmem>> -> memref<80xi32, #tpu.memory_space<vmem>>
    %dma_start3A_32 = tpu.memref_slice %arg4[%add3A_27] : memref<320000xi32, #tpu.memory_space<hbm>> -> memref<80xi32, #tpu.memory_space<hbm>>
    %dma_start3A_33 = arith.constant 0 : i32
    %dma_start3A_34 = tpu.memref_slice %arg9[%dma_start3A_28, %dma_start3A_33] : memref<2x80xi32, #tpu.memory_space<vmem>> -> memref<1x80xi32, #tpu.memory_space<vmem>>
    %dma_start3A_35 = tpu.memref_squeeze %dma_start3A_34 : memref<1x80xi32, #tpu.memory_space<vmem>> -> memref<80xi32, #tpu.memory_space<vmem>>
    %dma_start3A_36 = tpu.memref_slice %arg4[%add3A_27] : memref<320000xi32, #tpu.memory_space<hbm>> -> memref<80xi32, #tpu.memory_space<hbm>>
    tpu.enqueue_dma source(%dma_start3A_36 : memref<80xi32, #tpu.memory_space<hbm>>) target(%dma_start3A_35 : memref<80xi32, #tpu.memory_space<vmem>>) target_semaphore(%arg17 : memref<!tpu.dma_semaphore, #tpu.memory_space<semaphore_mem>>)
    %dma_start3A_37 = arith.constant 1 : i32
    %dma_start3A_38 = arith.constant 0 : i32
    %dma_start3A_39 = tpu.memref_slice %arg10[%dma_start3A_37, %dma_start3A_38] : memref<2x80xi32, #tpu.memory_space<vmem>> -> memref<1x80xi32, #tpu.memory_space<vmem>>
    %dma_start3A_40 = tpu.memref_squeeze %dma_start3A_39 : memref<1x80xi32, #tpu.memory_space<vmem>> -> memref<80xi32, #tpu.memory_space<vmem>>
    %dma_start3A_41 = tpu.memref_slice %arg5[%add3A_27] : memref<320000xi32, #tpu.memory_space<hbm>> -> memref<80xi32, #tpu.memory_space<hbm>>
    %dma_start3A_42 = arith.constant 0 : i32
    %dma_start3A_43 = tpu.memref_slice %arg10[%dma_start3A_37, %dma_start3A_42] : memref<2x80xi32, #tpu.memory_space<vmem>> -> memref<1x80xi32, #tpu.memory_space<vmem>>
    %dma_start3A_44 = tpu.memref_squeeze %dma_start3A_43 : memref<1x80xi32, #tpu.memory_space<vmem>> -> memref<80xi32, #tpu.memory_space<vmem>>
    %dma_start3A_45 = tpu.memref_slice %arg5[%add3A_27] : memref<320000xi32, #tpu.memory_space<hbm>> -> memref<80xi32, #tpu.memory_space<hbm>>
    tpu.enqueue_dma source(%dma_start3A_45 : memref<80xi32, #tpu.memory_space<hbm>>) target(%dma_start3A_44 : memref<80xi32, #tpu.memory_space<vmem>>) target_semaphore(%arg17 : memref<!tpu.dma_semaphore, #tpu.memory_space<semaphore_mem>>)
    %dma_wait3A = arith.constant 0 : i32
    %dma_wait3A_46 = arith.constant 0 : i32
    %dma_wait3A_47 = tpu.memref_slice %arg9[%dma_wait3A, %dma_wait3A_46] : memref<2x80xi32, #tpu.memory_space<vmem>> -> memref<1x80xi32, #tpu.memory_space<vmem>>
    %dma_wait3A_48 = tpu.memref_squeeze %dma_wait3A_47 : memref<1x80xi32, #tpu.memory_space<vmem>> -> memref<80xi32, #tpu.memory_space<vmem>>
    %dma_wait3A_49 = arith.constant 0 : i32
    %dma_wait3A_50 = tpu.memref_slice %arg4[%dma_wait3A_49] : memref<320000xi32, #tpu.memory_space<hbm>> -> memref<80xi32, #tpu.memory_space<hbm>>
    %dma_wait3A_51 = arith.constant 0 : i32
    %dma_wait3A_52 = tpu.memref_slice %arg9[%dma_wait3A, %dma_wait3A_51] : memref<2x80xi32, #tpu.memory_space<vmem>> -> memref<1x80xi32, #tpu.memory_space<vmem>>
    %dma_wait3A_53 = tpu.memref_squeeze %dma_wait3A_52 : memref<1x80xi32, #tpu.memory_space<vmem>> -> memref<80xi32, #tpu.memory_space<vmem>>
    %dma_wait3A_54 = arith.constant 0 : i32
    %dma_wait3A_55 = tpu.memref_slice %arg4[%dma_wait3A_54] : memref<320000xi32, #tpu.memory_space<hbm>> -> memref<80xi32, #tpu.memory_space<hbm>>
    tpu.wait_dma2 semaphore(%arg16 : memref<!tpu.dma_semaphore, #tpu.memory_space<semaphore_mem>>) src(%dma_wait3A_55 : memref<80xi32, #tpu.memory_space<hbm>>) dst(%dma_wait3A_53 : memref<80xi32, #tpu.memory_space<vmem>>)
    %dma_wait3A_56 = arith.constant 0 : i32
    %dma_wait3A_57 = arith.constant 0 : i32
    %dma_wait3A_58 = tpu.memref_slice %arg10[%dma_wait3A_56, %dma_wait3A_57] : memref<2x80xi32, #tpu.memory_space<vmem>> -> memref<1x80xi32, #tpu.memory_space<vmem>>
    %dma_wait3A_59 = tpu.memref_squeeze %dma_wait3A_58 : memref<1x80xi32, #tpu.memory_space<vmem>> -> memref<80xi32, #tpu.memory_space<vmem>>
    %dma_wait3A_60 = arith.constant 0 : i32
    %dma_wait3A_61 = tpu.memref_slice %arg5[%dma_wait3A_60] : memref<320000xi32, #tpu.memory_space<hbm>> -> memref<80xi32, #tpu.memory_space<hbm>>
    %dma_wait3A_62 = arith.constant 0 : i32
    %dma_wait3A_63 = tpu.memref_slice %arg10[%dma_wait3A_56, %dma_wait3A_62] : memref<2x80xi32, #tpu.memory_space<vmem>> -> memref<1x80xi32, #tpu.memory_space<vmem>>
    %dma_wait3A_64 = tpu.memref_squeeze %dma_wait3A_63 : memref<1x80xi32, #tpu.memory_space<vmem>> -> memref<80xi32, #tpu.memory_space<vmem>>
    %dma_wait3A_65 = arith.constant 0 : i32
    %dma_wait3A_66 = tpu.memref_slice %arg5[%dma_wait3A_65] : memref<320000xi32, #tpu.memory_space<hbm>> -> memref<80xi32, #tpu.memory_space<hbm>>
    tpu.wait_dma2 semaphore(%arg16 : memref<!tpu.dma_semaphore, #tpu.memory_space<semaphore_mem>>) src(%dma_wait3A_66 : memref<80xi32, #tpu.memory_space<hbm>>) dst(%dma_wait3A_64 : memref<80xi32, #tpu.memory_space<vmem>>)
    %dma_start3A_67 = arith.constant 0 : i32
    %dma_start3A_68 = arith.constant 0 : i32
    %dma_start3A_69 = arith.constant 0 : i32
    %dma_start3A_70 = arith.constant 0 : i32
    %dma_start3A_71 = tpu.memref_slice %arg11[%dma_start3A_68, %dma_start3A_69, %dma_start3A_70] : memref<2x80x128xf32, #tpu.memory_space<vmem>> -> memref<1x80x128xf32, #tpu.memory_space<vmem>>
    %dma_start3A_72 = tpu.memref_squeeze %dma_start3A_71 : memref<1x80x128xf32, #tpu.memory_space<vmem>> -> memref<80x128xf32, #tpu.memory_space<vmem>>
    %dma_start3A_73 = arith.constant 0 : i32
    %dma_start3A_74 = tpu.memref_slice %arg9[%dma_start3A_67, %dma_start3A_73] : memref<2x80xi32, #tpu.memory_space<vmem>> -> memref<1x80xi32, #tpu.memory_space<vmem>>
    %dma_start3A_75 = tpu.memref_squeeze %dma_start3A_74 : memref<1x80xi32, #tpu.memory_space<vmem>> -> memref<80xi32, #tpu.memory_space<vmem>>
    %dma_start3A_76 = arith.constant 0 : i32
    %dma_start3A_77 = arith.constant 0 : i32
    %dma_start3A_78 = tpu.memref_slice %arg2[%dma_start3A_76, %dma_start3A_77] : memref<10000x128xf32, #tpu.memory_space<hbm>> -> memref<10000x128xf32, #tpu.memory_space<hbm>>
    tpu.enqueue_indirect_dma source(%dma_start3A_78 : memref<10000x128xf32, #tpu.memory_space<hbm>>) target(%dma_start3A_72 : memref<80x128xf32, #tpu.memory_space<vmem>>) offsets(%dma_start3A_75 : memref<80xi32, #tpu.memory_space<vmem>>) semaphore(%arg18 : memref<!tpu.dma_semaphore, #tpu.memory_space<semaphore_mem>>)
    %dma_start3A_79 = arith.constant 0 : i32
    %dma_start3A_80 = arith.constant 0 : i32
    %dma_start3A_81 = arith.constant 0 : i32
    %dma_start3A_82 = arith.constant 0 : i32
    %dma_start3A_83 = tpu.memref_slice %arg12[%dma_start3A_80, %dma_start3A_81, %dma_start3A_82] : memref<2x80x128xf32, #tpu.memory_space<vmem>> -> memref<1x80x128xf32, #tpu.memory_space<vmem>>
    %dma_start3A_84 = tpu.memref_squeeze %dma_start3A_83 : memref<1x80x128xf32, #tpu.memory_space<vmem>> -> memref<80x128xf32, #tpu.memory_space<vmem>>
    %dma_start3A_85 = arith.constant 0 : i32
    %dma_start3A_86 = tpu.memref_slice %arg10[%dma_start3A_79, %dma_start3A_85] : memref<2x80xi32, #tpu.memory_space<vmem>> -> memref<1x80xi32, #tpu.memory_space<vmem>>
    %dma_start3A_87 = tpu.memref_squeeze %dma_start3A_86 : memref<1x80xi32, #tpu.memory_space<vmem>> -> memref<80xi32, #tpu.memory_space<vmem>>
    %dma_start3A_88 = arith.constant 0 : i32
    %dma_start3A_89 = arith.constant 0 : i32
    %dma_start3A_90 = tpu.memref_slice %arg2[%dma_start3A_88, %dma_start3A_89] : memref<10000x128xf32, #tpu.memory_space<hbm>> -> memref<10000x128xf32, #tpu.memory_space<hbm>>
    tpu.enqueue_indirect_dma source(%dma_start3A_90 : memref<10000x128xf32, #tpu.memory_space<hbm>>) target(%dma_start3A_84 : memref<80x128xf32, #tpu.memory_space<vmem>>) offsets(%dma_start3A_87 : memref<80xi32, #tpu.memory_space<vmem>>) semaphore(%arg18 : memref<!tpu.dma_semaphore, #tpu.memory_space<semaphore_mem>>)
    %dma_start3A_91 = arith.constant 0 : i32
    %dma_start3A_92 = arith.constant 0 : i32
    %dma_start3A_93 = arith.constant 0 : i32
    %dma_start3A_94 = arith.constant 0 : i32
    %dma_start3A_95 = tpu.memref_slice %arg13[%dma_start3A_92, %dma_start3A_93, %dma_start3A_94] : memref<2x80x16xf32, #tpu.memory_space<vmem>> -> memref<1x80x16xf32, #tpu.memory_space<vmem>>
    %dma_start3A_96 = tpu.memref_squeeze %dma_start3A_95 : memref<1x80x16xf32, #tpu.memory_space<vmem>> -> memref<80x16xf32, #tpu.memory_space<vmem>>
    %dma_start3A_97 = arith.constant 0 : i32
    %dma_start3A_98 = tpu.memref_slice %arg9[%dma_start3A_91, %dma_start3A_97] : memref<2x80xi32, #tpu.memory_space<vmem>> -> memref<1x80xi32, #tpu.memory_space<vmem>>
    %dma_start3A_99 = tpu.memref_squeeze %dma_start3A_98 : memref<1x80xi32, #tpu.memory_space<vmem>> -> memref<80xi32, #tpu.memory_space<vmem>>
    %dma_start3A_100 = arith.constant 0 : i32
    %dma_start3A_101 = arith.constant 0 : i32
    %dma_start3A_102 = tpu.memref_slice %arg3[%dma_start3A_100, %dma_start3A_101] : memref<10000x16xf32, #tpu.memory_space<hbm>> -> memref<10000x16xf32, #tpu.memory_space<hbm>>
    tpu.enqueue_indirect_dma source(%dma_start3A_102 : memref<10000x16xf32, #tpu.memory_space<hbm>>) target(%dma_start3A_96 : memref<80x16xf32, #tpu.memory_space<vmem>>) offsets(%dma_start3A_99 : memref<80xi32, #tpu.memory_space<vmem>>) semaphore(%arg18 : memref<!tpu.dma_semaphore, #tpu.memory_space<semaphore_mem>>)
    %dma_start3A_103 = arith.constant 0 : i32
    %dma_start3A_104 = arith.constant 0 : i32
    %dma_start3A_105 = arith.constant 0 : i32
    %dma_start3A_106 = arith.constant 0 : i32
    %dma_start3A_107 = tpu.memref_slice %arg14[%dma_start3A_104, %dma_start3A_105, %dma_start3A_106] : memref<2x80x16xf32, #tpu.memory_space<vmem>> -> memref<1x80x16xf32, #tpu.memory_space<vmem>>
    %dma_start3A_108 = tpu.memref_squeeze %dma_start3A_107 : memref<1x80x16xf32, #tpu.memory_space<vmem>> -> memref<80x16xf32, #tpu.memory_space<vmem>>
    %dma_start3A_109 = arith.constant 0 : i32
    %dma_start3A_110 = tpu.memref_slice %arg10[%dma_start3A_103, %dma_start3A_109] : memref<2x80xi32, #tpu.memory_space<vmem>> -> memref<1x80xi32, #tpu.memory_space<vmem>>
    %dma_start3A_111 = tpu.memref_squeeze %dma_start3A_110 : memref<1x80xi32, #tpu.memory_space<vmem>> -> memref<80xi32, #tpu.memory_space<vmem>>
    %dma_start3A_112 = arith.constant 0 : i32
    %dma_start3A_113 = arith.constant 0 : i32
    %dma_start3A_114 = tpu.memref_slice %arg3[%dma_start3A_112, %dma_start3A_113] : memref<10000x16xf32, #tpu.memory_space<hbm>> -> memref<10000x16xf32, #tpu.memory_space<hbm>>
    tpu.enqueue_indirect_dma source(%dma_start3A_114 : memref<10000x16xf32, #tpu.memory_space<hbm>>) target(%dma_start3A_108 : memref<80x16xf32, #tpu.memory_space<vmem>>) offsets(%dma_start3A_111 : memref<80xi32, #tpu.memory_space<vmem>>) semaphore(%arg18 : memref<!tpu.dma_semaphore, #tpu.memory_space<semaphore_mem>>)
    %scan3A = arith.constant 0 : i32
    %scan3A_115 = arith.constant 0 : i32
    %scan3A_116 = arith.constant 50 : i32
    %scan3A_117 = arith.addi %scan3A_115, %scan3A_116 : i32
    %scan3A_118 = arith.constant 1 : i32
    scf.for %scan3A_165 = %scan3A_115 to %scan3A_117 step %scan3A_118  : i32 {
      %rem3A = arith.constant 2 : i32
      %rem3A_166 = arith.remsi %scan3A_165, %rem3A : i32
      %eq3A = arith.constant 0 : i32
      %eq3A_167 = arith.cmpi eq, %rem3A_166, %eq3A : i32
      %convert_element_type3A = arith.extui %eq3A_167 : i1 to i32
      %cond3A = arith.constant 0 : i32
      %cond3A_168 = arith.cmpi ne, %convert_element_type3A, %cond3A : i32
      scf.if %cond3A_168 {
        %dma_wait3A_176 = arith.constant 0 : i32
        %dma_wait3A_177 = arith.constant 0 : i32
        %dma_wait3A_178 = arith.constant 0 : i32
        %dma_wait3A_179 = arith.constant 0 : i32
        %dma_wait3A_180 = tpu.memref_slice %arg11[%dma_wait3A_177, %dma_wait3A_178, %dma_wait3A_179] : memref<2x80x128xf32, #tpu.memory_space<vmem>> -> memref<1x80x128xf32, #tpu.memory_space<vmem>>
        %dma_wait3A_181 = tpu.memref_squeeze %dma_wait3A_180 : memref<1x80x128xf32, #tpu.memory_space<vmem>> -> memref<80x128xf32, #tpu.memory_space<vmem>>
        %dma_wait3A_182 = arith.constant 0 : i32
        %dma_wait3A_183 = tpu.memref_slice %arg9[%dma_wait3A_176, %dma_wait3A_182] : memref<2x80xi32, #tpu.memory_space<vmem>> -> memref<1x80xi32, #tpu.memory_space<vmem>>
        %dma_wait3A_184 = tpu.memref_squeeze %dma_wait3A_183 : memref<1x80xi32, #tpu.memory_space<vmem>> -> memref<80xi32, #tpu.memory_space<vmem>>
        %dma_wait3A_185 = arith.constant 0 : i32
        %dma_wait3A_186 = arith.constant 0 : i32
        %dma_wait3A_187 = tpu.memref_slice %arg2[%dma_wait3A_185, %dma_wait3A_186] : memref<10000x128xf32, #tpu.memory_space<hbm>> -> memref<10000x128xf32, #tpu.memory_space<hbm>>
        tpu.wait_indirect_dma semaphore(%arg18 : memref<!tpu.dma_semaphore, #tpu.memory_space<semaphore_mem>>) src(%dma_wait3A_187 : memref<10000x128xf32, #tpu.memory_space<hbm>>) dst(%dma_wait3A_181 : memref<80x128xf32, #tpu.memory_space<vmem>>)
        %dma_wait3A_188 = arith.constant 0 : i32
        %dma_wait3A_189 = arith.constant 0 : i32
        %dma_wait3A_190 = arith.constant 0 : i32
        %dma_wait3A_191 = arith.constant 0 : i32
        %dma_wait3A_192 = tpu.memref_slice %arg12[%dma_wait3A_189, %dma_wait3A_190, %dma_wait3A_191] : memref<2x80x128xf32, #tpu.memory_space<vmem>> -> memref<1x80x128xf32, #tpu.memory_space<vmem>>
        %dma_wait3A_193 = tpu.memref_squeeze %dma_wait3A_192 : memref<1x80x128xf32, #tpu.memory_space<vmem>> -> memref<80x128xf32, #tpu.memory_space<vmem>>
        %dma_wait3A_194 = arith.constant 0 : i32
        %dma_wait3A_195 = tpu.memref_slice %arg10[%dma_wait3A_188, %dma_wait3A_194] : memref<2x80xi32, #tpu.memory_space<vmem>> -> memref<1x80xi32, #tpu.memory_space<vmem>>
        %dma_wait3A_196 = tpu.memref_squeeze %dma_wait3A_195 : memref<1x80xi32, #tpu.memory_space<vmem>> -> memref<80xi32, #tpu.memory_space<vmem>>
        %dma_wait3A_197 = arith.constant 0 : i32
        %dma_wait3A_198 = arith.constant 0 : i32
        %dma_wait3A_199 = tpu.memref_slice %arg2[%dma_wait3A_197, %dma_wait3A_198] : memref<10000x128xf32, #tpu.memory_space<hbm>> -> memref<10000x128xf32, #tpu.memory_space<hbm>>
        tpu.wait_indirect_dma semaphore(%arg18 : memref<!tpu.dma_semaphore, #tpu.memory_space<semaphore_mem>>) src(%dma_wait3A_199 : memref<10000x128xf32, #tpu.memory_space<hbm>>) dst(%dma_wait3A_193 : memref<80x128xf32, #tpu.memory_space<vmem>>)
        %dma_wait3A_200 = arith.constant 0 : i32
        %dma_wait3A_201 = arith.constant 0 : i32
        %dma_wait3A_202 = arith.constant 0 : i32
        %dma_wait3A_203 = arith.constant 0 : i32
        %dma_wait3A_204 = tpu.memref_slice %arg13[%dma_wait3A_201, %dma_wait3A_202, %dma_wait3A_203] : memref<2x80x16xf32, #tpu.memory_space<vmem>> -> memref<1x80x16xf32, #tpu.memory_space<vmem>>
        %dma_wait3A_205 = tpu.memref_squeeze %dma_wait3A_204 : memref<1x80x16xf32, #tpu.memory_space<vmem>> -> memref<80x16xf32, #tpu.memory_space<vmem>>
        %dma_wait3A_206 = arith.constant 0 : i32
        %dma_wait3A_207 = tpu.memref_slice %arg9[%dma_wait3A_200, %dma_wait3A_206] : memref<2x80xi32, #tpu.memory_space<vmem>> -> memref<1x80xi32, #tpu.memory_space<vmem>>
        %dma_wait3A_208 = tpu.memref_squeeze %dma_wait3A_207 : memref<1x80xi32, #tpu.memory_space<vmem>> -> memref<80xi32, #tpu.memory_space<vmem>>
        %dma_wait3A_209 = arith.constant 0 : i32
        %dma_wait3A_210 = arith.constant 0 : i32
        %dma_wait3A_211 = tpu.memref_slice %arg3[%dma_wait3A_209, %dma_wait3A_210] : memref<10000x16xf32, #tpu.memory_space<hbm>> -> memref<10000x16xf32, #tpu.memory_space<hbm>>
        tpu.wait_indirect_dma semaphore(%arg18 : memref<!tpu.dma_semaphore, #tpu.memory_space<semaphore_mem>>) src(%dma_wait3A_211 : memref<10000x16xf32, #tpu.memory_space<hbm>>) dst(%dma_wait3A_205 : memref<80x16xf32, #tpu.memory_space<vmem>>)
        %dma_wait3A_212 = arith.constant 0 : i32
        %dma_wait3A_213 = arith.constant 0 : i32
        %dma_wait3A_214 = arith.constant 0 : i32
        %dma_wait3A_215 = arith.constant 0 : i32
        %dma_wait3A_216 = tpu.memref_slice %arg14[%dma_wait3A_213, %dma_wait3A_214, %dma_wait3A_215] : memref<2x80x16xf32, #tpu.memory_space<vmem>> -> memref<1x80x16xf32, #tpu.memory_space<vmem>>
        %dma_wait3A_217 = tpu.memref_squeeze %dma_wait3A_216 : memref<1x80x16xf32, #tpu.memory_space<vmem>> -> memref<80x16xf32, #tpu.memory_space<vmem>>
        %dma_wait3A_218 = arith.constant 0 : i32
        %dma_wait3A_219 = tpu.memref_slice %arg10[%dma_wait3A_212, %dma_wait3A_218] : memref<2x80xi32, #tpu.memory_space<vmem>> -> memref<1x80xi32, #tpu.memory_space<vmem>>
        %dma_wait3A_220 = tpu.memref_squeeze %dma_wait3A_219 : memref<1x80xi32, #tpu.memory_space<vmem>> -> memref<80xi32, #tpu.memory_space<vmem>>
        %dma_wait3A_221 = arith.constant 0 : i32
        %dma_wait3A_222 = arith.constant 0 : i32
        %dma_wait3A_223 = tpu.memref_slice %arg3[%dma_wait3A_221, %dma_wait3A_222] : memref<10000x16xf32, #tpu.memory_space<hbm>> -> memref<10000x16xf32, #tpu.memory_space<hbm>>
        tpu.wait_indirect_dma semaphore(%arg18 : memref<!tpu.dma_semaphore, #tpu.memory_space<semaphore_mem>>) src(%dma_wait3A_223 : memref<10000x16xf32, #tpu.memory_space<hbm>>) dst(%dma_wait3A_217 : memref<80x16xf32, #tpu.memory_space<vmem>>)
        %scan3A_224 = arith.constant 0 : i32
        %scan3A_225 = arith.constant 0 : i32
        %scan3A_226 = arith.constant 80 : i32
        %scan3A_227 = arith.addi %scan3A_225, %scan3A_226 : i32
        %scan3A_228 = arith.constant 1 : i32
        scf.for %scan3A_289 = %scan3A_225 to %scan3A_227 step %scan3A_228  : i32 {
          %get3A = arith.constant 0 : i32
          %get3A_290 = arith.index_cast %get3A : i32 to index
          %get3A_291 = arith.index_cast %scan3A_289 : i32 to index
          %get3A_292 = arith.constant 0 : index
          %get3A_293 = tpu.vector_load %arg13[%get3A_290, %get3A_291, %get3A_292] {strides = array<i32>} : memref<2x80x16xf32, #tpu.memory_space<vmem>>, vector<1x1x16xf32>,
          %get3A_294 = vector.shape_cast %get3A_293 : vector<1x1x16xf32> to vector<16xf32>
          %swap3A = arith.constant 0 : i32
          %swap3A_295 = arith.index_cast %swap3A : i32 to index
          %swap3A_296 = arith.index_cast %scan3A_289 : i32 to index
          %swap3A_297 = arith.constant 0 : index
          %swap3A_298 = tpu.vector_load %arg15[%swap3A_295, %swap3A_296, %swap3A_297] {strides = array<i32>} : memref<2x80x128xf32, #tpu.memory_space<vmem>>, vector<1x1x16xf32>,
          %swap3A_299 = vector.shape_cast %swap3A_298 : vector<1x1x16xf32> to vector<16xf32>
          %swap3A_300 = vector.shape_cast %get3A_294 : vector<16xf32> to vector<1x1x16xf32>
          tpu.vector_store %arg15[%swap3A_295, %swap3A_296, %swap3A_297], %swap3A_300 {strides = array<i32>} : memref<2x80x128xf32, #tpu.memory_space<vmem>>, vector<1x1x16xf32>,
          %get3A_301 = arith.constant 0 : i32
          %get3A_302 = arith.index_cast %get3A_301 : i32 to index
          %get3A_303 = arith.index_cast %scan3A_289 : i32 to index
          %get3A_304 = arith.constant 0 : index
          %get3A_305 = tpu.vector_load %arg14[%get3A_302, %get3A_303, %get3A_304] {strides = array<i32>} : memref<2x80x16xf32, #tpu.memory_space<vmem>>, vector<1x1x16xf32>,
          %get3A_306 = vector.shape_cast %get3A_305 : vector<1x1x16xf32> to vector<16xf32>
          %swap3A_307 = arith.constant 0 : i32
          %swap3A_308 = arith.index_cast %swap3A_307 : i32 to index
          %swap3A_309 = arith.index_cast %scan3A_289 : i32 to index
          %swap3A_310 = arith.constant 16 : index
          %swap3A_311 = tpu.vector_load %arg15[%swap3A_308, %swap3A_309, %swap3A_310] {strides = array<i32>} : memref<2x80x128xf32, #tpu.memory_space<vmem>>, vector<1x1x16xf32>,
          %swap3A_312 = vector.shape_cast %swap3A_311 : vector<1x1x16xf32> to vector<16xf32>
          %swap3A_313 = vector.shape_cast %get3A_306 : vector<16xf32> to vector<1x1x16xf32>
          tpu.vector_store %arg15[%swap3A_308, %swap3A_309, %swap3A_310], %swap3A_313 {strides = array<i32>} : memref<2x80x128xf32, #tpu.memory_space<vmem>>, vector<1x1x16xf32>,
        }
        %scan3A_229 = arith.constant 80 : i32
        %ge3A = arith.constant 1 : i32
        %ge3A_230 = arith.cmpi sge, %scan3A_165, %ge3A : i32
        %convert_element_type3A_231 = arith.extui %ge3A_230 : i1 to i32
        %cond3A_232 = arith.constant 0 : i32
        %cond3A_233 = arith.cmpi ne, %convert_element_type3A_231, %cond3A_232 : i32
        scf.if %cond3A_233 {
          %dma_wait3A_289 = arith.constant 1 : i32
          %dma_wait3A_290 = arith.constant 0 : i32
          %dma_wait3A_291 = arith.constant 0 : i32
          %dma_wait3A_292 = tpu.memref_slice %arg11[%dma_wait3A_289, %dma_wait3A_290, %dma_wait3A_291] : memref<2x80x128xf32, #tpu.memory_space<vmem>> -> memref<1x80x128xf32, #tpu.memory_space<vmem>>
          %dma_wait3A_293 = tpu.memref_squeeze %dma_wait3A_292 : memref<1x80x128xf32, #tpu.memory_space<vmem>> -> memref<80x128xf32, #tpu.memory_space<vmem>>
          %dma_wait3A_294 = arith.constant 0 : i32
          %dma_wait3A_295 = arith.constant 0 : i32
          %dma_wait3A_296 = tpu.memref_slice %arg6[%dma_wait3A_294, %dma_wait3A_295] : memref<128000x128xf32, #tpu.memory_space<hbm>> -> memref<80x128xf32, #tpu.memory_space<hbm>>
          %dma_wait3A_297 = arith.constant 0 : i32
          %dma_wait3A_298 = arith.constant 0 : i32
          %dma_wait3A_299 = tpu.memref_slice %arg6[%dma_wait3A_297, %dma_wait3A_298] : memref<128000x128xf32, #tpu.memory_space<hbm>> -> memref<80x128xf32, #tpu.memory_space<hbm>>
          %dma_wait3A_300 = arith.constant 0 : i32
          %dma_wait3A_301 = arith.constant 0 : i32
          %dma_wait3A_302 = tpu.memref_slice %arg11[%dma_wait3A_289, %dma_wait3A_300, %dma_wait3A_301] : memref<2x80x128xf32, #tpu.memory_space<vmem>> -> memref<1x80x128xf32, #tpu.memory_space<vmem>>
          %dma_wait3A_303 = tpu.memref_squeeze %dma_wait3A_302 : memref<1x80x128xf32, #tpu.memory_space<vmem>> -> memref<80x128xf32, #tpu.memory_space<vmem>>
          tpu.wait_dma2 semaphore(%arg21 : memref<!tpu.dma_semaphore, #tpu.memory_space<semaphore_mem>>) src(%dma_wait3A_303 : memref<80x128xf32, #tpu.memory_space<vmem>>) dst(%dma_wait3A_299 : memref<80x128xf32, #tpu.memory_space<hbm>>)
          %dma_wait3A_304 = arith.constant 1 : i32
          %dma_wait3A_305 = arith.constant 0 : i32
          %dma_wait3A_306 = arith.constant 0 : i32
          %dma_wait3A_307 = tpu.memref_slice %arg12[%dma_wait3A_304, %dma_wait3A_305, %dma_wait3A_306] : memref<2x80x128xf32, #tpu.memory_space<vmem>> -> memref<1x80x128xf32, #tpu.memory_space<vmem>>
          %dma_wait3A_308 = tpu.memref_squeeze %dma_wait3A_307 : memref<1x80x128xf32, #tpu.memory_space<vmem>> -> memref<80x128xf32, #tpu.memory_space<vmem>>
          %dma_wait3A_309 = arith.constant 0 : i32
          %dma_wait3A_310 = arith.constant 0 : i32
          %dma_wait3A_311 = tpu.memref_slice %arg7[%dma_wait3A_309, %dma_wait3A_310] : memref<128000x128xf32, #tpu.memory_space<hbm>> -> memref<80x128xf32, #tpu.memory_space<hbm>>
          %dma_wait3A_312 = arith.constant 0 : i32
          %dma_wait3A_313 = arith.constant 0 : i32
          %dma_wait3A_314 = tpu.memref_slice %arg7[%dma_wait3A_312, %dma_wait3A_313] : memref<128000x128xf32, #tpu.memory_space<hbm>> -> memref<80x128xf32, #tpu.memory_space<hbm>>
          %dma_wait3A_315 = arith.constant 0 : i32
          %dma_wait3A_316 = arith.constant 0 : i32
          %dma_wait3A_317 = tpu.memref_slice %arg12[%dma_wait3A_304, %dma_wait3A_315, %dma_wait3A_316] : memref<2x80x128xf32, #tpu.memory_space<vmem>> -> memref<1x80x128xf32, #tpu.memory_space<vmem>>
          %dma_wait3A_318 = tpu.memref_squeeze %dma_wait3A_317 : memref<1x80x128xf32, #tpu.memory_space<vmem>> -> memref<80x128xf32, #tpu.memory_space<vmem>>
          tpu.wait_dma2 semaphore(%arg21 : memref<!tpu.dma_semaphore, #tpu.memory_space<semaphore_mem>>) src(%dma_wait3A_318 : memref<80x128xf32, #tpu.memory_space<vmem>>) dst(%dma_wait3A_314 : memref<80x128xf32, #tpu.memory_space<hbm>>)
          %dma_wait3A_319 = arith.constant 1 : i32
          %dma_wait3A_320 = arith.constant 0 : i32
          %dma_wait3A_321 = arith.constant 0 : i32
          %dma_wait3A_322 = tpu.memref_slice %arg15[%dma_wait3A_319, %dma_wait3A_320, %dma_wait3A_321] : memref<2x80x128xf32, #tpu.memory_space<vmem>> -> memref<1x80x128xf32, #tpu.memory_space<vmem>>
          %dma_wait3A_323 = tpu.memref_squeeze %dma_wait3A_322 : memref<1x80x128xf32, #tpu.memory_space<vmem>> -> memref<80x128xf32, #tpu.memory_space<vmem>>
          %dma_wait3A_324 = arith.constant 0 : i32
          %dma_wait3A_325 = arith.constant 0 : i32
          %dma_wait3A_326 = tpu.memref_slice %arg8[%dma_wait3A_324, %dma_wait3A_325] : memref<128000x128xf32, #tpu.memory_space<hbm>> -> memref<80x128xf32, #tpu.memory_space<hbm>>
          %dma_wait3A_327 = arith.constant 0 : i32
          %dma_wait3A_328 = arith.constant 0 : i32
          %dma_wait3A_329 = tpu.memref_slice %arg8[%dma_wait3A_327, %dma_wait3A_328] : memref<128000x128xf32, #tpu.memory_space<hbm>> -> memref<80x128xf32, #tpu.memory_space<hbm>>
          %dma_wait3A_330 = arith.constant 0 : i32
          %dma_wait3A_331 = arith.constant 0 : i32
          %dma_wait3A_332 = tpu.memref_slice %arg15[%dma_wait3A_319, %dma_wait3A_330, %dma_wait3A_331] : memref<2x80x128xf32, #tpu.memory_space<vmem>> -> memref<1x80x128xf32, #tpu.memory_space<vmem>>
          %dma_wait3A_333 = tpu.memref_squeeze %dma_wait3A_332 : memref<1x80x128xf32, #tpu.memory_space<vmem>> -> memref<80x128xf32, #tpu.memory_space<vmem>>
          tpu.wait_dma2 semaphore(%arg21 : memref<!tpu.dma_semaphore, #tpu.memory_space<semaphore_mem>>) src(%dma_wait3A_333 : memref<80x128xf32, #tpu.memory_space<vmem>>) dst(%dma_wait3A_329 : memref<80x128xf32, #tpu.memory_space<hbm>>)
        } else {
        }
        %add3A_234 = arith.constant 1 : i32
        %add3A_235 = arith.addi %scan3A_165, %add3A_234 : i32
        %lt3A = arith.constant 50 : i32
        %lt3A_236 = arith.cmpi slt, %add3A_235, %lt3A : i32
        %convert_element_type3A_237 = arith.extui %lt3A_236 : i1 to i32
        %cond3A_238 = arith.constant 0 : i32
        %cond3A_239 = arith.cmpi ne, %convert_element_type3A_237, %cond3A_238 : i32
        scf.if %cond3A_239 {
          %dma_wait3A_289 = arith.constant 1 : i32
          %dma_wait3A_290 = arith.constant 0 : i32
          %dma_wait3A_291 = tpu.memref_slice %arg9[%dma_wait3A_289, %dma_wait3A_290] : memref<2x80xi32, #tpu.memory_space<vmem>> -> memref<1x80xi32, #tpu.memory_space<vmem>>
          %dma_wait3A_292 = tpu.memref_squeeze %dma_wait3A_291 : memref<1x80xi32, #tpu.memory_space<vmem>> -> memref<80xi32, #tpu.memory_space<vmem>>
          %dma_wait3A_293 = arith.constant 0 : i32
          %dma_wait3A_294 = tpu.memref_slice %arg4[%dma_wait3A_293] : memref<320000xi32, #tpu.memory_space<hbm>> -> memref<80xi32, #tpu.memory_space<hbm>>
          %dma_wait3A_295 = arith.constant 0 : i32
          %dma_wait3A_296 = tpu.memref_slice %arg9[%dma_wait3A_289, %dma_wait3A_295] : memref<2x80xi32, #tpu.memory_space<vmem>> -> memref<1x80xi32, #tpu.memory_space<vmem>>
          %dma_wait3A_297 = tpu.memref_squeeze %dma_wait3A_296 : memref<1x80xi32, #tpu.memory_space<vmem>> -> memref<80xi32, #tpu.memory_space<vmem>>
          %dma_wait3A_298 = arith.constant 0 : i32
          %dma_wait3A_299 = tpu.memref_slice %arg4[%dma_wait3A_298] : memref<320000xi32, #tpu.memory_space<hbm>> -> memref<80xi32, #tpu.memory_space<hbm>>
          tpu.wait_dma2 semaphore(%arg17 : memref<!tpu.dma_semaphore, #tpu.memory_space<semaphore_mem>>) src(%dma_wait3A_299 : memref<80xi32, #tpu.memory_space<hbm>>) dst(%dma_wait3A_297 : memref<80xi32, #tpu.memory_space<vmem>>)
          %dma_wait3A_300 = arith.constant 1 : i32
          %dma_wait3A_301 = arith.constant 0 : i32
          %dma_wait3A_302 = tpu.memref_slice %arg10[%dma_wait3A_300, %dma_wait3A_301] : memref<2x80xi32, #tpu.memory_space<vmem>> -> memref<1x80xi32, #tpu.memory_space<vmem>>
          %dma_wait3A_303 = tpu.memref_squeeze %dma_wait3A_302 : memref<1x80xi32, #tpu.memory_space<vmem>> -> memref<80xi32, #tpu.memory_space<vmem>>
          %dma_wait3A_304 = arith.constant 0 : i32
          %dma_wait3A_305 = tpu.memref_slice %arg5[%dma_wait3A_304] : memref<320000xi32, #tpu.memory_space<hbm>> -> memref<80xi32, #tpu.memory_space<hbm>>
          %dma_wait3A_306 = arith.constant 0 : i32
          %dma_wait3A_307 = tpu.memref_slice %arg10[%dma_wait3A_300, %dma_wait3A_306] : memref<2x80xi32, #tpu.memory_space<vmem>> -> memref<1x80xi32, #tpu.memory_space<vmem>>
          %dma_wait3A_308 = tpu.memref_squeeze %dma_wait3A_307 : memref<1x80xi32, #tpu.memory_space<vmem>> -> memref<80xi32, #tpu.memory_space<vmem>>
          %dma_wait3A_309 = arith.constant 0 : i32
          %dma_wait3A_310 = tpu.memref_slice %arg5[%dma_wait3A_309] : memref<320000xi32, #tpu.memory_space<hbm>> -> memref<80xi32, #tpu.memory_space<hbm>>
          tpu.wait_dma2 semaphore(%arg17 : memref<!tpu.dma_semaphore, #tpu.memory_space<semaphore_mem>>) src(%dma_wait3A_310 : memref<80xi32, #tpu.memory_space<hbm>>) dst(%dma_wait3A_308 : memref<80xi32, #tpu.memory_space<vmem>>)
          %dma_start3A_311 = arith.constant 1 : i32
          %dma_start3A_312 = arith.constant 1 : i32
          %dma_start3A_313 = arith.constant 0 : i32
          %dma_start3A_314 = arith.constant 0 : i32
          %dma_start3A_315 = tpu.memref_slice %arg11[%dma_start3A_312, %dma_start3A_313, %dma_start3A_314] : memref<2x80x128xf32, #tpu.memory_space<vmem>> -> memref<1x80x128xf32, #tpu.memory_space<vmem>>
          %dma_start3A_316 = tpu.memref_squeeze %dma_start3A_315 : memref<1x80x128xf32, #tpu.memory_space<vmem>> -> memref<80x128xf32, #tpu.memory_space<vmem>>
          %dma_start3A_317 = arith.constant 0 : i32
          %dma_start3A_318 = tpu.memref_slice %arg9[%dma_start3A_311, %dma_start3A_317] : memref<2x80xi32, #tpu.memory_space<vmem>> -> memref<1x80xi32, #tpu.memory_space<vmem>>
          %dma_start3A_319 = tpu.memref_squeeze %dma_start3A_318 : memref<1x80xi32, #tpu.memory_space<vmem>> -> memref<80xi32, #tpu.memory_space<vmem>>
          %dma_start3A_320 = arith.constant 0 : i32
          %dma_start3A_321 = arith.constant 0 : i32
          %dma_start3A_322 = tpu.memref_slice %arg2[%dma_start3A_320, %dma_start3A_321] : memref<10000x128xf32, #tpu.memory_space<hbm>> -> memref<10000x128xf32, #tpu.memory_space<hbm>>
          tpu.enqueue_indirect_dma source(%dma_start3A_322 : memref<10000x128xf32, #tpu.memory_space<hbm>>) target(%dma_start3A_316 : memref<80x128xf32, #tpu.memory_space<vmem>>) offsets(%dma_start3A_319 : memref<80xi32, #tpu.memory_space<vmem>>) semaphore(%arg19 : memref<!tpu.dma_semaphore, #tpu.memory_space<semaphore_mem>>)
          %dma_start3A_323 = arith.constant 1 : i32
          %dma_start3A_324 = arith.constant 1 : i32
          %dma_start3A_325 = arith.constant 0 : i32
          %dma_start3A_326 = arith.constant 0 : i32
          %dma_start3A_327 = tpu.memref_slice %arg12[%dma_start3A_324, %dma_start3A_325, %dma_start3A_326] : memref<2x80x128xf32, #tpu.memory_space<vmem>> -> memref<1x80x128xf32, #tpu.memory_space<vmem>>
          %dma_start3A_328 = tpu.memref_squeeze %dma_start3A_327 : memref<1x80x128xf32, #tpu.memory_space<vmem>> -> memref<80x128xf32, #tpu.memory_space<vmem>>
          %dma_start3A_329 = arith.constant 0 : i32
          %dma_start3A_330 = tpu.memref_slice %arg10[%dma_start3A_323, %dma_start3A_329] : memref<2x80xi32, #tpu.memory_space<vmem>> -> memref<1x80xi32, #tpu.memory_space<vmem>>
          %dma_start3A_331 = tpu.memref_squeeze %dma_start3A_330 : memref<1x80xi32, #tpu.memory_space<vmem>> -> memref<80xi32, #tpu.memory_space<vmem>>
          %dma_start3A_332 = arith.constant 0 : i32
          %dma_start3A_333 = arith.constant 0 : i32
          %dma_start3A_334 = tpu.memref_slice %arg2[%dma_start3A_332, %dma_start3A_333] : memref<10000x128xf32, #tpu.memory_space<hbm>> -> memref<10000x128xf32, #tpu.memory_space<hbm>>
          tpu.enqueue_indirect_dma source(%dma_start3A_334 : memref<10000x128xf32, #tpu.memory_space<hbm>>) target(%dma_start3A_328 : memref<80x128xf32, #tpu.memory_space<vmem>>) offsets(%dma_start3A_331 : memref<80xi32, #tpu.memory_space<vmem>>) semaphore(%arg19 : memref<!tpu.dma_semaphore, #tpu.memory_space<semaphore_mem>>)
          %dma_start3A_335 = arith.constant 1 : i32
          %dma_start3A_336 = arith.constant 1 : i32
          %dma_start3A_337 = arith.constant 0 : i32
          %dma_start3A_338 = arith.constant 0 : i32
          %dma_start3A_339 = tpu.memref_slice %arg13[%dma_start3A_336, %dma_start3A_337, %dma_start3A_338] : memref<2x80x16xf32, #tpu.memory_space<vmem>> -> memref<1x80x16xf32, #tpu.memory_space<vmem>>
          %dma_start3A_340 = tpu.memref_squeeze %dma_start3A_339 : memref<1x80x16xf32, #tpu.memory_space<vmem>> -> memref<80x16xf32, #tpu.memory_space<vmem>>
          %dma_start3A_341 = arith.constant 0 : i32
          %dma_start3A_342 = tpu.memref_slice %arg9[%dma_start3A_335, %dma_start3A_341] : memref<2x80xi32, #tpu.memory_space<vmem>> -> memref<1x80xi32, #tpu.memory_space<vmem>>
          %dma_start3A_343 = tpu.memref_squeeze %dma_start3A_342 : memref<1x80xi32, #tpu.memory_space<vmem>> -> memref<80xi32, #tpu.memory_space<vmem>>
          %dma_start3A_344 = arith.constant 0 : i32
          %dma_start3A_345 = arith.constant 0 : i32
          %dma_start3A_346 = tpu.memref_slice %arg3[%dma_start3A_344, %dma_start3A_345] : memref<10000x16xf32, #tpu.memory_space<hbm>> -> memref<10000x16xf32, #tpu.memory_space<hbm>>
          tpu.enqueue_indirect_dma source(%dma_start3A_346 : memref<10000x16xf32, #tpu.memory_space<hbm>>) target(%dma_start3A_340 : memref<80x16xf32, #tpu.memory_space<vmem>>) offsets(%dma_start3A_343 : memref<80xi32, #tpu.memory_space<vmem>>) semaphore(%arg19 : memref<!tpu.dma_semaphore, #tpu.memory_space<semaphore_mem>>)
          %dma_start3A_347 = arith.constant 1 : i32
          %dma_start3A_348 = arith.constant 1 : i32
          %dma_start3A_349 = arith.constant 0 : i32
          %dma_start3A_350 = arith.constant 0 : i32
          %dma_start3A_351 = tpu.memref_slice %arg14[%dma_start3A_348, %dma_start3A_349, %dma_start3A_350] : memref<2x80x16xf32, #tpu.memory_space<vmem>> -> memref<1x80x16xf32, #tpu.memory_space<vmem>>
          %dma_start3A_352 = tpu.memref_squeeze %dma_start3A_351 : memref<1x80x16xf32, #tpu.memory_space<vmem>> -> memref<80x16xf32, #tpu.memory_space<vmem>>
          %dma_start3A_353 = arith.constant 0 : i32
          %dma_start3A_354 = tpu.memref_slice %arg10[%dma_start3A_347, %dma_start3A_353] : memref<2x80xi32, #tpu.memory_space<vmem>> -> memref<1x80xi32, #tpu.memory_space<vmem>>
          %dma_start3A_355 = tpu.memref_squeeze %dma_start3A_354 : memref<1x80xi32, #tpu.memory_space<vmem>> -> memref<80xi32, #tpu.memory_space<vmem>>
          %dma_start3A_356 = arith.constant 0 : i32
          %dma_start3A_357 = arith.constant 0 : i32
          %dma_start3A_358 = tpu.memref_slice %arg3[%dma_start3A_356, %dma_start3A_357] : memref<10000x16xf32, #tpu.memory_space<hbm>> -> memref<10000x16xf32, #tpu.memory_space<hbm>>
          tpu.enqueue_indirect_dma source(%dma_start3A_358 : memref<10000x16xf32, #tpu.memory_space<hbm>>) target(%dma_start3A_352 : memref<80x16xf32, #tpu.memory_space<vmem>>) offsets(%dma_start3A_355 : memref<80xi32, #tpu.memory_space<vmem>>) semaphore(%arg19 : memref<!tpu.dma_semaphore, #tpu.memory_space<semaphore_mem>>)
        } else {
        }
        %add3A_240 = arith.constant 2 : i32
        %add3A_241 = arith.addi %scan3A_165, %add3A_240 : i32
        %lt3A_242 = arith.constant 50 : i32
        %lt3A_243 = arith.cmpi slt, %add3A_241, %lt3A_242 : i32
        %convert_element_type3A_244 = arith.extui %lt3A_243 : i1 to i32
        %cond3A_245 = arith.constant 0 : i32
        %cond3A_246 = arith.cmpi ne, %convert_element_type3A_244, %cond3A_245 : i32
        scf.if %cond3A_246 {
          %add3A_289 = arith.constant 2 : i32
          %add3A_290 = arith.addi %scan3A_165, %add3A_289 : i32
          %add3A_291 = arith.constant 192000 : i32
          %add3A_292 = arith.addi %add3A_291, %mul3A_2 : i32
          %mul3A_293 = arith.constant 80 : i32
          %mul3A_294 = arith.muli %add3A_290, %mul3A_293 : i32
          %add3A_295 = arith.addi %add3A_292, %mul3A_294 : i32
          %dma_start3A_296 = arith.constant 0 : i32
          %dma_start3A_297 = arith.constant 0 : i32
          %dma_start3A_298 = tpu.memref_slice %arg9[%dma_start3A_296, %dma_start3A_297] : memref<2x80xi32, #tpu.memory_space<vmem>> -> memref<1x80xi32, #tpu.memory_space<vmem>>
          %dma_start3A_299 = tpu.memref_squeeze %dma_start3A_298 : memref<1x80xi32, #tpu.memory_space<vmem>> -> memref<80xi32, #tpu.memory_space<vmem>>
          %dma_start3A_300 = tpu.memref_slice %arg4[%add3A_295] : memref<320000xi32, #tpu.memory_space<hbm>> -> memref<80xi32, #tpu.memory_space<hbm>>
          %dma_start3A_301 = arith.constant 0 : i32
          %dma_start3A_302 = tpu.memref_slice %arg9[%dma_start3A_296, %dma_start3A_301] : memref<2x80xi32, #tpu.memory_space<vmem>> -> memref<1x80xi32, #tpu.memory_space<vmem>>
          %dma_start3A_303 = tpu.memref_squeeze %dma_start3A_302 : memref<1x80xi32, #tpu.memory_space<vmem>> -> memref<80xi32, #tpu.memory_space<vmem>>
          %dma_start3A_304 = tpu.memref_slice %arg4[%add3A_295] : memref<320000xi32, #tpu.memory_space<hbm>> -> memref<80xi32, #tpu.memory_space<hbm>>
          tpu.enqueue_dma source(%dma_start3A_304 : memref<80xi32, #tpu.memory_space<hbm>>) target(%dma_start3A_303 : memref<80xi32, #tpu.memory_space<vmem>>) target_semaphore(%arg16 : memref<!tpu.dma_semaphore, #tpu.memory_space<semaphore_mem>>)
          %dma_start3A_305 = arith.constant 0 : i32
          %dma_start3A_306 = arith.constant 0 : i32
          %dma_start3A_307 = tpu.memref_slice %arg10[%dma_start3A_305, %dma_start3A_306] : memref<2x80xi32, #tpu.memory_space<vmem>> -> memref<1x80xi32, #tpu.memory_space<vmem>>
          %dma_start3A_308 = tpu.memref_squeeze %dma_start3A_307 : memref<1x80xi32, #tpu.memory_space<vmem>> -> memref<80xi32, #tpu.memory_space<vmem>>
          %dma_start3A_309 = tpu.memref_slice %arg5[%add3A_295] : memref<320000xi32, #tpu.memory_space<hbm>> -> memref<80xi32, #tpu.memory_space<hbm>>
          %dma_start3A_310 = arith.constant 0 : i32
          %dma_start3A_311 = tpu.memref_slice %arg10[%dma_start3A_305, %dma_start3A_310] : memref<2x80xi32, #tpu.memory_space<vmem>> -> memref<1x80xi32, #tpu.memory_space<vmem>>
          %dma_start3A_312 = tpu.memref_squeeze %dma_start3A_311 : memref<1x80xi32, #tpu.memory_space<vmem>> -> memref<80xi32, #tpu.memory_space<vmem>>
          %dma_start3A_313 = tpu.memref_slice %arg5[%add3A_295] : memref<320000xi32, #tpu.memory_space<hbm>> -> memref<80xi32, #tpu.memory_space<hbm>>
          tpu.enqueue_dma source(%dma_start3A_313 : memref<80xi32, #tpu.memory_space<hbm>>) target(%dma_start3A_312 : memref<80xi32, #tpu.memory_space<vmem>>) target_semaphore(%arg16 : memref<!tpu.dma_semaphore, #tpu.memory_space<semaphore_mem>>)
        } else {
        }
        %mul3A_247 = arith.constant 80 : i32
        %mul3A_248 = arith.muli %scan3A_165, %mul3A_247 : i32
        %add3A_249 = arith.addi %mul3A_2, %mul3A_248 : i32
        %dma_start3A_250 = arith.constant 0 : i32
        %dma_start3A_251 = arith.constant 0 : i32
        %dma_start3A_252 = arith.constant 0 : i32
        %dma_start3A_253 = tpu.memref_slice %arg11[%dma_start3A_250, %dma_start3A_251, %dma_start3A_252] : memref<2x80x128xf32, #tpu.memory_space<vmem>> -> memref<1x80x128xf32, #tpu.memory_space<vmem>>
        %dma_start3A_254 = tpu.memref_squeeze %dma_start3A_253 : memref<1x80x128xf32, #tpu.memory_space<vmem>> -> memref<80x128xf32, #tpu.memory_space<vmem>>
        %dma_start3A_255 = arith.constant 0 : i32
        %dma_start3A_256 = tpu.memref_slice %arg6[%add3A_249, %dma_start3A_255] : memref<128000x128xf32, #tpu.memory_space<hbm>> -> memref<80x128xf32, #tpu.memory_space<hbm>>
        %dma_start3A_257 = arith.constant 0 : i32
        %dma_start3A_258 = tpu.memref_slice %arg6[%add3A_249, %dma_start3A_257] : memref<128000x128xf32, #tpu.memory_space<hbm>> -> memref<80x128xf32, #tpu.memory_space<hbm>>
        %dma_start3A_259 = arith.constant 0 : i32
        %dma_start3A_260 = arith.constant 0 : i32
        %dma_start3A_261 = tpu.memref_slice %arg11[%dma_start3A_250, %dma_start3A_259, %dma_start3A_260] : memref<2x80x128xf32, #tpu.memory_space<vmem>> -> memref<1x80x128xf32, #tpu.memory_space<vmem>>
        %dma_start3A_262 = tpu.memref_squeeze %dma_start3A_261 : memref<1x80x128xf32, #tpu.memory_space<vmem>> -> memref<80x128xf32, #tpu.memory_space<vmem>>
        tpu.enqueue_dma source(%dma_start3A_262 : memref<80x128xf32, #tpu.memory_space<vmem>>) target(%dma_start3A_258 : memref<80x128xf32, #tpu.memory_space<hbm>>) target_semaphore(%arg20 : memref<!tpu.dma_semaphore, #tpu.memory_space<semaphore_mem>>)
        %dma_start3A_263 = arith.constant 0 : i32
        %dma_start3A_264 = arith.constant 0 : i32
        %dma_start3A_265 = arith.constant 0 : i32
        %dma_start3A_266 = tpu.memref_slice %arg12[%dma_start3A_263, %dma_start3A_264, %dma_start3A_265] : memref<2x80x128xf32, #tpu.memory_space<vmem>> -> memref<1x80x128xf32, #tpu.memory_space<vmem>>
        %dma_start3A_267 = tpu.memref_squeeze %dma_start3A_266 : memref<1x80x128xf32, #tpu.memory_space<vmem>> -> memref<80x128xf32, #tpu.memory_space<vmem>>
        %dma_start3A_268 = arith.constant 0 : i32
        %dma_start3A_269 = tpu.memref_slice %arg7[%add3A_249, %dma_start3A_268] : memref<128000x128xf32, #tpu.memory_space<hbm>> -> memref<80x128xf32, #tpu.memory_space<hbm>>
        %dma_start3A_270 = arith.constant 0 : i32
        %dma_start3A_271 = tpu.memref_slice %arg7[%add3A_249, %dma_start3A_270] : memref<128000x128xf32, #tpu.memory_space<hbm>> -> memref<80x128xf32, #tpu.memory_space<hbm>>
        %dma_start3A_272 = arith.constant 0 : i32
        %dma_start3A_273 = arith.constant 0 : i32
        %dma_start3A_274 = tpu.memref_slice %arg12[%dma_start3A_263, %dma_start3A_272, %dma_start3A_273] : memref<2x80x128xf32, #tpu.memory_space<vmem>> -> memref<1x80x128xf32, #tpu.memory_space<vmem>>
        %dma_start3A_275 = tpu.memref_squeeze %dma_start3A_274 : memref<1x80x128xf32, #tpu.memory_space<vmem>> -> memref<80x128xf32, #tpu.memory_space<vmem>>
        tpu.enqueue_dma source(%dma_start3A_275 : memref<80x128xf32, #tpu.memory_space<vmem>>) target(%dma_start3A_271 : memref<80x128xf32, #tpu.memory_space<hbm>>) target_semaphore(%arg20 : memref<!tpu.dma_semaphore, #tpu.memory_space<semaphore_mem>>)
        %dma_start3A_276 = arith.constant 0 : i32
        %dma_start3A_277 = arith.constant 0 : i32
        %dma_start3A_278 = arith.constant 0 : i32
        %dma_start3A_279 = tpu.memref_slice %arg15[%dma_start3A_276, %dma_start3A_277, %dma_start3A_278] : memref<2x80x128xf32, #tpu.memory_space<vmem>> -> memref<1x80x128xf32, #tpu.memory_space<vmem>>
        %dma_start3A_280 = tpu.memref_squeeze %dma_start3A_279 : memref<1x80x128xf32, #tpu.memory_space<vmem>> -> memref<80x128xf32, #tpu.memory_space<vmem>>
        %dma_start3A_281 = arith.constant 0 : i32
        %dma_start3A_282 = tpu.memref_slice %arg8[%add3A_249, %dma_start3A_281] : memref<128000x128xf32, #tpu.memory_space<hbm>> -> memref<80x128xf32, #tpu.memory_space<hbm>>
        %dma_start3A_283 = arith.constant 0 : i32
        %dma_start3A_284 = tpu.memref_slice %arg8[%add3A_249, %dma_start3A_283] : memref<128000x128xf32, #tpu.memory_space<hbm>> -> memref<80x128xf32, #tpu.memory_space<hbm>>
        %dma_start3A_285 = arith.constant 0 : i32
        %dma_start3A_286 = arith.constant 0 : i32
        %dma_start3A_287 = tpu.memref_slice %arg15[%dma_start3A_276, %dma_start3A_285, %dma_start3A_286] : memref<2x80x128xf32, #tpu.memory_space<vmem>> -> memref<1x80x128xf32, #tpu.memory_space<vmem>>
        %dma_start3A_288 = tpu.memref_squeeze %dma_start3A_287 : memref<1x80x128xf32, #tpu.memory_space<vmem>> -> memref<80x128xf32, #tpu.memory_space<vmem>>
        tpu.enqueue_dma source(%dma_start3A_288 : memref<80x128xf32, #tpu.memory_space<vmem>>) target(%dma_start3A_284 : memref<80x128xf32, #tpu.memory_space<hbm>>) target_semaphore(%arg20 : memref<!tpu.dma_semaphore, #tpu.memory_space<semaphore_mem>>)
      } else {
      }
      %rem3A_169 = arith.constant 2 : i32
      %rem3A_170 = arith.remsi %scan3A_165, %rem3A_169 : i32
      %eq3A_171 = arith.constant 1 : i32
      %eq3A_172 = arith.cmpi eq, %rem3A_170, %eq3A_171 : i32
      %convert_element_type3A_173 = arith.extui %eq3A_172 : i1 to i32
      %cond3A_174 = arith.constant 0 : i32
      %cond3A_175 = arith.cmpi ne, %convert_element_type3A_173, %cond3A_174 : i32
      scf.if %cond3A_175 {
        %dma_wait3A_176 = arith.constant 1 : i32
        %dma_wait3A_177 = arith.constant 1 : i32
        %dma_wait3A_178 = arith.constant 0 : i32
        %dma_wait3A_179 = arith.constant 0 : i32
        %dma_wait3A_180 = tpu.memref_slice %arg11[%dma_wait3A_177, %dma_wait3A_178, %dma_wait3A_179] : memref<2x80x128xf32, #tpu.memory_space<vmem>> -> memref<1x80x128xf32, #tpu.memory_space<vmem>>
        %dma_wait3A_181 = tpu.memref_squeeze %dma_wait3A_180 : memref<1x80x128xf32, #tpu.memory_space<vmem>> -> memref<80x128xf32, #tpu.memory_space<vmem>>
        %dma_wait3A_182 = arith.constant 0 : i32
        %dma_wait3A_183 = tpu.memref_slice %arg9[%dma_wait3A_176, %dma_wait3A_182] : memref<2x80xi32, #tpu.memory_space<vmem>> -> memref<1x80xi32, #tpu.memory_space<vmem>>
        %dma_wait3A_184 = tpu.memref_squeeze %dma_wait3A_183 : memref<1x80xi32, #tpu.memory_space<vmem>> -> memref<80xi32, #tpu.memory_space<vmem>>
        %dma_wait3A_185 = arith.constant 0 : i32
        %dma_wait3A_186 = arith.constant 0 : i32
        %dma_wait3A_187 = tpu.memref_slice %arg2[%dma_wait3A_185, %dma_wait3A_186] : memref<10000x128xf32, #tpu.memory_space<hbm>> -> memref<10000x128xf32, #tpu.memory_space<hbm>>
        tpu.wait_indirect_dma semaphore(%arg19 : memref<!tpu.dma_semaphore, #tpu.memory_space<semaphore_mem>>) src(%dma_wait3A_187 : memref<10000x128xf32, #tpu.memory_space<hbm>>) dst(%dma_wait3A_181 : memref<80x128xf32, #tpu.memory_space<vmem>>)
        %dma_wait3A_188 = arith.constant 1 : i32
        %dma_wait3A_189 = arith.constant 1 : i32
        %dma_wait3A_190 = arith.constant 0 : i32
        %dma_wait3A_191 = arith.constant 0 : i32
        %dma_wait3A_192 = tpu.memref_slice %arg12[%dma_wait3A_189, %dma_wait3A_190, %dma_wait3A_191] : memref<2x80x128xf32, #tpu.memory_space<vmem>> -> memref<1x80x128xf32, #tpu.memory_space<vmem>>
        %dma_wait3A_193 = tpu.memref_squeeze %dma_wait3A_192 : memref<1x80x128xf32, #tpu.memory_space<vmem>> -> memref<80x128xf32, #tpu.memory_space<vmem>>
        %dma_wait3A_194 = arith.constant 0 : i32
        %dma_wait3A_195 = tpu.memref_slice %arg10[%dma_wait3A_188, %dma_wait3A_194] : memref<2x80xi32, #tpu.memory_space<vmem>> -> memref<1x80xi32, #tpu.memory_space<vmem>>
        %dma_wait3A_196 = tpu.memref_squeeze %dma_wait3A_195 : memref<1x80xi32, #tpu.memory_space<vmem>> -> memref<80xi32, #tpu.memory_space<vmem>>
        %dma_wait3A_197 = arith.constant 0 : i32
        %dma_wait3A_198 = arith.constant 0 : i32
        %dma_wait3A_199 = tpu.memref_slice %arg2[%dma_wait3A_197, %dma_wait3A_198] : memref<10000x128xf32, #tpu.memory_space<hbm>> -> memref<10000x128xf32, #tpu.memory_space<hbm>>
        tpu.wait_indirect_dma semaphore(%arg19 : memref<!tpu.dma_semaphore, #tpu.memory_space<semaphore_mem>>) src(%dma_wait3A_199 : memref<10000x128xf32, #tpu.memory_space<hbm>>) dst(%dma_wait3A_193 : memref<80x128xf32, #tpu.memory_space<vmem>>)
        %dma_wait3A_200 = arith.constant 1 : i32
        %dma_wait3A_201 = arith.constant 1 : i32
        %dma_wait3A_202 = arith.constant 0 : i32
        %dma_wait3A_203 = arith.constant 0 : i32
        %dma_wait3A_204 = tpu.memref_slice %arg13[%dma_wait3A_201, %dma_wait3A_202, %dma_wait3A_203] : memref<2x80x16xf32, #tpu.memory_space<vmem>> -> memref<1x80x16xf32, #tpu.memory_space<vmem>>
        %dma_wait3A_205 = tpu.memref_squeeze %dma_wait3A_204 : memref<1x80x16xf32, #tpu.memory_space<vmem>> -> memref<80x16xf32, #tpu.memory_space<vmem>>
        %dma_wait3A_206 = arith.constant 0 : i32
        %dma_wait3A_207 = tpu.memref_slice %arg9[%dma_wait3A_200, %dma_wait3A_206] : memref<2x80xi32, #tpu.memory_space<vmem>> -> memref<1x80xi32, #tpu.memory_space<vmem>>
        %dma_wait3A_208 = tpu.memref_squeeze %dma_wait3A_207 : memref<1x80xi32, #tpu.memory_space<vmem>> -> memref<80xi32, #tpu.memory_space<vmem>>
        %dma_wait3A_209 = arith.constant 0 : i32
        %dma_wait3A_210 = arith.constant 0 : i32
        %dma_wait3A_211 = tpu.memref_slice %arg3[%dma_wait3A_209, %dma_wait3A_210] : memref<10000x16xf32, #tpu.memory_space<hbm>> -> memref<10000x16xf32, #tpu.memory_space<hbm>>
        tpu.wait_indirect_dma semaphore(%arg19 : memref<!tpu.dma_semaphore, #tpu.memory_space<semaphore_mem>>) src(%dma_wait3A_211 : memref<10000x16xf32, #tpu.memory_space<hbm>>) dst(%dma_wait3A_205 : memref<80x16xf32, #tpu.memory_space<vmem>>)
        %dma_wait3A_212 = arith.constant 1 : i32
        %dma_wait3A_213 = arith.constant 1 : i32
        %dma_wait3A_214 = arith.constant 0 : i32
        %dma_wait3A_215 = arith.constant 0 : i32
        %dma_wait3A_216 = tpu.memref_slice %arg14[%dma_wait3A_213, %dma_wait3A_214, %dma_wait3A_215] : memref<2x80x16xf32, #tpu.memory_space<vmem>> -> memref<1x80x16xf32, #tpu.memory_space<vmem>>
        %dma_wait3A_217 = tpu.memref_squeeze %dma_wait3A_216 : memref<1x80x16xf32, #tpu.memory_space<vmem>> -> memref<80x16xf32, #tpu.memory_space<vmem>>
        %dma_wait3A_218 = arith.constant 0 : i32
        %dma_wait3A_219 = tpu.memref_slice %arg10[%dma_wait3A_212, %dma_wait3A_218] : memref<2x80xi32, #tpu.memory_space<vmem>> -> memref<1x80xi32, #tpu.memory_space<vmem>>
        %dma_wait3A_220 = tpu.memref_squeeze %dma_wait3A_219 : memref<1x80xi32, #tpu.memory_space<vmem>> -> memref<80xi32, #tpu.memory_space<vmem>>
        %dma_wait3A_221 = arith.constant 0 : i32
        %dma_wait3A_222 = arith.constant 0 : i32
        %dma_wait3A_223 = tpu.memref_slice %arg3[%dma_wait3A_221, %dma_wait3A_222] : memref<10000x16xf32, #tpu.memory_space<hbm>> -> memref<10000x16xf32, #tpu.memory_space<hbm>>
        tpu.wait_indirect_dma semaphore(%arg19 : memref<!tpu.dma_semaphore, #tpu.memory_space<semaphore_mem>>) src(%dma_wait3A_223 : memref<10000x16xf32, #tpu.memory_space<hbm>>) dst(%dma_wait3A_217 : memref<80x16xf32, #tpu.memory_space<vmem>>)
        %scan3A_224 = arith.constant 0 : i32
        %scan3A_225 = arith.constant 0 : i32
        %scan3A_226 = arith.constant 80 : i32
        %scan3A_227 = arith.addi %scan3A_225, %scan3A_226 : i32
        %scan3A_228 = arith.constant 1 : i32
        scf.for %scan3A_289 = %scan3A_225 to %scan3A_227 step %scan3A_228  : i32 {
          %get3A = arith.constant 1 : i32
          %get3A_290 = arith.index_cast %get3A : i32 to index
          %get3A_291 = arith.index_cast %scan3A_289 : i32 to index
          %get3A_292 = arith.constant 0 : index
          %get3A_293 = tpu.vector_load %arg13[%get3A_290, %get3A_291, %get3A_292] {strides = array<i32>} : memref<2x80x16xf32, #tpu.memory_space<vmem>>, vector<1x1x16xf32>,
          %get3A_294 = vector.shape_cast %get3A_293 : vector<1x1x16xf32> to vector<16xf32>
          %swap3A = arith.constant 1 : i32
          %swap3A_295 = arith.index_cast %swap3A : i32 to index
          %swap3A_296 = arith.index_cast %scan3A_289 : i32 to index
          %swap3A_297 = arith.constant 0 : index
          %swap3A_298 = tpu.vector_load %arg15[%swap3A_295, %swap3A_296, %swap3A_297] {strides = array<i32>} : memref<2x80x128xf32, #tpu.memory_space<vmem>>, vector<1x1x16xf32>,
          %swap3A_299 = vector.shape_cast %swap3A_298 : vector<1x1x16xf32> to vector<16xf32>
          %swap3A_300 = vector.shape_cast %get3A_294 : vector<16xf32> to vector<1x1x16xf32>
          tpu.vector_store %arg15[%swap3A_295, %swap3A_296, %swap3A_297], %swap3A_300 {strides = array<i32>} : memref<2x80x128xf32, #tpu.memory_space<vmem>>, vector<1x1x16xf32>,
          %get3A_301 = arith.constant 1 : i32
          %get3A_302 = arith.index_cast %get3A_301 : i32 to index
          %get3A_303 = arith.index_cast %scan3A_289 : i32 to index
          %get3A_304 = arith.constant 0 : index
          %get3A_305 = tpu.vector_load %arg14[%get3A_302, %get3A_303, %get3A_304] {strides = array<i32>} : memref<2x80x16xf32, #tpu.memory_space<vmem>>, vector<1x1x16xf32>,
          %get3A_306 = vector.shape_cast %get3A_305 : vector<1x1x16xf32> to vector<16xf32>
          %swap3A_307 = arith.constant 1 : i32
          %swap3A_308 = arith.index_cast %swap3A_307 : i32 to index
          %swap3A_309 = arith.index_cast %scan3A_289 : i32 to index
          %swap3A_310 = arith.constant 16 : index
          %swap3A_311 = tpu.vector_load %arg15[%swap3A_308, %swap3A_309, %swap3A_310] {strides = array<i32>} : memref<2x80x128xf32, #tpu.memory_space<vmem>>, vector<1x1x16xf32>,
          %swap3A_312 = vector.shape_cast %swap3A_311 : vector<1x1x16xf32> to vector<16xf32>
          %swap3A_313 = vector.shape_cast %get3A_306 : vector<16xf32> to vector<1x1x16xf32>
          tpu.vector_store %arg15[%swap3A_308, %swap3A_309, %swap3A_310], %swap3A_313 {strides = array<i32>} : memref<2x80x128xf32, #tpu.memory_space<vmem>>, vector<1x1x16xf32>,
        }
        %scan3A_229 = arith.constant 80 : i32
        %ge3A = arith.constant 1 : i32
        %ge3A_230 = arith.cmpi sge, %scan3A_165, %ge3A : i32
        %convert_element_type3A_231 = arith.extui %ge3A_230 : i1 to i32
        %cond3A_232 = arith.constant 0 : i32
        %cond3A_233 = arith.cmpi ne, %convert_element_type3A_231, %cond3A_232 : i32
        scf.if %cond3A_233 {
          %dma_wait3A_289 = arith.constant 0 : i32
          %dma_wait3A_290 = arith.constant 0 : i32
          %dma_wait3A_291 = arith.constant 0 : i32
          %dma_wait3A_292 = tpu.memref_slice %arg11[%dma_wait3A_289, %dma_wait3A_290, %dma_wait3A_291] : memref<2x80x128xf32, #tpu.memory_space<vmem>> -> memref<1x80x128xf32, #tpu.memory_space<vmem>>
          %dma_wait3A_293 = tpu.memref_squeeze %dma_wait3A_292 : memref<1x80x128xf32, #tpu.memory_space<vmem>> -> memref<80x128xf32, #tpu.memory_space<vmem>>
          %dma_wait3A_294 = arith.constant 0 : i32
          %dma_wait3A_295 = arith.constant 0 : i32
          %dma_wait3A_296 = tpu.memref_slice %arg6[%dma_wait3A_294, %dma_wait3A_295] : memref<128000x128xf32, #tpu.memory_space<hbm>> -> memref<80x128xf32, #tpu.memory_space<hbm>>
          %dma_wait3A_297 = arith.constant 0 : i32
          %dma_wait3A_298 = arith.constant 0 : i32
          %dma_wait3A_299 = tpu.memref_slice %arg6[%dma_wait3A_297, %dma_wait3A_298] : memref<128000x128xf32, #tpu.memory_space<hbm>> -> memref<80x128xf32, #tpu.memory_space<hbm>>
          %dma_wait3A_300 = arith.constant 0 : i32
          %dma_wait3A_301 = arith.constant 0 : i32
          %dma_wait3A_302 = tpu.memref_slice %arg11[%dma_wait3A_289, %dma_wait3A_300, %dma_wait3A_301] : memref<2x80x128xf32, #tpu.memory_space<vmem>> -> memref<1x80x128xf32, #tpu.memory_space<vmem>>
          %dma_wait3A_303 = tpu.memref_squeeze %dma_wait3A_302 : memref<1x80x128xf32, #tpu.memory_space<vmem>> -> memref<80x128xf32, #tpu.memory_space<vmem>>
          tpu.wait_dma2 semaphore(%arg20 : memref<!tpu.dma_semaphore, #tpu.memory_space<semaphore_mem>>) src(%dma_wait3A_303 : memref<80x128xf32, #tpu.memory_space<vmem>>) dst(%dma_wait3A_299 : memref<80x128xf32, #tpu.memory_space<hbm>>)
          %dma_wait3A_304 = arith.constant 0 : i32
          %dma_wait3A_305 = arith.constant 0 : i32
          %dma_wait3A_306 = arith.constant 0 : i32
          %dma_wait3A_307 = tpu.memref_slice %arg12[%dma_wait3A_304, %dma_wait3A_305, %dma_wait3A_306] : memref<2x80x128xf32, #tpu.memory_space<vmem>> -> memref<1x80x128xf32, #tpu.memory_space<vmem>>
          %dma_wait3A_308 = tpu.memref_squeeze %dma_wait3A_307 : memref<1x80x128xf32, #tpu.memory_space<vmem>> -> memref<80x128xf32, #tpu.memory_space<vmem>>
          %dma_wait3A_309 = arith.constant 0 : i32
          %dma_wait3A_310 = arith.constant 0 : i32
          %dma_wait3A_311 = tpu.memref_slice %arg7[%dma_wait3A_309, %dma_wait3A_310] : memref<128000x128xf32, #tpu.memory_space<hbm>> -> memref<80x128xf32, #tpu.memory_space<hbm>>
          %dma_wait3A_312 = arith.constant 0 : i32
          %dma_wait3A_313 = arith.constant 0 : i32
          %dma_wait3A_314 = tpu.memref_slice %arg7[%dma_wait3A_312, %dma_wait3A_313] : memref<128000x128xf32, #tpu.memory_space<hbm>> -> memref<80x128xf32, #tpu.memory_space<hbm>>
          %dma_wait3A_315 = arith.constant 0 : i32
          %dma_wait3A_316 = arith.constant 0 : i32
          %dma_wait3A_317 = tpu.memref_slice %arg12[%dma_wait3A_304, %dma_wait3A_315, %dma_wait3A_316] : memref<2x80x128xf32, #tpu.memory_space<vmem>> -> memref<1x80x128xf32, #tpu.memory_space<vmem>>
          %dma_wait3A_318 = tpu.memref_squeeze %dma_wait3A_317 : memref<1x80x128xf32, #tpu.memory_space<vmem>> -> memref<80x128xf32, #tpu.memory_space<vmem>>
          tpu.wait_dma2 semaphore(%arg20 : memref<!tpu.dma_semaphore, #tpu.memory_space<semaphore_mem>>) src(%dma_wait3A_318 : memref<80x128xf32, #tpu.memory_space<vmem>>) dst(%dma_wait3A_314 : memref<80x128xf32, #tpu.memory_space<hbm>>)
          %dma_wait3A_319 = arith.constant 0 : i32
          %dma_wait3A_320 = arith.constant 0 : i32
          %dma_wait3A_321 = arith.constant 0 : i32
          %dma_wait3A_322 = tpu.memref_slice %arg15[%dma_wait3A_319, %dma_wait3A_320, %dma_wait3A_321] : memref<2x80x128xf32, #tpu.memory_space<vmem>> -> memref<1x80x128xf32, #tpu.memory_space<vmem>>
          %dma_wait3A_323 = tpu.memref_squeeze %dma_wait3A_322 : memref<1x80x128xf32, #tpu.memory_space<vmem>> -> memref<80x128xf32, #tpu.memory_space<vmem>>
          %dma_wait3A_324 = arith.constant 0 : i32
          %dma_wait3A_325 = arith.constant 0 : i32
          %dma_wait3A_326 = tpu.memref_slice %arg8[%dma_wait3A_324, %dma_wait3A_325] : memref<128000x128xf32, #tpu.memory_space<hbm>> -> memref<80x128xf32, #tpu.memory_space<hbm>>
          %dma_wait3A_327 = arith.constant 0 : i32
          %dma_wait3A_328 = arith.constant 0 : i32
          %dma_wait3A_329 = tpu.memref_slice %arg8[%dma_wait3A_327, %dma_wait3A_328] : memref<128000x128xf32, #tpu.memory_space<hbm>> -> memref<80x128xf32, #tpu.memory_space<hbm>>
          %dma_wait3A_330 = arith.constant 0 : i32
          %dma_wait3A_331 = arith.constant 0 : i32
          %dma_wait3A_332 = tpu.memref_slice %arg15[%dma_wait3A_319, %dma_wait3A_330, %dma_wait3A_331] : memref<2x80x128xf32, #tpu.memory_space<vmem>> -> memref<1x80x128xf32, #tpu.memory_space<vmem>>
          %dma_wait3A_333 = tpu.memref_squeeze %dma_wait3A_332 : memref<1x80x128xf32, #tpu.memory_space<vmem>> -> memref<80x128xf32, #tpu.memory_space<vmem>>
          tpu.wait_dma2 semaphore(%arg20 : memref<!tpu.dma_semaphore, #tpu.memory_space<semaphore_mem>>) src(%dma_wait3A_333 : memref<80x128xf32, #tpu.memory_space<vmem>>) dst(%dma_wait3A_329 : memref<80x128xf32, #tpu.memory_space<hbm>>)
        } else {
        }
        %add3A_234 = arith.constant 1 : i32
        %add3A_235 = arith.addi %scan3A_165, %add3A_234 : i32
        %lt3A = arith.constant 50 : i32
        %lt3A_236 = arith.cmpi slt, %add3A_235, %lt3A : i32
        %convert_element_type3A_237 = arith.extui %lt3A_236 : i1 to i32
        %cond3A_238 = arith.constant 0 : i32
        %cond3A_239 = arith.cmpi ne, %convert_element_type3A_237, %cond3A_238 : i32
        scf.if %cond3A_239 {
          %dma_wait3A_289 = arith.constant 0 : i32
          %dma_wait3A_290 = arith.constant 0 : i32
          %dma_wait3A_291 = tpu.memref_slice %arg9[%dma_wait3A_289, %dma_wait3A_290] : memref<2x80xi32, #tpu.memory_space<vmem>> -> memref<1x80xi32, #tpu.memory_space<vmem>>
          %dma_wait3A_292 = tpu.memref_squeeze %dma_wait3A_291 : memref<1x80xi32, #tpu.memory_space<vmem>> -> memref<80xi32, #tpu.memory_space<vmem>>
          %dma_wait3A_293 = arith.constant 0 : i32
          %dma_wait3A_294 = tpu.memref_slice %arg4[%dma_wait3A_293] : memref<320000xi32, #tpu.memory_space<hbm>> -> memref<80xi32, #tpu.memory_space<hbm>>
          %dma_wait3A_295 = arith.constant 0 : i32
          %dma_wait3A_296 = tpu.memref_slice %arg9[%dma_wait3A_289, %dma_wait3A_295] : memref<2x80xi32, #tpu.memory_space<vmem>> -> memref<1x80xi32, #tpu.memory_space<vmem>>
          %dma_wait3A_297 = tpu.memref_squeeze %dma_wait3A_296 : memref<1x80xi32, #tpu.memory_space<vmem>> -> memref<80xi32, #tpu.memory_space<vmem>>
          %dma_wait3A_298 = arith.constant 0 : i32
          %dma_wait3A_299 = tpu.memref_slice %arg4[%dma_wait3A_298] : memref<320000xi32, #tpu.memory_space<hbm>> -> memref<80xi32, #tpu.memory_space<hbm>>
          tpu.wait_dma2 semaphore(%arg16 : memref<!tpu.dma_semaphore, #tpu.memory_space<semaphore_mem>>) src(%dma_wait3A_299 : memref<80xi32, #tpu.memory_space<hbm>>) dst(%dma_wait3A_297 : memref<80xi32, #tpu.memory_space<vmem>>)
          %dma_wait3A_300 = arith.constant 0 : i32
          %dma_wait3A_301 = arith.constant 0 : i32
          %dma_wait3A_302 = tpu.memref_slice %arg10[%dma_wait3A_300, %dma_wait3A_301] : memref<2x80xi32, #tpu.memory_space<vmem>> -> memref<1x80xi32, #tpu.memory_space<vmem>>
          %dma_wait3A_303 = tpu.memref_squeeze %dma_wait3A_302 : memref<1x80xi32, #tpu.memory_space<vmem>> -> memref<80xi32, #tpu.memory_space<vmem>>
          %dma_wait3A_304 = arith.constant 0 : i32
          %dma_wait3A_305 = tpu.memref_slice %arg5[%dma_wait3A_304] : memref<320000xi32, #tpu.memory_space<hbm>> -> memref<80xi32, #tpu.memory_space<hbm>>
          %dma_wait3A_306 = arith.constant 0 : i32
          %dma_wait3A_307 = tpu.memref_slice %arg10[%dma_wait3A_300, %dma_wait3A_306] : memref<2x80xi32, #tpu.memory_space<vmem>> -> memref<1x80xi32, #tpu.memory_space<vmem>>
          %dma_wait3A_308 = tpu.memref_squeeze %dma_wait3A_307 : memref<1x80xi32, #tpu.memory_space<vmem>> -> memref<80xi32, #tpu.memory_space<vmem>>
          %dma_wait3A_309 = arith.constant 0 : i32
          %dma_wait3A_310 = tpu.memref_slice %arg5[%dma_wait3A_309] : memref<320000xi32, #tpu.memory_space<hbm>> -> memref<80xi32, #tpu.memory_space<hbm>>
          tpu.wait_dma2 semaphore(%arg16 : memref<!tpu.dma_semaphore, #tpu.memory_space<semaphore_mem>>) src(%dma_wait3A_310 : memref<80xi32, #tpu.memory_space<hbm>>) dst(%dma_wait3A_308 : memref<80xi32, #tpu.memory_space<vmem>>)
          %dma_start3A_311 = arith.constant 0 : i32
          %dma_start3A_312 = arith.constant 0 : i32
          %dma_start3A_313 = arith.constant 0 : i32
          %dma_start3A_314 = arith.constant 0 : i32
          %dma_start3A_315 = tpu.memref_slice %arg11[%dma_start3A_312, %dma_start3A_313, %dma_start3A_314] : memref<2x80x128xf32, #tpu.memory_space<vmem>> -> memref<1x80x128xf32, #tpu.memory_space<vmem>>
          %dma_start3A_316 = tpu.memref_squeeze %dma_start3A_315 : memref<1x80x128xf32, #tpu.memory_space<vmem>> -> memref<80x128xf32, #tpu.memory_space<vmem>>
          %dma_start3A_317 = arith.constant 0 : i32
          %dma_start3A_318 = tpu.memref_slice %arg9[%dma_start3A_311, %dma_start3A_317] : memref<2x80xi32, #tpu.memory_space<vmem>> -> memref<1x80xi32, #tpu.memory_space<vmem>>
          %dma_start3A_319 = tpu.memref_squeeze %dma_start3A_318 : memref<1x80xi32, #tpu.memory_space<vmem>> -> memref<80xi32, #tpu.memory_space<vmem>>
          %dma_start3A_320 = arith.constant 0 : i32
          %dma_start3A_321 = arith.constant 0 : i32
          %dma_start3A_322 = tpu.memref_slice %arg2[%dma_start3A_320, %dma_start3A_321] : memref<10000x128xf32, #tpu.memory_space<hbm>> -> memref<10000x128xf32, #tpu.memory_space<hbm>>
          tpu.enqueue_indirect_dma source(%dma_start3A_322 : memref<10000x128xf32, #tpu.memory_space<hbm>>) target(%dma_start3A_316 : memref<80x128xf32, #tpu.memory_space<vmem>>) offsets(%dma_start3A_319 : memref<80xi32, #tpu.memory_space<vmem>>) semaphore(%arg18 : memref<!tpu.dma_semaphore, #tpu.memory_space<semaphore_mem>>)
          %dma_start3A_323 = arith.constant 0 : i32
          %dma_start3A_324 = arith.constant 0 : i32
          %dma_start3A_325 = arith.constant 0 : i32
          %dma_start3A_326 = arith.constant 0 : i32
          %dma_start3A_327 = tpu.memref_slice %arg12[%dma_start3A_324, %dma_start3A_325, %dma_start3A_326] : memref<2x80x128xf32, #tpu.memory_space<vmem>> -> memref<1x80x128xf32, #tpu.memory_space<vmem>>
          %dma_start3A_328 = tpu.memref_squeeze %dma_start3A_327 : memref<1x80x128xf32, #tpu.memory_space<vmem>> -> memref<80x128xf32, #tpu.memory_space<vmem>>
          %dma_start3A_329 = arith.constant 0 : i32
          %dma_start3A_330 = tpu.memref_slice %arg10[%dma_start3A_323, %dma_start3A_329] : memref<2x80xi32, #tpu.memory_space<vmem>> -> memref<1x80xi32, #tpu.memory_space<vmem>>
          %dma_start3A_331 = tpu.memref_squeeze %dma_start3A_330 : memref<1x80xi32, #tpu.memory_space<vmem>> -> memref<80xi32, #tpu.memory_space<vmem>>
          %dma_start3A_332 = arith.constant 0 : i32
          %dma_start3A_333 = arith.constant 0 : i32
          %dma_start3A_334 = tpu.memref_slice %arg2[%dma_start3A_332, %dma_start3A_333] : memref<10000x128xf32, #tpu.memory_space<hbm>> -> memref<10000x128xf32, #tpu.memory_space<hbm>>
          tpu.enqueue_indirect_dma source(%dma_start3A_334 : memref<10000x128xf32, #tpu.memory_space<hbm>>) target(%dma_start3A_328 : memref<80x128xf32, #tpu.memory_space<vmem>>) offsets(%dma_start3A_331 : memref<80xi32, #tpu.memory_space<vmem>>) semaphore(%arg18 : memref<!tpu.dma_semaphore, #tpu.memory_space<semaphore_mem>>)
          %dma_start3A_335 = arith.constant 0 : i32
          %dma_start3A_336 = arith.constant 0 : i32
          %dma_start3A_337 = arith.constant 0 : i32
          %dma_start3A_338 = arith.constant 0 : i32
          %dma_start3A_339 = tpu.memref_slice %arg13[%dma_start3A_336, %dma_start3A_337, %dma_start3A_338] : memref<2x80x16xf32, #tpu.memory_space<vmem>> -> memref<1x80x16xf32, #tpu.memory_space<vmem>>
          %dma_start3A_340 = tpu.memref_squeeze %dma_start3A_339 : memref<1x80x16xf32, #tpu.memory_space<vmem>> -> memref<80x16xf32, #tpu.memory_space<vmem>>
          %dma_start3A_341 = arith.constant 0 : i32
          %dma_start3A_342 = tpu.memref_slice %arg9[%dma_start3A_335, %dma_start3A_341] : memref<2x80xi32, #tpu.memory_space<vmem>> -> memref<1x80xi32, #tpu.memory_space<vmem>>
          %dma_start3A_343 = tpu.memref_squeeze %dma_start3A_342 : memref<1x80xi32, #tpu.memory_space<vmem>> -> memref<80xi32, #tpu.memory_space<vmem>>
          %dma_start3A_344 = arith.constant 0 : i32
          %dma_start3A_345 = arith.constant 0 : i32
          %dma_start3A_346 = tpu.memref_slice %arg3[%dma_start3A_344, %dma_start3A_345] : memref<10000x16xf32, #tpu.memory_space<hbm>> -> memref<10000x16xf32, #tpu.memory_space<hbm>>
          tpu.enqueue_indirect_dma source(%dma_start3A_346 : memref<10000x16xf32, #tpu.memory_space<hbm>>) target(%dma_start3A_340 : memref<80x16xf32, #tpu.memory_space<vmem>>) offsets(%dma_start3A_343 : memref<80xi32, #tpu.memory_space<vmem>>) semaphore(%arg18 : memref<!tpu.dma_semaphore, #tpu.memory_space<semaphore_mem>>)
          %dma_start3A_347 = arith.constant 0 : i32
          %dma_start3A_348 = arith.constant 0 : i32
          %dma_start3A_349 = arith.constant 0 : i32
          %dma_start3A_350 = arith.constant 0 : i32
          %dma_start3A_351 = tpu.memref_slice %arg14[%dma_start3A_348, %dma_start3A_349, %dma_start3A_350] : memref<2x80x16xf32, #tpu.memory_space<vmem>> -> memref<1x80x16xf32, #tpu.memory_space<vmem>>
          %dma_start3A_352 = tpu.memref_squeeze %dma_start3A_351 : memref<1x80x16xf32, #tpu.memory_space<vmem>> -> memref<80x16xf32, #tpu.memory_space<vmem>>
          %dma_start3A_353 = arith.constant 0 : i32
          %dma_start3A_354 = tpu.memref_slice %arg10[%dma_start3A_347, %dma_start3A_353] : memref<2x80xi32, #tpu.memory_space<vmem>> -> memref<1x80xi32, #tpu.memory_space<vmem>>
          %dma_start3A_355 = tpu.memref_squeeze %dma_start3A_354 : memref<1x80xi32, #tpu.memory_space<vmem>> -> memref<80xi32, #tpu.memory_space<vmem>>
          %dma_start3A_356 = arith.constant 0 : i32
          %dma_start3A_357 = arith.constant 0 : i32
          %dma_start3A_358 = tpu.memref_slice %arg3[%dma_start3A_356, %dma_start3A_357] : memref<10000x16xf32, #tpu.memory_space<hbm>> -> memref<10000x16xf32, #tpu.memory_space<hbm>>
          tpu.enqueue_indirect_dma source(%dma_start3A_358 : memref<10000x16xf32, #tpu.memory_space<hbm>>) target(%dma_start3A_352 : memref<80x16xf32, #tpu.memory_space<vmem>>) offsets(%dma_start3A_355 : memref<80xi32, #tpu.memory_space<vmem>>) semaphore(%arg18 : memref<!tpu.dma_semaphore, #tpu.memory_space<semaphore_mem>>)
        } else {
        }
        %add3A_240 = arith.constant 2 : i32
        %add3A_241 = arith.addi %scan3A_165, %add3A_240 : i32
        %lt3A_242 = arith.constant 50 : i32
        %lt3A_243 = arith.cmpi slt, %add3A_241, %lt3A_242 : i32
        %convert_element_type3A_244 = arith.extui %lt3A_243 : i1 to i32
        %cond3A_245 = arith.constant 0 : i32
        %cond3A_246 = arith.cmpi ne, %convert_element_type3A_244, %cond3A_245 : i32
        scf.if %cond3A_246 {
          %add3A_289 = arith.constant 2 : i32
          %add3A_290 = arith.addi %scan3A_165, %add3A_289 : i32
          %add3A_291 = arith.constant 192000 : i32
          %add3A_292 = arith.addi %add3A_291, %mul3A_2 : i32
          %mul3A_293 = arith.constant 80 : i32
          %mul3A_294 = arith.muli %add3A_290, %mul3A_293 : i32
          %add3A_295 = arith.addi %add3A_292, %mul3A_294 : i32
          %dma_start3A_296 = arith.constant 1 : i32
          %dma_start3A_297 = arith.constant 0 : i32
          %dma_start3A_298 = tpu.memref_slice %arg9[%dma_start3A_296, %dma_start3A_297] : memref<2x80xi32, #tpu.memory_space<vmem>> -> memref<1x80xi32, #tpu.memory_space<vmem>>
          %dma_start3A_299 = tpu.memref_squeeze %dma_start3A_298 : memref<1x80xi32, #tpu.memory_space<vmem>> -> memref<80xi32, #tpu.memory_space<vmem>>
          %dma_start3A_300 = tpu.memref_slice %arg4[%add3A_295] : memref<320000xi32, #tpu.memory_space<hbm>> -> memref<80xi32, #tpu.memory_space<hbm>>
          %dma_start3A_301 = arith.constant 0 : i32
          %dma_start3A_302 = tpu.memref_slice %arg9[%dma_start3A_296, %dma_start3A_301] : memref<2x80xi32, #tpu.memory_space<vmem>> -> memref<1x80xi32, #tpu.memory_space<vmem>>
          %dma_start3A_303 = tpu.memref_squeeze %dma_start3A_302 : memref<1x80xi32, #tpu.memory_space<vmem>> -> memref<80xi32, #tpu.memory_space<vmem>>
          %dma_start3A_304 = tpu.memref_slice %arg4[%add3A_295] : memref<320000xi32, #tpu.memory_space<hbm>> -> memref<80xi32, #tpu.memory_space<hbm>>
          tpu.enqueue_dma source(%dma_start3A_304 : memref<80xi32, #tpu.memory_space<hbm>>) target(%dma_start3A_303 : memref<80xi32, #tpu.memory_space<vmem>>) target_semaphore(%arg17 : memref<!tpu.dma_semaphore, #tpu.memory_space<semaphore_mem>>)
          %dma_start3A_305 = arith.constant 1 : i32
          %dma_start3A_306 = arith.constant 0 : i32
          %dma_start3A_307 = tpu.memref_slice %arg10[%dma_start3A_305, %dma_start3A_306] : memref<2x80xi32, #tpu.memory_space<vmem>> -> memref<1x80xi32, #tpu.memory_space<vmem>>
          %dma_start3A_308 = tpu.memref_squeeze %dma_start3A_307 : memref<1x80xi32, #tpu.memory_space<vmem>> -> memref<80xi32, #tpu.memory_space<vmem>>
          %dma_start3A_309 = tpu.memref_slice %arg5[%add3A_295] : memref<320000xi32, #tpu.memory_space<hbm>> -> memref<80xi32, #tpu.memory_space<hbm>>
          %dma_start3A_310 = arith.constant 0 : i32
          %dma_start3A_311 = tpu.memref_slice %arg10[%dma_start3A_305, %dma_start3A_310] : memref<2x80xi32, #tpu.memory_space<vmem>> -> memref<1x80xi32, #tpu.memory_space<vmem>>
          %dma_start3A_312 = tpu.memref_squeeze %dma_start3A_311 : memref<1x80xi32, #tpu.memory_space<vmem>> -> memref<80xi32, #tpu.memory_space<vmem>>
          %dma_start3A_313 = tpu.memref_slice %arg5[%add3A_295] : memref<320000xi32, #tpu.memory_space<hbm>> -> memref<80xi32, #tpu.memory_space<hbm>>
          tpu.enqueue_dma source(%dma_start3A_313 : memref<80xi32, #tpu.memory_space<hbm>>) target(%dma_start3A_312 : memref<80xi32, #tpu.memory_space<vmem>>) target_semaphore(%arg17 : memref<!tpu.dma_semaphore, #tpu.memory_space<semaphore_mem>>)
        } else {
        }
        %mul3A_247 = arith.constant 80 : i32
        %mul3A_248 = arith.muli %scan3A_165, %mul3A_247 : i32
        %add3A_249 = arith.addi %mul3A_2, %mul3A_248 : i32
        %dma_start3A_250 = arith.constant 1 : i32
        %dma_start3A_251 = arith.constant 0 : i32
        %dma_start3A_252 = arith.constant 0 : i32
        %dma_start3A_253 = tpu.memref_slice %arg11[%dma_start3A_250, %dma_start3A_251, %dma_start3A_252] : memref<2x80x128xf32, #tpu.memory_space<vmem>> -> memref<1x80x128xf32, #tpu.memory_space<vmem>>
        %dma_start3A_254 = tpu.memref_squeeze %dma_start3A_253 : memref<1x80x128xf32, #tpu.memory_space<vmem>> -> memref<80x128xf32, #tpu.memory_space<vmem>>
        %dma_start3A_255 = arith.constant 0 : i32
        %dma_start3A_256 = tpu.memref_slice %arg6[%add3A_249, %dma_start3A_255] : memref<128000x128xf32, #tpu.memory_space<hbm>> -> memref<80x128xf32, #tpu.memory_space<hbm>>
        %dma_start3A_257 = arith.constant 0 : i32
        %dma_start3A_258 = tpu.memref_slice %arg6[%add3A_249, %dma_start3A_257] : memref<128000x128xf32, #tpu.memory_space<hbm>> -> memref<80x128xf32, #tpu.memory_space<hbm>>
        %dma_start3A_259 = arith.constant 0 : i32
        %dma_start3A_260 = arith.constant 0 : i32
        %dma_start3A_261 = tpu.memref_slice %arg11[%dma_start3A_250, %dma_start3A_259, %dma_start3A_260] : memref<2x80x128xf32, #tpu.memory_space<vmem>> -> memref<1x80x128xf32, #tpu.memory_space<vmem>>
        %dma_start3A_262 = tpu.memref_squeeze %dma_start3A_261 : memref<1x80x128xf32, #tpu.memory_space<vmem>> -> memref<80x128xf32, #tpu.memory_space<vmem>>
        tpu.enqueue_dma source(%dma_start3A_262 : memref<80x128xf32, #tpu.memory_space<vmem>>) target(%dma_start3A_258 : memref<80x128xf32, #tpu.memory_space<hbm>>) target_semaphore(%arg21 : memref<!tpu.dma_semaphore, #tpu.memory_space<semaphore_mem>>)
        %dma_start3A_263 = arith.constant 1 : i32
        %dma_start3A_264 = arith.constant 0 : i32
        %dma_start3A_265 = arith.constant 0 : i32
        %dma_start3A_266 = tpu.memref_slice %arg12[%dma_start3A_263, %dma_start3A_264, %dma_start3A_265] : memref<2x80x128xf32, #tpu.memory_space<vmem>> -> memref<1x80x128xf32, #tpu.memory_space<vmem>>
        %dma_start3A_267 = tpu.memref_squeeze %dma_start3A_266 : memref<1x80x128xf32, #tpu.memory_space<vmem>> -> memref<80x128xf32, #tpu.memory_space<vmem>>
        %dma_start3A_268 = arith.constant 0 : i32
        %dma_start3A_269 = tpu.memref_slice %arg7[%add3A_249, %dma_start3A_268] : memref<128000x128xf32, #tpu.memory_space<hbm>> -> memref<80x128xf32, #tpu.memory_space<hbm>>
        %dma_start3A_270 = arith.constant 0 : i32
        %dma_start3A_271 = tpu.memref_slice %arg7[%add3A_249, %dma_start3A_270] : memref<128000x128xf32, #tpu.memory_space<hbm>> -> memref<80x128xf32, #tpu.memory_space<hbm>>
        %dma_start3A_272 = arith.constant 0 : i32
        %dma_start3A_273 = arith.constant 0 : i32
        %dma_start3A_274 = tpu.memref_slice %arg12[%dma_start3A_263, %dma_start3A_272, %dma_start3A_273] : memref<2x80x128xf32, #tpu.memory_space<vmem>> -> memref<1x80x128xf32, #tpu.memory_space<vmem>>
        %dma_start3A_275 = tpu.memref_squeeze %dma_start3A_274 : memref<1x80x128xf32, #tpu.memory_space<vmem>> -> memref<80x128xf32, #tpu.memory_space<vmem>>
        tpu.enqueue_dma source(%dma_start3A_275 : memref<80x128xf32, #tpu.memory_space<vmem>>) target(%dma_start3A_271 : memref<80x128xf32, #tpu.memory_space<hbm>>) target_semaphore(%arg21 : memref<!tpu.dma_semaphore, #tpu.memory_space<semaphore_mem>>)
        %dma_start3A_276 = arith.constant 1 : i32
        %dma_start3A_277 = arith.constant 0 : i32
        %dma_start3A_278 = arith.constant 0 : i32
        %dma_start3A_279 = tpu.memref_slice %arg15[%dma_start3A_276, %dma_start3A_277, %dma_start3A_278] : memref<2x80x128xf32, #tpu.memory_space<vmem>> -> memref<1x80x128xf32, #tpu.memory_space<vmem>>
        %dma_start3A_280 = tpu.memref_squeeze %dma_start3A_279 : memref<1x80x128xf32, #tpu.memory_space<vmem>> -> memref<80x128xf32, #tpu.memory_space<vmem>>
        %dma_start3A_281 = arith.constant 0 : i32
        %dma_start3A_282 = tpu.memref_slice %arg8[%add3A_249, %dma_start3A_281] : memref<128000x128xf32, #tpu.memory_space<hbm>> -> memref<80x128xf32, #tpu.memory_space<hbm>>
        %dma_start3A_283 = arith.constant 0 : i32
        %dma_start3A_284 = tpu.memref_slice %arg8[%add3A_249, %dma_start3A_283] : memref<128000x128xf32, #tpu.memory_space<hbm>> -> memref<80x128xf32, #tpu.memory_space<hbm>>
        %dma_start3A_285 = arith.constant 0 : i32
        %dma_start3A_286 = arith.constant 0 : i32
        %dma_start3A_287 = tpu.memref_slice %arg15[%dma_start3A_276, %dma_start3A_285, %dma_start3A_286] : memref<2x80x128xf32, #tpu.memory_space<vmem>> -> memref<1x80x128xf32, #tpu.memory_space<vmem>>
        %dma_start3A_288 = tpu.memref_squeeze %dma_start3A_287 : memref<1x80x128xf32, #tpu.memory_space<vmem>> -> memref<80x128xf32, #tpu.memory_space<vmem>>
        tpu.enqueue_dma source(%dma_start3A_288 : memref<80x128xf32, #tpu.memory_space<vmem>>) target(%dma_start3A_284 : memref<80x128xf32, #tpu.memory_space<hbm>>) target_semaphore(%arg21 : memref<!tpu.dma_semaphore, #tpu.memory_space<semaphore_mem>>)
      } else {
      }
    }
    %scan3A_119 = arith.constant 50 : i32
    %dma_wait3A_120 = arith.constant 1 : i32
    %dma_wait3A_121 = arith.constant 0 : i32
    %dma_wait3A_122 = arith.constant 0 : i32
    %dma_wait3A_123 = tpu.memref_slice %arg11[%dma_wait3A_120, %dma_wait3A_121, %dma_wait3A_122] : memref<2x80x128xf32, #tpu.memory_space<vmem>> -> memref<1x80x128xf32, #tpu.memory_space<vmem>>
    %dma_wait3A_124 = tpu.memref_squeeze %dma_wait3A_123 : memref<1x80x128xf32, #tpu.memory_space<vmem>> -> memref<80x128xf32, #tpu.memory_space<vmem>>
    %dma_wait3A_125 = arith.constant 0 : i32
    %dma_wait3A_126 = arith.constant 0 : i32
    %dma_wait3A_127 = tpu.memref_slice %arg6[%dma_wait3A_125, %dma_wait3A_126] : memref<128000x128xf32, #tpu.memory_space<hbm>> -> memref<80x128xf32, #tpu.memory_space<hbm>>
    %dma_wait3A_128 = arith.constant 0 : i32
    %dma_wait3A_129 = arith.constant 0 : i32
    %dma_wait3A_130 = tpu.memref_slice %arg6[%dma_wait3A_128, %dma_wait3A_129] : memref<128000x128xf32, #tpu.memory_space<hbm>> -> memref<80x128xf32, #tpu.memory_space<hbm>>
    %dma_wait3A_131 = arith.constant 0 : i32
    %dma_wait3A_132 = arith.constant 0 : i32
    %dma_wait3A_133 = tpu.memref_slice %arg11[%dma_wait3A_120, %dma_wait3A_131, %dma_wait3A_132] : memref<2x80x128xf32, #tpu.memory_space<vmem>> -> memref<1x80x128xf32, #tpu.memory_space<vmem>>
    %dma_wait3A_134 = tpu.memref_squeeze %dma_wait3A_133 : memref<1x80x128xf32, #tpu.memory_space<vmem>> -> memref<80x128xf32, #tpu.memory_space<vmem>>
    tpu.wait_dma2 semaphore(%arg21 : memref<!tpu.dma_semaphore, #tpu.memory_space<semaphore_mem>>) src(%dma_wait3A_134 : memref<80x128xf32, #tpu.memory_space<vmem>>) dst(%dma_wait3A_130 : memref<80x128xf32, #tpu.memory_space<hbm>>)
    %dma_wait3A_135 = arith.constant 1 : i32
    %dma_wait3A_136 = arith.constant 0 : i32
    %dma_wait3A_137 = arith.constant 0 : i32
    %dma_wait3A_138 = tpu.memref_slice %arg12[%dma_wait3A_135, %dma_wait3A_136, %dma_wait3A_137] : memref<2x80x128xf32, #tpu.memory_space<vmem>> -> memref<1x80x128xf32, #tpu.memory_space<vmem>>
    %dma_wait3A_139 = tpu.memref_squeeze %dma_wait3A_138 : memref<1x80x128xf32, #tpu.memory_space<vmem>> -> memref<80x128xf32, #tpu.memory_space<vmem>>
    %dma_wait3A_140 = arith.constant 0 : i32
    %dma_wait3A_141 = arith.constant 0 : i32
    %dma_wait3A_142 = tpu.memref_slice %arg7[%dma_wait3A_140, %dma_wait3A_141] : memref<128000x128xf32, #tpu.memory_space<hbm>> -> memref<80x128xf32, #tpu.memory_space<hbm>>
    %dma_wait3A_143 = arith.constant 0 : i32
    %dma_wait3A_144 = arith.constant 0 : i32
    %dma_wait3A_145 = tpu.memref_slice %arg7[%dma_wait3A_143, %dma_wait3A_144] : memref<128000x128xf32, #tpu.memory_space<hbm>> -> memref<80x128xf32, #tpu.memory_space<hbm>>
    %dma_wait3A_146 = arith.constant 0 : i32
    %dma_wait3A_147 = arith.constant 0 : i32
    %dma_wait3A_148 = tpu.memref_slice %arg12[%dma_wait3A_135, %dma_wait3A_146, %dma_wait3A_147] : memref<2x80x128xf32, #tpu.memory_space<vmem>> -> memref<1x80x128xf32, #tpu.memory_space<vmem>>
    %dma_wait3A_149 = tpu.memref_squeeze %dma_wait3A_148 : memref<1x80x128xf32, #tpu.memory_space<vmem>> -> memref<80x128xf32, #tpu.memory_space<vmem>>
    tpu.wait_dma2 semaphore(%arg21 : memref<!tpu.dma_semaphore, #tpu.memory_space<semaphore_mem>>) src(%dma_wait3A_149 : memref<80x128xf32, #tpu.memory_space<vmem>>) dst(%dma_wait3A_145 : memref<80x128xf32, #tpu.memory_space<hbm>>)
    %dma_wait3A_150 = arith.constant 1 : i32
    %dma_wait3A_151 = arith.constant 0 : i32
    %dma_wait3A_152 = arith.constant 0 : i32
    %dma_wait3A_153 = tpu.memref_slice %arg15[%dma_wait3A_150, %dma_wait3A_151, %dma_wait3A_152] : memref<2x80x128xf32, #tpu.memory_space<vmem>> -> memref<1x80x128xf32, #tpu.memory_space<vmem>>
    %dma_wait3A_154 = tpu.memref_squeeze %dma_wait3A_153 : memref<1x80x128xf32, #tpu.memory_space<vmem>> -> memref<80x128xf32, #tpu.memory_space<vmem>>
    %dma_wait3A_155 = arith.constant 0 : i32
    %dma_wait3A_156 = arith.constant 0 : i32
    %dma_wait3A_157 = tpu.memref_slice %arg8[%dma_wait3A_155, %dma_wait3A_156] : memref<128000x128xf32, #tpu.memory_space<hbm>> -> memref<80x128xf32, #tpu.memory_space<hbm>>
    %dma_wait3A_158 = arith.constant 0 : i32
    %dma_wait3A_159 = arith.constant 0 : i32
    %dma_wait3A_160 = tpu.memref_slice %arg8[%dma_wait3A_158, %dma_wait3A_159] : memref<128000x128xf32, #tpu.memory_space<hbm>> -> memref<80x128xf32, #tpu.memory_space<hbm>>
    %dma_wait3A_161 = arith.constant 0 : i32
    %dma_wait3A_162 = arith.constant 0 : i32
    %dma_wait3A_163 = tpu.memref_slice %arg15[%dma_wait3A_150, %dma_wait3A_161, %dma_wait3A_162] : memref<2x80x128xf32, #tpu.memory_space<vmem>> -> memref<1x80x128xf32, #tpu.memory_space<vmem>>
    %dma_wait3A_164 = tpu.memref_squeeze %dma_wait3A_163 : memref<1x80x128xf32, #tpu.memory_space<vmem>> -> memref<80x128xf32, #tpu.memory_space<vmem>>
    tpu.wait_dma2 semaphore(%arg21 : memref<!tpu.dma_semaphore, #tpu.memory_space<semaphore_mem>>) src(%dma_wait3A_164 : memref<80x128xf32, #tpu.memory_space<vmem>>) dst(%dma_wait3A_160 : memref<80x128xf32, #tpu.memory_space<hbm>>)
    return
  }
}

#map = affine_map<(d0, d1) -> (0, 0)>
#map1 = affine_map<(d0, d1) -> (0)>
module attributes {stable_mosaic.version = 14 : i64} {
  func.func @_gather_body(%arg0: i32, %arg1: i32, %arg2: memref<10000x128xf32, #tpu.memory_space<hbm>>, %arg3: memref<10000x16xf32, #tpu.memory_space<hbm>>, %arg4: memref<320000xi32, #tpu.memory_space<hbm>>, %arg5: memref<320000xi32, #tpu.memory_space<hbm>>, %arg6: memref<192000x128xf32, #tpu.memory_space<hbm>>, %arg7: memref<192000x128xf32, #tpu.memory_space<hbm>>, %arg8: memref<192000x128xf32, #tpu.memory_space<hbm>>, %arg9: memref<2x80xi32, #tpu.memory_space<vmem>>, %arg10: memref<2x80xi32, #tpu.memory_space<vmem>>, %arg11: memref<2x80x128xf32, #tpu.memory_space<vmem>>, %arg12: memref<2x80x128xf32, #tpu.memory_space<vmem>>, %arg13: memref<2x80x16xf32, #tpu.memory_space<vmem>>, %arg14: memref<2x80x16xf32, #tpu.memory_space<vmem>>, %arg15: memref<2x80x128xf32, #tpu.memory_space<vmem>>, %arg16: memref<!tpu.dma_semaphore, #tpu.memory_space<semaphore_mem>>, %arg17: memref<!tpu.dma_semaphore, #tpu.memory_space<semaphore_mem>>, %arg18: memref<!tpu.dma_semaphore, #tpu.memory_space<semaphore_mem>>, %arg19: memref<!tpu.dma_semaphore, #tpu.memory_space<semaphore_mem>>, %arg20: memref<!tpu.dma_semaphore, #tpu.memory_space<semaphore_mem>>, %arg21: memref<!tpu.dma_semaphore, #tpu.memory_space<semaphore_mem>>) attributes {dimension_semantics = [#tpu.dimension_semantics<core_parallel>, #tpu.dimension_semantics<subcore_parallel>], iteration_bounds = array<i64: 2, 16>, scalar_prefetch = 0 : i64, scratch_operands = 13 : i64, tpu.core_type = #tpu.core_type<sc_vector_subcore>, window_params = [{transform_indices = #map}, {transform_indices = #map}, {transform_indices = #map1}, {transform_indices = #map1}, {transform_indices = #map}, {transform_indices = #map}, {transform_indices = #map}]} {
    %mul3A = arith.constant 2 : i32
    %mul3A_0 = arith.muli %arg1, %mul3A : i32
    %add3A = arith.addi %mul3A_0, %arg0 : i32
    %mul3A_1 = arith.constant 6000 : i32
    %mul3A_2 = arith.muli %add3A, %mul3A_1 : i32
    %add3A_3 = arith.constant 0 : i32
    %add3A_4 = arith.addi %add3A_3, %mul3A_2 : i32
    %add3A_5 = arith.constant 0 : i32
    %add3A_6 = arith.addi %add3A_4, %add3A_5 : i32
    %dma_start3A = arith.constant 0 : i32
    %dma_start3A_7 = arith.constant 0 : i32
    %dma_start3A_8 = tpu.memref_slice %arg9[%dma_start3A, %dma_start3A_7] : memref<2x80xi32, #tpu.memory_space<vmem>> -> memref<1x80xi32, #tpu.memory_space<vmem>>
    %dma_start3A_9 = tpu.memref_squeeze %dma_start3A_8 : memref<1x80xi32, #tpu.memory_space<vmem>> -> memref<80xi32, #tpu.memory_space<vmem>>
    %dma_start3A_10 = tpu.memref_slice %arg4[%add3A_6] : memref<320000xi32, #tpu.memory_space<hbm>> -> memref<80xi32, #tpu.memory_space<hbm>>
    %dma_start3A_11 = arith.constant 0 : i32
    %dma_start3A_12 = tpu.memref_slice %arg9[%dma_start3A, %dma_start3A_11] : memref<2x80xi32, #tpu.memory_space<vmem>> -> memref<1x80xi32, #tpu.memory_space<vmem>>
    %dma_start3A_13 = tpu.memref_squeeze %dma_start3A_12 : memref<1x80xi32, #tpu.memory_space<vmem>> -> memref<80xi32, #tpu.memory_space<vmem>>
    %dma_start3A_14 = tpu.memref_slice %arg4[%add3A_6] : memref<320000xi32, #tpu.memory_space<hbm>> -> memref<80xi32, #tpu.memory_space<hbm>>
    tpu.enqueue_dma source(%dma_start3A_14 : memref<80xi32, #tpu.memory_space<hbm>>) target(%dma_start3A_13 : memref<80xi32, #tpu.memory_space<vmem>>) target_semaphore(%arg16 : memref<!tpu.dma_semaphore, #tpu.memory_space<semaphore_mem>>)
    %dma_start3A_15 = arith.constant 0 : i32
    %dma_start3A_16 = arith.constant 0 : i32
    %dma_start3A_17 = tpu.memref_slice %arg10[%dma_start3A_15, %dma_start3A_16] : memref<2x80xi32, #tpu.memory_space<vmem>> -> memref<1x80xi32, #tpu.memory_space<vmem>>
    %dma_start3A_18 = tpu.memref_squeeze %dma_start3A_17 : memref<1x80xi32, #tpu.memory_space<vmem>> -> memref<80xi32, #tpu.memory_space<vmem>>
    %dma_start3A_19 = tpu.memref_slice %arg5[%add3A_6] : memref<320000xi32, #tpu.memory_space<hbm>> -> memref<80xi32, #tpu.memory_space<hbm>>
    %dma_start3A_20 = arith.constant 0 : i32
    %dma_start3A_21 = tpu.memref_slice %arg10[%dma_start3A_15, %dma_start3A_20] : memref<2x80xi32, #tpu.memory_space<vmem>> -> memref<1x80xi32, #tpu.memory_space<vmem>>
    %dma_start3A_22 = tpu.memref_squeeze %dma_start3A_21 : memref<1x80xi32, #tpu.memory_space<vmem>> -> memref<80xi32, #tpu.memory_space<vmem>>
    %dma_start3A_23 = tpu.memref_slice %arg5[%add3A_6] : memref<320000xi32, #tpu.memory_space<hbm>> -> memref<80xi32, #tpu.memory_space<hbm>>
    tpu.enqueue_dma source(%dma_start3A_23 : memref<80xi32, #tpu.memory_space<hbm>>) target(%dma_start3A_22 : memref<80xi32, #tpu.memory_space<vmem>>) target_semaphore(%arg16 : memref<!tpu.dma_semaphore, #tpu.memory_space<semaphore_mem>>)
    %add3A_24 = arith.constant 0 : i32
    %add3A_25 = arith.addi %add3A_24, %mul3A_2 : i32
    %add3A_26 = arith.constant 80 : i32
    %add3A_27 = arith.addi %add3A_25, %add3A_26 : i32
    %dma_start3A_28 = arith.constant 1 : i32
    %dma_start3A_29 = arith.constant 0 : i32
    %dma_start3A_30 = tpu.memref_slice %arg9[%dma_start3A_28, %dma_start3A_29] : memref<2x80xi32, #tpu.memory_space<vmem>> -> memref<1x80xi32, #tpu.memory_space<vmem>>
    %dma_start3A_31 = tpu.memref_squeeze %dma_start3A_30 : memref<1x80xi32, #tpu.memory_space<vmem>> -> memref<80xi32, #tpu.memory_space<vmem>>
    %dma_start3A_32 = tpu.memref_slice %arg4[%add3A_27] : memref<320000xi32, #tpu.memory_space<hbm>> -> memref<80xi32, #tpu.memory_space<hbm>>
    %dma_start3A_33 = arith.constant 0 : i32
    %dma_start3A_34 = tpu.memref_slice %arg9[%dma_start3A_28, %dma_start3A_33] : memref<2x80xi32, #tpu.memory_space<vmem>> -> memref<1x80xi32, #tpu.memory_space<vmem>>
    %dma_start3A_35 = tpu.memref_squeeze %dma_start3A_34 : memref<1x80xi32, #tpu.memory_space<vmem>> -> memref<80xi32, #tpu.memory_space<vmem>>
    %dma_start3A_36 = tpu.memref_slice %arg4[%add3A_27] : memref<320000xi32, #tpu.memory_space<hbm>> -> memref<80xi32, #tpu.memory_space<hbm>>
    tpu.enqueue_dma source(%dma_start3A_36 : memref<80xi32, #tpu.memory_space<hbm>>) target(%dma_start3A_35 : memref<80xi32, #tpu.memory_space<vmem>>) target_semaphore(%arg17 : memref<!tpu.dma_semaphore, #tpu.memory_space<semaphore_mem>>)
    %dma_start3A_37 = arith.constant 1 : i32
    %dma_start3A_38 = arith.constant 0 : i32
    %dma_start3A_39 = tpu.memref_slice %arg10[%dma_start3A_37, %dma_start3A_38] : memref<2x80xi32, #tpu.memory_space<vmem>> -> memref<1x80xi32, #tpu.memory_space<vmem>>
    %dma_start3A_40 = tpu.memref_squeeze %dma_start3A_39 : memref<1x80xi32, #tpu.memory_space<vmem>> -> memref<80xi32, #tpu.memory_space<vmem>>
    %dma_start3A_41 = tpu.memref_slice %arg5[%add3A_27] : memref<320000xi32, #tpu.memory_space<hbm>> -> memref<80xi32, #tpu.memory_space<hbm>>
    %dma_start3A_42 = arith.constant 0 : i32
    %dma_start3A_43 = tpu.memref_slice %arg10[%dma_start3A_37, %dma_start3A_42] : memref<2x80xi32, #tpu.memory_space<vmem>> -> memref<1x80xi32, #tpu.memory_space<vmem>>
    %dma_start3A_44 = tpu.memref_squeeze %dma_start3A_43 : memref<1x80xi32, #tpu.memory_space<vmem>> -> memref<80xi32, #tpu.memory_space<vmem>>
    %dma_start3A_45 = tpu.memref_slice %arg5[%add3A_27] : memref<320000xi32, #tpu.memory_space<hbm>> -> memref<80xi32, #tpu.memory_space<hbm>>
    tpu.enqueue_dma source(%dma_start3A_45 : memref<80xi32, #tpu.memory_space<hbm>>) target(%dma_start3A_44 : memref<80xi32, #tpu.memory_space<vmem>>) target_semaphore(%arg17 : memref<!tpu.dma_semaphore, #tpu.memory_space<semaphore_mem>>)
    %dma_wait3A = arith.constant 0 : i32
    %dma_wait3A_46 = arith.constant 0 : i32
    %dma_wait3A_47 = tpu.memref_slice %arg9[%dma_wait3A, %dma_wait3A_46] : memref<2x80xi32, #tpu.memory_space<vmem>> -> memref<1x80xi32, #tpu.memory_space<vmem>>
    %dma_wait3A_48 = tpu.memref_squeeze %dma_wait3A_47 : memref<1x80xi32, #tpu.memory_space<vmem>> -> memref<80xi32, #tpu.memory_space<vmem>>
    %dma_wait3A_49 = arith.constant 0 : i32
    %dma_wait3A_50 = tpu.memref_slice %arg4[%dma_wait3A_49] : memref<320000xi32, #tpu.memory_space<hbm>> -> memref<80xi32, #tpu.memory_space<hbm>>
    %dma_wait3A_51 = arith.constant 0 : i32
    %dma_wait3A_52 = tpu.memref_slice %arg9[%dma_wait3A, %dma_wait3A_51] : memref<2x80xi32, #tpu.memory_space<vmem>> -> memref<1x80xi32, #tpu.memory_space<vmem>>
    %dma_wait3A_53 = tpu.memref_squeeze %dma_wait3A_52 : memref<1x80xi32, #tpu.memory_space<vmem>> -> memref<80xi32, #tpu.memory_space<vmem>>
    %dma_wait3A_54 = arith.constant 0 : i32
    %dma_wait3A_55 = tpu.memref_slice %arg4[%dma_wait3A_54] : memref<320000xi32, #tpu.memory_space<hbm>> -> memref<80xi32, #tpu.memory_space<hbm>>
    tpu.wait_dma2 semaphore(%arg16 : memref<!tpu.dma_semaphore, #tpu.memory_space<semaphore_mem>>) src(%dma_wait3A_55 : memref<80xi32, #tpu.memory_space<hbm>>) dst(%dma_wait3A_53 : memref<80xi32, #tpu.memory_space<vmem>>)
    %dma_wait3A_56 = arith.constant 0 : i32
    %dma_wait3A_57 = arith.constant 0 : i32
    %dma_wait3A_58 = tpu.memref_slice %arg10[%dma_wait3A_56, %dma_wait3A_57] : memref<2x80xi32, #tpu.memory_space<vmem>> -> memref<1x80xi32, #tpu.memory_space<vmem>>
    %dma_wait3A_59 = tpu.memref_squeeze %dma_wait3A_58 : memref<1x80xi32, #tpu.memory_space<vmem>> -> memref<80xi32, #tpu.memory_space<vmem>>
    %dma_wait3A_60 = arith.constant 0 : i32
    %dma_wait3A_61 = tpu.memref_slice %arg5[%dma_wait3A_60] : memref<320000xi32, #tpu.memory_space<hbm>> -> memref<80xi32, #tpu.memory_space<hbm>>
    %dma_wait3A_62 = arith.constant 0 : i32
    %dma_wait3A_63 = tpu.memref_slice %arg10[%dma_wait3A_56, %dma_wait3A_62] : memref<2x80xi32, #tpu.memory_space<vmem>> -> memref<1x80xi32, #tpu.memory_space<vmem>>
    %dma_wait3A_64 = tpu.memref_squeeze %dma_wait3A_63 : memref<1x80xi32, #tpu.memory_space<vmem>> -> memref<80xi32, #tpu.memory_space<vmem>>
    %dma_wait3A_65 = arith.constant 0 : i32
    %dma_wait3A_66 = tpu.memref_slice %arg5[%dma_wait3A_65] : memref<320000xi32, #tpu.memory_space<hbm>> -> memref<80xi32, #tpu.memory_space<hbm>>
    tpu.wait_dma2 semaphore(%arg16 : memref<!tpu.dma_semaphore, #tpu.memory_space<semaphore_mem>>) src(%dma_wait3A_66 : memref<80xi32, #tpu.memory_space<hbm>>) dst(%dma_wait3A_64 : memref<80xi32, #tpu.memory_space<vmem>>)
    %dma_start3A_67 = arith.constant 0 : i32
    %dma_start3A_68 = arith.constant 0 : i32
    %dma_start3A_69 = arith.constant 0 : i32
    %dma_start3A_70 = arith.constant 0 : i32
    %dma_start3A_71 = tpu.memref_slice %arg11[%dma_start3A_68, %dma_start3A_69, %dma_start3A_70] : memref<2x80x128xf32, #tpu.memory_space<vmem>> -> memref<1x80x128xf32, #tpu.memory_space<vmem>>
    %dma_start3A_72 = tpu.memref_squeeze %dma_start3A_71 : memref<1x80x128xf32, #tpu.memory_space<vmem>> -> memref<80x128xf32, #tpu.memory_space<vmem>>
    %dma_start3A_73 = arith.constant 0 : i32
    %dma_start3A_74 = tpu.memref_slice %arg9[%dma_start3A_67, %dma_start3A_73] : memref<2x80xi32, #tpu.memory_space<vmem>> -> memref<1x80xi32, #tpu.memory_space<vmem>>
    %dma_start3A_75 = tpu.memref_squeeze %dma_start3A_74 : memref<1x80xi32, #tpu.memory_space<vmem>> -> memref<80xi32, #tpu.memory_space<vmem>>
    %dma_start3A_76 = arith.constant 0 : i32
    %dma_start3A_77 = arith.constant 0 : i32
    %dma_start3A_78 = tpu.memref_slice %arg2[%dma_start3A_76, %dma_start3A_77] : memref<10000x128xf32, #tpu.memory_space<hbm>> -> memref<10000x128xf32, #tpu.memory_space<hbm>>
    tpu.enqueue_indirect_dma source(%dma_start3A_78 : memref<10000x128xf32, #tpu.memory_space<hbm>>) target(%dma_start3A_72 : memref<80x128xf32, #tpu.memory_space<vmem>>) offsets(%dma_start3A_75 : memref<80xi32, #tpu.memory_space<vmem>>) semaphore(%arg18 : memref<!tpu.dma_semaphore, #tpu.memory_space<semaphore_mem>>)
    %dma_start3A_79 = arith.constant 0 : i32
    %dma_start3A_80 = arith.constant 0 : i32
    %dma_start3A_81 = arith.constant 0 : i32
    %dma_start3A_82 = arith.constant 0 : i32
    %dma_start3A_83 = tpu.memref_slice %arg12[%dma_start3A_80, %dma_start3A_81, %dma_start3A_82] : memref<2x80x128xf32, #tpu.memory_space<vmem>> -> memref<1x80x128xf32, #tpu.memory_space<vmem>>
    %dma_start3A_84 = tpu.memref_squeeze %dma_start3A_83 : memref<1x80x128xf32, #tpu.memory_space<vmem>> -> memref<80x128xf32, #tpu.memory_space<vmem>>
    %dma_start3A_85 = arith.constant 0 : i32
    %dma_start3A_86 = tpu.memref_slice %arg10[%dma_start3A_79, %dma_start3A_85] : memref<2x80xi32, #tpu.memory_space<vmem>> -> memref<1x80xi32, #tpu.memory_space<vmem>>
    %dma_start3A_87 = tpu.memref_squeeze %dma_start3A_86 : memref<1x80xi32, #tpu.memory_space<vmem>> -> memref<80xi32, #tpu.memory_space<vmem>>
    %dma_start3A_88 = arith.constant 0 : i32
    %dma_start3A_89 = arith.constant 0 : i32
    %dma_start3A_90 = tpu.memref_slice %arg2[%dma_start3A_88, %dma_start3A_89] : memref<10000x128xf32, #tpu.memory_space<hbm>> -> memref<10000x128xf32, #tpu.memory_space<hbm>>
    tpu.enqueue_indirect_dma source(%dma_start3A_90 : memref<10000x128xf32, #tpu.memory_space<hbm>>) target(%dma_start3A_84 : memref<80x128xf32, #tpu.memory_space<vmem>>) offsets(%dma_start3A_87 : memref<80xi32, #tpu.memory_space<vmem>>) semaphore(%arg18 : memref<!tpu.dma_semaphore, #tpu.memory_space<semaphore_mem>>)
    %dma_start3A_91 = arith.constant 0 : i32
    %dma_start3A_92 = arith.constant 0 : i32
    %dma_start3A_93 = arith.constant 0 : i32
    %dma_start3A_94 = arith.constant 0 : i32
    %dma_start3A_95 = tpu.memref_slice %arg13[%dma_start3A_92, %dma_start3A_93, %dma_start3A_94] : memref<2x80x16xf32, #tpu.memory_space<vmem>> -> memref<1x80x16xf32, #tpu.memory_space<vmem>>
    %dma_start3A_96 = tpu.memref_squeeze %dma_start3A_95 : memref<1x80x16xf32, #tpu.memory_space<vmem>> -> memref<80x16xf32, #tpu.memory_space<vmem>>
    %dma_start3A_97 = arith.constant 0 : i32
    %dma_start3A_98 = tpu.memref_slice %arg9[%dma_start3A_91, %dma_start3A_97] : memref<2x80xi32, #tpu.memory_space<vmem>> -> memref<1x80xi32, #tpu.memory_space<vmem>>
    %dma_start3A_99 = tpu.memref_squeeze %dma_start3A_98 : memref<1x80xi32, #tpu.memory_space<vmem>> -> memref<80xi32, #tpu.memory_space<vmem>>
    %dma_start3A_100 = arith.constant 0 : i32
    %dma_start3A_101 = arith.constant 0 : i32
    %dma_start3A_102 = tpu.memref_slice %arg3[%dma_start3A_100, %dma_start3A_101] : memref<10000x16xf32, #tpu.memory_space<hbm>> -> memref<10000x16xf32, #tpu.memory_space<hbm>>
    tpu.enqueue_indirect_dma source(%dma_start3A_102 : memref<10000x16xf32, #tpu.memory_space<hbm>>) target(%dma_start3A_96 : memref<80x16xf32, #tpu.memory_space<vmem>>) offsets(%dma_start3A_99 : memref<80xi32, #tpu.memory_space<vmem>>) semaphore(%arg18 : memref<!tpu.dma_semaphore, #tpu.memory_space<semaphore_mem>>)
    %dma_start3A_103 = arith.constant 0 : i32
    %dma_start3A_104 = arith.constant 0 : i32
    %dma_start3A_105 = arith.constant 0 : i32
    %dma_start3A_106 = arith.constant 0 : i32
    %dma_start3A_107 = tpu.memref_slice %arg14[%dma_start3A_104, %dma_start3A_105, %dma_start3A_106] : memref<2x80x16xf32, #tpu.memory_space<vmem>> -> memref<1x80x16xf32, #tpu.memory_space<vmem>>
    %dma_start3A_108 = tpu.memref_squeeze %dma_start3A_107 : memref<1x80x16xf32, #tpu.memory_space<vmem>> -> memref<80x16xf32, #tpu.memory_space<vmem>>
    %dma_start3A_109 = arith.constant 0 : i32
    %dma_start3A_110 = tpu.memref_slice %arg10[%dma_start3A_103, %dma_start3A_109] : memref<2x80xi32, #tpu.memory_space<vmem>> -> memref<1x80xi32, #tpu.memory_space<vmem>>
    %dma_start3A_111 = tpu.memref_squeeze %dma_start3A_110 : memref<1x80xi32, #tpu.memory_space<vmem>> -> memref<80xi32, #tpu.memory_space<vmem>>
    %dma_start3A_112 = arith.constant 0 : i32
    %dma_start3A_113 = arith.constant 0 : i32
    %dma_start3A_114 = tpu.memref_slice %arg3[%dma_start3A_112, %dma_start3A_113] : memref<10000x16xf32, #tpu.memory_space<hbm>> -> memref<10000x16xf32, #tpu.memory_space<hbm>>
    tpu.enqueue_indirect_dma source(%dma_start3A_114 : memref<10000x16xf32, #tpu.memory_space<hbm>>) target(%dma_start3A_108 : memref<80x16xf32, #tpu.memory_space<vmem>>) offsets(%dma_start3A_111 : memref<80xi32, #tpu.memory_space<vmem>>) semaphore(%arg18 : memref<!tpu.dma_semaphore, #tpu.memory_space<semaphore_mem>>)
    %scan3A = arith.constant 0 : i32
    %scan3A_115 = arith.constant 0 : i32
    %scan3A_116 = arith.constant 75 : i32
    %scan3A_117 = arith.addi %scan3A_115, %scan3A_116 : i32
    %scan3A_118 = arith.constant 1 : i32
    scf.for %scan3A_165 = %scan3A_115 to %scan3A_117 step %scan3A_118  : i32 {
      %rem3A = arith.constant 2 : i32
      %rem3A_166 = arith.remsi %scan3A_165, %rem3A : i32
      %eq3A = arith.constant 0 : i32
      %eq3A_167 = arith.cmpi eq, %rem3A_166, %eq3A : i32
      %convert_element_type3A = arith.extui %eq3A_167 : i1 to i32
      %cond3A = arith.constant 0 : i32
      %cond3A_168 = arith.cmpi ne, %convert_element_type3A, %cond3A : i32
      scf.if %cond3A_168 {
        %dma_wait3A_176 = arith.constant 0 : i32
        %dma_wait3A_177 = arith.constant 0 : i32
        %dma_wait3A_178 = arith.constant 0 : i32
        %dma_wait3A_179 = arith.constant 0 : i32
        %dma_wait3A_180 = tpu.memref_slice %arg11[%dma_wait3A_177, %dma_wait3A_178, %dma_wait3A_179] : memref<2x80x128xf32, #tpu.memory_space<vmem>> -> memref<1x80x128xf32, #tpu.memory_space<vmem>>
        %dma_wait3A_181 = tpu.memref_squeeze %dma_wait3A_180 : memref<1x80x128xf32, #tpu.memory_space<vmem>> -> memref<80x128xf32, #tpu.memory_space<vmem>>
        %dma_wait3A_182 = arith.constant 0 : i32
        %dma_wait3A_183 = tpu.memref_slice %arg9[%dma_wait3A_176, %dma_wait3A_182] : memref<2x80xi32, #tpu.memory_space<vmem>> -> memref<1x80xi32, #tpu.memory_space<vmem>>
        %dma_wait3A_184 = tpu.memref_squeeze %dma_wait3A_183 : memref<1x80xi32, #tpu.memory_space<vmem>> -> memref<80xi32, #tpu.memory_space<vmem>>
        %dma_wait3A_185 = arith.constant 0 : i32
        %dma_wait3A_186 = arith.constant 0 : i32
        %dma_wait3A_187 = tpu.memref_slice %arg2[%dma_wait3A_185, %dma_wait3A_186] : memref<10000x128xf32, #tpu.memory_space<hbm>> -> memref<10000x128xf32, #tpu.memory_space<hbm>>
        tpu.wait_indirect_dma semaphore(%arg18 : memref<!tpu.dma_semaphore, #tpu.memory_space<semaphore_mem>>) src(%dma_wait3A_187 : memref<10000x128xf32, #tpu.memory_space<hbm>>) dst(%dma_wait3A_181 : memref<80x128xf32, #tpu.memory_space<vmem>>)
        %dma_wait3A_188 = arith.constant 0 : i32
        %dma_wait3A_189 = arith.constant 0 : i32
        %dma_wait3A_190 = arith.constant 0 : i32
        %dma_wait3A_191 = arith.constant 0 : i32
        %dma_wait3A_192 = tpu.memref_slice %arg12[%dma_wait3A_189, %dma_wait3A_190, %dma_wait3A_191] : memref<2x80x128xf32, #tpu.memory_space<vmem>> -> memref<1x80x128xf32, #tpu.memory_space<vmem>>
        %dma_wait3A_193 = tpu.memref_squeeze %dma_wait3A_192 : memref<1x80x128xf32, #tpu.memory_space<vmem>> -> memref<80x128xf32, #tpu.memory_space<vmem>>
        %dma_wait3A_194 = arith.constant 0 : i32
        %dma_wait3A_195 = tpu.memref_slice %arg10[%dma_wait3A_188, %dma_wait3A_194] : memref<2x80xi32, #tpu.memory_space<vmem>> -> memref<1x80xi32, #tpu.memory_space<vmem>>
        %dma_wait3A_196 = tpu.memref_squeeze %dma_wait3A_195 : memref<1x80xi32, #tpu.memory_space<vmem>> -> memref<80xi32, #tpu.memory_space<vmem>>
        %dma_wait3A_197 = arith.constant 0 : i32
        %dma_wait3A_198 = arith.constant 0 : i32
        %dma_wait3A_199 = tpu.memref_slice %arg2[%dma_wait3A_197, %dma_wait3A_198] : memref<10000x128xf32, #tpu.memory_space<hbm>> -> memref<10000x128xf32, #tpu.memory_space<hbm>>
        tpu.wait_indirect_dma semaphore(%arg18 : memref<!tpu.dma_semaphore, #tpu.memory_space<semaphore_mem>>) src(%dma_wait3A_199 : memref<10000x128xf32, #tpu.memory_space<hbm>>) dst(%dma_wait3A_193 : memref<80x128xf32, #tpu.memory_space<vmem>>)
        %dma_wait3A_200 = arith.constant 0 : i32
        %dma_wait3A_201 = arith.constant 0 : i32
        %dma_wait3A_202 = arith.constant 0 : i32
        %dma_wait3A_203 = arith.constant 0 : i32
        %dma_wait3A_204 = tpu.memref_slice %arg13[%dma_wait3A_201, %dma_wait3A_202, %dma_wait3A_203] : memref<2x80x16xf32, #tpu.memory_space<vmem>> -> memref<1x80x16xf32, #tpu.memory_space<vmem>>
        %dma_wait3A_205 = tpu.memref_squeeze %dma_wait3A_204 : memref<1x80x16xf32, #tpu.memory_space<vmem>> -> memref<80x16xf32, #tpu.memory_space<vmem>>
        %dma_wait3A_206 = arith.constant 0 : i32
        %dma_wait3A_207 = tpu.memref_slice %arg9[%dma_wait3A_200, %dma_wait3A_206] : memref<2x80xi32, #tpu.memory_space<vmem>> -> memref<1x80xi32, #tpu.memory_space<vmem>>
        %dma_wait3A_208 = tpu.memref_squeeze %dma_wait3A_207 : memref<1x80xi32, #tpu.memory_space<vmem>> -> memref<80xi32, #tpu.memory_space<vmem>>
        %dma_wait3A_209 = arith.constant 0 : i32
        %dma_wait3A_210 = arith.constant 0 : i32
        %dma_wait3A_211 = tpu.memref_slice %arg3[%dma_wait3A_209, %dma_wait3A_210] : memref<10000x16xf32, #tpu.memory_space<hbm>> -> memref<10000x16xf32, #tpu.memory_space<hbm>>
        tpu.wait_indirect_dma semaphore(%arg18 : memref<!tpu.dma_semaphore, #tpu.memory_space<semaphore_mem>>) src(%dma_wait3A_211 : memref<10000x16xf32, #tpu.memory_space<hbm>>) dst(%dma_wait3A_205 : memref<80x16xf32, #tpu.memory_space<vmem>>)
        %dma_wait3A_212 = arith.constant 0 : i32
        %dma_wait3A_213 = arith.constant 0 : i32
        %dma_wait3A_214 = arith.constant 0 : i32
        %dma_wait3A_215 = arith.constant 0 : i32
        %dma_wait3A_216 = tpu.memref_slice %arg14[%dma_wait3A_213, %dma_wait3A_214, %dma_wait3A_215] : memref<2x80x16xf32, #tpu.memory_space<vmem>> -> memref<1x80x16xf32, #tpu.memory_space<vmem>>
        %dma_wait3A_217 = tpu.memref_squeeze %dma_wait3A_216 : memref<1x80x16xf32, #tpu.memory_space<vmem>> -> memref<80x16xf32, #tpu.memory_space<vmem>>
        %dma_wait3A_218 = arith.constant 0 : i32
        %dma_wait3A_219 = tpu.memref_slice %arg10[%dma_wait3A_212, %dma_wait3A_218] : memref<2x80xi32, #tpu.memory_space<vmem>> -> memref<1x80xi32, #tpu.memory_space<vmem>>
        %dma_wait3A_220 = tpu.memref_squeeze %dma_wait3A_219 : memref<1x80xi32, #tpu.memory_space<vmem>> -> memref<80xi32, #tpu.memory_space<vmem>>
        %dma_wait3A_221 = arith.constant 0 : i32
        %dma_wait3A_222 = arith.constant 0 : i32
        %dma_wait3A_223 = tpu.memref_slice %arg3[%dma_wait3A_221, %dma_wait3A_222] : memref<10000x16xf32, #tpu.memory_space<hbm>> -> memref<10000x16xf32, #tpu.memory_space<hbm>>
        tpu.wait_indirect_dma semaphore(%arg18 : memref<!tpu.dma_semaphore, #tpu.memory_space<semaphore_mem>>) src(%dma_wait3A_223 : memref<10000x16xf32, #tpu.memory_space<hbm>>) dst(%dma_wait3A_217 : memref<80x16xf32, #tpu.memory_space<vmem>>)
        %scan3A_224 = arith.constant 0 : i32
        %scan3A_225 = arith.constant 0 : i32
        %scan3A_226 = arith.constant 80 : i32
        %scan3A_227 = arith.addi %scan3A_225, %scan3A_226 : i32
        %scan3A_228 = arith.constant 1 : i32
        scf.for %scan3A_289 = %scan3A_225 to %scan3A_227 step %scan3A_228  : i32 {
          %get3A = arith.constant 0 : i32
          %get3A_290 = arith.index_cast %get3A : i32 to index
          %get3A_291 = arith.index_cast %scan3A_289 : i32 to index
          %get3A_292 = arith.constant 0 : index
          %get3A_293 = tpu.vector_load %arg13[%get3A_290, %get3A_291, %get3A_292] {strides = array<i32>} : memref<2x80x16xf32, #tpu.memory_space<vmem>>, vector<1x1x16xf32>,
          %get3A_294 = vector.shape_cast %get3A_293 : vector<1x1x16xf32> to vector<16xf32>
          %swap3A = arith.constant 0 : i32
          %swap3A_295 = arith.index_cast %swap3A : i32 to index
          %swap3A_296 = arith.index_cast %scan3A_289 : i32 to index
          %swap3A_297 = arith.constant 0 : index
          %swap3A_298 = tpu.vector_load %arg15[%swap3A_295, %swap3A_296, %swap3A_297] {strides = array<i32>} : memref<2x80x128xf32, #tpu.memory_space<vmem>>, vector<1x1x16xf32>,
          %swap3A_299 = vector.shape_cast %swap3A_298 : vector<1x1x16xf32> to vector<16xf32>
          %swap3A_300 = vector.shape_cast %get3A_294 : vector<16xf32> to vector<1x1x16xf32>
          tpu.vector_store %arg15[%swap3A_295, %swap3A_296, %swap3A_297], %swap3A_300 {strides = array<i32>} : memref<2x80x128xf32, #tpu.memory_space<vmem>>, vector<1x1x16xf32>,
          %get3A_301 = arith.constant 0 : i32
          %get3A_302 = arith.index_cast %get3A_301 : i32 to index
          %get3A_303 = arith.index_cast %scan3A_289 : i32 to index
          %get3A_304 = arith.constant 0 : index
          %get3A_305 = tpu.vector_load %arg14[%get3A_302, %get3A_303, %get3A_304] {strides = array<i32>} : memref<2x80x16xf32, #tpu.memory_space<vmem>>, vector<1x1x16xf32>,
          %get3A_306 = vector.shape_cast %get3A_305 : vector<1x1x16xf32> to vector<16xf32>
          %swap3A_307 = arith.constant 0 : i32
          %swap3A_308 = arith.index_cast %swap3A_307 : i32 to index
          %swap3A_309 = arith.index_cast %scan3A_289 : i32 to index
          %swap3A_310 = arith.constant 16 : index
          %swap3A_311 = tpu.vector_load %arg15[%swap3A_308, %swap3A_309, %swap3A_310] {strides = array<i32>} : memref<2x80x128xf32, #tpu.memory_space<vmem>>, vector<1x1x16xf32>,
          %swap3A_312 = vector.shape_cast %swap3A_311 : vector<1x1x16xf32> to vector<16xf32>
          %swap3A_313 = vector.shape_cast %get3A_306 : vector<16xf32> to vector<1x1x16xf32>
          tpu.vector_store %arg15[%swap3A_308, %swap3A_309, %swap3A_310], %swap3A_313 {strides = array<i32>} : memref<2x80x128xf32, #tpu.memory_space<vmem>>, vector<1x1x16xf32>,
        }
        %scan3A_229 = arith.constant 80 : i32
        %ge3A = arith.constant 1 : i32
        %ge3A_230 = arith.cmpi sge, %scan3A_165, %ge3A : i32
        %convert_element_type3A_231 = arith.extui %ge3A_230 : i1 to i32
        %cond3A_232 = arith.constant 0 : i32
        %cond3A_233 = arith.cmpi ne, %convert_element_type3A_231, %cond3A_232 : i32
        scf.if %cond3A_233 {
          %dma_wait3A_289 = arith.constant 1 : i32
          %dma_wait3A_290 = arith.constant 0 : i32
          %dma_wait3A_291 = arith.constant 0 : i32
          %dma_wait3A_292 = tpu.memref_slice %arg11[%dma_wait3A_289, %dma_wait3A_290, %dma_wait3A_291] : memref<2x80x128xf32, #tpu.memory_space<vmem>> -> memref<1x80x128xf32, #tpu.memory_space<vmem>>
          %dma_wait3A_293 = tpu.memref_squeeze %dma_wait3A_292 : memref<1x80x128xf32, #tpu.memory_space<vmem>> -> memref<80x128xf32, #tpu.memory_space<vmem>>
          %dma_wait3A_294 = arith.constant 0 : i32
          %dma_wait3A_295 = arith.constant 0 : i32
          %dma_wait3A_296 = tpu.memref_slice %arg6[%dma_wait3A_294, %dma_wait3A_295] : memref<192000x128xf32, #tpu.memory_space<hbm>> -> memref<80x128xf32, #tpu.memory_space<hbm>>
          %dma_wait3A_297 = arith.constant 0 : i32
          %dma_wait3A_298 = arith.constant 0 : i32
          %dma_wait3A_299 = tpu.memref_slice %arg6[%dma_wait3A_297, %dma_wait3A_298] : memref<192000x128xf32, #tpu.memory_space<hbm>> -> memref<80x128xf32, #tpu.memory_space<hbm>>
          %dma_wait3A_300 = arith.constant 0 : i32
          %dma_wait3A_301 = arith.constant 0 : i32
          %dma_wait3A_302 = tpu.memref_slice %arg11[%dma_wait3A_289, %dma_wait3A_300, %dma_wait3A_301] : memref<2x80x128xf32, #tpu.memory_space<vmem>> -> memref<1x80x128xf32, #tpu.memory_space<vmem>>
          %dma_wait3A_303 = tpu.memref_squeeze %dma_wait3A_302 : memref<1x80x128xf32, #tpu.memory_space<vmem>> -> memref<80x128xf32, #tpu.memory_space<vmem>>
          tpu.wait_dma2 semaphore(%arg21 : memref<!tpu.dma_semaphore, #tpu.memory_space<semaphore_mem>>) src(%dma_wait3A_303 : memref<80x128xf32, #tpu.memory_space<vmem>>) dst(%dma_wait3A_299 : memref<80x128xf32, #tpu.memory_space<hbm>>)
          %dma_wait3A_304 = arith.constant 1 : i32
          %dma_wait3A_305 = arith.constant 0 : i32
          %dma_wait3A_306 = arith.constant 0 : i32
          %dma_wait3A_307 = tpu.memref_slice %arg12[%dma_wait3A_304, %dma_wait3A_305, %dma_wait3A_306] : memref<2x80x128xf32, #tpu.memory_space<vmem>> -> memref<1x80x128xf32, #tpu.memory_space<vmem>>
          %dma_wait3A_308 = tpu.memref_squeeze %dma_wait3A_307 : memref<1x80x128xf32, #tpu.memory_space<vmem>> -> memref<80x128xf32, #tpu.memory_space<vmem>>
          %dma_wait3A_309 = arith.constant 0 : i32
          %dma_wait3A_310 = arith.constant 0 : i32
          %dma_wait3A_311 = tpu.memref_slice %arg7[%dma_wait3A_309, %dma_wait3A_310] : memref<192000x128xf32, #tpu.memory_space<hbm>> -> memref<80x128xf32, #tpu.memory_space<hbm>>
          %dma_wait3A_312 = arith.constant 0 : i32
          %dma_wait3A_313 = arith.constant 0 : i32
          %dma_wait3A_314 = tpu.memref_slice %arg7[%dma_wait3A_312, %dma_wait3A_313] : memref<192000x128xf32, #tpu.memory_space<hbm>> -> memref<80x128xf32, #tpu.memory_space<hbm>>
          %dma_wait3A_315 = arith.constant 0 : i32
          %dma_wait3A_316 = arith.constant 0 : i32
          %dma_wait3A_317 = tpu.memref_slice %arg12[%dma_wait3A_304, %dma_wait3A_315, %dma_wait3A_316] : memref<2x80x128xf32, #tpu.memory_space<vmem>> -> memref<1x80x128xf32, #tpu.memory_space<vmem>>
          %dma_wait3A_318 = tpu.memref_squeeze %dma_wait3A_317 : memref<1x80x128xf32, #tpu.memory_space<vmem>> -> memref<80x128xf32, #tpu.memory_space<vmem>>
          tpu.wait_dma2 semaphore(%arg21 : memref<!tpu.dma_semaphore, #tpu.memory_space<semaphore_mem>>) src(%dma_wait3A_318 : memref<80x128xf32, #tpu.memory_space<vmem>>) dst(%dma_wait3A_314 : memref<80x128xf32, #tpu.memory_space<hbm>>)
          %dma_wait3A_319 = arith.constant 1 : i32
          %dma_wait3A_320 = arith.constant 0 : i32
          %dma_wait3A_321 = arith.constant 0 : i32
          %dma_wait3A_322 = tpu.memref_slice %arg15[%dma_wait3A_319, %dma_wait3A_320, %dma_wait3A_321] : memref<2x80x128xf32, #tpu.memory_space<vmem>> -> memref<1x80x128xf32, #tpu.memory_space<vmem>>
          %dma_wait3A_323 = tpu.memref_squeeze %dma_wait3A_322 : memref<1x80x128xf32, #tpu.memory_space<vmem>> -> memref<80x128xf32, #tpu.memory_space<vmem>>
          %dma_wait3A_324 = arith.constant 0 : i32
          %dma_wait3A_325 = arith.constant 0 : i32
          %dma_wait3A_326 = tpu.memref_slice %arg8[%dma_wait3A_324, %dma_wait3A_325] : memref<192000x128xf32, #tpu.memory_space<hbm>> -> memref<80x128xf32, #tpu.memory_space<hbm>>
          %dma_wait3A_327 = arith.constant 0 : i32
          %dma_wait3A_328 = arith.constant 0 : i32
          %dma_wait3A_329 = tpu.memref_slice %arg8[%dma_wait3A_327, %dma_wait3A_328] : memref<192000x128xf32, #tpu.memory_space<hbm>> -> memref<80x128xf32, #tpu.memory_space<hbm>>
          %dma_wait3A_330 = arith.constant 0 : i32
          %dma_wait3A_331 = arith.constant 0 : i32
          %dma_wait3A_332 = tpu.memref_slice %arg15[%dma_wait3A_319, %dma_wait3A_330, %dma_wait3A_331] : memref<2x80x128xf32, #tpu.memory_space<vmem>> -> memref<1x80x128xf32, #tpu.memory_space<vmem>>
          %dma_wait3A_333 = tpu.memref_squeeze %dma_wait3A_332 : memref<1x80x128xf32, #tpu.memory_space<vmem>> -> memref<80x128xf32, #tpu.memory_space<vmem>>
          tpu.wait_dma2 semaphore(%arg21 : memref<!tpu.dma_semaphore, #tpu.memory_space<semaphore_mem>>) src(%dma_wait3A_333 : memref<80x128xf32, #tpu.memory_space<vmem>>) dst(%dma_wait3A_329 : memref<80x128xf32, #tpu.memory_space<hbm>>)
        } else {
        }
        %add3A_234 = arith.constant 1 : i32
        %add3A_235 = arith.addi %scan3A_165, %add3A_234 : i32
        %lt3A = arith.constant 75 : i32
        %lt3A_236 = arith.cmpi slt, %add3A_235, %lt3A : i32
        %convert_element_type3A_237 = arith.extui %lt3A_236 : i1 to i32
        %cond3A_238 = arith.constant 0 : i32
        %cond3A_239 = arith.cmpi ne, %convert_element_type3A_237, %cond3A_238 : i32
        scf.if %cond3A_239 {
          %dma_wait3A_289 = arith.constant 1 : i32
          %dma_wait3A_290 = arith.constant 0 : i32
          %dma_wait3A_291 = tpu.memref_slice %arg9[%dma_wait3A_289, %dma_wait3A_290] : memref<2x80xi32, #tpu.memory_space<vmem>> -> memref<1x80xi32, #tpu.memory_space<vmem>>
          %dma_wait3A_292 = tpu.memref_squeeze %dma_wait3A_291 : memref<1x80xi32, #tpu.memory_space<vmem>> -> memref<80xi32, #tpu.memory_space<vmem>>
          %dma_wait3A_293 = arith.constant 0 : i32
          %dma_wait3A_294 = tpu.memref_slice %arg4[%dma_wait3A_293] : memref<320000xi32, #tpu.memory_space<hbm>> -> memref<80xi32, #tpu.memory_space<hbm>>
          %dma_wait3A_295 = arith.constant 0 : i32
          %dma_wait3A_296 = tpu.memref_slice %arg9[%dma_wait3A_289, %dma_wait3A_295] : memref<2x80xi32, #tpu.memory_space<vmem>> -> memref<1x80xi32, #tpu.memory_space<vmem>>
          %dma_wait3A_297 = tpu.memref_squeeze %dma_wait3A_296 : memref<1x80xi32, #tpu.memory_space<vmem>> -> memref<80xi32, #tpu.memory_space<vmem>>
          %dma_wait3A_298 = arith.constant 0 : i32
          %dma_wait3A_299 = tpu.memref_slice %arg4[%dma_wait3A_298] : memref<320000xi32, #tpu.memory_space<hbm>> -> memref<80xi32, #tpu.memory_space<hbm>>
          tpu.wait_dma2 semaphore(%arg17 : memref<!tpu.dma_semaphore, #tpu.memory_space<semaphore_mem>>) src(%dma_wait3A_299 : memref<80xi32, #tpu.memory_space<hbm>>) dst(%dma_wait3A_297 : memref<80xi32, #tpu.memory_space<vmem>>)
          %dma_wait3A_300 = arith.constant 1 : i32
          %dma_wait3A_301 = arith.constant 0 : i32
          %dma_wait3A_302 = tpu.memref_slice %arg10[%dma_wait3A_300, %dma_wait3A_301] : memref<2x80xi32, #tpu.memory_space<vmem>> -> memref<1x80xi32, #tpu.memory_space<vmem>>
          %dma_wait3A_303 = tpu.memref_squeeze %dma_wait3A_302 : memref<1x80xi32, #tpu.memory_space<vmem>> -> memref<80xi32, #tpu.memory_space<vmem>>
          %dma_wait3A_304 = arith.constant 0 : i32
          %dma_wait3A_305 = tpu.memref_slice %arg5[%dma_wait3A_304] : memref<320000xi32, #tpu.memory_space<hbm>> -> memref<80xi32, #tpu.memory_space<hbm>>
          %dma_wait3A_306 = arith.constant 0 : i32
          %dma_wait3A_307 = tpu.memref_slice %arg10[%dma_wait3A_300, %dma_wait3A_306] : memref<2x80xi32, #tpu.memory_space<vmem>> -> memref<1x80xi32, #tpu.memory_space<vmem>>
          %dma_wait3A_308 = tpu.memref_squeeze %dma_wait3A_307 : memref<1x80xi32, #tpu.memory_space<vmem>> -> memref<80xi32, #tpu.memory_space<vmem>>
          %dma_wait3A_309 = arith.constant 0 : i32
          %dma_wait3A_310 = tpu.memref_slice %arg5[%dma_wait3A_309] : memref<320000xi32, #tpu.memory_space<hbm>> -> memref<80xi32, #tpu.memory_space<hbm>>
          tpu.wait_dma2 semaphore(%arg17 : memref<!tpu.dma_semaphore, #tpu.memory_space<semaphore_mem>>) src(%dma_wait3A_310 : memref<80xi32, #tpu.memory_space<hbm>>) dst(%dma_wait3A_308 : memref<80xi32, #tpu.memory_space<vmem>>)
          %dma_start3A_311 = arith.constant 1 : i32
          %dma_start3A_312 = arith.constant 1 : i32
          %dma_start3A_313 = arith.constant 0 : i32
          %dma_start3A_314 = arith.constant 0 : i32
          %dma_start3A_315 = tpu.memref_slice %arg11[%dma_start3A_312, %dma_start3A_313, %dma_start3A_314] : memref<2x80x128xf32, #tpu.memory_space<vmem>> -> memref<1x80x128xf32, #tpu.memory_space<vmem>>
          %dma_start3A_316 = tpu.memref_squeeze %dma_start3A_315 : memref<1x80x128xf32, #tpu.memory_space<vmem>> -> memref<80x128xf32, #tpu.memory_space<vmem>>
          %dma_start3A_317 = arith.constant 0 : i32
          %dma_start3A_318 = tpu.memref_slice %arg9[%dma_start3A_311, %dma_start3A_317] : memref<2x80xi32, #tpu.memory_space<vmem>> -> memref<1x80xi32, #tpu.memory_space<vmem>>
          %dma_start3A_319 = tpu.memref_squeeze %dma_start3A_318 : memref<1x80xi32, #tpu.memory_space<vmem>> -> memref<80xi32, #tpu.memory_space<vmem>>
          %dma_start3A_320 = arith.constant 0 : i32
          %dma_start3A_321 = arith.constant 0 : i32
          %dma_start3A_322 = tpu.memref_slice %arg2[%dma_start3A_320, %dma_start3A_321] : memref<10000x128xf32, #tpu.memory_space<hbm>> -> memref<10000x128xf32, #tpu.memory_space<hbm>>
          tpu.enqueue_indirect_dma source(%dma_start3A_322 : memref<10000x128xf32, #tpu.memory_space<hbm>>) target(%dma_start3A_316 : memref<80x128xf32, #tpu.memory_space<vmem>>) offsets(%dma_start3A_319 : memref<80xi32, #tpu.memory_space<vmem>>) semaphore(%arg19 : memref<!tpu.dma_semaphore, #tpu.memory_space<semaphore_mem>>)
          %dma_start3A_323 = arith.constant 1 : i32
          %dma_start3A_324 = arith.constant 1 : i32
          %dma_start3A_325 = arith.constant 0 : i32
          %dma_start3A_326 = arith.constant 0 : i32
          %dma_start3A_327 = tpu.memref_slice %arg12[%dma_start3A_324, %dma_start3A_325, %dma_start3A_326] : memref<2x80x128xf32, #tpu.memory_space<vmem>> -> memref<1x80x128xf32, #tpu.memory_space<vmem>>
          %dma_start3A_328 = tpu.memref_squeeze %dma_start3A_327 : memref<1x80x128xf32, #tpu.memory_space<vmem>> -> memref<80x128xf32, #tpu.memory_space<vmem>>
          %dma_start3A_329 = arith.constant 0 : i32
          %dma_start3A_330 = tpu.memref_slice %arg10[%dma_start3A_323, %dma_start3A_329] : memref<2x80xi32, #tpu.memory_space<vmem>> -> memref<1x80xi32, #tpu.memory_space<vmem>>
          %dma_start3A_331 = tpu.memref_squeeze %dma_start3A_330 : memref<1x80xi32, #tpu.memory_space<vmem>> -> memref<80xi32, #tpu.memory_space<vmem>>
          %dma_start3A_332 = arith.constant 0 : i32
          %dma_start3A_333 = arith.constant 0 : i32
          %dma_start3A_334 = tpu.memref_slice %arg2[%dma_start3A_332, %dma_start3A_333] : memref<10000x128xf32, #tpu.memory_space<hbm>> -> memref<10000x128xf32, #tpu.memory_space<hbm>>
          tpu.enqueue_indirect_dma source(%dma_start3A_334 : memref<10000x128xf32, #tpu.memory_space<hbm>>) target(%dma_start3A_328 : memref<80x128xf32, #tpu.memory_space<vmem>>) offsets(%dma_start3A_331 : memref<80xi32, #tpu.memory_space<vmem>>) semaphore(%arg19 : memref<!tpu.dma_semaphore, #tpu.memory_space<semaphore_mem>>)
          %dma_start3A_335 = arith.constant 1 : i32
          %dma_start3A_336 = arith.constant 1 : i32
          %dma_start3A_337 = arith.constant 0 : i32
          %dma_start3A_338 = arith.constant 0 : i32
          %dma_start3A_339 = tpu.memref_slice %arg13[%dma_start3A_336, %dma_start3A_337, %dma_start3A_338] : memref<2x80x16xf32, #tpu.memory_space<vmem>> -> memref<1x80x16xf32, #tpu.memory_space<vmem>>
          %dma_start3A_340 = tpu.memref_squeeze %dma_start3A_339 : memref<1x80x16xf32, #tpu.memory_space<vmem>> -> memref<80x16xf32, #tpu.memory_space<vmem>>
          %dma_start3A_341 = arith.constant 0 : i32
          %dma_start3A_342 = tpu.memref_slice %arg9[%dma_start3A_335, %dma_start3A_341] : memref<2x80xi32, #tpu.memory_space<vmem>> -> memref<1x80xi32, #tpu.memory_space<vmem>>
          %dma_start3A_343 = tpu.memref_squeeze %dma_start3A_342 : memref<1x80xi32, #tpu.memory_space<vmem>> -> memref<80xi32, #tpu.memory_space<vmem>>
          %dma_start3A_344 = arith.constant 0 : i32
          %dma_start3A_345 = arith.constant 0 : i32
          %dma_start3A_346 = tpu.memref_slice %arg3[%dma_start3A_344, %dma_start3A_345] : memref<10000x16xf32, #tpu.memory_space<hbm>> -> memref<10000x16xf32, #tpu.memory_space<hbm>>
          tpu.enqueue_indirect_dma source(%dma_start3A_346 : memref<10000x16xf32, #tpu.memory_space<hbm>>) target(%dma_start3A_340 : memref<80x16xf32, #tpu.memory_space<vmem>>) offsets(%dma_start3A_343 : memref<80xi32, #tpu.memory_space<vmem>>) semaphore(%arg19 : memref<!tpu.dma_semaphore, #tpu.memory_space<semaphore_mem>>)
          %dma_start3A_347 = arith.constant 1 : i32
          %dma_start3A_348 = arith.constant 1 : i32
          %dma_start3A_349 = arith.constant 0 : i32
          %dma_start3A_350 = arith.constant 0 : i32
          %dma_start3A_351 = tpu.memref_slice %arg14[%dma_start3A_348, %dma_start3A_349, %dma_start3A_350] : memref<2x80x16xf32, #tpu.memory_space<vmem>> -> memref<1x80x16xf32, #tpu.memory_space<vmem>>
          %dma_start3A_352 = tpu.memref_squeeze %dma_start3A_351 : memref<1x80x16xf32, #tpu.memory_space<vmem>> -> memref<80x16xf32, #tpu.memory_space<vmem>>
          %dma_start3A_353 = arith.constant 0 : i32
          %dma_start3A_354 = tpu.memref_slice %arg10[%dma_start3A_347, %dma_start3A_353] : memref<2x80xi32, #tpu.memory_space<vmem>> -> memref<1x80xi32, #tpu.memory_space<vmem>>
          %dma_start3A_355 = tpu.memref_squeeze %dma_start3A_354 : memref<1x80xi32, #tpu.memory_space<vmem>> -> memref<80xi32, #tpu.memory_space<vmem>>
          %dma_start3A_356 = arith.constant 0 : i32
          %dma_start3A_357 = arith.constant 0 : i32
          %dma_start3A_358 = tpu.memref_slice %arg3[%dma_start3A_356, %dma_start3A_357] : memref<10000x16xf32, #tpu.memory_space<hbm>> -> memref<10000x16xf32, #tpu.memory_space<hbm>>
          tpu.enqueue_indirect_dma source(%dma_start3A_358 : memref<10000x16xf32, #tpu.memory_space<hbm>>) target(%dma_start3A_352 : memref<80x16xf32, #tpu.memory_space<vmem>>) offsets(%dma_start3A_355 : memref<80xi32, #tpu.memory_space<vmem>>) semaphore(%arg19 : memref<!tpu.dma_semaphore, #tpu.memory_space<semaphore_mem>>)
        } else {
        }
        %add3A_240 = arith.constant 2 : i32
        %add3A_241 = arith.addi %scan3A_165, %add3A_240 : i32
        %lt3A_242 = arith.constant 75 : i32
        %lt3A_243 = arith.cmpi slt, %add3A_241, %lt3A_242 : i32
        %convert_element_type3A_244 = arith.extui %lt3A_243 : i1 to i32
        %cond3A_245 = arith.constant 0 : i32
        %cond3A_246 = arith.cmpi ne, %convert_element_type3A_244, %cond3A_245 : i32
        scf.if %cond3A_246 {
          %add3A_289 = arith.constant 2 : i32
          %add3A_290 = arith.addi %scan3A_165, %add3A_289 : i32
          %add3A_291 = arith.constant 0 : i32
          %add3A_292 = arith.addi %add3A_291, %mul3A_2 : i32
          %mul3A_293 = arith.constant 80 : i32
          %mul3A_294 = arith.muli %add3A_290, %mul3A_293 : i32
          %add3A_295 = arith.addi %add3A_292, %mul3A_294 : i32
          %dma_start3A_296 = arith.constant 0 : i32
          %dma_start3A_297 = arith.constant 0 : i32
          %dma_start3A_298 = tpu.memref_slice %arg9[%dma_start3A_296, %dma_start3A_297] : memref<2x80xi32, #tpu.memory_space<vmem>> -> memref<1x80xi32, #tpu.memory_space<vmem>>
          %dma_start3A_299 = tpu.memref_squeeze %dma_start3A_298 : memref<1x80xi32, #tpu.memory_space<vmem>> -> memref<80xi32, #tpu.memory_space<vmem>>
          %dma_start3A_300 = tpu.memref_slice %arg4[%add3A_295] : memref<320000xi32, #tpu.memory_space<hbm>> -> memref<80xi32, #tpu.memory_space<hbm>>
          %dma_start3A_301 = arith.constant 0 : i32
          %dma_start3A_302 = tpu.memref_slice %arg9[%dma_start3A_296, %dma_start3A_301] : memref<2x80xi32, #tpu.memory_space<vmem>> -> memref<1x80xi32, #tpu.memory_space<vmem>>
          %dma_start3A_303 = tpu.memref_squeeze %dma_start3A_302 : memref<1x80xi32, #tpu.memory_space<vmem>> -> memref<80xi32, #tpu.memory_space<vmem>>
          %dma_start3A_304 = tpu.memref_slice %arg4[%add3A_295] : memref<320000xi32, #tpu.memory_space<hbm>> -> memref<80xi32, #tpu.memory_space<hbm>>
          tpu.enqueue_dma source(%dma_start3A_304 : memref<80xi32, #tpu.memory_space<hbm>>) target(%dma_start3A_303 : memref<80xi32, #tpu.memory_space<vmem>>) target_semaphore(%arg16 : memref<!tpu.dma_semaphore, #tpu.memory_space<semaphore_mem>>)
          %dma_start3A_305 = arith.constant 0 : i32
          %dma_start3A_306 = arith.constant 0 : i32
          %dma_start3A_307 = tpu.memref_slice %arg10[%dma_start3A_305, %dma_start3A_306] : memref<2x80xi32, #tpu.memory_space<vmem>> -> memref<1x80xi32, #tpu.memory_space<vmem>>
          %dma_start3A_308 = tpu.memref_squeeze %dma_start3A_307 : memref<1x80xi32, #tpu.memory_space<vmem>> -> memref<80xi32, #tpu.memory_space<vmem>>
          %dma_start3A_309 = tpu.memref_slice %arg5[%add3A_295] : memref<320000xi32, #tpu.memory_space<hbm>> -> memref<80xi32, #tpu.memory_space<hbm>>
          %dma_start3A_310 = arith.constant 0 : i32
          %dma_start3A_311 = tpu.memref_slice %arg10[%dma_start3A_305, %dma_start3A_310] : memref<2x80xi32, #tpu.memory_space<vmem>> -> memref<1x80xi32, #tpu.memory_space<vmem>>
          %dma_start3A_312 = tpu.memref_squeeze %dma_start3A_311 : memref<1x80xi32, #tpu.memory_space<vmem>> -> memref<80xi32, #tpu.memory_space<vmem>>
          %dma_start3A_313 = tpu.memref_slice %arg5[%add3A_295] : memref<320000xi32, #tpu.memory_space<hbm>> -> memref<80xi32, #tpu.memory_space<hbm>>
          tpu.enqueue_dma source(%dma_start3A_313 : memref<80xi32, #tpu.memory_space<hbm>>) target(%dma_start3A_312 : memref<80xi32, #tpu.memory_space<vmem>>) target_semaphore(%arg16 : memref<!tpu.dma_semaphore, #tpu.memory_space<semaphore_mem>>)
        } else {
        }
        %mul3A_247 = arith.constant 80 : i32
        %mul3A_248 = arith.muli %scan3A_165, %mul3A_247 : i32
        %add3A_249 = arith.addi %mul3A_2, %mul3A_248 : i32
        %dma_start3A_250 = arith.constant 0 : i32
        %dma_start3A_251 = arith.constant 0 : i32
        %dma_start3A_252 = arith.constant 0 : i32
        %dma_start3A_253 = tpu.memref_slice %arg11[%dma_start3A_250, %dma_start3A_251, %dma_start3A_252] : memref<2x80x128xf32, #tpu.memory_space<vmem>> -> memref<1x80x128xf32, #tpu.memory_space<vmem>>
        %dma_start3A_254 = tpu.memref_squeeze %dma_start3A_253 : memref<1x80x128xf32, #tpu.memory_space<vmem>> -> memref<80x128xf32, #tpu.memory_space<vmem>>
        %dma_start3A_255 = arith.constant 0 : i32
        %dma_start3A_256 = tpu.memref_slice %arg6[%add3A_249, %dma_start3A_255] : memref<192000x128xf32, #tpu.memory_space<hbm>> -> memref<80x128xf32, #tpu.memory_space<hbm>>
        %dma_start3A_257 = arith.constant 0 : i32
        %dma_start3A_258 = tpu.memref_slice %arg6[%add3A_249, %dma_start3A_257] : memref<192000x128xf32, #tpu.memory_space<hbm>> -> memref<80x128xf32, #tpu.memory_space<hbm>>
        %dma_start3A_259 = arith.constant 0 : i32
        %dma_start3A_260 = arith.constant 0 : i32
        %dma_start3A_261 = tpu.memref_slice %arg11[%dma_start3A_250, %dma_start3A_259, %dma_start3A_260] : memref<2x80x128xf32, #tpu.memory_space<vmem>> -> memref<1x80x128xf32, #tpu.memory_space<vmem>>
        %dma_start3A_262 = tpu.memref_squeeze %dma_start3A_261 : memref<1x80x128xf32, #tpu.memory_space<vmem>> -> memref<80x128xf32, #tpu.memory_space<vmem>>
        tpu.enqueue_dma source(%dma_start3A_262 : memref<80x128xf32, #tpu.memory_space<vmem>>) target(%dma_start3A_258 : memref<80x128xf32, #tpu.memory_space<hbm>>) target_semaphore(%arg20 : memref<!tpu.dma_semaphore, #tpu.memory_space<semaphore_mem>>)
        %dma_start3A_263 = arith.constant 0 : i32
        %dma_start3A_264 = arith.constant 0 : i32
        %dma_start3A_265 = arith.constant 0 : i32
        %dma_start3A_266 = tpu.memref_slice %arg12[%dma_start3A_263, %dma_start3A_264, %dma_start3A_265] : memref<2x80x128xf32, #tpu.memory_space<vmem>> -> memref<1x80x128xf32, #tpu.memory_space<vmem>>
        %dma_start3A_267 = tpu.memref_squeeze %dma_start3A_266 : memref<1x80x128xf32, #tpu.memory_space<vmem>> -> memref<80x128xf32, #tpu.memory_space<vmem>>
        %dma_start3A_268 = arith.constant 0 : i32
        %dma_start3A_269 = tpu.memref_slice %arg7[%add3A_249, %dma_start3A_268] : memref<192000x128xf32, #tpu.memory_space<hbm>> -> memref<80x128xf32, #tpu.memory_space<hbm>>
        %dma_start3A_270 = arith.constant 0 : i32
        %dma_start3A_271 = tpu.memref_slice %arg7[%add3A_249, %dma_start3A_270] : memref<192000x128xf32, #tpu.memory_space<hbm>> -> memref<80x128xf32, #tpu.memory_space<hbm>>
        %dma_start3A_272 = arith.constant 0 : i32
        %dma_start3A_273 = arith.constant 0 : i32
        %dma_start3A_274 = tpu.memref_slice %arg12[%dma_start3A_263, %dma_start3A_272, %dma_start3A_273] : memref<2x80x128xf32, #tpu.memory_space<vmem>> -> memref<1x80x128xf32, #tpu.memory_space<vmem>>
        %dma_start3A_275 = tpu.memref_squeeze %dma_start3A_274 : memref<1x80x128xf32, #tpu.memory_space<vmem>> -> memref<80x128xf32, #tpu.memory_space<vmem>>
        tpu.enqueue_dma source(%dma_start3A_275 : memref<80x128xf32, #tpu.memory_space<vmem>>) target(%dma_start3A_271 : memref<80x128xf32, #tpu.memory_space<hbm>>) target_semaphore(%arg20 : memref<!tpu.dma_semaphore, #tpu.memory_space<semaphore_mem>>)
        %dma_start3A_276 = arith.constant 0 : i32
        %dma_start3A_277 = arith.constant 0 : i32
        %dma_start3A_278 = arith.constant 0 : i32
        %dma_start3A_279 = tpu.memref_slice %arg15[%dma_start3A_276, %dma_start3A_277, %dma_start3A_278] : memref<2x80x128xf32, #tpu.memory_space<vmem>> -> memref<1x80x128xf32, #tpu.memory_space<vmem>>
        %dma_start3A_280 = tpu.memref_squeeze %dma_start3A_279 : memref<1x80x128xf32, #tpu.memory_space<vmem>> -> memref<80x128xf32, #tpu.memory_space<vmem>>
        %dma_start3A_281 = arith.constant 0 : i32
        %dma_start3A_282 = tpu.memref_slice %arg8[%add3A_249, %dma_start3A_281] : memref<192000x128xf32, #tpu.memory_space<hbm>> -> memref<80x128xf32, #tpu.memory_space<hbm>>
        %dma_start3A_283 = arith.constant 0 : i32
        %dma_start3A_284 = tpu.memref_slice %arg8[%add3A_249, %dma_start3A_283] : memref<192000x128xf32, #tpu.memory_space<hbm>> -> memref<80x128xf32, #tpu.memory_space<hbm>>
        %dma_start3A_285 = arith.constant 0 : i32
        %dma_start3A_286 = arith.constant 0 : i32
        %dma_start3A_287 = tpu.memref_slice %arg15[%dma_start3A_276, %dma_start3A_285, %dma_start3A_286] : memref<2x80x128xf32, #tpu.memory_space<vmem>> -> memref<1x80x128xf32, #tpu.memory_space<vmem>>
        %dma_start3A_288 = tpu.memref_squeeze %dma_start3A_287 : memref<1x80x128xf32, #tpu.memory_space<vmem>> -> memref<80x128xf32, #tpu.memory_space<vmem>>
        tpu.enqueue_dma source(%dma_start3A_288 : memref<80x128xf32, #tpu.memory_space<vmem>>) target(%dma_start3A_284 : memref<80x128xf32, #tpu.memory_space<hbm>>) target_semaphore(%arg20 : memref<!tpu.dma_semaphore, #tpu.memory_space<semaphore_mem>>)
      } else {
      }
      %rem3A_169 = arith.constant 2 : i32
      %rem3A_170 = arith.remsi %scan3A_165, %rem3A_169 : i32
      %eq3A_171 = arith.constant 1 : i32
      %eq3A_172 = arith.cmpi eq, %rem3A_170, %eq3A_171 : i32
      %convert_element_type3A_173 = arith.extui %eq3A_172 : i1 to i32
      %cond3A_174 = arith.constant 0 : i32
      %cond3A_175 = arith.cmpi ne, %convert_element_type3A_173, %cond3A_174 : i32
      scf.if %cond3A_175 {
        %dma_wait3A_176 = arith.constant 1 : i32
        %dma_wait3A_177 = arith.constant 1 : i32
        %dma_wait3A_178 = arith.constant 0 : i32
        %dma_wait3A_179 = arith.constant 0 : i32
        %dma_wait3A_180 = tpu.memref_slice %arg11[%dma_wait3A_177, %dma_wait3A_178, %dma_wait3A_179] : memref<2x80x128xf32, #tpu.memory_space<vmem>> -> memref<1x80x128xf32, #tpu.memory_space<vmem>>
        %dma_wait3A_181 = tpu.memref_squeeze %dma_wait3A_180 : memref<1x80x128xf32, #tpu.memory_space<vmem>> -> memref<80x128xf32, #tpu.memory_space<vmem>>
        %dma_wait3A_182 = arith.constant 0 : i32
        %dma_wait3A_183 = tpu.memref_slice %arg9[%dma_wait3A_176, %dma_wait3A_182] : memref<2x80xi32, #tpu.memory_space<vmem>> -> memref<1x80xi32, #tpu.memory_space<vmem>>
        %dma_wait3A_184 = tpu.memref_squeeze %dma_wait3A_183 : memref<1x80xi32, #tpu.memory_space<vmem>> -> memref<80xi32, #tpu.memory_space<vmem>>
        %dma_wait3A_185 = arith.constant 0 : i32
        %dma_wait3A_186 = arith.constant 0 : i32
        %dma_wait3A_187 = tpu.memref_slice %arg2[%dma_wait3A_185, %dma_wait3A_186] : memref<10000x128xf32, #tpu.memory_space<hbm>> -> memref<10000x128xf32, #tpu.memory_space<hbm>>
        tpu.wait_indirect_dma semaphore(%arg19 : memref<!tpu.dma_semaphore, #tpu.memory_space<semaphore_mem>>) src(%dma_wait3A_187 : memref<10000x128xf32, #tpu.memory_space<hbm>>) dst(%dma_wait3A_181 : memref<80x128xf32, #tpu.memory_space<vmem>>)
        %dma_wait3A_188 = arith.constant 1 : i32
        %dma_wait3A_189 = arith.constant 1 : i32
        %dma_wait3A_190 = arith.constant 0 : i32
        %dma_wait3A_191 = arith.constant 0 : i32
        %dma_wait3A_192 = tpu.memref_slice %arg12[%dma_wait3A_189, %dma_wait3A_190, %dma_wait3A_191] : memref<2x80x128xf32, #tpu.memory_space<vmem>> -> memref<1x80x128xf32, #tpu.memory_space<vmem>>
        %dma_wait3A_193 = tpu.memref_squeeze %dma_wait3A_192 : memref<1x80x128xf32, #tpu.memory_space<vmem>> -> memref<80x128xf32, #tpu.memory_space<vmem>>
        %dma_wait3A_194 = arith.constant 0 : i32
        %dma_wait3A_195 = tpu.memref_slice %arg10[%dma_wait3A_188, %dma_wait3A_194] : memref<2x80xi32, #tpu.memory_space<vmem>> -> memref<1x80xi32, #tpu.memory_space<vmem>>
        %dma_wait3A_196 = tpu.memref_squeeze %dma_wait3A_195 : memref<1x80xi32, #tpu.memory_space<vmem>> -> memref<80xi32, #tpu.memory_space<vmem>>
        %dma_wait3A_197 = arith.constant 0 : i32
        %dma_wait3A_198 = arith.constant 0 : i32
        %dma_wait3A_199 = tpu.memref_slice %arg2[%dma_wait3A_197, %dma_wait3A_198] : memref<10000x128xf32, #tpu.memory_space<hbm>> -> memref<10000x128xf32, #tpu.memory_space<hbm>>
        tpu.wait_indirect_dma semaphore(%arg19 : memref<!tpu.dma_semaphore, #tpu.memory_space<semaphore_mem>>) src(%dma_wait3A_199 : memref<10000x128xf32, #tpu.memory_space<hbm>>) dst(%dma_wait3A_193 : memref<80x128xf32, #tpu.memory_space<vmem>>)
        %dma_wait3A_200 = arith.constant 1 : i32
        %dma_wait3A_201 = arith.constant 1 : i32
        %dma_wait3A_202 = arith.constant 0 : i32
        %dma_wait3A_203 = arith.constant 0 : i32
        %dma_wait3A_204 = tpu.memref_slice %arg13[%dma_wait3A_201, %dma_wait3A_202, %dma_wait3A_203] : memref<2x80x16xf32, #tpu.memory_space<vmem>> -> memref<1x80x16xf32, #tpu.memory_space<vmem>>
        %dma_wait3A_205 = tpu.memref_squeeze %dma_wait3A_204 : memref<1x80x16xf32, #tpu.memory_space<vmem>> -> memref<80x16xf32, #tpu.memory_space<vmem>>
        %dma_wait3A_206 = arith.constant 0 : i32
        %dma_wait3A_207 = tpu.memref_slice %arg9[%dma_wait3A_200, %dma_wait3A_206] : memref<2x80xi32, #tpu.memory_space<vmem>> -> memref<1x80xi32, #tpu.memory_space<vmem>>
        %dma_wait3A_208 = tpu.memref_squeeze %dma_wait3A_207 : memref<1x80xi32, #tpu.memory_space<vmem>> -> memref<80xi32, #tpu.memory_space<vmem>>
        %dma_wait3A_209 = arith.constant 0 : i32
        %dma_wait3A_210 = arith.constant 0 : i32
        %dma_wait3A_211 = tpu.memref_slice %arg3[%dma_wait3A_209, %dma_wait3A_210] : memref<10000x16xf32, #tpu.memory_space<hbm>> -> memref<10000x16xf32, #tpu.memory_space<hbm>>
        tpu.wait_indirect_dma semaphore(%arg19 : memref<!tpu.dma_semaphore, #tpu.memory_space<semaphore_mem>>) src(%dma_wait3A_211 : memref<10000x16xf32, #tpu.memory_space<hbm>>) dst(%dma_wait3A_205 : memref<80x16xf32, #tpu.memory_space<vmem>>)
        %dma_wait3A_212 = arith.constant 1 : i32
        %dma_wait3A_213 = arith.constant 1 : i32
        %dma_wait3A_214 = arith.constant 0 : i32
        %dma_wait3A_215 = arith.constant 0 : i32
        %dma_wait3A_216 = tpu.memref_slice %arg14[%dma_wait3A_213, %dma_wait3A_214, %dma_wait3A_215] : memref<2x80x16xf32, #tpu.memory_space<vmem>> -> memref<1x80x16xf32, #tpu.memory_space<vmem>>
        %dma_wait3A_217 = tpu.memref_squeeze %dma_wait3A_216 : memref<1x80x16xf32, #tpu.memory_space<vmem>> -> memref<80x16xf32, #tpu.memory_space<vmem>>
        %dma_wait3A_218 = arith.constant 0 : i32
        %dma_wait3A_219 = tpu.memref_slice %arg10[%dma_wait3A_212, %dma_wait3A_218] : memref<2x80xi32, #tpu.memory_space<vmem>> -> memref<1x80xi32, #tpu.memory_space<vmem>>
        %dma_wait3A_220 = tpu.memref_squeeze %dma_wait3A_219 : memref<1x80xi32, #tpu.memory_space<vmem>> -> memref<80xi32, #tpu.memory_space<vmem>>
        %dma_wait3A_221 = arith.constant 0 : i32
        %dma_wait3A_222 = arith.constant 0 : i32
        %dma_wait3A_223 = tpu.memref_slice %arg3[%dma_wait3A_221, %dma_wait3A_222] : memref<10000x16xf32, #tpu.memory_space<hbm>> -> memref<10000x16xf32, #tpu.memory_space<hbm>>
        tpu.wait_indirect_dma semaphore(%arg19 : memref<!tpu.dma_semaphore, #tpu.memory_space<semaphore_mem>>) src(%dma_wait3A_223 : memref<10000x16xf32, #tpu.memory_space<hbm>>) dst(%dma_wait3A_217 : memref<80x16xf32, #tpu.memory_space<vmem>>)
        %scan3A_224 = arith.constant 0 : i32
        %scan3A_225 = arith.constant 0 : i32
        %scan3A_226 = arith.constant 80 : i32
        %scan3A_227 = arith.addi %scan3A_225, %scan3A_226 : i32
        %scan3A_228 = arith.constant 1 : i32
        scf.for %scan3A_289 = %scan3A_225 to %scan3A_227 step %scan3A_228  : i32 {
          %get3A = arith.constant 1 : i32
          %get3A_290 = arith.index_cast %get3A : i32 to index
          %get3A_291 = arith.index_cast %scan3A_289 : i32 to index
          %get3A_292 = arith.constant 0 : index
          %get3A_293 = tpu.vector_load %arg13[%get3A_290, %get3A_291, %get3A_292] {strides = array<i32>} : memref<2x80x16xf32, #tpu.memory_space<vmem>>, vector<1x1x16xf32>,
          %get3A_294 = vector.shape_cast %get3A_293 : vector<1x1x16xf32> to vector<16xf32>
          %swap3A = arith.constant 1 : i32
          %swap3A_295 = arith.index_cast %swap3A : i32 to index
          %swap3A_296 = arith.index_cast %scan3A_289 : i32 to index
          %swap3A_297 = arith.constant 0 : index
          %swap3A_298 = tpu.vector_load %arg15[%swap3A_295, %swap3A_296, %swap3A_297] {strides = array<i32>} : memref<2x80x128xf32, #tpu.memory_space<vmem>>, vector<1x1x16xf32>,
          %swap3A_299 = vector.shape_cast %swap3A_298 : vector<1x1x16xf32> to vector<16xf32>
          %swap3A_300 = vector.shape_cast %get3A_294 : vector<16xf32> to vector<1x1x16xf32>
          tpu.vector_store %arg15[%swap3A_295, %swap3A_296, %swap3A_297], %swap3A_300 {strides = array<i32>} : memref<2x80x128xf32, #tpu.memory_space<vmem>>, vector<1x1x16xf32>,
          %get3A_301 = arith.constant 1 : i32
          %get3A_302 = arith.index_cast %get3A_301 : i32 to index
          %get3A_303 = arith.index_cast %scan3A_289 : i32 to index
          %get3A_304 = arith.constant 0 : index
          %get3A_305 = tpu.vector_load %arg14[%get3A_302, %get3A_303, %get3A_304] {strides = array<i32>} : memref<2x80x16xf32, #tpu.memory_space<vmem>>, vector<1x1x16xf32>,
          %get3A_306 = vector.shape_cast %get3A_305 : vector<1x1x16xf32> to vector<16xf32>
          %swap3A_307 = arith.constant 1 : i32
          %swap3A_308 = arith.index_cast %swap3A_307 : i32 to index
          %swap3A_309 = arith.index_cast %scan3A_289 : i32 to index
          %swap3A_310 = arith.constant 16 : index
          %swap3A_311 = tpu.vector_load %arg15[%swap3A_308, %swap3A_309, %swap3A_310] {strides = array<i32>} : memref<2x80x128xf32, #tpu.memory_space<vmem>>, vector<1x1x16xf32>,
          %swap3A_312 = vector.shape_cast %swap3A_311 : vector<1x1x16xf32> to vector<16xf32>
          %swap3A_313 = vector.shape_cast %get3A_306 : vector<16xf32> to vector<1x1x16xf32>
          tpu.vector_store %arg15[%swap3A_308, %swap3A_309, %swap3A_310], %swap3A_313 {strides = array<i32>} : memref<2x80x128xf32, #tpu.memory_space<vmem>>, vector<1x1x16xf32>,
        }
        %scan3A_229 = arith.constant 80 : i32
        %ge3A = arith.constant 1 : i32
        %ge3A_230 = arith.cmpi sge, %scan3A_165, %ge3A : i32
        %convert_element_type3A_231 = arith.extui %ge3A_230 : i1 to i32
        %cond3A_232 = arith.constant 0 : i32
        %cond3A_233 = arith.cmpi ne, %convert_element_type3A_231, %cond3A_232 : i32
        scf.if %cond3A_233 {
          %dma_wait3A_289 = arith.constant 0 : i32
          %dma_wait3A_290 = arith.constant 0 : i32
          %dma_wait3A_291 = arith.constant 0 : i32
          %dma_wait3A_292 = tpu.memref_slice %arg11[%dma_wait3A_289, %dma_wait3A_290, %dma_wait3A_291] : memref<2x80x128xf32, #tpu.memory_space<vmem>> -> memref<1x80x128xf32, #tpu.memory_space<vmem>>
          %dma_wait3A_293 = tpu.memref_squeeze %dma_wait3A_292 : memref<1x80x128xf32, #tpu.memory_space<vmem>> -> memref<80x128xf32, #tpu.memory_space<vmem>>
          %dma_wait3A_294 = arith.constant 0 : i32
          %dma_wait3A_295 = arith.constant 0 : i32
          %dma_wait3A_296 = tpu.memref_slice %arg6[%dma_wait3A_294, %dma_wait3A_295] : memref<192000x128xf32, #tpu.memory_space<hbm>> -> memref<80x128xf32, #tpu.memory_space<hbm>>
          %dma_wait3A_297 = arith.constant 0 : i32
          %dma_wait3A_298 = arith.constant 0 : i32
          %dma_wait3A_299 = tpu.memref_slice %arg6[%dma_wait3A_297, %dma_wait3A_298] : memref<192000x128xf32, #tpu.memory_space<hbm>> -> memref<80x128xf32, #tpu.memory_space<hbm>>
          %dma_wait3A_300 = arith.constant 0 : i32
          %dma_wait3A_301 = arith.constant 0 : i32
          %dma_wait3A_302 = tpu.memref_slice %arg11[%dma_wait3A_289, %dma_wait3A_300, %dma_wait3A_301] : memref<2x80x128xf32, #tpu.memory_space<vmem>> -> memref<1x80x128xf32, #tpu.memory_space<vmem>>
          %dma_wait3A_303 = tpu.memref_squeeze %dma_wait3A_302 : memref<1x80x128xf32, #tpu.memory_space<vmem>> -> memref<80x128xf32, #tpu.memory_space<vmem>>
          tpu.wait_dma2 semaphore(%arg20 : memref<!tpu.dma_semaphore, #tpu.memory_space<semaphore_mem>>) src(%dma_wait3A_303 : memref<80x128xf32, #tpu.memory_space<vmem>>) dst(%dma_wait3A_299 : memref<80x128xf32, #tpu.memory_space<hbm>>)
          %dma_wait3A_304 = arith.constant 0 : i32
          %dma_wait3A_305 = arith.constant 0 : i32
          %dma_wait3A_306 = arith.constant 0 : i32
          %dma_wait3A_307 = tpu.memref_slice %arg12[%dma_wait3A_304, %dma_wait3A_305, %dma_wait3A_306] : memref<2x80x128xf32, #tpu.memory_space<vmem>> -> memref<1x80x128xf32, #tpu.memory_space<vmem>>
          %dma_wait3A_308 = tpu.memref_squeeze %dma_wait3A_307 : memref<1x80x128xf32, #tpu.memory_space<vmem>> -> memref<80x128xf32, #tpu.memory_space<vmem>>
          %dma_wait3A_309 = arith.constant 0 : i32
          %dma_wait3A_310 = arith.constant 0 : i32
          %dma_wait3A_311 = tpu.memref_slice %arg7[%dma_wait3A_309, %dma_wait3A_310] : memref<192000x128xf32, #tpu.memory_space<hbm>> -> memref<80x128xf32, #tpu.memory_space<hbm>>
          %dma_wait3A_312 = arith.constant 0 : i32
          %dma_wait3A_313 = arith.constant 0 : i32
          %dma_wait3A_314 = tpu.memref_slice %arg7[%dma_wait3A_312, %dma_wait3A_313] : memref<192000x128xf32, #tpu.memory_space<hbm>> -> memref<80x128xf32, #tpu.memory_space<hbm>>
          %dma_wait3A_315 = arith.constant 0 : i32
          %dma_wait3A_316 = arith.constant 0 : i32
          %dma_wait3A_317 = tpu.memref_slice %arg12[%dma_wait3A_304, %dma_wait3A_315, %dma_wait3A_316] : memref<2x80x128xf32, #tpu.memory_space<vmem>> -> memref<1x80x128xf32, #tpu.memory_space<vmem>>
          %dma_wait3A_318 = tpu.memref_squeeze %dma_wait3A_317 : memref<1x80x128xf32, #tpu.memory_space<vmem>> -> memref<80x128xf32, #tpu.memory_space<vmem>>
          tpu.wait_dma2 semaphore(%arg20 : memref<!tpu.dma_semaphore, #tpu.memory_space<semaphore_mem>>) src(%dma_wait3A_318 : memref<80x128xf32, #tpu.memory_space<vmem>>) dst(%dma_wait3A_314 : memref<80x128xf32, #tpu.memory_space<hbm>>)
          %dma_wait3A_319 = arith.constant 0 : i32
          %dma_wait3A_320 = arith.constant 0 : i32
          %dma_wait3A_321 = arith.constant 0 : i32
          %dma_wait3A_322 = tpu.memref_slice %arg15[%dma_wait3A_319, %dma_wait3A_320, %dma_wait3A_321] : memref<2x80x128xf32, #tpu.memory_space<vmem>> -> memref<1x80x128xf32, #tpu.memory_space<vmem>>
          %dma_wait3A_323 = tpu.memref_squeeze %dma_wait3A_322 : memref<1x80x128xf32, #tpu.memory_space<vmem>> -> memref<80x128xf32, #tpu.memory_space<vmem>>
          %dma_wait3A_324 = arith.constant 0 : i32
          %dma_wait3A_325 = arith.constant 0 : i32
          %dma_wait3A_326 = tpu.memref_slice %arg8[%dma_wait3A_324, %dma_wait3A_325] : memref<192000x128xf32, #tpu.memory_space<hbm>> -> memref<80x128xf32, #tpu.memory_space<hbm>>
          %dma_wait3A_327 = arith.constant 0 : i32
          %dma_wait3A_328 = arith.constant 0 : i32
          %dma_wait3A_329 = tpu.memref_slice %arg8[%dma_wait3A_327, %dma_wait3A_328] : memref<192000x128xf32, #tpu.memory_space<hbm>> -> memref<80x128xf32, #tpu.memory_space<hbm>>
          %dma_wait3A_330 = arith.constant 0 : i32
          %dma_wait3A_331 = arith.constant 0 : i32
          %dma_wait3A_332 = tpu.memref_slice %arg15[%dma_wait3A_319, %dma_wait3A_330, %dma_wait3A_331] : memref<2x80x128xf32, #tpu.memory_space<vmem>> -> memref<1x80x128xf32, #tpu.memory_space<vmem>>
          %dma_wait3A_333 = tpu.memref_squeeze %dma_wait3A_332 : memref<1x80x128xf32, #tpu.memory_space<vmem>> -> memref<80x128xf32, #tpu.memory_space<vmem>>
          tpu.wait_dma2 semaphore(%arg20 : memref<!tpu.dma_semaphore, #tpu.memory_space<semaphore_mem>>) src(%dma_wait3A_333 : memref<80x128xf32, #tpu.memory_space<vmem>>) dst(%dma_wait3A_329 : memref<80x128xf32, #tpu.memory_space<hbm>>)
        } else {
        }
        %add3A_234 = arith.constant 1 : i32
        %add3A_235 = arith.addi %scan3A_165, %add3A_234 : i32
        %lt3A = arith.constant 75 : i32
        %lt3A_236 = arith.cmpi slt, %add3A_235, %lt3A : i32
        %convert_element_type3A_237 = arith.extui %lt3A_236 : i1 to i32
        %cond3A_238 = arith.constant 0 : i32
        %cond3A_239 = arith.cmpi ne, %convert_element_type3A_237, %cond3A_238 : i32
        scf.if %cond3A_239 {
          %dma_wait3A_289 = arith.constant 0 : i32
          %dma_wait3A_290 = arith.constant 0 : i32
          %dma_wait3A_291 = tpu.memref_slice %arg9[%dma_wait3A_289, %dma_wait3A_290] : memref<2x80xi32, #tpu.memory_space<vmem>> -> memref<1x80xi32, #tpu.memory_space<vmem>>
          %dma_wait3A_292 = tpu.memref_squeeze %dma_wait3A_291 : memref<1x80xi32, #tpu.memory_space<vmem>> -> memref<80xi32, #tpu.memory_space<vmem>>
          %dma_wait3A_293 = arith.constant 0 : i32
          %dma_wait3A_294 = tpu.memref_slice %arg4[%dma_wait3A_293] : memref<320000xi32, #tpu.memory_space<hbm>> -> memref<80xi32, #tpu.memory_space<hbm>>
          %dma_wait3A_295 = arith.constant 0 : i32
          %dma_wait3A_296 = tpu.memref_slice %arg9[%dma_wait3A_289, %dma_wait3A_295] : memref<2x80xi32, #tpu.memory_space<vmem>> -> memref<1x80xi32, #tpu.memory_space<vmem>>
          %dma_wait3A_297 = tpu.memref_squeeze %dma_wait3A_296 : memref<1x80xi32, #tpu.memory_space<vmem>> -> memref<80xi32, #tpu.memory_space<vmem>>
          %dma_wait3A_298 = arith.constant 0 : i32
          %dma_wait3A_299 = tpu.memref_slice %arg4[%dma_wait3A_298] : memref<320000xi32, #tpu.memory_space<hbm>> -> memref<80xi32, #tpu.memory_space<hbm>>
          tpu.wait_dma2 semaphore(%arg16 : memref<!tpu.dma_semaphore, #tpu.memory_space<semaphore_mem>>) src(%dma_wait3A_299 : memref<80xi32, #tpu.memory_space<hbm>>) dst(%dma_wait3A_297 : memref<80xi32, #tpu.memory_space<vmem>>)
          %dma_wait3A_300 = arith.constant 0 : i32
          %dma_wait3A_301 = arith.constant 0 : i32
          %dma_wait3A_302 = tpu.memref_slice %arg10[%dma_wait3A_300, %dma_wait3A_301] : memref<2x80xi32, #tpu.memory_space<vmem>> -> memref<1x80xi32, #tpu.memory_space<vmem>>
          %dma_wait3A_303 = tpu.memref_squeeze %dma_wait3A_302 : memref<1x80xi32, #tpu.memory_space<vmem>> -> memref<80xi32, #tpu.memory_space<vmem>>
          %dma_wait3A_304 = arith.constant 0 : i32
          %dma_wait3A_305 = tpu.memref_slice %arg5[%dma_wait3A_304] : memref<320000xi32, #tpu.memory_space<hbm>> -> memref<80xi32, #tpu.memory_space<hbm>>
          %dma_wait3A_306 = arith.constant 0 : i32
          %dma_wait3A_307 = tpu.memref_slice %arg10[%dma_wait3A_300, %dma_wait3A_306] : memref<2x80xi32, #tpu.memory_space<vmem>> -> memref<1x80xi32, #tpu.memory_space<vmem>>
          %dma_wait3A_308 = tpu.memref_squeeze %dma_wait3A_307 : memref<1x80xi32, #tpu.memory_space<vmem>> -> memref<80xi32, #tpu.memory_space<vmem>>
          %dma_wait3A_309 = arith.constant 0 : i32
          %dma_wait3A_310 = tpu.memref_slice %arg5[%dma_wait3A_309] : memref<320000xi32, #tpu.memory_space<hbm>> -> memref<80xi32, #tpu.memory_space<hbm>>
          tpu.wait_dma2 semaphore(%arg16 : memref<!tpu.dma_semaphore, #tpu.memory_space<semaphore_mem>>) src(%dma_wait3A_310 : memref<80xi32, #tpu.memory_space<hbm>>) dst(%dma_wait3A_308 : memref<80xi32, #tpu.memory_space<vmem>>)
          %dma_start3A_311 = arith.constant 0 : i32
          %dma_start3A_312 = arith.constant 0 : i32
          %dma_start3A_313 = arith.constant 0 : i32
          %dma_start3A_314 = arith.constant 0 : i32
          %dma_start3A_315 = tpu.memref_slice %arg11[%dma_start3A_312, %dma_start3A_313, %dma_start3A_314] : memref<2x80x128xf32, #tpu.memory_space<vmem>> -> memref<1x80x128xf32, #tpu.memory_space<vmem>>
          %dma_start3A_316 = tpu.memref_squeeze %dma_start3A_315 : memref<1x80x128xf32, #tpu.memory_space<vmem>> -> memref<80x128xf32, #tpu.memory_space<vmem>>
          %dma_start3A_317 = arith.constant 0 : i32
          %dma_start3A_318 = tpu.memref_slice %arg9[%dma_start3A_311, %dma_start3A_317] : memref<2x80xi32, #tpu.memory_space<vmem>> -> memref<1x80xi32, #tpu.memory_space<vmem>>
          %dma_start3A_319 = tpu.memref_squeeze %dma_start3A_318 : memref<1x80xi32, #tpu.memory_space<vmem>> -> memref<80xi32, #tpu.memory_space<vmem>>
          %dma_start3A_320 = arith.constant 0 : i32
          %dma_start3A_321 = arith.constant 0 : i32
          %dma_start3A_322 = tpu.memref_slice %arg2[%dma_start3A_320, %dma_start3A_321] : memref<10000x128xf32, #tpu.memory_space<hbm>> -> memref<10000x128xf32, #tpu.memory_space<hbm>>
          tpu.enqueue_indirect_dma source(%dma_start3A_322 : memref<10000x128xf32, #tpu.memory_space<hbm>>) target(%dma_start3A_316 : memref<80x128xf32, #tpu.memory_space<vmem>>) offsets(%dma_start3A_319 : memref<80xi32, #tpu.memory_space<vmem>>) semaphore(%arg18 : memref<!tpu.dma_semaphore, #tpu.memory_space<semaphore_mem>>)
          %dma_start3A_323 = arith.constant 0 : i32
          %dma_start3A_324 = arith.constant 0 : i32
          %dma_start3A_325 = arith.constant 0 : i32
          %dma_start3A_326 = arith.constant 0 : i32
          %dma_start3A_327 = tpu.memref_slice %arg12[%dma_start3A_324, %dma_start3A_325, %dma_start3A_326] : memref<2x80x128xf32, #tpu.memory_space<vmem>> -> memref<1x80x128xf32, #tpu.memory_space<vmem>>
          %dma_start3A_328 = tpu.memref_squeeze %dma_start3A_327 : memref<1x80x128xf32, #tpu.memory_space<vmem>> -> memref<80x128xf32, #tpu.memory_space<vmem>>
          %dma_start3A_329 = arith.constant 0 : i32
          %dma_start3A_330 = tpu.memref_slice %arg10[%dma_start3A_323, %dma_start3A_329] : memref<2x80xi32, #tpu.memory_space<vmem>> -> memref<1x80xi32, #tpu.memory_space<vmem>>
          %dma_start3A_331 = tpu.memref_squeeze %dma_start3A_330 : memref<1x80xi32, #tpu.memory_space<vmem>> -> memref<80xi32, #tpu.memory_space<vmem>>
          %dma_start3A_332 = arith.constant 0 : i32
          %dma_start3A_333 = arith.constant 0 : i32
          %dma_start3A_334 = tpu.memref_slice %arg2[%dma_start3A_332, %dma_start3A_333] : memref<10000x128xf32, #tpu.memory_space<hbm>> -> memref<10000x128xf32, #tpu.memory_space<hbm>>
          tpu.enqueue_indirect_dma source(%dma_start3A_334 : memref<10000x128xf32, #tpu.memory_space<hbm>>) target(%dma_start3A_328 : memref<80x128xf32, #tpu.memory_space<vmem>>) offsets(%dma_start3A_331 : memref<80xi32, #tpu.memory_space<vmem>>) semaphore(%arg18 : memref<!tpu.dma_semaphore, #tpu.memory_space<semaphore_mem>>)
          %dma_start3A_335 = arith.constant 0 : i32
          %dma_start3A_336 = arith.constant 0 : i32
          %dma_start3A_337 = arith.constant 0 : i32
          %dma_start3A_338 = arith.constant 0 : i32
          %dma_start3A_339 = tpu.memref_slice %arg13[%dma_start3A_336, %dma_start3A_337, %dma_start3A_338] : memref<2x80x16xf32, #tpu.memory_space<vmem>> -> memref<1x80x16xf32, #tpu.memory_space<vmem>>
          %dma_start3A_340 = tpu.memref_squeeze %dma_start3A_339 : memref<1x80x16xf32, #tpu.memory_space<vmem>> -> memref<80x16xf32, #tpu.memory_space<vmem>>
          %dma_start3A_341 = arith.constant 0 : i32
          %dma_start3A_342 = tpu.memref_slice %arg9[%dma_start3A_335, %dma_start3A_341] : memref<2x80xi32, #tpu.memory_space<vmem>> -> memref<1x80xi32, #tpu.memory_space<vmem>>
          %dma_start3A_343 = tpu.memref_squeeze %dma_start3A_342 : memref<1x80xi32, #tpu.memory_space<vmem>> -> memref<80xi32, #tpu.memory_space<vmem>>
          %dma_start3A_344 = arith.constant 0 : i32
          %dma_start3A_345 = arith.constant 0 : i32
          %dma_start3A_346 = tpu.memref_slice %arg3[%dma_start3A_344, %dma_start3A_345] : memref<10000x16xf32, #tpu.memory_space<hbm>> -> memref<10000x16xf32, #tpu.memory_space<hbm>>
          tpu.enqueue_indirect_dma source(%dma_start3A_346 : memref<10000x16xf32, #tpu.memory_space<hbm>>) target(%dma_start3A_340 : memref<80x16xf32, #tpu.memory_space<vmem>>) offsets(%dma_start3A_343 : memref<80xi32, #tpu.memory_space<vmem>>) semaphore(%arg18 : memref<!tpu.dma_semaphore, #tpu.memory_space<semaphore_mem>>)
          %dma_start3A_347 = arith.constant 0 : i32
          %dma_start3A_348 = arith.constant 0 : i32
          %dma_start3A_349 = arith.constant 0 : i32
          %dma_start3A_350 = arith.constant 0 : i32
          %dma_start3A_351 = tpu.memref_slice %arg14[%dma_start3A_348, %dma_start3A_349, %dma_start3A_350] : memref<2x80x16xf32, #tpu.memory_space<vmem>> -> memref<1x80x16xf32, #tpu.memory_space<vmem>>
          %dma_start3A_352 = tpu.memref_squeeze %dma_start3A_351 : memref<1x80x16xf32, #tpu.memory_space<vmem>> -> memref<80x16xf32, #tpu.memory_space<vmem>>
          %dma_start3A_353 = arith.constant 0 : i32
          %dma_start3A_354 = tpu.memref_slice %arg10[%dma_start3A_347, %dma_start3A_353] : memref<2x80xi32, #tpu.memory_space<vmem>> -> memref<1x80xi32, #tpu.memory_space<vmem>>
          %dma_start3A_355 = tpu.memref_squeeze %dma_start3A_354 : memref<1x80xi32, #tpu.memory_space<vmem>> -> memref<80xi32, #tpu.memory_space<vmem>>
          %dma_start3A_356 = arith.constant 0 : i32
          %dma_start3A_357 = arith.constant 0 : i32
          %dma_start3A_358 = tpu.memref_slice %arg3[%dma_start3A_356, %dma_start3A_357] : memref<10000x16xf32, #tpu.memory_space<hbm>> -> memref<10000x16xf32, #tpu.memory_space<hbm>>
          tpu.enqueue_indirect_dma source(%dma_start3A_358 : memref<10000x16xf32, #tpu.memory_space<hbm>>) target(%dma_start3A_352 : memref<80x16xf32, #tpu.memory_space<vmem>>) offsets(%dma_start3A_355 : memref<80xi32, #tpu.memory_space<vmem>>) semaphore(%arg18 : memref<!tpu.dma_semaphore, #tpu.memory_space<semaphore_mem>>)
        } else {
        }
        %add3A_240 = arith.constant 2 : i32
        %add3A_241 = arith.addi %scan3A_165, %add3A_240 : i32
        %lt3A_242 = arith.constant 75 : i32
        %lt3A_243 = arith.cmpi slt, %add3A_241, %lt3A_242 : i32
        %convert_element_type3A_244 = arith.extui %lt3A_243 : i1 to i32
        %cond3A_245 = arith.constant 0 : i32
        %cond3A_246 = arith.cmpi ne, %convert_element_type3A_244, %cond3A_245 : i32
        scf.if %cond3A_246 {
          %add3A_289 = arith.constant 2 : i32
          %add3A_290 = arith.addi %scan3A_165, %add3A_289 : i32
          %add3A_291 = arith.constant 0 : i32
          %add3A_292 = arith.addi %add3A_291, %mul3A_2 : i32
          %mul3A_293 = arith.constant 80 : i32
          %mul3A_294 = arith.muli %add3A_290, %mul3A_293 : i32
          %add3A_295 = arith.addi %add3A_292, %mul3A_294 : i32
          %dma_start3A_296 = arith.constant 1 : i32
          %dma_start3A_297 = arith.constant 0 : i32
          %dma_start3A_298 = tpu.memref_slice %arg9[%dma_start3A_296, %dma_start3A_297] : memref<2x80xi32, #tpu.memory_space<vmem>> -> memref<1x80xi32, #tpu.memory_space<vmem>>
          %dma_start3A_299 = tpu.memref_squeeze %dma_start3A_298 : memref<1x80xi32, #tpu.memory_space<vmem>> -> memref<80xi32, #tpu.memory_space<vmem>>
          %dma_start3A_300 = tpu.memref_slice %arg4[%add3A_295] : memref<320000xi32, #tpu.memory_space<hbm>> -> memref<80xi32, #tpu.memory_space<hbm>>
          %dma_start3A_301 = arith.constant 0 : i32
          %dma_start3A_302 = tpu.memref_slice %arg9[%dma_start3A_296, %dma_start3A_301] : memref<2x80xi32, #tpu.memory_space<vmem>> -> memref<1x80xi32, #tpu.memory_space<vmem>>
          %dma_start3A_303 = tpu.memref_squeeze %dma_start3A_302 : memref<1x80xi32, #tpu.memory_space<vmem>> -> memref<80xi32, #tpu.memory_space<vmem>>
          %dma_start3A_304 = tpu.memref_slice %arg4[%add3A_295] : memref<320000xi32, #tpu.memory_space<hbm>> -> memref<80xi32, #tpu.memory_space<hbm>>
          tpu.enqueue_dma source(%dma_start3A_304 : memref<80xi32, #tpu.memory_space<hbm>>) target(%dma_start3A_303 : memref<80xi32, #tpu.memory_space<vmem>>) target_semaphore(%arg17 : memref<!tpu.dma_semaphore, #tpu.memory_space<semaphore_mem>>)
          %dma_start3A_305 = arith.constant 1 : i32
          %dma_start3A_306 = arith.constant 0 : i32
          %dma_start3A_307 = tpu.memref_slice %arg10[%dma_start3A_305, %dma_start3A_306] : memref<2x80xi32, #tpu.memory_space<vmem>> -> memref<1x80xi32, #tpu.memory_space<vmem>>
          %dma_start3A_308 = tpu.memref_squeeze %dma_start3A_307 : memref<1x80xi32, #tpu.memory_space<vmem>> -> memref<80xi32, #tpu.memory_space<vmem>>
          %dma_start3A_309 = tpu.memref_slice %arg5[%add3A_295] : memref<320000xi32, #tpu.memory_space<hbm>> -> memref<80xi32, #tpu.memory_space<hbm>>
          %dma_start3A_310 = arith.constant 0 : i32
          %dma_start3A_311 = tpu.memref_slice %arg10[%dma_start3A_305, %dma_start3A_310] : memref<2x80xi32, #tpu.memory_space<vmem>> -> memref<1x80xi32, #tpu.memory_space<vmem>>
          %dma_start3A_312 = tpu.memref_squeeze %dma_start3A_311 : memref<1x80xi32, #tpu.memory_space<vmem>> -> memref<80xi32, #tpu.memory_space<vmem>>
          %dma_start3A_313 = tpu.memref_slice %arg5[%add3A_295] : memref<320000xi32, #tpu.memory_space<hbm>> -> memref<80xi32, #tpu.memory_space<hbm>>
          tpu.enqueue_dma source(%dma_start3A_313 : memref<80xi32, #tpu.memory_space<hbm>>) target(%dma_start3A_312 : memref<80xi32, #tpu.memory_space<vmem>>) target_semaphore(%arg17 : memref<!tpu.dma_semaphore, #tpu.memory_space<semaphore_mem>>)
        } else {
        }
        %mul3A_247 = arith.constant 80 : i32
        %mul3A_248 = arith.muli %scan3A_165, %mul3A_247 : i32
        %add3A_249 = arith.addi %mul3A_2, %mul3A_248 : i32
        %dma_start3A_250 = arith.constant 1 : i32
        %dma_start3A_251 = arith.constant 0 : i32
        %dma_start3A_252 = arith.constant 0 : i32
        %dma_start3A_253 = tpu.memref_slice %arg11[%dma_start3A_250, %dma_start3A_251, %dma_start3A_252] : memref<2x80x128xf32, #tpu.memory_space<vmem>> -> memref<1x80x128xf32, #tpu.memory_space<vmem>>
        %dma_start3A_254 = tpu.memref_squeeze %dma_start3A_253 : memref<1x80x128xf32, #tpu.memory_space<vmem>> -> memref<80x128xf32, #tpu.memory_space<vmem>>
        %dma_start3A_255 = arith.constant 0 : i32
        %dma_start3A_256 = tpu.memref_slice %arg6[%add3A_249, %dma_start3A_255] : memref<192000x128xf32, #tpu.memory_space<hbm>> -> memref<80x128xf32, #tpu.memory_space<hbm>>
        %dma_start3A_257 = arith.constant 0 : i32
        %dma_start3A_258 = tpu.memref_slice %arg6[%add3A_249, %dma_start3A_257] : memref<192000x128xf32, #tpu.memory_space<hbm>> -> memref<80x128xf32, #tpu.memory_space<hbm>>
        %dma_start3A_259 = arith.constant 0 : i32
        %dma_start3A_260 = arith.constant 0 : i32
        %dma_start3A_261 = tpu.memref_slice %arg11[%dma_start3A_250, %dma_start3A_259, %dma_start3A_260] : memref<2x80x128xf32, #tpu.memory_space<vmem>> -> memref<1x80x128xf32, #tpu.memory_space<vmem>>
        %dma_start3A_262 = tpu.memref_squeeze %dma_start3A_261 : memref<1x80x128xf32, #tpu.memory_space<vmem>> -> memref<80x128xf32, #tpu.memory_space<vmem>>
        tpu.enqueue_dma source(%dma_start3A_262 : memref<80x128xf32, #tpu.memory_space<vmem>>) target(%dma_start3A_258 : memref<80x128xf32, #tpu.memory_space<hbm>>) target_semaphore(%arg21 : memref<!tpu.dma_semaphore, #tpu.memory_space<semaphore_mem>>)
        %dma_start3A_263 = arith.constant 1 : i32
        %dma_start3A_264 = arith.constant 0 : i32
        %dma_start3A_265 = arith.constant 0 : i32
        %dma_start3A_266 = tpu.memref_slice %arg12[%dma_start3A_263, %dma_start3A_264, %dma_start3A_265] : memref<2x80x128xf32, #tpu.memory_space<vmem>> -> memref<1x80x128xf32, #tpu.memory_space<vmem>>
        %dma_start3A_267 = tpu.memref_squeeze %dma_start3A_266 : memref<1x80x128xf32, #tpu.memory_space<vmem>> -> memref<80x128xf32, #tpu.memory_space<vmem>>
        %dma_start3A_268 = arith.constant 0 : i32
        %dma_start3A_269 = tpu.memref_slice %arg7[%add3A_249, %dma_start3A_268] : memref<192000x128xf32, #tpu.memory_space<hbm>> -> memref<80x128xf32, #tpu.memory_space<hbm>>
        %dma_start3A_270 = arith.constant 0 : i32
        %dma_start3A_271 = tpu.memref_slice %arg7[%add3A_249, %dma_start3A_270] : memref<192000x128xf32, #tpu.memory_space<hbm>> -> memref<80x128xf32, #tpu.memory_space<hbm>>
        %dma_start3A_272 = arith.constant 0 : i32
        %dma_start3A_273 = arith.constant 0 : i32
        %dma_start3A_274 = tpu.memref_slice %arg12[%dma_start3A_263, %dma_start3A_272, %dma_start3A_273] : memref<2x80x128xf32, #tpu.memory_space<vmem>> -> memref<1x80x128xf32, #tpu.memory_space<vmem>>
        %dma_start3A_275 = tpu.memref_squeeze %dma_start3A_274 : memref<1x80x128xf32, #tpu.memory_space<vmem>> -> memref<80x128xf32, #tpu.memory_space<vmem>>
        tpu.enqueue_dma source(%dma_start3A_275 : memref<80x128xf32, #tpu.memory_space<vmem>>) target(%dma_start3A_271 : memref<80x128xf32, #tpu.memory_space<hbm>>) target_semaphore(%arg21 : memref<!tpu.dma_semaphore, #tpu.memory_space<semaphore_mem>>)
        %dma_start3A_276 = arith.constant 1 : i32
        %dma_start3A_277 = arith.constant 0 : i32
        %dma_start3A_278 = arith.constant 0 : i32
        %dma_start3A_279 = tpu.memref_slice %arg15[%dma_start3A_276, %dma_start3A_277, %dma_start3A_278] : memref<2x80x128xf32, #tpu.memory_space<vmem>> -> memref<1x80x128xf32, #tpu.memory_space<vmem>>
        %dma_start3A_280 = tpu.memref_squeeze %dma_start3A_279 : memref<1x80x128xf32, #tpu.memory_space<vmem>> -> memref<80x128xf32, #tpu.memory_space<vmem>>
        %dma_start3A_281 = arith.constant 0 : i32
        %dma_start3A_282 = tpu.memref_slice %arg8[%add3A_249, %dma_start3A_281] : memref<192000x128xf32, #tpu.memory_space<hbm>> -> memref<80x128xf32, #tpu.memory_space<hbm>>
        %dma_start3A_283 = arith.constant 0 : i32
        %dma_start3A_284 = tpu.memref_slice %arg8[%add3A_249, %dma_start3A_283] : memref<192000x128xf32, #tpu.memory_space<hbm>> -> memref<80x128xf32, #tpu.memory_space<hbm>>
        %dma_start3A_285 = arith.constant 0 : i32
        %dma_start3A_286 = arith.constant 0 : i32
        %dma_start3A_287 = tpu.memref_slice %arg15[%dma_start3A_276, %dma_start3A_285, %dma_start3A_286] : memref<2x80x128xf32, #tpu.memory_space<vmem>> -> memref<1x80x128xf32, #tpu.memory_space<vmem>>
        %dma_start3A_288 = tpu.memref_squeeze %dma_start3A_287 : memref<1x80x128xf32, #tpu.memory_space<vmem>> -> memref<80x128xf32, #tpu.memory_space<vmem>>
        tpu.enqueue_dma source(%dma_start3A_288 : memref<80x128xf32, #tpu.memory_space<vmem>>) target(%dma_start3A_284 : memref<80x128xf32, #tpu.memory_space<hbm>>) target_semaphore(%arg21 : memref<!tpu.dma_semaphore, #tpu.memory_space<semaphore_mem>>)
      } else {
      }
    }
    %scan3A_119 = arith.constant 75 : i32
    %dma_wait3A_120 = arith.constant 0 : i32
    %dma_wait3A_121 = arith.constant 0 : i32
    %dma_wait3A_122 = arith.constant 0 : i32
    %dma_wait3A_123 = tpu.memref_slice %arg11[%dma_wait3A_120, %dma_wait3A_121, %dma_wait3A_122] : memref<2x80x128xf32, #tpu.memory_space<vmem>> -> memref<1x80x128xf32, #tpu.memory_space<vmem>>
    %dma_wait3A_124 = tpu.memref_squeeze %dma_wait3A_123 : memref<1x80x128xf32, #tpu.memory_space<vmem>> -> memref<80x128xf32, #tpu.memory_space<vmem>>
    %dma_wait3A_125 = arith.constant 0 : i32
    %dma_wait3A_126 = arith.constant 0 : i32
    %dma_wait3A_127 = tpu.memref_slice %arg6[%dma_wait3A_125, %dma_wait3A_126] : memref<192000x128xf32, #tpu.memory_space<hbm>> -> memref<80x128xf32, #tpu.memory_space<hbm>>
    %dma_wait3A_128 = arith.constant 0 : i32
    %dma_wait3A_129 = arith.constant 0 : i32
    %dma_wait3A_130 = tpu.memref_slice %arg6[%dma_wait3A_128, %dma_wait3A_129] : memref<192000x128xf32, #tpu.memory_space<hbm>> -> memref<80x128xf32, #tpu.memory_space<hbm>>
    %dma_wait3A_131 = arith.constant 0 : i32
    %dma_wait3A_132 = arith.constant 0 : i32
    %dma_wait3A_133 = tpu.memref_slice %arg11[%dma_wait3A_120, %dma_wait3A_131, %dma_wait3A_132] : memref<2x80x128xf32, #tpu.memory_space<vmem>> -> memref<1x80x128xf32, #tpu.memory_space<vmem>>
    %dma_wait3A_134 = tpu.memref_squeeze %dma_wait3A_133 : memref<1x80x128xf32, #tpu.memory_space<vmem>> -> memref<80x128xf32, #tpu.memory_space<vmem>>
    tpu.wait_dma2 semaphore(%arg20 : memref<!tpu.dma_semaphore, #tpu.memory_space<semaphore_mem>>) src(%dma_wait3A_134 : memref<80x128xf32, #tpu.memory_space<vmem>>) dst(%dma_wait3A_130 : memref<80x128xf32, #tpu.memory_space<hbm>>)
    %dma_wait3A_135 = arith.constant 0 : i32
    %dma_wait3A_136 = arith.constant 0 : i32
    %dma_wait3A_137 = arith.constant 0 : i32
    %dma_wait3A_138 = tpu.memref_slice %arg12[%dma_wait3A_135, %dma_wait3A_136, %dma_wait3A_137] : memref<2x80x128xf32, #tpu.memory_space<vmem>> -> memref<1x80x128xf32, #tpu.memory_space<vmem>>
    %dma_wait3A_139 = tpu.memref_squeeze %dma_wait3A_138 : memref<1x80x128xf32, #tpu.memory_space<vmem>> -> memref<80x128xf32, #tpu.memory_space<vmem>>
    %dma_wait3A_140 = arith.constant 0 : i32
    %dma_wait3A_141 = arith.constant 0 : i32
    %dma_wait3A_142 = tpu.memref_slice %arg7[%dma_wait3A_140, %dma_wait3A_141] : memref<192000x128xf32, #tpu.memory_space<hbm>> -> memref<80x128xf32, #tpu.memory_space<hbm>>
    %dma_wait3A_143 = arith.constant 0 : i32
    %dma_wait3A_144 = arith.constant 0 : i32
    %dma_wait3A_145 = tpu.memref_slice %arg7[%dma_wait3A_143, %dma_wait3A_144] : memref<192000x128xf32, #tpu.memory_space<hbm>> -> memref<80x128xf32, #tpu.memory_space<hbm>>
    %dma_wait3A_146 = arith.constant 0 : i32
    %dma_wait3A_147 = arith.constant 0 : i32
    %dma_wait3A_148 = tpu.memref_slice %arg12[%dma_wait3A_135, %dma_wait3A_146, %dma_wait3A_147] : memref<2x80x128xf32, #tpu.memory_space<vmem>> -> memref<1x80x128xf32, #tpu.memory_space<vmem>>
    %dma_wait3A_149 = tpu.memref_squeeze %dma_wait3A_148 : memref<1x80x128xf32, #tpu.memory_space<vmem>> -> memref<80x128xf32, #tpu.memory_space<vmem>>
    tpu.wait_dma2 semaphore(%arg20 : memref<!tpu.dma_semaphore, #tpu.memory_space<semaphore_mem>>) src(%dma_wait3A_149 : memref<80x128xf32, #tpu.memory_space<vmem>>) dst(%dma_wait3A_145 : memref<80x128xf32, #tpu.memory_space<hbm>>)
    %dma_wait3A_150 = arith.constant 0 : i32
    %dma_wait3A_151 = arith.constant 0 : i32
    %dma_wait3A_152 = arith.constant 0 : i32
    %dma_wait3A_153 = tpu.memref_slice %arg15[%dma_wait3A_150, %dma_wait3A_151, %dma_wait3A_152] : memref<2x80x128xf32, #tpu.memory_space<vmem>> -> memref<1x80x128xf32, #tpu.memory_space<vmem>>
    %dma_wait3A_154 = tpu.memref_squeeze %dma_wait3A_153 : memref<1x80x128xf32, #tpu.memory_space<vmem>> -> memref<80x128xf32, #tpu.memory_space<vmem>>
    %dma_wait3A_155 = arith.constant 0 : i32
    %dma_wait3A_156 = arith.constant 0 : i32
    %dma_wait3A_157 = tpu.memref_slice %arg8[%dma_wait3A_155, %dma_wait3A_156] : memref<192000x128xf32, #tpu.memory_space<hbm>> -> memref<80x128xf32, #tpu.memory_space<hbm>>
    %dma_wait3A_158 = arith.constant 0 : i32
    %dma_wait3A_159 = arith.constant 0 : i32
    %dma_wait3A_160 = tpu.memref_slice %arg8[%dma_wait3A_158, %dma_wait3A_159] : memref<192000x128xf32, #tpu.memory_space<hbm>> -> memref<80x128xf32, #tpu.memory_space<hbm>>
    %dma_wait3A_161 = arith.constant 0 : i32
    %dma_wait3A_162 = arith.constant 0 : i32
    %dma_wait3A_163 = tpu.memref_slice %arg15[%dma_wait3A_150, %dma_wait3A_161, %dma_wait3A_162] : memref<2x80x128xf32, #tpu.memory_space<vmem>> -> memref<1x80x128xf32, #tpu.memory_space<vmem>>
    %dma_wait3A_164 = tpu.memref_squeeze %dma_wait3A_163 : memref<1x80x128xf32, #tpu.memory_space<vmem>> -> memref<80x128xf32, #tpu.memory_space<vmem>>
    tpu.wait_dma2 semaphore(%arg20 : memref<!tpu.dma_semaphore, #tpu.memory_space<semaphore_mem>>) src(%dma_wait3A_164 : memref<80x128xf32, #tpu.memory_space<vmem>>) dst(%dma_wait3A_160 : memref<80x128xf32, #tpu.memory_space<hbm>>)
    return
  }
}

#map = affine_map<(d0, d1) -> (0, 0)>
#map1 = affine_map<(d0, d1) -> (0)>
#map2 = affine_map<(d0, d1) -> (0, 0, 0)>
module attributes {stable_mosaic.version = 14 : i64} {
  func.func @_scatter_body(%arg0: i32, %arg1: i32, %arg2: memref<192000x128xf32, #tpu.memory_space<hbm>>, %arg3: memref<320000xi32, #tpu.memory_space<hbm>>, %arg4: memref<1536000xf32, #tpu.memory_space<hbm>>, %arg5: memref<625x144xf32, #tpu.memory_space<hbm>>, %arg6: memref<2x10000x144xf32, #tpu.memory_space<hbm>>, %arg7: memref<2x80xi32, #tpu.memory_space<vmem>>, %arg8: memref<2x80x128xf32, #tpu.memory_space<vmem>>, %arg9: memref<2x656xf32, #tpu.memory_space<vmem>>, %arg10: memref<80x144xf32, #tpu.memory_space<vmem>>, %arg11: memref<10000x144xf32, #tpu.memory_space<vmem_shared>>, %arg12: memref<!tpu.dma_semaphore, #tpu.memory_space<semaphore_mem>>, %arg13: memref<!tpu.dma_semaphore, #tpu.memory_space<semaphore_mem>>, %arg14: memref<!tpu.dma_semaphore, #tpu.memory_space<semaphore_mem>>) attributes {dimension_semantics = [#tpu.dimension_semantics<core_parallel>, #tpu.dimension_semantics<subcore_parallel>], iteration_bounds = array<i64: 2, 16>, scalar_prefetch = 0 : i64, scratch_operands = 8 : i64, tpu.core_type = #tpu.core_type<sc_vector_subcore>, window_params = [{transform_indices = #map}, {transform_indices = #map1}, {transform_indices = #map1}, {transform_indices = #map}, {transform_indices = #map2}]} {
    %mul3A = arith.constant 2 : i32
    %mul3A_0 = arith.muli %arg1, %mul3A : i32
    %add3A = arith.addi %mul3A_0, %arg0 : i32
    %mul3A_1 = arith.constant 625 : i32
    %mul3A_2 = arith.muli %arg1, %mul3A_1 : i32
    "tpu.region"() ({
      %run_scoped3A = tpu.sem_alloc : memref<!tpu.dma_semaphore, #tpu.memory_space<semaphore_mem>>
      %dma_start3A_75 = arith.constant 0 : i32
      %dma_start3A_76 = tpu.memref_slice %arg11[%mul3A_2, %dma_start3A_75] : memref<10000x144xf32, #tpu.memory_space<vmem_shared>> -> memref<625x144xf32, #tpu.memory_space<vmem_shared>>
      tpu.enqueue_dma source(%arg5 : memref<625x144xf32, #tpu.memory_space<hbm>>) target(%dma_start3A_76 : memref<625x144xf32, #tpu.memory_space<vmem_shared>>) target_semaphore(%run_scoped3A : memref<!tpu.dma_semaphore, #tpu.memory_space<semaphore_mem>>)
      %dma_wait3A_77 = arith.constant 0 : i32
      %dma_wait3A_78 = tpu.memref_slice %arg11[%mul3A_2, %dma_wait3A_77] : memref<10000x144xf32, #tpu.memory_space<vmem_shared>> -> memref<625x144xf32, #tpu.memory_space<vmem_shared>>
      tpu.wait_dma2 semaphore(%run_scoped3A : memref<!tpu.dma_semaphore, #tpu.memory_space<semaphore_mem>>) src(%arg5 : memref<625x144xf32, #tpu.memory_space<hbm>>) dst(%dma_wait3A_78 : memref<625x144xf32, #tpu.memory_space<vmem_shared>>)
      tpu.yield
    }) : () -> ()
    %broadcast_in_dim3A = arith.constant 0.000000e+00 : f32
    %broadcast_in_dim3A_3 = vector.broadcast %broadcast_in_dim3A : f32 to vector<16xf32>
    %swap3A = arith.constant 0 : i32
    %swap3A_4 = arith.index_cast %swap3A : i32 to index
    %swap3A_5 = arith.constant 640 : index
    %swap3A_6 = tpu.vector_load %arg9[%swap3A_4, %swap3A_5] {strides = array<i32>} : memref<2x656xf32, #tpu.memory_space<vmem>>, vector<1x16xf32>,
    %swap3A_7 = vector.shape_cast %swap3A_6 : vector<1x16xf32> to vector<16xf32>
    %swap3A_8 = vector.shape_cast %broadcast_in_dim3A_3 : vector<16xf32> to vector<1x16xf32>
    tpu.vector_store %arg9[%swap3A_4, %swap3A_5], %swap3A_8 {strides = array<i32>} : memref<2x656xf32, #tpu.memory_space<vmem>>, vector<1x16xf32>,
    %broadcast_in_dim3A_9 = arith.constant 0.000000e+00 : f32
    %broadcast_in_dim3A_10 = vector.broadcast %broadcast_in_dim3A_9 : f32 to vector<16xf32>
    %swap3A_11 = arith.constant 1 : i32
    %swap3A_12 = arith.index_cast %swap3A_11 : i32 to index
    %swap3A_13 = arith.constant 640 : index
    %swap3A_14 = tpu.vector_load %arg9[%swap3A_12, %swap3A_13] {strides = array<i32>} : memref<2x656xf32, #tpu.memory_space<vmem>>, vector<1x16xf32>,
    %swap3A_15 = vector.shape_cast %swap3A_14 : vector<1x16xf32> to vector<16xf32>
    %swap3A_16 = vector.shape_cast %broadcast_in_dim3A_10 : vector<16xf32> to vector<1x16xf32>
    tpu.vector_store %arg9[%swap3A_12, %swap3A_13], %swap3A_16 {strides = array<i32>} : memref<2x656xf32, #tpu.memory_space<vmem>>, vector<1x16xf32>,
    %barrier3A = arith.constant 0 : index
    tpu.barrier barrier_id(%barrier3A)
    %mul3A_17 = arith.constant 6000 : i32
    %mul3A_18 = arith.muli %add3A, %mul3A_17 : i32
    %add3A_19 = arith.constant 0 : i32
    %add3A_20 = arith.addi %mul3A_18, %add3A_19 : i32
    %add3A_21 = arith.constant 0 : i32
    %add3A_22 = arith.addi %add3A_21, %add3A_20 : i32
    %dma_start3A = arith.constant 0 : i32
    %dma_start3A_23 = arith.constant 0 : i32
    %dma_start3A_24 = tpu.memref_slice %arg7[%dma_start3A, %dma_start3A_23] : memref<2x80xi32, #tpu.memory_space<vmem>> -> memref<1x80xi32, #tpu.memory_space<vmem>>
    %dma_start3A_25 = tpu.memref_squeeze %dma_start3A_24 : memref<1x80xi32, #tpu.memory_space<vmem>> -> memref<80xi32, #tpu.memory_space<vmem>>
    %dma_start3A_26 = tpu.memref_slice %arg3[%add3A_22] : memref<320000xi32, #tpu.memory_space<hbm>> -> memref<80xi32, #tpu.memory_space<hbm>>
    %dma_start3A_27 = arith.constant 0 : i32
    %dma_start3A_28 = tpu.memref_slice %arg7[%dma_start3A, %dma_start3A_27] : memref<2x80xi32, #tpu.memory_space<vmem>> -> memref<1x80xi32, #tpu.memory_space<vmem>>
    %dma_start3A_29 = tpu.memref_squeeze %dma_start3A_28 : memref<1x80xi32, #tpu.memory_space<vmem>> -> memref<80xi32, #tpu.memory_space<vmem>>
    %dma_start3A_30 = tpu.memref_slice %arg3[%add3A_22] : memref<320000xi32, #tpu.memory_space<hbm>> -> memref<80xi32, #tpu.memory_space<hbm>>
    tpu.enqueue_dma source(%dma_start3A_30 : memref<80xi32, #tpu.memory_space<hbm>>) target(%dma_start3A_29 : memref<80xi32, #tpu.memory_space<vmem>>) target_semaphore(%arg12 : memref<!tpu.dma_semaphore, #tpu.memory_space<semaphore_mem>>)
    %dma_start3A_31 = arith.constant 0 : i32
    %dma_start3A_32 = arith.constant 0 : i32
    %dma_start3A_33 = arith.constant 0 : i32
    %dma_start3A_34 = tpu.memref_slice %arg8[%dma_start3A_31, %dma_start3A_32, %dma_start3A_33] : memref<2x80x128xf32, #tpu.memory_space<vmem>> -> memref<1x80x128xf32, #tpu.memory_space<vmem>>
    %dma_start3A_35 = tpu.memref_squeeze %dma_start3A_34 : memref<1x80x128xf32, #tpu.memory_space<vmem>> -> memref<80x128xf32, #tpu.memory_space<vmem>>
    %dma_start3A_36 = arith.constant 0 : i32
    %dma_start3A_37 = tpu.memref_slice %arg2[%add3A_20, %dma_start3A_36] : memref<192000x128xf32, #tpu.memory_space<hbm>> -> memref<80x128xf32, #tpu.memory_space<hbm>>
    %dma_start3A_38 = arith.constant 0 : i32
    %dma_start3A_39 = arith.constant 0 : i32
    %dma_start3A_40 = tpu.memref_slice %arg8[%dma_start3A_31, %dma_start3A_38, %dma_start3A_39] : memref<2x80x128xf32, #tpu.memory_space<vmem>> -> memref<1x80x128xf32, #tpu.memory_space<vmem>>
    %dma_start3A_41 = tpu.memref_squeeze %dma_start3A_40 : memref<1x80x128xf32, #tpu.memory_space<vmem>> -> memref<80x128xf32, #tpu.memory_space<vmem>>
    %dma_start3A_42 = arith.constant 0 : i32
    %dma_start3A_43 = tpu.memref_slice %arg2[%add3A_20, %dma_start3A_42] : memref<192000x128xf32, #tpu.memory_space<hbm>> -> memref<80x128xf32, #tpu.memory_space<hbm>>
    tpu.enqueue_dma source(%dma_start3A_43 : memref<80x128xf32, #tpu.memory_space<hbm>>) target(%dma_start3A_41 : memref<80x128xf32, #tpu.memory_space<vmem>>) target_semaphore(%arg12 : memref<!tpu.dma_semaphore, #tpu.memory_space<semaphore_mem>>)
    %mul3A_44 = arith.constant 8 : i32
    %mul3A_45 = arith.muli %add3A_20, %mul3A_44 : i32
    %dma_start3A_46 = arith.constant 0 : i32
    %dma_start3A_47 = arith.constant 0 : i32
    %dma_start3A_48 = tpu.memref_slice %arg9[%dma_start3A_46, %dma_start3A_47] : memref<2x656xf32, #tpu.memory_space<vmem>> -> memref<1x656xf32, #tpu.memory_space<vmem>>
    %dma_start3A_49 = tpu.memref_squeeze %dma_start3A_48 : memref<1x656xf32, #tpu.memory_space<vmem>> -> memref<656xf32, #tpu.memory_space<vmem>>
    %dma_start3A_50 = arith.constant 0 : i32
    %dma_start3A_51 = tpu.memref_slice %dma_start3A_49[%dma_start3A_50] : memref<656xf32, #tpu.memory_space<vmem>> -> memref<640xf32, #tpu.memory_space<vmem>>
    %dma_start3A_52 = tpu.memref_slice %arg4[%mul3A_45] : memref<1536000xf32, #tpu.memory_space<hbm>> -> memref<640xf32, #tpu.memory_space<hbm>>
    %dma_start3A_53 = arith.constant 0 : i32
    %dma_start3A_54 = tpu.memref_slice %arg9[%dma_start3A_46, %dma_start3A_53] : memref<2x656xf32, #tpu.memory_space<vmem>> -> memref<1x656xf32, #tpu.memory_space<vmem>>
    %dma_start3A_55 = tpu.memref_squeeze %dma_start3A_54 : memref<1x656xf32, #tpu.memory_space<vmem>> -> memref<656xf32, #tpu.memory_space<vmem>>
    %dma_start3A_56 = arith.constant 0 : i32
    %dma_start3A_57 = tpu.memref_slice %dma_start3A_55[%dma_start3A_56] : memref<656xf32, #tpu.memory_space<vmem>> -> memref<640xf32, #tpu.memory_space<vmem>>
    %dma_start3A_58 = tpu.memref_slice %arg4[%mul3A_45] : memref<1536000xf32, #tpu.memory_space<hbm>> -> memref<640xf32, #tpu.memory_space<hbm>>
    tpu.enqueue_dma source(%dma_start3A_58 : memref<640xf32, #tpu.memory_space<hbm>>) target(%dma_start3A_57 : memref<640xf32, #tpu.memory_space<vmem>>) target_semaphore(%arg12 : memref<!tpu.dma_semaphore, #tpu.memory_space<semaphore_mem>>)
    %scan3A = arith.constant 0 : i32
    %scan3A_59 = arith.constant 0 : i32
    %scan3A_60 = arith.constant 75 : i32
    %scan3A_61 = arith.addi %scan3A_59, %scan3A_60 : i32
    %scan3A_62 = arith.constant 1 : i32
    scf.for %scan3A_75 = %scan3A_59 to %scan3A_61 step %scan3A_62  : i32 {
      %rem3A = arith.constant 2 : i32
      %rem3A_76 = arith.remsi %scan3A_75, %rem3A : i32
      %eq3A = arith.constant 0 : i32
      %eq3A_77 = arith.cmpi eq, %rem3A_76, %eq3A : i32
      %convert_element_type3A = arith.extui %eq3A_77 : i1 to i32
      %cond3A = arith.constant 0 : i32
      %cond3A_78 = arith.cmpi ne, %convert_element_type3A, %cond3A : i32
      scf.if %cond3A_78 {
        %dma_wait3A_86 = arith.constant 0 : i32
        %dma_wait3A_87 = arith.constant 0 : i32
        %dma_wait3A_88 = tpu.memref_slice %arg7[%dma_wait3A_86, %dma_wait3A_87] : memref<2x80xi32, #tpu.memory_space<vmem>> -> memref<1x80xi32, #tpu.memory_space<vmem>>
        %dma_wait3A_89 = tpu.memref_squeeze %dma_wait3A_88 : memref<1x80xi32, #tpu.memory_space<vmem>> -> memref<80xi32, #tpu.memory_space<vmem>>
        %dma_wait3A_90 = arith.constant 0 : i32
        %dma_wait3A_91 = tpu.memref_slice %arg3[%dma_wait3A_90] : memref<320000xi32, #tpu.memory_space<hbm>> -> memref<80xi32, #tpu.memory_space<hbm>>
        %dma_wait3A_92 = arith.constant 0 : i32
        %dma_wait3A_93 = tpu.memref_slice %arg7[%dma_wait3A_86, %dma_wait3A_92] : memref<2x80xi32, #tpu.memory_space<vmem>> -> memref<1x80xi32, #tpu.memory_space<vmem>>
        %dma_wait3A_94 = tpu.memref_squeeze %dma_wait3A_93 : memref<1x80xi32, #tpu.memory_space<vmem>> -> memref<80xi32, #tpu.memory_space<vmem>>
        %dma_wait3A_95 = arith.constant 0 : i32
        %dma_wait3A_96 = tpu.memref_slice %arg3[%dma_wait3A_95] : memref<320000xi32, #tpu.memory_space<hbm>> -> memref<80xi32, #tpu.memory_space<hbm>>
        tpu.wait_dma2 semaphore(%arg12 : memref<!tpu.dma_semaphore, #tpu.memory_space<semaphore_mem>>) src(%dma_wait3A_96 : memref<80xi32, #tpu.memory_space<hbm>>) dst(%dma_wait3A_94 : memref<80xi32, #tpu.memory_space<vmem>>)
        %dma_wait3A_97 = arith.constant 0 : i32
        %dma_wait3A_98 = arith.constant 0 : i32
        %dma_wait3A_99 = arith.constant 0 : i32
        %dma_wait3A_100 = tpu.memref_slice %arg8[%dma_wait3A_97, %dma_wait3A_98, %dma_wait3A_99] : memref<2x80x128xf32, #tpu.memory_space<vmem>> -> memref<1x80x128xf32, #tpu.memory_space<vmem>>
        %dma_wait3A_101 = tpu.memref_squeeze %dma_wait3A_100 : memref<1x80x128xf32, #tpu.memory_space<vmem>> -> memref<80x128xf32, #tpu.memory_space<vmem>>
        %dma_wait3A_102 = arith.constant 0 : i32
        %dma_wait3A_103 = arith.constant 0 : i32
        %dma_wait3A_104 = tpu.memref_slice %arg2[%dma_wait3A_102, %dma_wait3A_103] : memref<192000x128xf32, #tpu.memory_space<hbm>> -> memref<80x128xf32, #tpu.memory_space<hbm>>
        %dma_wait3A_105 = arith.constant 0 : i32
        %dma_wait3A_106 = arith.constant 0 : i32
        %dma_wait3A_107 = tpu.memref_slice %arg8[%dma_wait3A_97, %dma_wait3A_105, %dma_wait3A_106] : memref<2x80x128xf32, #tpu.memory_space<vmem>> -> memref<1x80x128xf32, #tpu.memory_space<vmem>>
        %dma_wait3A_108 = tpu.memref_squeeze %dma_wait3A_107 : memref<1x80x128xf32, #tpu.memory_space<vmem>> -> memref<80x128xf32, #tpu.memory_space<vmem>>
        %dma_wait3A_109 = arith.constant 0 : i32
        %dma_wait3A_110 = arith.constant 0 : i32
        %dma_wait3A_111 = tpu.memref_slice %arg2[%dma_wait3A_109, %dma_wait3A_110] : memref<192000x128xf32, #tpu.memory_space<hbm>> -> memref<80x128xf32, #tpu.memory_space<hbm>>
        tpu.wait_dma2 semaphore(%arg12 : memref<!tpu.dma_semaphore, #tpu.memory_space<semaphore_mem>>) src(%dma_wait3A_111 : memref<80x128xf32, #tpu.memory_space<hbm>>) dst(%dma_wait3A_108 : memref<80x128xf32, #tpu.memory_space<vmem>>)
        %dma_wait3A_112 = arith.constant 0 : i32
        %dma_wait3A_113 = arith.constant 0 : i32
        %dma_wait3A_114 = tpu.memref_slice %arg9[%dma_wait3A_112, %dma_wait3A_113] : memref<2x656xf32, #tpu.memory_space<vmem>> -> memref<1x656xf32, #tpu.memory_space<vmem>>
        %dma_wait3A_115 = tpu.memref_squeeze %dma_wait3A_114 : memref<1x656xf32, #tpu.memory_space<vmem>> -> memref<656xf32, #tpu.memory_space<vmem>>
        %dma_wait3A_116 = arith.constant 0 : i32
        %dma_wait3A_117 = tpu.memref_slice %dma_wait3A_115[%dma_wait3A_116] : memref<656xf32, #tpu.memory_space<vmem>> -> memref<640xf32, #tpu.memory_space<vmem>>
        %dma_wait3A_118 = arith.constant 0 : i32
        %dma_wait3A_119 = tpu.memref_slice %arg4[%dma_wait3A_118] : memref<1536000xf32, #tpu.memory_space<hbm>> -> memref<640xf32, #tpu.memory_space<hbm>>
        %dma_wait3A_120 = arith.constant 0 : i32
        %dma_wait3A_121 = tpu.memref_slice %arg9[%dma_wait3A_112, %dma_wait3A_120] : memref<2x656xf32, #tpu.memory_space<vmem>> -> memref<1x656xf32, #tpu.memory_space<vmem>>
        %dma_wait3A_122 = tpu.memref_squeeze %dma_wait3A_121 : memref<1x656xf32, #tpu.memory_space<vmem>> -> memref<656xf32, #tpu.memory_space<vmem>>
        %dma_wait3A_123 = arith.constant 0 : i32
        %dma_wait3A_124 = tpu.memref_slice %dma_wait3A_122[%dma_wait3A_123] : memref<656xf32, #tpu.memory_space<vmem>> -> memref<640xf32, #tpu.memory_space<vmem>>
        %dma_wait3A_125 = arith.constant 0 : i32
        %dma_wait3A_126 = tpu.memref_slice %arg4[%dma_wait3A_125] : memref<1536000xf32, #tpu.memory_space<hbm>> -> memref<640xf32, #tpu.memory_space<hbm>>
        tpu.wait_dma2 semaphore(%arg12 : memref<!tpu.dma_semaphore, #tpu.memory_space<semaphore_mem>>) src(%dma_wait3A_126 : memref<640xf32, #tpu.memory_space<hbm>>) dst(%dma_wait3A_124 : memref<640xf32, #tpu.memory_space<vmem>>)
        %ge3A = arith.constant 1 : i32
        %ge3A_127 = arith.cmpi sge, %scan3A_75, %ge3A : i32
        %convert_element_type3A_128 = arith.extui %ge3A_127 : i1 to i32
        %cond3A_129 = arith.constant 0 : i32
        %cond3A_130 = arith.cmpi ne, %convert_element_type3A_128, %cond3A_129 : i32
        scf.if %cond3A_130 {
          %dma_wait3A_150 = arith.constant 1 : i32
          %dma_wait3A_151 = arith.constant 0 : i32
          %dma_wait3A_152 = tpu.memref_slice %arg7[%dma_wait3A_150, %dma_wait3A_151] : memref<2x80xi32, #tpu.memory_space<vmem>> -> memref<1x80xi32, #tpu.memory_space<vmem>>
          %dma_wait3A_153 = tpu.memref_squeeze %dma_wait3A_152 : memref<1x80xi32, #tpu.memory_space<vmem>> -> memref<80xi32, #tpu.memory_space<vmem>>
          %dma_wait3A_154 = arith.constant 0 : i32
          %dma_wait3A_155 = arith.constant 0 : i32
          %dma_wait3A_156 = tpu.memref_slice %arg11[%dma_wait3A_154, %dma_wait3A_155] : memref<10000x144xf32, #tpu.memory_space<vmem_shared>> -> memref<10000x144xf32, #tpu.memory_space<vmem_shared>>
          tpu.wait_indirect_dma semaphore(%arg14 : memref<!tpu.dma_semaphore, #tpu.memory_space<semaphore_mem>>) src(%arg10 : memref<80x144xf32, #tpu.memory_space<vmem>>) dst(%dma_wait3A_156 : memref<10000x144xf32, #tpu.memory_space<vmem_shared>>)
        } else {
        }
        %add3A_131 = arith.constant 1 : i32
        %add3A_132 = arith.addi %scan3A_75, %add3A_131 : i32
        %lt3A = arith.constant 75 : i32
        %lt3A_133 = arith.cmpi slt, %add3A_132, %lt3A : i32
        %convert_element_type3A_134 = arith.extui %lt3A_133 : i1 to i32
        %cond3A_135 = arith.constant 0 : i32
        %cond3A_136 = arith.cmpi ne, %convert_element_type3A_134, %cond3A_135 : i32
        scf.if %cond3A_136 {
          %add3A_150 = arith.constant 1 : i32
          %add3A_151 = arith.addi %scan3A_75, %add3A_150 : i32
          %mul3A_152 = arith.constant 6000 : i32
          %mul3A_153 = arith.muli %add3A, %mul3A_152 : i32
          %mul3A_154 = arith.constant 80 : i32
          %mul3A_155 = arith.muli %add3A_151, %mul3A_154 : i32
          %add3A_156 = arith.addi %mul3A_153, %mul3A_155 : i32
          %add3A_157 = arith.constant 0 : i32
          %add3A_158 = arith.addi %add3A_157, %add3A_156 : i32
          %dma_start3A_159 = arith.constant 1 : i32
          %dma_start3A_160 = arith.constant 0 : i32
          %dma_start3A_161 = tpu.memref_slice %arg7[%dma_start3A_159, %dma_start3A_160] : memref<2x80xi32, #tpu.memory_space<vmem>> -> memref<1x80xi32, #tpu.memory_space<vmem>>
          %dma_start3A_162 = tpu.memref_squeeze %dma_start3A_161 : memref<1x80xi32, #tpu.memory_space<vmem>> -> memref<80xi32, #tpu.memory_space<vmem>>
          %dma_start3A_163 = tpu.memref_slice %arg3[%add3A_158] : memref<320000xi32, #tpu.memory_space<hbm>> -> memref<80xi32, #tpu.memory_space<hbm>>
          %dma_start3A_164 = arith.constant 0 : i32
          %dma_start3A_165 = tpu.memref_slice %arg7[%dma_start3A_159, %dma_start3A_164] : memref<2x80xi32, #tpu.memory_space<vmem>> -> memref<1x80xi32, #tpu.memory_space<vmem>>
          %dma_start3A_166 = tpu.memref_squeeze %dma_start3A_165 : memref<1x80xi32, #tpu.memory_space<vmem>> -> memref<80xi32, #tpu.memory_space<vmem>>
          %dma_start3A_167 = tpu.memref_slice %arg3[%add3A_158] : memref<320000xi32, #tpu.memory_space<hbm>> -> memref<80xi32, #tpu.memory_space<hbm>>
          tpu.enqueue_dma source(%dma_start3A_167 : memref<80xi32, #tpu.memory_space<hbm>>) target(%dma_start3A_166 : memref<80xi32, #tpu.memory_space<vmem>>) target_semaphore(%arg13 : memref<!tpu.dma_semaphore, #tpu.memory_space<semaphore_mem>>)
          %dma_start3A_168 = arith.constant 1 : i32
          %dma_start3A_169 = arith.constant 0 : i32
          %dma_start3A_170 = arith.constant 0 : i32
          %dma_start3A_171 = tpu.memref_slice %arg8[%dma_start3A_168, %dma_start3A_169, %dma_start3A_170] : memref<2x80x128xf32, #tpu.memory_space<vmem>> -> memref<1x80x128xf32, #tpu.memory_space<vmem>>
          %dma_start3A_172 = tpu.memref_squeeze %dma_start3A_171 : memref<1x80x128xf32, #tpu.memory_space<vmem>> -> memref<80x128xf32, #tpu.memory_space<vmem>>
          %dma_start3A_173 = arith.constant 0 : i32
          %dma_start3A_174 = tpu.memref_slice %arg2[%add3A_156, %dma_start3A_173] : memref<192000x128xf32, #tpu.memory_space<hbm>> -> memref<80x128xf32, #tpu.memory_space<hbm>>
          %dma_start3A_175 = arith.constant 0 : i32
          %dma_start3A_176 = arith.constant 0 : i32
          %dma_start3A_177 = tpu.memref_slice %arg8[%dma_start3A_168, %dma_start3A_175, %dma_start3A_176] : memref<2x80x128xf32, #tpu.memory_space<vmem>> -> memref<1x80x128xf32, #tpu.memory_space<vmem>>
          %dma_start3A_178 = tpu.memref_squeeze %dma_start3A_177 : memref<1x80x128xf32, #tpu.memory_space<vmem>> -> memref<80x128xf32, #tpu.memory_space<vmem>>
          %dma_start3A_179 = arith.constant 0 : i32
          %dma_start3A_180 = tpu.memref_slice %arg2[%add3A_156, %dma_start3A_179] : memref<192000x128xf32, #tpu.memory_space<hbm>> -> memref<80x128xf32, #tpu.memory_space<hbm>>
          tpu.enqueue_dma source(%dma_start3A_180 : memref<80x128xf32, #tpu.memory_space<hbm>>) target(%dma_start3A_178 : memref<80x128xf32, #tpu.memory_space<vmem>>) target_semaphore(%arg13 : memref<!tpu.dma_semaphore, #tpu.memory_space<semaphore_mem>>)
          %mul3A_181 = arith.constant 8 : i32
          %mul3A_182 = arith.muli %add3A_156, %mul3A_181 : i32
          %dma_start3A_183 = arith.constant 1 : i32
          %dma_start3A_184 = arith.constant 0 : i32
          %dma_start3A_185 = tpu.memref_slice %arg9[%dma_start3A_183, %dma_start3A_184] : memref<2x656xf32, #tpu.memory_space<vmem>> -> memref<1x656xf32, #tpu.memory_space<vmem>>
          %dma_start3A_186 = tpu.memref_squeeze %dma_start3A_185 : memref<1x656xf32, #tpu.memory_space<vmem>> -> memref<656xf32, #tpu.memory_space<vmem>>
          %dma_start3A_187 = arith.constant 0 : i32
          %dma_start3A_188 = tpu.memref_slice %dma_start3A_186[%dma_start3A_187] : memref<656xf32, #tpu.memory_space<vmem>> -> memref<640xf32, #tpu.memory_space<vmem>>
          %dma_start3A_189 = tpu.memref_slice %arg4[%mul3A_182] : memref<1536000xf32, #tpu.memory_space<hbm>> -> memref<640xf32, #tpu.memory_space<hbm>>
          %dma_start3A_190 = arith.constant 0 : i32
          %dma_start3A_191 = tpu.memref_slice %arg9[%dma_start3A_183, %dma_start3A_190] : memref<2x656xf32, #tpu.memory_space<vmem>> -> memref<1x656xf32, #tpu.memory_space<vmem>>
          %dma_start3A_192 = tpu.memref_squeeze %dma_start3A_191 : memref<1x656xf32, #tpu.memory_space<vmem>> -> memref<656xf32, #tpu.memory_space<vmem>>
          %dma_start3A_193 = arith.constant 0 : i32
          %dma_start3A_194 = tpu.memref_slice %dma_start3A_192[%dma_start3A_193] : memref<656xf32, #tpu.memory_space<vmem>> -> memref<640xf32, #tpu.memory_space<vmem>>
          %dma_start3A_195 = tpu.memref_slice %arg4[%mul3A_182] : memref<1536000xf32, #tpu.memory_space<hbm>> -> memref<640xf32, #tpu.memory_space<hbm>>
          tpu.enqueue_dma source(%dma_start3A_195 : memref<640xf32, #tpu.memory_space<hbm>>) target(%dma_start3A_194 : memref<640xf32, #tpu.memory_space<vmem>>) target_semaphore(%arg13 : memref<!tpu.dma_semaphore, #tpu.memory_space<semaphore_mem>>)
        } else {
        }
        %scan3A_137 = arith.constant 0 : i32
        %scan3A_138 = arith.constant 0 : i32
        %scan3A_139 = arith.constant 80 : i32
        %scan3A_140 = arith.addi %scan3A_138, %scan3A_139 : i32
        %scan3A_141 = arith.constant 1 : i32
        scf.for %scan3A_150 = %scan3A_138 to %scan3A_140 step %scan3A_141  : i32 {
          %mul3A_151 = arith.constant 8 : i32
          %mul3A_152 = arith.muli %mul3A_151, %scan3A_150 : i32
          %get3A = arith.constant 0 : i32
          %get3A_153 = arith.index_cast %get3A : i32 to index
          %get3A_154 = arith.index_cast %mul3A_152 : i32 to index
          %get3A_155 = tpu.vector_load %arg9[%get3A_153, %get3A_154] {strides = array<i32>} : memref<2x656xf32, #tpu.memory_space<vmem>>, vector<1x16xf32>,
          %get3A_156 = vector.shape_cast %get3A_155 : vector<1x16xf32> to vector<16xf32>
          %slice3A = vector.extract_strided_slice %get3A_156 {offsets = [0], sizes = [1], strides = [1]} : vector<16xf32> to vector<1xf32>
          %squeeze3A = vector.extract %slice3A[0] : f32 from vector<1xf32>
          %broadcast_in_dim3A_157 = vector.broadcast %squeeze3A : f32 to vector<16xf32>
          %get3A_158 = arith.constant 0 : i32
          %get3A_159 = arith.index_cast %get3A_158 : i32 to index
          %get3A_160 = arith.index_cast %scan3A_150 : i32 to index
          %get3A_161 = arith.constant 0 : index
          %get3A_162 = tpu.vector_load %arg8[%get3A_159, %get3A_160, %get3A_161] {strides = array<i32>} : memref<2x80x128xf32, #tpu.memory_space<vmem>>, vector<1x1x16xf32>,
          %get3A_163 = vector.shape_cast %get3A_162 : vector<1x1x16xf32> to vector<16xf32>
          %mul3A_164 = arith.mulf %get3A_163, %broadcast_in_dim3A_157 : vector<16xf32>
          %swap3A_165 = arith.index_cast %scan3A_150 : i32 to index
          %swap3A_166 = arith.constant 0 : index
          %swap3A_167 = tpu.vector_load %arg10[%swap3A_165, %swap3A_166] {strides = array<i32>} : memref<80x144xf32, #tpu.memory_space<vmem>>, vector<1x16xf32>,
          %swap3A_168 = vector.shape_cast %swap3A_167 : vector<1x16xf32> to vector<16xf32>
          %swap3A_169 = vector.shape_cast %mul3A_164 : vector<16xf32> to vector<1x16xf32>
          tpu.vector_store %arg10[%swap3A_165, %swap3A_166], %swap3A_169 {strides = array<i32>} : memref<80x144xf32, #tpu.memory_space<vmem>>, vector<1x16xf32>,
          %slice3A_170 = vector.extract_strided_slice %get3A_156 {offsets = [1], sizes = [1], strides = [1]} : vector<16xf32> to vector<1xf32>
          %squeeze3A_171 = vector.extract %slice3A_170[0] : f32 from vector<1xf32>
          %broadcast_in_dim3A_172 = vector.broadcast %squeeze3A_171 : f32 to vector<16xf32>
          %get3A_173 = arith.constant 0 : i32
          %get3A_174 = arith.index_cast %get3A_173 : i32 to index
          %get3A_175 = arith.index_cast %scan3A_150 : i32 to index
          %get3A_176 = arith.constant 16 : index
          %get3A_177 = tpu.vector_load %arg8[%get3A_174, %get3A_175, %get3A_176] {strides = array<i32>} : memref<2x80x128xf32, #tpu.memory_space<vmem>>, vector<1x1x16xf32>,
          %get3A_178 = vector.shape_cast %get3A_177 : vector<1x1x16xf32> to vector<16xf32>
          %mul3A_179 = arith.mulf %get3A_178, %broadcast_in_dim3A_172 : vector<16xf32>
          %swap3A_180 = arith.index_cast %scan3A_150 : i32 to index
          %swap3A_181 = arith.constant 16 : index
          %swap3A_182 = tpu.vector_load %arg10[%swap3A_180, %swap3A_181] {strides = array<i32>} : memref<80x144xf32, #tpu.memory_space<vmem>>, vector<1x16xf32>,
          %swap3A_183 = vector.shape_cast %swap3A_182 : vector<1x16xf32> to vector<16xf32>
          %swap3A_184 = vector.shape_cast %mul3A_179 : vector<16xf32> to vector<1x16xf32>
          tpu.vector_store %arg10[%swap3A_180, %swap3A_181], %swap3A_184 {strides = array<i32>} : memref<80x144xf32, #tpu.memory_space<vmem>>, vector<1x16xf32>,
          %slice3A_185 = vector.extract_strided_slice %get3A_156 {offsets = [2], sizes = [1], strides = [1]} : vector<16xf32> to vector<1xf32>
          %squeeze3A_186 = vector.extract %slice3A_185[0] : f32 from vector<1xf32>
          %broadcast_in_dim3A_187 = vector.broadcast %squeeze3A_186 : f32 to vector<16xf32>
          %get3A_188 = arith.constant 0 : i32
          %get3A_189 = arith.index_cast %get3A_188 : i32 to index
          %get3A_190 = arith.index_cast %scan3A_150 : i32 to index
          %get3A_191 = arith.constant 32 : index
          %get3A_192 = tpu.vector_load %arg8[%get3A_189, %get3A_190, %get3A_191] {strides = array<i32>} : memref<2x80x128xf32, #tpu.memory_space<vmem>>, vector<1x1x16xf32>,
          %get3A_193 = vector.shape_cast %get3A_192 : vector<1x1x16xf32> to vector<16xf32>
          %mul3A_194 = arith.mulf %get3A_193, %broadcast_in_dim3A_187 : vector<16xf32>
          %swap3A_195 = arith.index_cast %scan3A_150 : i32 to index
          %swap3A_196 = arith.constant 32 : index
          %swap3A_197 = tpu.vector_load %arg10[%swap3A_195, %swap3A_196] {strides = array<i32>} : memref<80x144xf32, #tpu.memory_space<vmem>>, vector<1x16xf32>,
          %swap3A_198 = vector.shape_cast %swap3A_197 : vector<1x16xf32> to vector<16xf32>
          %swap3A_199 = vector.shape_cast %mul3A_194 : vector<16xf32> to vector<1x16xf32>
          tpu.vector_store %arg10[%swap3A_195, %swap3A_196], %swap3A_199 {strides = array<i32>} : memref<80x144xf32, #tpu.memory_space<vmem>>, vector<1x16xf32>,
          %slice3A_200 = vector.extract_strided_slice %get3A_156 {offsets = [3], sizes = [1], strides = [1]} : vector<16xf32> to vector<1xf32>
          %squeeze3A_201 = vector.extract %slice3A_200[0] : f32 from vector<1xf32>
          %broadcast_in_dim3A_202 = vector.broadcast %squeeze3A_201 : f32 to vector<16xf32>
          %get3A_203 = arith.constant 0 : i32
          %get3A_204 = arith.index_cast %get3A_203 : i32 to index
          %get3A_205 = arith.index_cast %scan3A_150 : i32 to index
          %get3A_206 = arith.constant 48 : index
          %get3A_207 = tpu.vector_load %arg8[%get3A_204, %get3A_205, %get3A_206] {strides = array<i32>} : memref<2x80x128xf32, #tpu.memory_space<vmem>>, vector<1x1x16xf32>,
          %get3A_208 = vector.shape_cast %get3A_207 : vector<1x1x16xf32> to vector<16xf32>
          %mul3A_209 = arith.mulf %get3A_208, %broadcast_in_dim3A_202 : vector<16xf32>
          %swap3A_210 = arith.index_cast %scan3A_150 : i32 to index
          %swap3A_211 = arith.constant 48 : index
          %swap3A_212 = tpu.vector_load %arg10[%swap3A_210, %swap3A_211] {strides = array<i32>} : memref<80x144xf32, #tpu.memory_space<vmem>>, vector<1x16xf32>,
          %swap3A_213 = vector.shape_cast %swap3A_212 : vector<1x16xf32> to vector<16xf32>
          %swap3A_214 = vector.shape_cast %mul3A_209 : vector<16xf32> to vector<1x16xf32>
          tpu.vector_store %arg10[%swap3A_210, %swap3A_211], %swap3A_214 {strides = array<i32>} : memref<80x144xf32, #tpu.memory_space<vmem>>, vector<1x16xf32>,
          %slice3A_215 = vector.extract_strided_slice %get3A_156 {offsets = [4], sizes = [1], strides = [1]} : vector<16xf32> to vector<1xf32>
          %squeeze3A_216 = vector.extract %slice3A_215[0] : f32 from vector<1xf32>
          %broadcast_in_dim3A_217 = vector.broadcast %squeeze3A_216 : f32 to vector<16xf32>
          %get3A_218 = arith.constant 0 : i32
          %get3A_219 = arith.index_cast %get3A_218 : i32 to index
          %get3A_220 = arith.index_cast %scan3A_150 : i32 to index
          %get3A_221 = arith.constant 64 : index
          %get3A_222 = tpu.vector_load %arg8[%get3A_219, %get3A_220, %get3A_221] {strides = array<i32>} : memref<2x80x128xf32, #tpu.memory_space<vmem>>, vector<1x1x16xf32>,
          %get3A_223 = vector.shape_cast %get3A_222 : vector<1x1x16xf32> to vector<16xf32>
          %mul3A_224 = arith.mulf %get3A_223, %broadcast_in_dim3A_217 : vector<16xf32>
          %swap3A_225 = arith.index_cast %scan3A_150 : i32 to index
          %swap3A_226 = arith.constant 64 : index
          %swap3A_227 = tpu.vector_load %arg10[%swap3A_225, %swap3A_226] {strides = array<i32>} : memref<80x144xf32, #tpu.memory_space<vmem>>, vector<1x16xf32>,
          %swap3A_228 = vector.shape_cast %swap3A_227 : vector<1x16xf32> to vector<16xf32>
          %swap3A_229 = vector.shape_cast %mul3A_224 : vector<16xf32> to vector<1x16xf32>
          tpu.vector_store %arg10[%swap3A_225, %swap3A_226], %swap3A_229 {strides = array<i32>} : memref<80x144xf32, #tpu.memory_space<vmem>>, vector<1x16xf32>,
          %slice3A_230 = vector.extract_strided_slice %get3A_156 {offsets = [5], sizes = [1], strides = [1]} : vector<16xf32> to vector<1xf32>
          %squeeze3A_231 = vector.extract %slice3A_230[0] : f32 from vector<1xf32>
          %broadcast_in_dim3A_232 = vector.broadcast %squeeze3A_231 : f32 to vector<16xf32>
          %get3A_233 = arith.constant 0 : i32
          %get3A_234 = arith.index_cast %get3A_233 : i32 to index
          %get3A_235 = arith.index_cast %scan3A_150 : i32 to index
          %get3A_236 = arith.constant 80 : index
          %get3A_237 = tpu.vector_load %arg8[%get3A_234, %get3A_235, %get3A_236] {strides = array<i32>} : memref<2x80x128xf32, #tpu.memory_space<vmem>>, vector<1x1x16xf32>,
          %get3A_238 = vector.shape_cast %get3A_237 : vector<1x1x16xf32> to vector<16xf32>
          %mul3A_239 = arith.mulf %get3A_238, %broadcast_in_dim3A_232 : vector<16xf32>
          %swap3A_240 = arith.index_cast %scan3A_150 : i32 to index
          %swap3A_241 = arith.constant 80 : index
          %swap3A_242 = tpu.vector_load %arg10[%swap3A_240, %swap3A_241] {strides = array<i32>} : memref<80x144xf32, #tpu.memory_space<vmem>>, vector<1x16xf32>,
          %swap3A_243 = vector.shape_cast %swap3A_242 : vector<1x16xf32> to vector<16xf32>
          %swap3A_244 = vector.shape_cast %mul3A_239 : vector<16xf32> to vector<1x16xf32>
          tpu.vector_store %arg10[%swap3A_240, %swap3A_241], %swap3A_244 {strides = array<i32>} : memref<80x144xf32, #tpu.memory_space<vmem>>, vector<1x16xf32>,
          %slice3A_245 = vector.extract_strided_slice %get3A_156 {offsets = [6], sizes = [1], strides = [1]} : vector<16xf32> to vector<1xf32>
          %squeeze3A_246 = vector.extract %slice3A_245[0] : f32 from vector<1xf32>
          %broadcast_in_dim3A_247 = vector.broadcast %squeeze3A_246 : f32 to vector<16xf32>
          %get3A_248 = arith.constant 0 : i32
          %get3A_249 = arith.index_cast %get3A_248 : i32 to index
          %get3A_250 = arith.index_cast %scan3A_150 : i32 to index
          %get3A_251 = arith.constant 96 : index
          %get3A_252 = tpu.vector_load %arg8[%get3A_249, %get3A_250, %get3A_251] {strides = array<i32>} : memref<2x80x128xf32, #tpu.memory_space<vmem>>, vector<1x1x16xf32>,
          %get3A_253 = vector.shape_cast %get3A_252 : vector<1x1x16xf32> to vector<16xf32>
          %mul3A_254 = arith.mulf %get3A_253, %broadcast_in_dim3A_247 : vector<16xf32>
          %swap3A_255 = arith.index_cast %scan3A_150 : i32 to index
          %swap3A_256 = arith.constant 96 : index
          %swap3A_257 = tpu.vector_load %arg10[%swap3A_255, %swap3A_256] {strides = array<i32>} : memref<80x144xf32, #tpu.memory_space<vmem>>, vector<1x16xf32>,
          %swap3A_258 = vector.shape_cast %swap3A_257 : vector<1x16xf32> to vector<16xf32>
          %swap3A_259 = vector.shape_cast %mul3A_254 : vector<16xf32> to vector<1x16xf32>
          tpu.vector_store %arg10[%swap3A_255, %swap3A_256], %swap3A_259 {strides = array<i32>} : memref<80x144xf32, #tpu.memory_space<vmem>>, vector<1x16xf32>,
          %slice3A_260 = vector.extract_strided_slice %get3A_156 {offsets = [7], sizes = [1], strides = [1]} : vector<16xf32> to vector<1xf32>
          %squeeze3A_261 = vector.extract %slice3A_260[0] : f32 from vector<1xf32>
          %broadcast_in_dim3A_262 = vector.broadcast %squeeze3A_261 : f32 to vector<16xf32>
          %get3A_263 = arith.constant 0 : i32
          %get3A_264 = arith.index_cast %get3A_263 : i32 to index
          %get3A_265 = arith.index_cast %scan3A_150 : i32 to index
          %get3A_266 = arith.constant 112 : index
          %get3A_267 = tpu.vector_load %arg8[%get3A_264, %get3A_265, %get3A_266] {strides = array<i32>} : memref<2x80x128xf32, #tpu.memory_space<vmem>>, vector<1x1x16xf32>,
          %get3A_268 = vector.shape_cast %get3A_267 : vector<1x1x16xf32> to vector<16xf32>
          %mul3A_269 = arith.mulf %get3A_268, %broadcast_in_dim3A_262 : vector<16xf32>
          %swap3A_270 = arith.index_cast %scan3A_150 : i32 to index
          %swap3A_271 = arith.constant 112 : index
          %swap3A_272 = tpu.vector_load %arg10[%swap3A_270, %swap3A_271] {strides = array<i32>} : memref<80x144xf32, #tpu.memory_space<vmem>>, vector<1x16xf32>,
          %swap3A_273 = vector.shape_cast %swap3A_272 : vector<1x16xf32> to vector<16xf32>
          %swap3A_274 = vector.shape_cast %mul3A_269 : vector<16xf32> to vector<1x16xf32>
          tpu.vector_store %arg10[%swap3A_270, %swap3A_271], %swap3A_274 {strides = array<i32>} : memref<80x144xf32, #tpu.memory_space<vmem>>, vector<1x16xf32>,
          %swap3A_275 = arith.index_cast %scan3A_150 : i32 to index
          %swap3A_276 = arith.constant 128 : index
          %swap3A_277 = tpu.vector_load %arg10[%swap3A_275, %swap3A_276] {strides = array<i32>} : memref<80x144xf32, #tpu.memory_space<vmem>>, vector<1x16xf32>,
          %swap3A_278 = vector.shape_cast %swap3A_277 : vector<1x16xf32> to vector<16xf32>
          %swap3A_279 = vector.shape_cast %get3A_156 : vector<16xf32> to vector<1x16xf32>
          tpu.vector_store %arg10[%swap3A_275, %swap3A_276], %swap3A_279 {strides = array<i32>} : memref<80x144xf32, #tpu.memory_space<vmem>>, vector<1x16xf32>,
        }
        %scan3A_142 = arith.constant 80 : i32
        %dma_start3A_143 = arith.constant 0 : i32
        %dma_start3A_144 = arith.constant 0 : i32
        %dma_start3A_145 = tpu.memref_slice %arg7[%dma_start3A_143, %dma_start3A_144] : memref<2x80xi32, #tpu.memory_space<vmem>> -> memref<1x80xi32, #tpu.memory_space<vmem>>
        %dma_start3A_146 = tpu.memref_squeeze %dma_start3A_145 : memref<1x80xi32, #tpu.memory_space<vmem>> -> memref<80xi32, #tpu.memory_space<vmem>>
        %dma_start3A_147 = arith.constant 0 : i32
        %dma_start3A_148 = arith.constant 0 : i32
        %dma_start3A_149 = tpu.memref_slice %arg11[%dma_start3A_147, %dma_start3A_148] : memref<10000x144xf32, #tpu.memory_space<vmem_shared>> -> memref<10000x144xf32, #tpu.memory_space<vmem_shared>>
        tpu.enqueue_indirect_dma source(%arg10 : memref<80x144xf32, #tpu.memory_space<vmem>>) target(%dma_start3A_149 : memref<10000x144xf32, #tpu.memory_space<vmem_shared>>) offsets(%dma_start3A_146 : memref<80xi32, #tpu.memory_space<vmem>>) semaphore(%arg14 : memref<!tpu.dma_semaphore, #tpu.memory_space<semaphore_mem>>) {add = true}
      } else {
      }
      %rem3A_79 = arith.constant 2 : i32
      %rem3A_80 = arith.remsi %scan3A_75, %rem3A_79 : i32
      %eq3A_81 = arith.constant 1 : i32
      %eq3A_82 = arith.cmpi eq, %rem3A_80, %eq3A_81 : i32
      %convert_element_type3A_83 = arith.extui %eq3A_82 : i1 to i32
      %cond3A_84 = arith.constant 0 : i32
      %cond3A_85 = arith.cmpi ne, %convert_element_type3A_83, %cond3A_84 : i32
      scf.if %cond3A_85 {
        %dma_wait3A_86 = arith.constant 1 : i32
        %dma_wait3A_87 = arith.constant 0 : i32
        %dma_wait3A_88 = tpu.memref_slice %arg7[%dma_wait3A_86, %dma_wait3A_87] : memref<2x80xi32, #tpu.memory_space<vmem>> -> memref<1x80xi32, #tpu.memory_space<vmem>>
        %dma_wait3A_89 = tpu.memref_squeeze %dma_wait3A_88 : memref<1x80xi32, #tpu.memory_space<vmem>> -> memref<80xi32, #tpu.memory_space<vmem>>
        %dma_wait3A_90 = arith.constant 0 : i32
        %dma_wait3A_91 = tpu.memref_slice %arg3[%dma_wait3A_90] : memref<320000xi32, #tpu.memory_space<hbm>> -> memref<80xi32, #tpu.memory_space<hbm>>
        %dma_wait3A_92 = arith.constant 0 : i32
        %dma_wait3A_93 = tpu.memref_slice %arg7[%dma_wait3A_86, %dma_wait3A_92] : memref<2x80xi32, #tpu.memory_space<vmem>> -> memref<1x80xi32, #tpu.memory_space<vmem>>
        %dma_wait3A_94 = tpu.memref_squeeze %dma_wait3A_93 : memref<1x80xi32, #tpu.memory_space<vmem>> -> memref<80xi32, #tpu.memory_space<vmem>>
        %dma_wait3A_95 = arith.constant 0 : i32
        %dma_wait3A_96 = tpu.memref_slice %arg3[%dma_wait3A_95] : memref<320000xi32, #tpu.memory_space<hbm>> -> memref<80xi32, #tpu.memory_space<hbm>>
        tpu.wait_dma2 semaphore(%arg13 : memref<!tpu.dma_semaphore, #tpu.memory_space<semaphore_mem>>) src(%dma_wait3A_96 : memref<80xi32, #tpu.memory_space<hbm>>) dst(%dma_wait3A_94 : memref<80xi32, #tpu.memory_space<vmem>>)
        %dma_wait3A_97 = arith.constant 1 : i32
        %dma_wait3A_98 = arith.constant 0 : i32
        %dma_wait3A_99 = arith.constant 0 : i32
        %dma_wait3A_100 = tpu.memref_slice %arg8[%dma_wait3A_97, %dma_wait3A_98, %dma_wait3A_99] : memref<2x80x128xf32, #tpu.memory_space<vmem>> -> memref<1x80x128xf32, #tpu.memory_space<vmem>>
        %dma_wait3A_101 = tpu.memref_squeeze %dma_wait3A_100 : memref<1x80x128xf32, #tpu.memory_space<vmem>> -> memref<80x128xf32, #tpu.memory_space<vmem>>
        %dma_wait3A_102 = arith.constant 0 : i32
        %dma_wait3A_103 = arith.constant 0 : i32
        %dma_wait3A_104 = tpu.memref_slice %arg2[%dma_wait3A_102, %dma_wait3A_103] : memref<192000x128xf32, #tpu.memory_space<hbm>> -> memref<80x128xf32, #tpu.memory_space<hbm>>
        %dma_wait3A_105 = arith.constant 0 : i32
        %dma_wait3A_106 = arith.constant 0 : i32
        %dma_wait3A_107 = tpu.memref_slice %arg8[%dma_wait3A_97, %dma_wait3A_105, %dma_wait3A_106] : memref<2x80x128xf32, #tpu.memory_space<vmem>> -> memref<1x80x128xf32, #tpu.memory_space<vmem>>
        %dma_wait3A_108 = tpu.memref_squeeze %dma_wait3A_107 : memref<1x80x128xf32, #tpu.memory_space<vmem>> -> memref<80x128xf32, #tpu.memory_space<vmem>>
        %dma_wait3A_109 = arith.constant 0 : i32
        %dma_wait3A_110 = arith.constant 0 : i32
        %dma_wait3A_111 = tpu.memref_slice %arg2[%dma_wait3A_109, %dma_wait3A_110] : memref<192000x128xf32, #tpu.memory_space<hbm>> -> memref<80x128xf32, #tpu.memory_space<hbm>>
        tpu.wait_dma2 semaphore(%arg13 : memref<!tpu.dma_semaphore, #tpu.memory_space<semaphore_mem>>) src(%dma_wait3A_111 : memref<80x128xf32, #tpu.memory_space<hbm>>) dst(%dma_wait3A_108 : memref<80x128xf32, #tpu.memory_space<vmem>>)
        %dma_wait3A_112 = arith.constant 1 : i32
        %dma_wait3A_113 = arith.constant 0 : i32
        %dma_wait3A_114 = tpu.memref_slice %arg9[%dma_wait3A_112, %dma_wait3A_113] : memref<2x656xf32, #tpu.memory_space<vmem>> -> memref<1x656xf32, #tpu.memory_space<vmem>>
        %dma_wait3A_115 = tpu.memref_squeeze %dma_wait3A_114 : memref<1x656xf32, #tpu.memory_space<vmem>> -> memref<656xf32, #tpu.memory_space<vmem>>
        %dma_wait3A_116 = arith.constant 0 : i32
        %dma_wait3A_117 = tpu.memref_slice %dma_wait3A_115[%dma_wait3A_116] : memref<656xf32, #tpu.memory_space<vmem>> -> memref<640xf32, #tpu.memory_space<vmem>>
        %dma_wait3A_118 = arith.constant 0 : i32
        %dma_wait3A_119 = tpu.memref_slice %arg4[%dma_wait3A_118] : memref<1536000xf32, #tpu.memory_space<hbm>> -> memref<640xf32, #tpu.memory_space<hbm>>
        %dma_wait3A_120 = arith.constant 0 : i32
        %dma_wait3A_121 = tpu.memref_slice %arg9[%dma_wait3A_112, %dma_wait3A_120] : memref<2x656xf32, #tpu.memory_space<vmem>> -> memref<1x656xf32, #tpu.memory_space<vmem>>
        %dma_wait3A_122 = tpu.memref_squeeze %dma_wait3A_121 : memref<1x656xf32, #tpu.memory_space<vmem>> -> memref<656xf32, #tpu.memory_space<vmem>>
        %dma_wait3A_123 = arith.constant 0 : i32
        %dma_wait3A_124 = tpu.memref_slice %dma_wait3A_122[%dma_wait3A_123] : memref<656xf32, #tpu.memory_space<vmem>> -> memref<640xf32, #tpu.memory_space<vmem>>
        %dma_wait3A_125 = arith.constant 0 : i32
        %dma_wait3A_126 = tpu.memref_slice %arg4[%dma_wait3A_125] : memref<1536000xf32, #tpu.memory_space<hbm>> -> memref<640xf32, #tpu.memory_space<hbm>>
        tpu.wait_dma2 semaphore(%arg13 : memref<!tpu.dma_semaphore, #tpu.memory_space<semaphore_mem>>) src(%dma_wait3A_126 : memref<640xf32, #tpu.memory_space<hbm>>) dst(%dma_wait3A_124 : memref<640xf32, #tpu.memory_space<vmem>>)
        %ge3A = arith.constant 1 : i32
        %ge3A_127 = arith.cmpi sge, %scan3A_75, %ge3A : i32
        %convert_element_type3A_128 = arith.extui %ge3A_127 : i1 to i32
        %cond3A_129 = arith.constant 0 : i32
        %cond3A_130 = arith.cmpi ne, %convert_element_type3A_128, %cond3A_129 : i32
        scf.if %cond3A_130 {
          %dma_wait3A_150 = arith.constant 0 : i32
          %dma_wait3A_151 = arith.constant 0 : i32
          %dma_wait3A_152 = tpu.memref_slice %arg7[%dma_wait3A_150, %dma_wait3A_151] : memref<2x80xi32, #tpu.memory_space<vmem>> -> memref<1x80xi32, #tpu.memory_space<vmem>>
          %dma_wait3A_153 = tpu.memref_squeeze %dma_wait3A_152 : memref<1x80xi32, #tpu.memory_space<vmem>> -> memref<80xi32, #tpu.memory_space<vmem>>
          %dma_wait3A_154 = arith.constant 0 : i32
          %dma_wait3A_155 = arith.constant 0 : i32
          %dma_wait3A_156 = tpu.memref_slice %arg11[%dma_wait3A_154, %dma_wait3A_155] : memref<10000x144xf32, #tpu.memory_space<vmem_shared>> -> memref<10000x144xf32, #tpu.memory_space<vmem_shared>>
          tpu.wait_indirect_dma semaphore(%arg14 : memref<!tpu.dma_semaphore, #tpu.memory_space<semaphore_mem>>) src(%arg10 : memref<80x144xf32, #tpu.memory_space<vmem>>) dst(%dma_wait3A_156 : memref<10000x144xf32, #tpu.memory_space<vmem_shared>>)
        } else {
        }
        %add3A_131 = arith.constant 1 : i32
        %add3A_132 = arith.addi %scan3A_75, %add3A_131 : i32
        %lt3A = arith.constant 75 : i32
        %lt3A_133 = arith.cmpi slt, %add3A_132, %lt3A : i32
        %convert_element_type3A_134 = arith.extui %lt3A_133 : i1 to i32
        %cond3A_135 = arith.constant 0 : i32
        %cond3A_136 = arith.cmpi ne, %convert_element_type3A_134, %cond3A_135 : i32
        scf.if %cond3A_136 {
          %add3A_150 = arith.constant 1 : i32
          %add3A_151 = arith.addi %scan3A_75, %add3A_150 : i32
          %mul3A_152 = arith.constant 6000 : i32
          %mul3A_153 = arith.muli %add3A, %mul3A_152 : i32
          %mul3A_154 = arith.constant 80 : i32
          %mul3A_155 = arith.muli %add3A_151, %mul3A_154 : i32
          %add3A_156 = arith.addi %mul3A_153, %mul3A_155 : i32
          %add3A_157 = arith.constant 0 : i32
          %add3A_158 = arith.addi %add3A_157, %add3A_156 : i32
          %dma_start3A_159 = arith.constant 0 : i32
          %dma_start3A_160 = arith.constant 0 : i32
          %dma_start3A_161 = tpu.memref_slice %arg7[%dma_start3A_159, %dma_start3A_160] : memref<2x80xi32, #tpu.memory_space<vmem>> -> memref<1x80xi32, #tpu.memory_space<vmem>>
          %dma_start3A_162 = tpu.memref_squeeze %dma_start3A_161 : memref<1x80xi32, #tpu.memory_space<vmem>> -> memref<80xi32, #tpu.memory_space<vmem>>
          %dma_start3A_163 = tpu.memref_slice %arg3[%add3A_158] : memref<320000xi32, #tpu.memory_space<hbm>> -> memref<80xi32, #tpu.memory_space<hbm>>
          %dma_start3A_164 = arith.constant 0 : i32
          %dma_start3A_165 = tpu.memref_slice %arg7[%dma_start3A_159, %dma_start3A_164] : memref<2x80xi32, #tpu.memory_space<vmem>> -> memref<1x80xi32, #tpu.memory_space<vmem>>
          %dma_start3A_166 = tpu.memref_squeeze %dma_start3A_165 : memref<1x80xi32, #tpu.memory_space<vmem>> -> memref<80xi32, #tpu.memory_space<vmem>>
          %dma_start3A_167 = tpu.memref_slice %arg3[%add3A_158] : memref<320000xi32, #tpu.memory_space<hbm>> -> memref<80xi32, #tpu.memory_space<hbm>>
          tpu.enqueue_dma source(%dma_start3A_167 : memref<80xi32, #tpu.memory_space<hbm>>) target(%dma_start3A_166 : memref<80xi32, #tpu.memory_space<vmem>>) target_semaphore(%arg12 : memref<!tpu.dma_semaphore, #tpu.memory_space<semaphore_mem>>)
          %dma_start3A_168 = arith.constant 0 : i32
          %dma_start3A_169 = arith.constant 0 : i32
          %dma_start3A_170 = arith.constant 0 : i32
          %dma_start3A_171 = tpu.memref_slice %arg8[%dma_start3A_168, %dma_start3A_169, %dma_start3A_170] : memref<2x80x128xf32, #tpu.memory_space<vmem>> -> memref<1x80x128xf32, #tpu.memory_space<vmem>>
          %dma_start3A_172 = tpu.memref_squeeze %dma_start3A_171 : memref<1x80x128xf32, #tpu.memory_space<vmem>> -> memref<80x128xf32, #tpu.memory_space<vmem>>
          %dma_start3A_173 = arith.constant 0 : i32
          %dma_start3A_174 = tpu.memref_slice %arg2[%add3A_156, %dma_start3A_173] : memref<192000x128xf32, #tpu.memory_space<hbm>> -> memref<80x128xf32, #tpu.memory_space<hbm>>
          %dma_start3A_175 = arith.constant 0 : i32
          %dma_start3A_176 = arith.constant 0 : i32
          %dma_start3A_177 = tpu.memref_slice %arg8[%dma_start3A_168, %dma_start3A_175, %dma_start3A_176] : memref<2x80x128xf32, #tpu.memory_space<vmem>> -> memref<1x80x128xf32, #tpu.memory_space<vmem>>
          %dma_start3A_178 = tpu.memref_squeeze %dma_start3A_177 : memref<1x80x128xf32, #tpu.memory_space<vmem>> -> memref<80x128xf32, #tpu.memory_space<vmem>>
          %dma_start3A_179 = arith.constant 0 : i32
          %dma_start3A_180 = tpu.memref_slice %arg2[%add3A_156, %dma_start3A_179] : memref<192000x128xf32, #tpu.memory_space<hbm>> -> memref<80x128xf32, #tpu.memory_space<hbm>>
          tpu.enqueue_dma source(%dma_start3A_180 : memref<80x128xf32, #tpu.memory_space<hbm>>) target(%dma_start3A_178 : memref<80x128xf32, #tpu.memory_space<vmem>>) target_semaphore(%arg12 : memref<!tpu.dma_semaphore, #tpu.memory_space<semaphore_mem>>)
          %mul3A_181 = arith.constant 8 : i32
          %mul3A_182 = arith.muli %add3A_156, %mul3A_181 : i32
          %dma_start3A_183 = arith.constant 0 : i32
          %dma_start3A_184 = arith.constant 0 : i32
          %dma_start3A_185 = tpu.memref_slice %arg9[%dma_start3A_183, %dma_start3A_184] : memref<2x656xf32, #tpu.memory_space<vmem>> -> memref<1x656xf32, #tpu.memory_space<vmem>>
          %dma_start3A_186 = tpu.memref_squeeze %dma_start3A_185 : memref<1x656xf32, #tpu.memory_space<vmem>> -> memref<656xf32, #tpu.memory_space<vmem>>
          %dma_start3A_187 = arith.constant 0 : i32
          %dma_start3A_188 = tpu.memref_slice %dma_start3A_186[%dma_start3A_187] : memref<656xf32, #tpu.memory_space<vmem>> -> memref<640xf32, #tpu.memory_space<vmem>>
          %dma_start3A_189 = tpu.memref_slice %arg4[%mul3A_182] : memref<1536000xf32, #tpu.memory_space<hbm>> -> memref<640xf32, #tpu.memory_space<hbm>>
          %dma_start3A_190 = arith.constant 0 : i32
          %dma_start3A_191 = tpu.memref_slice %arg9[%dma_start3A_183, %dma_start3A_190] : memref<2x656xf32, #tpu.memory_space<vmem>> -> memref<1x656xf32, #tpu.memory_space<vmem>>
          %dma_start3A_192 = tpu.memref_squeeze %dma_start3A_191 : memref<1x656xf32, #tpu.memory_space<vmem>> -> memref<656xf32, #tpu.memory_space<vmem>>
          %dma_start3A_193 = arith.constant 0 : i32
          %dma_start3A_194 = tpu.memref_slice %dma_start3A_192[%dma_start3A_193] : memref<656xf32, #tpu.memory_space<vmem>> -> memref<640xf32, #tpu.memory_space<vmem>>
          %dma_start3A_195 = tpu.memref_slice %arg4[%mul3A_182] : memref<1536000xf32, #tpu.memory_space<hbm>> -> memref<640xf32, #tpu.memory_space<hbm>>
          tpu.enqueue_dma source(%dma_start3A_195 : memref<640xf32, #tpu.memory_space<hbm>>) target(%dma_start3A_194 : memref<640xf32, #tpu.memory_space<vmem>>) target_semaphore(%arg12 : memref<!tpu.dma_semaphore, #tpu.memory_space<semaphore_mem>>)
        } else {
        }
        %scan3A_137 = arith.constant 0 : i32
        %scan3A_138 = arith.constant 0 : i32
        %scan3A_139 = arith.constant 80 : i32
        %scan3A_140 = arith.addi %scan3A_138, %scan3A_139 : i32
        %scan3A_141 = arith.constant 1 : i32
        scf.for %scan3A_150 = %scan3A_138 to %scan3A_140 step %scan3A_141  : i32 {
          %mul3A_151 = arith.constant 8 : i32
          %mul3A_152 = arith.muli %mul3A_151, %scan3A_150 : i32
          %get3A = arith.constant 1 : i32
          %get3A_153 = arith.index_cast %get3A : i32 to index
          %get3A_154 = arith.index_cast %mul3A_152 : i32 to index
          %get3A_155 = tpu.vector_load %arg9[%get3A_153, %get3A_154] {strides = array<i32>} : memref<2x656xf32, #tpu.memory_space<vmem>>, vector<1x16xf32>,
          %get3A_156 = vector.shape_cast %get3A_155 : vector<1x16xf32> to vector<16xf32>
          %slice3A = vector.extract_strided_slice %get3A_156 {offsets = [0], sizes = [1], strides = [1]} : vector<16xf32> to vector<1xf32>
          %squeeze3A = vector.extract %slice3A[0] : f32 from vector<1xf32>
          %broadcast_in_dim3A_157 = vector.broadcast %squeeze3A : f32 to vector<16xf32>
          %get3A_158 = arith.constant 1 : i32
          %get3A_159 = arith.index_cast %get3A_158 : i32 to index
          %get3A_160 = arith.index_cast %scan3A_150 : i32 to index
          %get3A_161 = arith.constant 0 : index
          %get3A_162 = tpu.vector_load %arg8[%get3A_159, %get3A_160, %get3A_161] {strides = array<i32>} : memref<2x80x128xf32, #tpu.memory_space<vmem>>, vector<1x1x16xf32>,
          %get3A_163 = vector.shape_cast %get3A_162 : vector<1x1x16xf32> to vector<16xf32>
          %mul3A_164 = arith.mulf %get3A_163, %broadcast_in_dim3A_157 : vector<16xf32>
          %swap3A_165 = arith.index_cast %scan3A_150 : i32 to index
          %swap3A_166 = arith.constant 0 : index
          %swap3A_167 = tpu.vector_load %arg10[%swap3A_165, %swap3A_166] {strides = array<i32>} : memref<80x144xf32, #tpu.memory_space<vmem>>, vector<1x16xf32>,
          %swap3A_168 = vector.shape_cast %swap3A_167 : vector<1x16xf32> to vector<16xf32>
          %swap3A_169 = vector.shape_cast %mul3A_164 : vector<16xf32> to vector<1x16xf32>
          tpu.vector_store %arg10[%swap3A_165, %swap3A_166], %swap3A_169 {strides = array<i32>} : memref<80x144xf32, #tpu.memory_space<vmem>>, vector<1x16xf32>,
          %slice3A_170 = vector.extract_strided_slice %get3A_156 {offsets = [1], sizes = [1], strides = [1]} : vector<16xf32> to vector<1xf32>
          %squeeze3A_171 = vector.extract %slice3A_170[0] : f32 from vector<1xf32>
          %broadcast_in_dim3A_172 = vector.broadcast %squeeze3A_171 : f32 to vector<16xf32>
          %get3A_173 = arith.constant 1 : i32
          %get3A_174 = arith.index_cast %get3A_173 : i32 to index
          %get3A_175 = arith.index_cast %scan3A_150 : i32 to index
          %get3A_176 = arith.constant 16 : index
          %get3A_177 = tpu.vector_load %arg8[%get3A_174, %get3A_175, %get3A_176] {strides = array<i32>} : memref<2x80x128xf32, #tpu.memory_space<vmem>>, vector<1x1x16xf32>,
          %get3A_178 = vector.shape_cast %get3A_177 : vector<1x1x16xf32> to vector<16xf32>
          %mul3A_179 = arith.mulf %get3A_178, %broadcast_in_dim3A_172 : vector<16xf32>
          %swap3A_180 = arith.index_cast %scan3A_150 : i32 to index
          %swap3A_181 = arith.constant 16 : index
          %swap3A_182 = tpu.vector_load %arg10[%swap3A_180, %swap3A_181] {strides = array<i32>} : memref<80x144xf32, #tpu.memory_space<vmem>>, vector<1x16xf32>,
          %swap3A_183 = vector.shape_cast %swap3A_182 : vector<1x16xf32> to vector<16xf32>
          %swap3A_184 = vector.shape_cast %mul3A_179 : vector<16xf32> to vector<1x16xf32>
          tpu.vector_store %arg10[%swap3A_180, %swap3A_181], %swap3A_184 {strides = array<i32>} : memref<80x144xf32, #tpu.memory_space<vmem>>, vector<1x16xf32>,
          %slice3A_185 = vector.extract_strided_slice %get3A_156 {offsets = [2], sizes = [1], strides = [1]} : vector<16xf32> to vector<1xf32>
          %squeeze3A_186 = vector.extract %slice3A_185[0] : f32 from vector<1xf32>
          %broadcast_in_dim3A_187 = vector.broadcast %squeeze3A_186 : f32 to vector<16xf32>
          %get3A_188 = arith.constant 1 : i32
          %get3A_189 = arith.index_cast %get3A_188 : i32 to index
          %get3A_190 = arith.index_cast %scan3A_150 : i32 to index
          %get3A_191 = arith.constant 32 : index
          %get3A_192 = tpu.vector_load %arg8[%get3A_189, %get3A_190, %get3A_191] {strides = array<i32>} : memref<2x80x128xf32, #tpu.memory_space<vmem>>, vector<1x1x16xf32>,
          %get3A_193 = vector.shape_cast %get3A_192 : vector<1x1x16xf32> to vector<16xf32>
          %mul3A_194 = arith.mulf %get3A_193, %broadcast_in_dim3A_187 : vector<16xf32>
          %swap3A_195 = arith.index_cast %scan3A_150 : i32 to index
          %swap3A_196 = arith.constant 32 : index
          %swap3A_197 = tpu.vector_load %arg10[%swap3A_195, %swap3A_196] {strides = array<i32>} : memref<80x144xf32, #tpu.memory_space<vmem>>, vector<1x16xf32>,
          %swap3A_198 = vector.shape_cast %swap3A_197 : vector<1x16xf32> to vector<16xf32>
          %swap3A_199 = vector.shape_cast %mul3A_194 : vector<16xf32> to vector<1x16xf32>
          tpu.vector_store %arg10[%swap3A_195, %swap3A_196], %swap3A_199 {strides = array<i32>} : memref<80x144xf32, #tpu.memory_space<vmem>>, vector<1x16xf32>,
          %slice3A_200 = vector.extract_strided_slice %get3A_156 {offsets = [3], sizes = [1], strides = [1]} : vector<16xf32> to vector<1xf32>
          %squeeze3A_201 = vector.extract %slice3A_200[0] : f32 from vector<1xf32>
          %broadcast_in_dim3A_202 = vector.broadcast %squeeze3A_201 : f32 to vector<16xf32>
          %get3A_203 = arith.constant 1 : i32
          %get3A_204 = arith.index_cast %get3A_203 : i32 to index
          %get3A_205 = arith.index_cast %scan3A_150 : i32 to index
          %get3A_206 = arith.constant 48 : index
          %get3A_207 = tpu.vector_load %arg8[%get3A_204, %get3A_205, %get3A_206] {strides = array<i32>} : memref<2x80x128xf32, #tpu.memory_space<vmem>>, vector<1x1x16xf32>,
          %get3A_208 = vector.shape_cast %get3A_207 : vector<1x1x16xf32> to vector<16xf32>
          %mul3A_209 = arith.mulf %get3A_208, %broadcast_in_dim3A_202 : vector<16xf32>
          %swap3A_210 = arith.index_cast %scan3A_150 : i32 to index
          %swap3A_211 = arith.constant 48 : index
          %swap3A_212 = tpu.vector_load %arg10[%swap3A_210, %swap3A_211] {strides = array<i32>} : memref<80x144xf32, #tpu.memory_space<vmem>>, vector<1x16xf32>,
          %swap3A_213 = vector.shape_cast %swap3A_212 : vector<1x16xf32> to vector<16xf32>
          %swap3A_214 = vector.shape_cast %mul3A_209 : vector<16xf32> to vector<1x16xf32>
          tpu.vector_store %arg10[%swap3A_210, %swap3A_211], %swap3A_214 {strides = array<i32>} : memref<80x144xf32, #tpu.memory_space<vmem>>, vector<1x16xf32>,
          %slice3A_215 = vector.extract_strided_slice %get3A_156 {offsets = [4], sizes = [1], strides = [1]} : vector<16xf32> to vector<1xf32>
          %squeeze3A_216 = vector.extract %slice3A_215[0] : f32 from vector<1xf32>
          %broadcast_in_dim3A_217 = vector.broadcast %squeeze3A_216 : f32 to vector<16xf32>
          %get3A_218 = arith.constant 1 : i32
          %get3A_219 = arith.index_cast %get3A_218 : i32 to index
          %get3A_220 = arith.index_cast %scan3A_150 : i32 to index
          %get3A_221 = arith.constant 64 : index
          %get3A_222 = tpu.vector_load %arg8[%get3A_219, %get3A_220, %get3A_221] {strides = array<i32>} : memref<2x80x128xf32, #tpu.memory_space<vmem>>, vector<1x1x16xf32>,
          %get3A_223 = vector.shape_cast %get3A_222 : vector<1x1x16xf32> to vector<16xf32>
          %mul3A_224 = arith.mulf %get3A_223, %broadcast_in_dim3A_217 : vector<16xf32>
          %swap3A_225 = arith.index_cast %scan3A_150 : i32 to index
          %swap3A_226 = arith.constant 64 : index
          %swap3A_227 = tpu.vector_load %arg10[%swap3A_225, %swap3A_226] {strides = array<i32>} : memref<80x144xf32, #tpu.memory_space<vmem>>, vector<1x16xf32>,
          %swap3A_228 = vector.shape_cast %swap3A_227 : vector<1x16xf32> to vector<16xf32>
          %swap3A_229 = vector.shape_cast %mul3A_224 : vector<16xf32> to vector<1x16xf32>
          tpu.vector_store %arg10[%swap3A_225, %swap3A_226], %swap3A_229 {strides = array<i32>} : memref<80x144xf32, #tpu.memory_space<vmem>>, vector<1x16xf32>,
          %slice3A_230 = vector.extract_strided_slice %get3A_156 {offsets = [5], sizes = [1], strides = [1]} : vector<16xf32> to vector<1xf32>
          %squeeze3A_231 = vector.extract %slice3A_230[0] : f32 from vector<1xf32>
          %broadcast_in_dim3A_232 = vector.broadcast %squeeze3A_231 : f32 to vector<16xf32>
          %get3A_233 = arith.constant 1 : i32
          %get3A_234 = arith.index_cast %get3A_233 : i32 to index
          %get3A_235 = arith.index_cast %scan3A_150 : i32 to index
          %get3A_236 = arith.constant 80 : index
          %get3A_237 = tpu.vector_load %arg8[%get3A_234, %get3A_235, %get3A_236] {strides = array<i32>} : memref<2x80x128xf32, #tpu.memory_space<vmem>>, vector<1x1x16xf32>,
          %get3A_238 = vector.shape_cast %get3A_237 : vector<1x1x16xf32> to vector<16xf32>
          %mul3A_239 = arith.mulf %get3A_238, %broadcast_in_dim3A_232 : vector<16xf32>
          %swap3A_240 = arith.index_cast %scan3A_150 : i32 to index
          %swap3A_241 = arith.constant 80 : index
          %swap3A_242 = tpu.vector_load %arg10[%swap3A_240, %swap3A_241] {strides = array<i32>} : memref<80x144xf32, #tpu.memory_space<vmem>>, vector<1x16xf32>,
          %swap3A_243 = vector.shape_cast %swap3A_242 : vector<1x16xf32> to vector<16xf32>
          %swap3A_244 = vector.shape_cast %mul3A_239 : vector<16xf32> to vector<1x16xf32>
          tpu.vector_store %arg10[%swap3A_240, %swap3A_241], %swap3A_244 {strides = array<i32>} : memref<80x144xf32, #tpu.memory_space<vmem>>, vector<1x16xf32>,
          %slice3A_245 = vector.extract_strided_slice %get3A_156 {offsets = [6], sizes = [1], strides = [1]} : vector<16xf32> to vector<1xf32>
          %squeeze3A_246 = vector.extract %slice3A_245[0] : f32 from vector<1xf32>
          %broadcast_in_dim3A_247 = vector.broadcast %squeeze3A_246 : f32 to vector<16xf32>
          %get3A_248 = arith.constant 1 : i32
          %get3A_249 = arith.index_cast %get3A_248 : i32 to index
          %get3A_250 = arith.index_cast %scan3A_150 : i32 to index
          %get3A_251 = arith.constant 96 : index
          %get3A_252 = tpu.vector_load %arg8[%get3A_249, %get3A_250, %get3A_251] {strides = array<i32>} : memref<2x80x128xf32, #tpu.memory_space<vmem>>, vector<1x1x16xf32>,
          %get3A_253 = vector.shape_cast %get3A_252 : vector<1x1x16xf32> to vector<16xf32>
          %mul3A_254 = arith.mulf %get3A_253, %broadcast_in_dim3A_247 : vector<16xf32>
          %swap3A_255 = arith.index_cast %scan3A_150 : i32 to index
          %swap3A_256 = arith.constant 96 : index
          %swap3A_257 = tpu.vector_load %arg10[%swap3A_255, %swap3A_256] {strides = array<i32>} : memref<80x144xf32, #tpu.memory_space<vmem>>, vector<1x16xf32>,
          %swap3A_258 = vector.shape_cast %swap3A_257 : vector<1x16xf32> to vector<16xf32>
          %swap3A_259 = vector.shape_cast %mul3A_254 : vector<16xf32> to vector<1x16xf32>
          tpu.vector_store %arg10[%swap3A_255, %swap3A_256], %swap3A_259 {strides = array<i32>} : memref<80x144xf32, #tpu.memory_space<vmem>>, vector<1x16xf32>,
          %slice3A_260 = vector.extract_strided_slice %get3A_156 {offsets = [7], sizes = [1], strides = [1]} : vector<16xf32> to vector<1xf32>
          %squeeze3A_261 = vector.extract %slice3A_260[0] : f32 from vector<1xf32>
          %broadcast_in_dim3A_262 = vector.broadcast %squeeze3A_261 : f32 to vector<16xf32>
          %get3A_263 = arith.constant 1 : i32
          %get3A_264 = arith.index_cast %get3A_263 : i32 to index
          %get3A_265 = arith.index_cast %scan3A_150 : i32 to index
          %get3A_266 = arith.constant 112 : index
          %get3A_267 = tpu.vector_load %arg8[%get3A_264, %get3A_265, %get3A_266] {strides = array<i32>} : memref<2x80x128xf32, #tpu.memory_space<vmem>>, vector<1x1x16xf32>,
          %get3A_268 = vector.shape_cast %get3A_267 : vector<1x1x16xf32> to vector<16xf32>
          %mul3A_269 = arith.mulf %get3A_268, %broadcast_in_dim3A_262 : vector<16xf32>
          %swap3A_270 = arith.index_cast %scan3A_150 : i32 to index
          %swap3A_271 = arith.constant 112 : index
          %swap3A_272 = tpu.vector_load %arg10[%swap3A_270, %swap3A_271] {strides = array<i32>} : memref<80x144xf32, #tpu.memory_space<vmem>>, vector<1x16xf32>,
          %swap3A_273 = vector.shape_cast %swap3A_272 : vector<1x16xf32> to vector<16xf32>
          %swap3A_274 = vector.shape_cast %mul3A_269 : vector<16xf32> to vector<1x16xf32>
          tpu.vector_store %arg10[%swap3A_270, %swap3A_271], %swap3A_274 {strides = array<i32>} : memref<80x144xf32, #tpu.memory_space<vmem>>, vector<1x16xf32>,
          %swap3A_275 = arith.index_cast %scan3A_150 : i32 to index
          %swap3A_276 = arith.constant 128 : index
          %swap3A_277 = tpu.vector_load %arg10[%swap3A_275, %swap3A_276] {strides = array<i32>} : memref<80x144xf32, #tpu.memory_space<vmem>>, vector<1x16xf32>,
          %swap3A_278 = vector.shape_cast %swap3A_277 : vector<1x16xf32> to vector<16xf32>
          %swap3A_279 = vector.shape_cast %get3A_156 : vector<16xf32> to vector<1x16xf32>
          tpu.vector_store %arg10[%swap3A_275, %swap3A_276], %swap3A_279 {strides = array<i32>} : memref<80x144xf32, #tpu.memory_space<vmem>>, vector<1x16xf32>,
        }
        %scan3A_142 = arith.constant 80 : i32
        %dma_start3A_143 = arith.constant 1 : i32
        %dma_start3A_144 = arith.constant 0 : i32
        %dma_start3A_145 = tpu.memref_slice %arg7[%dma_start3A_143, %dma_start3A_144] : memref<2x80xi32, #tpu.memory_space<vmem>> -> memref<1x80xi32, #tpu.memory_space<vmem>>
        %dma_start3A_146 = tpu.memref_squeeze %dma_start3A_145 : memref<1x80xi32, #tpu.memory_space<vmem>> -> memref<80xi32, #tpu.memory_space<vmem>>
        %dma_start3A_147 = arith.constant 0 : i32
        %dma_start3A_148 = arith.constant 0 : i32
        %dma_start3A_149 = tpu.memref_slice %arg11[%dma_start3A_147, %dma_start3A_148] : memref<10000x144xf32, #tpu.memory_space<vmem_shared>> -> memref<10000x144xf32, #tpu.memory_space<vmem_shared>>
        tpu.enqueue_indirect_dma source(%arg10 : memref<80x144xf32, #tpu.memory_space<vmem>>) target(%dma_start3A_149 : memref<10000x144xf32, #tpu.memory_space<vmem_shared>>) offsets(%dma_start3A_146 : memref<80xi32, #tpu.memory_space<vmem>>) semaphore(%arg14 : memref<!tpu.dma_semaphore, #tpu.memory_space<semaphore_mem>>) {add = true}
      } else {
      }
    }
    %scan3A_63 = arith.constant 75 : i32
    %dma_wait3A = arith.constant 0 : i32
    %dma_wait3A_64 = arith.constant 0 : i32
    %dma_wait3A_65 = tpu.memref_slice %arg7[%dma_wait3A, %dma_wait3A_64] : memref<2x80xi32, #tpu.memory_space<vmem>> -> memref<1x80xi32, #tpu.memory_space<vmem>>
    %dma_wait3A_66 = tpu.memref_squeeze %dma_wait3A_65 : memref<1x80xi32, #tpu.memory_space<vmem>> -> memref<80xi32, #tpu.memory_space<vmem>>
    %dma_wait3A_67 = arith.constant 0 : i32
    %dma_wait3A_68 = arith.constant 0 : i32
    %dma_wait3A_69 = tpu.memref_slice %arg11[%dma_wait3A_67, %dma_wait3A_68] : memref<10000x144xf32, #tpu.memory_space<vmem_shared>> -> memref<10000x144xf32, #tpu.memory_space<vmem_shared>>
    tpu.wait_indirect_dma semaphore(%arg14 : memref<!tpu.dma_semaphore, #tpu.memory_space<semaphore_mem>>) src(%arg10 : memref<80x144xf32, #tpu.memory_space<vmem>>) dst(%dma_wait3A_69 : memref<10000x144xf32, #tpu.memory_space<vmem_shared>>)
    %barrier3A_70 = arith.constant 0 : index
    tpu.barrier barrier_id(%barrier3A_70)
    %mul3A_71 = arith.constant 625 : i32
    %mul3A_72 = arith.muli %arg1, %mul3A_71 : i32
    %mul3A_73 = arith.constant 625 : i32
    %mul3A_74 = arith.muli %arg1, %mul3A_73 : i32
    "tpu.region"() ({
      %run_scoped3A = tpu.sem_alloc : memref<!tpu.dma_semaphore, #tpu.memory_space<semaphore_mem>>
      %dma_start3A_75 = arith.constant 0 : i32
      %dma_start3A_76 = arith.constant 0 : i32
      %dma_start3A_77 = tpu.memref_slice %arg6[%arg0, %dma_start3A_75, %dma_start3A_76] : memref<2x10000x144xf32, #tpu.memory_space<hbm>> -> memref<1x10000x144xf32, #tpu.memory_space<hbm>>
      %dma_start3A_78 = tpu.memref_squeeze %dma_start3A_77 : memref<1x10000x144xf32, #tpu.memory_space<hbm>> -> memref<10000x144xf32, #tpu.memory_space<hbm>>
      %dma_start3A_79 = arith.constant 0 : i32
      %dma_start3A_80 = tpu.memref_slice %dma_start3A_78[%mul3A_74, %dma_start3A_79] : memref<10000x144xf32, #tpu.memory_space<hbm>> -> memref<625x144xf32, #tpu.memory_space<hbm>>
      %dma_start3A_81 = arith.constant 0 : i32
      %dma_start3A_82 = tpu.memref_slice %arg11[%mul3A_72, %dma_start3A_81] : memref<10000x144xf32, #tpu.memory_space<vmem_shared>> -> memref<625x144xf32, #tpu.memory_space<vmem_shared>>
      tpu.enqueue_dma source(%dma_start3A_82 : memref<625x144xf32, #tpu.memory_space<vmem_shared>>) target(%dma_start3A_80 : memref<625x144xf32, #tpu.memory_space<hbm>>) target_semaphore(%run_scoped3A : memref<!tpu.dma_semaphore, #tpu.memory_space<semaphore_mem>>)
      %dma_wait3A_83 = arith.constant 0 : i32
      %dma_wait3A_84 = arith.constant 0 : i32
      %dma_wait3A_85 = tpu.memref_slice %arg6[%arg0, %dma_wait3A_83, %dma_wait3A_84] : memref<2x10000x144xf32, #tpu.memory_space<hbm>> -> memref<1x10000x144xf32, #tpu.memory_space<hbm>>
      %dma_wait3A_86 = tpu.memref_squeeze %dma_wait3A_85 : memref<1x10000x144xf32, #tpu.memory_space<hbm>> -> memref<10000x144xf32, #tpu.memory_space<hbm>>
      %dma_wait3A_87 = arith.constant 0 : i32
      %dma_wait3A_88 = tpu.memref_slice %dma_wait3A_86[%mul3A_74, %dma_wait3A_87] : memref<10000x144xf32, #tpu.memory_space<hbm>> -> memref<625x144xf32, #tpu.memory_space<hbm>>
      %dma_wait3A_89 = arith.constant 0 : i32
      %dma_wait3A_90 = tpu.memref_slice %arg11[%mul3A_72, %dma_wait3A_89] : memref<10000x144xf32, #tpu.memory_space<vmem_shared>> -> memref<625x144xf32, #tpu.memory_space<vmem_shared>>
      tpu.wait_dma2 semaphore(%run_scoped3A : memref<!tpu.dma_semaphore, #tpu.memory_space<semaphore_mem>>) src(%dma_wait3A_90 : memref<625x144xf32, #tpu.memory_space<vmem_shared>>) dst(%dma_wait3A_88 : memref<625x144xf32, #tpu.memory_space<hbm>>)
      tpu.yield
    }) : () -> ()
    return
  }
}

#map = affine_map<(d0, d1) -> (0, 0)>
#map1 = affine_map<(d0, d1) -> (0)>
module attributes {stable_mosaic.version = 14 : i64} {
  func.func @_recip_gather_body(%arg0: i32, %arg1: i32, %arg2: memref<10000x8xf32, #tpu.memory_space<hbm>>, %arg3: memref<320000xi32, #tpu.memory_space<hbm>>, %arg4: memref<320000x8xf32, #tpu.memory_space<hbm>>, %arg5: memref<2x80xi32, #tpu.memory_space<vmem>>, %arg6: memref<2x80x8xf32, #tpu.memory_space<vmem>>, %arg7: memref<!tpu.dma_semaphore, #tpu.memory_space<semaphore_mem>>, %arg8: memref<!tpu.dma_semaphore, #tpu.memory_space<semaphore_mem>>, %arg9: memref<!tpu.dma_semaphore, #tpu.memory_space<semaphore_mem>>, %arg10: memref<!tpu.dma_semaphore, #tpu.memory_space<semaphore_mem>>, %arg11: memref<!tpu.dma_semaphore, #tpu.memory_space<semaphore_mem>>, %arg12: memref<!tpu.dma_semaphore, #tpu.memory_space<semaphore_mem>>) attributes {dimension_semantics = [#tpu.dimension_semantics<core_parallel>, #tpu.dimension_semantics<subcore_parallel>], iteration_bounds = array<i64: 2, 16>, scalar_prefetch = 0 : i64, scratch_operands = 8 : i64, tpu.core_type = #tpu.core_type<sc_vector_subcore>, window_params = [{transform_indices = #map}, {transform_indices = #map1}, {transform_indices = #map}]} {
    %mul3A = arith.constant 2 : i32
    %mul3A_0 = arith.muli %arg1, %mul3A : i32
    %add3A = arith.addi %mul3A_0, %arg0 : i32
    %mul3A_1 = arith.constant 10000 : i32
    %mul3A_2 = arith.muli %add3A, %mul3A_1 : i32
    %add3A_3 = arith.constant 0 : i32
    %add3A_4 = arith.addi %mul3A_2, %add3A_3 : i32
    %dma_start3A = arith.constant 0 : i32
    %dma_start3A_5 = arith.constant 0 : i32
    %dma_start3A_6 = tpu.memref_slice %arg5[%dma_start3A, %dma_start3A_5] : memref<2x80xi32, #tpu.memory_space<vmem>> -> memref<1x80xi32, #tpu.memory_space<vmem>>
    %dma_start3A_7 = tpu.memref_squeeze %dma_start3A_6 : memref<1x80xi32, #tpu.memory_space<vmem>> -> memref<80xi32, #tpu.memory_space<vmem>>
    %dma_start3A_8 = tpu.memref_slice %arg3[%add3A_4] : memref<320000xi32, #tpu.memory_space<hbm>> -> memref<80xi32, #tpu.memory_space<hbm>>
    %dma_start3A_9 = arith.constant 0 : i32
    %dma_start3A_10 = tpu.memref_slice %arg5[%dma_start3A, %dma_start3A_9] : memref<2x80xi32, #tpu.memory_space<vmem>> -> memref<1x80xi32, #tpu.memory_space<vmem>>
    %dma_start3A_11 = tpu.memref_squeeze %dma_start3A_10 : memref<1x80xi32, #tpu.memory_space<vmem>> -> memref<80xi32, #tpu.memory_space<vmem>>
    %dma_start3A_12 = tpu.memref_slice %arg3[%add3A_4] : memref<320000xi32, #tpu.memory_space<hbm>> -> memref<80xi32, #tpu.memory_space<hbm>>
    tpu.enqueue_dma source(%dma_start3A_12 : memref<80xi32, #tpu.memory_space<hbm>>) target(%dma_start3A_11 : memref<80xi32, #tpu.memory_space<vmem>>) target_semaphore(%arg7 : memref<!tpu.dma_semaphore, #tpu.memory_space<semaphore_mem>>)
    %add3A_13 = arith.constant 80 : i32
    %add3A_14 = arith.addi %mul3A_2, %add3A_13 : i32
    %dma_start3A_15 = arith.constant 1 : i32
    %dma_start3A_16 = arith.constant 0 : i32
    %dma_start3A_17 = tpu.memref_slice %arg5[%dma_start3A_15, %dma_start3A_16] : memref<2x80xi32, #tpu.memory_space<vmem>> -> memref<1x80xi32, #tpu.memory_space<vmem>>
    %dma_start3A_18 = tpu.memref_squeeze %dma_start3A_17 : memref<1x80xi32, #tpu.memory_space<vmem>> -> memref<80xi32, #tpu.memory_space<vmem>>
    %dma_start3A_19 = tpu.memref_slice %arg3[%add3A_14] : memref<320000xi32, #tpu.memory_space<hbm>> -> memref<80xi32, #tpu.memory_space<hbm>>
    %dma_start3A_20 = arith.constant 0 : i32
    %dma_start3A_21 = tpu.memref_slice %arg5[%dma_start3A_15, %dma_start3A_20] : memref<2x80xi32, #tpu.memory_space<vmem>> -> memref<1x80xi32, #tpu.memory_space<vmem>>
    %dma_start3A_22 = tpu.memref_squeeze %dma_start3A_21 : memref<1x80xi32, #tpu.memory_space<vmem>> -> memref<80xi32, #tpu.memory_space<vmem>>
    %dma_start3A_23 = tpu.memref_slice %arg3[%add3A_14] : memref<320000xi32, #tpu.memory_space<hbm>> -> memref<80xi32, #tpu.memory_space<hbm>>
    tpu.enqueue_dma source(%dma_start3A_23 : memref<80xi32, #tpu.memory_space<hbm>>) target(%dma_start3A_22 : memref<80xi32, #tpu.memory_space<vmem>>) target_semaphore(%arg8 : memref<!tpu.dma_semaphore, #tpu.memory_space<semaphore_mem>>)
    %dma_wait3A = arith.constant 0 : i32
    %dma_wait3A_24 = arith.constant 0 : i32
    %dma_wait3A_25 = tpu.memref_slice %arg5[%dma_wait3A, %dma_wait3A_24] : memref<2x80xi32, #tpu.memory_space<vmem>> -> memref<1x80xi32, #tpu.memory_space<vmem>>
    %dma_wait3A_26 = tpu.memref_squeeze %dma_wait3A_25 : memref<1x80xi32, #tpu.memory_space<vmem>> -> memref<80xi32, #tpu.memory_space<vmem>>
    %dma_wait3A_27 = arith.constant 0 : i32
    %dma_wait3A_28 = tpu.memref_slice %arg3[%dma_wait3A_27] : memref<320000xi32, #tpu.memory_space<hbm>> -> memref<80xi32, #tpu.memory_space<hbm>>
    %dma_wait3A_29 = arith.constant 0 : i32
    %dma_wait3A_30 = tpu.memref_slice %arg5[%dma_wait3A, %dma_wait3A_29] : memref<2x80xi32, #tpu.memory_space<vmem>> -> memref<1x80xi32, #tpu.memory_space<vmem>>
    %dma_wait3A_31 = tpu.memref_squeeze %dma_wait3A_30 : memref<1x80xi32, #tpu.memory_space<vmem>> -> memref<80xi32, #tpu.memory_space<vmem>>
    %dma_wait3A_32 = arith.constant 0 : i32
    %dma_wait3A_33 = tpu.memref_slice %arg3[%dma_wait3A_32] : memref<320000xi32, #tpu.memory_space<hbm>> -> memref<80xi32, #tpu.memory_space<hbm>>
    tpu.wait_dma2 semaphore(%arg7 : memref<!tpu.dma_semaphore, #tpu.memory_space<semaphore_mem>>) src(%dma_wait3A_33 : memref<80xi32, #tpu.memory_space<hbm>>) dst(%dma_wait3A_31 : memref<80xi32, #tpu.memory_space<vmem>>)
    %dma_start3A_34 = arith.constant 0 : i32
    %dma_start3A_35 = arith.constant 0 : i32
    %dma_start3A_36 = arith.constant 0 : i32
    %dma_start3A_37 = arith.constant 0 : i32
    %dma_start3A_38 = tpu.memref_slice %arg6[%dma_start3A_35, %dma_start3A_36, %dma_start3A_37] : memref<2x80x8xf32, #tpu.memory_space<vmem>> -> memref<1x80x8xf32, #tpu.memory_space<vmem>>
    %dma_start3A_39 = tpu.memref_squeeze %dma_start3A_38 : memref<1x80x8xf32, #tpu.memory_space<vmem>> -> memref<80x8xf32, #tpu.memory_space<vmem>>
    %dma_start3A_40 = arith.constant 0 : i32
    %dma_start3A_41 = tpu.memref_slice %arg5[%dma_start3A_34, %dma_start3A_40] : memref<2x80xi32, #tpu.memory_space<vmem>> -> memref<1x80xi32, #tpu.memory_space<vmem>>
    %dma_start3A_42 = tpu.memref_squeeze %dma_start3A_41 : memref<1x80xi32, #tpu.memory_space<vmem>> -> memref<80xi32, #tpu.memory_space<vmem>>
    %dma_start3A_43 = arith.constant 0 : i32
    %dma_start3A_44 = arith.constant 0 : i32
    %dma_start3A_45 = tpu.memref_slice %arg2[%dma_start3A_43, %dma_start3A_44] : memref<10000x8xf32, #tpu.memory_space<hbm>> -> memref<10000x8xf32, #tpu.memory_space<hbm>>
    tpu.enqueue_indirect_dma source(%dma_start3A_45 : memref<10000x8xf32, #tpu.memory_space<hbm>>) target(%dma_start3A_39 : memref<80x8xf32, #tpu.memory_space<vmem>>) offsets(%dma_start3A_42 : memref<80xi32, #tpu.memory_space<vmem>>) semaphore(%arg9 : memref<!tpu.dma_semaphore, #tpu.memory_space<semaphore_mem>>)
    %scan3A = arith.constant 0 : i32
    %scan3A_46 = arith.constant 0 : i32
    %scan3A_47 = arith.constant 125 : i32
    %scan3A_48 = arith.addi %scan3A_46, %scan3A_47 : i32
    %scan3A_49 = arith.constant 1 : i32
    scf.for %scan3A_66 = %scan3A_46 to %scan3A_48 step %scan3A_49  : i32 {
      %rem3A = arith.constant 2 : i32
      %rem3A_67 = arith.remsi %scan3A_66, %rem3A : i32
      %eq3A = arith.constant 0 : i32
      %eq3A_68 = arith.cmpi eq, %rem3A_67, %eq3A : i32
      %convert_element_type3A = arith.extui %eq3A_68 : i1 to i32
      %cond3A = arith.constant 0 : i32
      %cond3A_69 = arith.cmpi ne, %convert_element_type3A, %cond3A : i32
      scf.if %cond3A_69 {
        %dma_wait3A_77 = arith.constant 0 : i32
        %dma_wait3A_78 = arith.constant 0 : i32
        %dma_wait3A_79 = arith.constant 0 : i32
        %dma_wait3A_80 = arith.constant 0 : i32
        %dma_wait3A_81 = tpu.memref_slice %arg6[%dma_wait3A_78, %dma_wait3A_79, %dma_wait3A_80] : memref<2x80x8xf32, #tpu.memory_space<vmem>> -> memref<1x80x8xf32, #tpu.memory_space<vmem>>
        %dma_wait3A_82 = tpu.memref_squeeze %dma_wait3A_81 : memref<1x80x8xf32, #tpu.memory_space<vmem>> -> memref<80x8xf32, #tpu.memory_space<vmem>>
        %dma_wait3A_83 = arith.constant 0 : i32
        %dma_wait3A_84 = tpu.memref_slice %arg5[%dma_wait3A_77, %dma_wait3A_83] : memref<2x80xi32, #tpu.memory_space<vmem>> -> memref<1x80xi32, #tpu.memory_space<vmem>>
        %dma_wait3A_85 = tpu.memref_squeeze %dma_wait3A_84 : memref<1x80xi32, #tpu.memory_space<vmem>> -> memref<80xi32, #tpu.memory_space<vmem>>
        %dma_wait3A_86 = arith.constant 0 : i32
        %dma_wait3A_87 = arith.constant 0 : i32
        %dma_wait3A_88 = tpu.memref_slice %arg2[%dma_wait3A_86, %dma_wait3A_87] : memref<10000x8xf32, #tpu.memory_space<hbm>> -> memref<10000x8xf32, #tpu.memory_space<hbm>>
        tpu.wait_indirect_dma semaphore(%arg9 : memref<!tpu.dma_semaphore, #tpu.memory_space<semaphore_mem>>) src(%dma_wait3A_88 : memref<10000x8xf32, #tpu.memory_space<hbm>>) dst(%dma_wait3A_82 : memref<80x8xf32, #tpu.memory_space<vmem>>)
        %ge3A = arith.constant 1 : i32
        %ge3A_89 = arith.cmpi sge, %scan3A_66, %ge3A : i32
        %convert_element_type3A_90 = arith.extui %ge3A_89 : i1 to i32
        %cond3A_91 = arith.constant 0 : i32
        %cond3A_92 = arith.cmpi ne, %convert_element_type3A_90, %cond3A_91 : i32
        scf.if %cond3A_92 {
          %dma_wait3A_122 = arith.constant 1 : i32
          %dma_wait3A_123 = arith.constant 0 : i32
          %dma_wait3A_124 = arith.constant 0 : i32
          %dma_wait3A_125 = tpu.memref_slice %arg6[%dma_wait3A_122, %dma_wait3A_123, %dma_wait3A_124] : memref<2x80x8xf32, #tpu.memory_space<vmem>> -> memref<1x80x8xf32, #tpu.memory_space<vmem>>
          %dma_wait3A_126 = tpu.memref_squeeze %dma_wait3A_125 : memref<1x80x8xf32, #tpu.memory_space<vmem>> -> memref<80x8xf32, #tpu.memory_space<vmem>>
          %dma_wait3A_127 = arith.constant 0 : i32
          %dma_wait3A_128 = arith.constant 0 : i32
          %dma_wait3A_129 = tpu.memref_slice %arg4[%dma_wait3A_127, %dma_wait3A_128] : memref<320000x8xf32, #tpu.memory_space<hbm>> -> memref<80x8xf32, #tpu.memory_space<hbm>>
          %dma_wait3A_130 = arith.constant 0 : i32
          %dma_wait3A_131 = arith.constant 0 : i32
          %dma_wait3A_132 = tpu.memref_slice %arg4[%dma_wait3A_130, %dma_wait3A_131] : memref<320000x8xf32, #tpu.memory_space<hbm>> -> memref<80x8xf32, #tpu.memory_space<hbm>>
          %dma_wait3A_133 = arith.constant 0 : i32
          %dma_wait3A_134 = arith.constant 0 : i32
          %dma_wait3A_135 = tpu.memref_slice %arg6[%dma_wait3A_122, %dma_wait3A_133, %dma_wait3A_134] : memref<2x80x8xf32, #tpu.memory_space<vmem>> -> memref<1x80x8xf32, #tpu.memory_space<vmem>>
          %dma_wait3A_136 = tpu.memref_squeeze %dma_wait3A_135 : memref<1x80x8xf32, #tpu.memory_space<vmem>> -> memref<80x8xf32, #tpu.memory_space<vmem>>
          tpu.wait_dma2 semaphore(%arg12 : memref<!tpu.dma_semaphore, #tpu.memory_space<semaphore_mem>>) src(%dma_wait3A_136 : memref<80x8xf32, #tpu.memory_space<vmem>>) dst(%dma_wait3A_132 : memref<80x8xf32, #tpu.memory_space<hbm>>)
        } else {
        }
        %add3A_93 = arith.constant 1 : i32
        %add3A_94 = arith.addi %scan3A_66, %add3A_93 : i32
        %lt3A = arith.constant 125 : i32
        %lt3A_95 = arith.cmpi slt, %add3A_94, %lt3A : i32
        %convert_element_type3A_96 = arith.extui %lt3A_95 : i1 to i32
        %cond3A_97 = arith.constant 0 : i32
        %cond3A_98 = arith.cmpi ne, %convert_element_type3A_96, %cond3A_97 : i32
        scf.if %cond3A_98 {
          %dma_wait3A_122 = arith.constant 1 : i32
          %dma_wait3A_123 = arith.constant 0 : i32
          %dma_wait3A_124 = tpu.memref_slice %arg5[%dma_wait3A_122, %dma_wait3A_123] : memref<2x80xi32, #tpu.memory_space<vmem>> -> memref<1x80xi32, #tpu.memory_space<vmem>>
          %dma_wait3A_125 = tpu.memref_squeeze %dma_wait3A_124 : memref<1x80xi32, #tpu.memory_space<vmem>> -> memref<80xi32, #tpu.memory_space<vmem>>
          %dma_wait3A_126 = arith.constant 0 : i32
          %dma_wait3A_127 = tpu.memref_slice %arg3[%dma_wait3A_126] : memref<320000xi32, #tpu.memory_space<hbm>> -> memref<80xi32, #tpu.memory_space<hbm>>
          %dma_wait3A_128 = arith.constant 0 : i32
          %dma_wait3A_129 = tpu.memref_slice %arg5[%dma_wait3A_122, %dma_wait3A_128] : memref<2x80xi32, #tpu.memory_space<vmem>> -> memref<1x80xi32, #tpu.memory_space<vmem>>
          %dma_wait3A_130 = tpu.memref_squeeze %dma_wait3A_129 : memref<1x80xi32, #tpu.memory_space<vmem>> -> memref<80xi32, #tpu.memory_space<vmem>>
          %dma_wait3A_131 = arith.constant 0 : i32
          %dma_wait3A_132 = tpu.memref_slice %arg3[%dma_wait3A_131] : memref<320000xi32, #tpu.memory_space<hbm>> -> memref<80xi32, #tpu.memory_space<hbm>>
          tpu.wait_dma2 semaphore(%arg8 : memref<!tpu.dma_semaphore, #tpu.memory_space<semaphore_mem>>) src(%dma_wait3A_132 : memref<80xi32, #tpu.memory_space<hbm>>) dst(%dma_wait3A_130 : memref<80xi32, #tpu.memory_space<vmem>>)
          %dma_start3A_133 = arith.constant 1 : i32
          %dma_start3A_134 = arith.constant 1 : i32
          %dma_start3A_135 = arith.constant 0 : i32
          %dma_start3A_136 = arith.constant 0 : i32
          %dma_start3A_137 = tpu.memref_slice %arg6[%dma_start3A_134, %dma_start3A_135, %dma_start3A_136] : memref<2x80x8xf32, #tpu.memory_space<vmem>> -> memref<1x80x8xf32, #tpu.memory_space<vmem>>
          %dma_start3A_138 = tpu.memref_squeeze %dma_start3A_137 : memref<1x80x8xf32, #tpu.memory_space<vmem>> -> memref<80x8xf32, #tpu.memory_space<vmem>>
          %dma_start3A_139 = arith.constant 0 : i32
          %dma_start3A_140 = tpu.memref_slice %arg5[%dma_start3A_133, %dma_start3A_139] : memref<2x80xi32, #tpu.memory_space<vmem>> -> memref<1x80xi32, #tpu.memory_space<vmem>>
          %dma_start3A_141 = tpu.memref_squeeze %dma_start3A_140 : memref<1x80xi32, #tpu.memory_space<vmem>> -> memref<80xi32, #tpu.memory_space<vmem>>
          %dma_start3A_142 = arith.constant 0 : i32
          %dma_start3A_143 = arith.constant 0 : i32
          %dma_start3A_144 = tpu.memref_slice %arg2[%dma_start3A_142, %dma_start3A_143] : memref<10000x8xf32, #tpu.memory_space<hbm>> -> memref<10000x8xf32, #tpu.memory_space<hbm>>
          tpu.enqueue_indirect_dma source(%dma_start3A_144 : memref<10000x8xf32, #tpu.memory_space<hbm>>) target(%dma_start3A_138 : memref<80x8xf32, #tpu.memory_space<vmem>>) offsets(%dma_start3A_141 : memref<80xi32, #tpu.memory_space<vmem>>) semaphore(%arg10 : memref<!tpu.dma_semaphore, #tpu.memory_space<semaphore_mem>>)
        } else {
        }
        %add3A_99 = arith.constant 2 : i32
        %add3A_100 = arith.addi %scan3A_66, %add3A_99 : i32
        %lt3A_101 = arith.constant 125 : i32
        %lt3A_102 = arith.cmpi slt, %add3A_100, %lt3A_101 : i32
        %convert_element_type3A_103 = arith.extui %lt3A_102 : i1 to i32
        %cond3A_104 = arith.constant 0 : i32
        %cond3A_105 = arith.cmpi ne, %convert_element_type3A_103, %cond3A_104 : i32
        scf.if %cond3A_105 {
          %add3A_122 = arith.constant 2 : i32
          %add3A_123 = arith.addi %scan3A_66, %add3A_122 : i32
          %mul3A_124 = arith.constant 80 : i32
          %mul3A_125 = arith.muli %add3A_123, %mul3A_124 : i32
          %add3A_126 = arith.addi %mul3A_2, %mul3A_125 : i32
          %dma_start3A_127 = arith.constant 0 : i32
          %dma_start3A_128 = arith.constant 0 : i32
          %dma_start3A_129 = tpu.memref_slice %arg5[%dma_start3A_127, %dma_start3A_128] : memref<2x80xi32, #tpu.memory_space<vmem>> -> memref<1x80xi32, #tpu.memory_space<vmem>>
          %dma_start3A_130 = tpu.memref_squeeze %dma_start3A_129 : memref<1x80xi32, #tpu.memory_space<vmem>> -> memref<80xi32, #tpu.memory_space<vmem>>
          %dma_start3A_131 = tpu.memref_slice %arg3[%add3A_126] : memref<320000xi32, #tpu.memory_space<hbm>> -> memref<80xi32, #tpu.memory_space<hbm>>
          %dma_start3A_132 = arith.constant 0 : i32
          %dma_start3A_133 = tpu.memref_slice %arg5[%dma_start3A_127, %dma_start3A_132] : memref<2x80xi32, #tpu.memory_space<vmem>> -> memref<1x80xi32, #tpu.memory_space<vmem>>
          %dma_start3A_134 = tpu.memref_squeeze %dma_start3A_133 : memref<1x80xi32, #tpu.memory_space<vmem>> -> memref<80xi32, #tpu.memory_space<vmem>>
          %dma_start3A_135 = tpu.memref_slice %arg3[%add3A_126] : memref<320000xi32, #tpu.memory_space<hbm>> -> memref<80xi32, #tpu.memory_space<hbm>>
          tpu.enqueue_dma source(%dma_start3A_135 : memref<80xi32, #tpu.memory_space<hbm>>) target(%dma_start3A_134 : memref<80xi32, #tpu.memory_space<vmem>>) target_semaphore(%arg7 : memref<!tpu.dma_semaphore, #tpu.memory_space<semaphore_mem>>)
        } else {
        }
        %mul3A_106 = arith.constant 80 : i32
        %mul3A_107 = arith.muli %scan3A_66, %mul3A_106 : i32
        %add3A_108 = arith.addi %mul3A_2, %mul3A_107 : i32
        %dma_start3A_109 = arith.constant 0 : i32
        %dma_start3A_110 = arith.constant 0 : i32
        %dma_start3A_111 = arith.constant 0 : i32
        %dma_start3A_112 = tpu.memref_slice %arg6[%dma_start3A_109, %dma_start3A_110, %dma_start3A_111] : memref<2x80x8xf32, #tpu.memory_space<vmem>> -> memref<1x80x8xf32, #tpu.memory_space<vmem>>
        %dma_start3A_113 = tpu.memref_squeeze %dma_start3A_112 : memref<1x80x8xf32, #tpu.memory_space<vmem>> -> memref<80x8xf32, #tpu.memory_space<vmem>>
        %dma_start3A_114 = arith.constant 0 : i32
        %dma_start3A_115 = tpu.memref_slice %arg4[%add3A_108, %dma_start3A_114] : memref<320000x8xf32, #tpu.memory_space<hbm>> -> memref<80x8xf32, #tpu.memory_space<hbm>>
        %dma_start3A_116 = arith.constant 0 : i32
        %dma_start3A_117 = tpu.memref_slice %arg4[%add3A_108, %dma_start3A_116] : memref<320000x8xf32, #tpu.memory_space<hbm>> -> memref<80x8xf32, #tpu.memory_space<hbm>>
        %dma_start3A_118 = arith.constant 0 : i32
        %dma_start3A_119 = arith.constant 0 : i32
        %dma_start3A_120 = tpu.memref_slice %arg6[%dma_start3A_109, %dma_start3A_118, %dma_start3A_119] : memref<2x80x8xf32, #tpu.memory_space<vmem>> -> memref<1x80x8xf32, #tpu.memory_space<vmem>>
        %dma_start3A_121 = tpu.memref_squeeze %dma_start3A_120 : memref<1x80x8xf32, #tpu.memory_space<vmem>> -> memref<80x8xf32, #tpu.memory_space<vmem>>
        tpu.enqueue_dma source(%dma_start3A_121 : memref<80x8xf32, #tpu.memory_space<vmem>>) target(%dma_start3A_117 : memref<80x8xf32, #tpu.memory_space<hbm>>) target_semaphore(%arg11 : memref<!tpu.dma_semaphore, #tpu.memory_space<semaphore_mem>>)
      } else {
      }
      %rem3A_70 = arith.constant 2 : i32
      %rem3A_71 = arith.remsi %scan3A_66, %rem3A_70 : i32
      %eq3A_72 = arith.constant 1 : i32
      %eq3A_73 = arith.cmpi eq, %rem3A_71, %eq3A_72 : i32
      %convert_element_type3A_74 = arith.extui %eq3A_73 : i1 to i32
      %cond3A_75 = arith.constant 0 : i32
      %cond3A_76 = arith.cmpi ne, %convert_element_type3A_74, %cond3A_75 : i32
      scf.if %cond3A_76 {
        %dma_wait3A_77 = arith.constant 1 : i32
        %dma_wait3A_78 = arith.constant 1 : i32
        %dma_wait3A_79 = arith.constant 0 : i32
        %dma_wait3A_80 = arith.constant 0 : i32
        %dma_wait3A_81 = tpu.memref_slice %arg6[%dma_wait3A_78, %dma_wait3A_79, %dma_wait3A_80] : memref<2x80x8xf32, #tpu.memory_space<vmem>> -> memref<1x80x8xf32, #tpu.memory_space<vmem>>
        %dma_wait3A_82 = tpu.memref_squeeze %dma_wait3A_81 : memref<1x80x8xf32, #tpu.memory_space<vmem>> -> memref<80x8xf32, #tpu.memory_space<vmem>>
        %dma_wait3A_83 = arith.constant 0 : i32
        %dma_wait3A_84 = tpu.memref_slice %arg5[%dma_wait3A_77, %dma_wait3A_83] : memref<2x80xi32, #tpu.memory_space<vmem>> -> memref<1x80xi32, #tpu.memory_space<vmem>>
        %dma_wait3A_85 = tpu.memref_squeeze %dma_wait3A_84 : memref<1x80xi32, #tpu.memory_space<vmem>> -> memref<80xi32, #tpu.memory_space<vmem>>
        %dma_wait3A_86 = arith.constant 0 : i32
        %dma_wait3A_87 = arith.constant 0 : i32
        %dma_wait3A_88 = tpu.memref_slice %arg2[%dma_wait3A_86, %dma_wait3A_87] : memref<10000x8xf32, #tpu.memory_space<hbm>> -> memref<10000x8xf32, #tpu.memory_space<hbm>>
        tpu.wait_indirect_dma semaphore(%arg10 : memref<!tpu.dma_semaphore, #tpu.memory_space<semaphore_mem>>) src(%dma_wait3A_88 : memref<10000x8xf32, #tpu.memory_space<hbm>>) dst(%dma_wait3A_82 : memref<80x8xf32, #tpu.memory_space<vmem>>)
        %ge3A = arith.constant 1 : i32
        %ge3A_89 = arith.cmpi sge, %scan3A_66, %ge3A : i32
        %convert_element_type3A_90 = arith.extui %ge3A_89 : i1 to i32
        %cond3A_91 = arith.constant 0 : i32
        %cond3A_92 = arith.cmpi ne, %convert_element_type3A_90, %cond3A_91 : i32
        scf.if %cond3A_92 {
          %dma_wait3A_122 = arith.constant 0 : i32
          %dma_wait3A_123 = arith.constant 0 : i32
          %dma_wait3A_124 = arith.constant 0 : i32
          %dma_wait3A_125 = tpu.memref_slice %arg6[%dma_wait3A_122, %dma_wait3A_123, %dma_wait3A_124] : memref<2x80x8xf32, #tpu.memory_space<vmem>> -> memref<1x80x8xf32, #tpu.memory_space<vmem>>
          %dma_wait3A_126 = tpu.memref_squeeze %dma_wait3A_125 : memref<1x80x8xf32, #tpu.memory_space<vmem>> -> memref<80x8xf32, #tpu.memory_space<vmem>>
          %dma_wait3A_127 = arith.constant 0 : i32
          %dma_wait3A_128 = arith.constant 0 : i32
          %dma_wait3A_129 = tpu.memref_slice %arg4[%dma_wait3A_127, %dma_wait3A_128] : memref<320000x8xf32, #tpu.memory_space<hbm>> -> memref<80x8xf32, #tpu.memory_space<hbm>>
          %dma_wait3A_130 = arith.constant 0 : i32
          %dma_wait3A_131 = arith.constant 0 : i32
          %dma_wait3A_132 = tpu.memref_slice %arg4[%dma_wait3A_130, %dma_wait3A_131] : memref<320000x8xf32, #tpu.memory_space<hbm>> -> memref<80x8xf32, #tpu.memory_space<hbm>>
          %dma_wait3A_133 = arith.constant 0 : i32
          %dma_wait3A_134 = arith.constant 0 : i32
          %dma_wait3A_135 = tpu.memref_slice %arg6[%dma_wait3A_122, %dma_wait3A_133, %dma_wait3A_134] : memref<2x80x8xf32, #tpu.memory_space<vmem>> -> memref<1x80x8xf32, #tpu.memory_space<vmem>>
          %dma_wait3A_136 = tpu.memref_squeeze %dma_wait3A_135 : memref<1x80x8xf32, #tpu.memory_space<vmem>> -> memref<80x8xf32, #tpu.memory_space<vmem>>
          tpu.wait_dma2 semaphore(%arg11 : memref<!tpu.dma_semaphore, #tpu.memory_space<semaphore_mem>>) src(%dma_wait3A_136 : memref<80x8xf32, #tpu.memory_space<vmem>>) dst(%dma_wait3A_132 : memref<80x8xf32, #tpu.memory_space<hbm>>)
        } else {
        }
        %add3A_93 = arith.constant 1 : i32
        %add3A_94 = arith.addi %scan3A_66, %add3A_93 : i32
        %lt3A = arith.constant 125 : i32
        %lt3A_95 = arith.cmpi slt, %add3A_94, %lt3A : i32
        %convert_element_type3A_96 = arith.extui %lt3A_95 : i1 to i32
        %cond3A_97 = arith.constant 0 : i32
        %cond3A_98 = arith.cmpi ne, %convert_element_type3A_96, %cond3A_97 : i32
        scf.if %cond3A_98 {
          %dma_wait3A_122 = arith.constant 0 : i32
          %dma_wait3A_123 = arith.constant 0 : i32
          %dma_wait3A_124 = tpu.memref_slice %arg5[%dma_wait3A_122, %dma_wait3A_123] : memref<2x80xi32, #tpu.memory_space<vmem>> -> memref<1x80xi32, #tpu.memory_space<vmem>>
          %dma_wait3A_125 = tpu.memref_squeeze %dma_wait3A_124 : memref<1x80xi32, #tpu.memory_space<vmem>> -> memref<80xi32, #tpu.memory_space<vmem>>
          %dma_wait3A_126 = arith.constant 0 : i32
          %dma_wait3A_127 = tpu.memref_slice %arg3[%dma_wait3A_126] : memref<320000xi32, #tpu.memory_space<hbm>> -> memref<80xi32, #tpu.memory_space<hbm>>
          %dma_wait3A_128 = arith.constant 0 : i32
          %dma_wait3A_129 = tpu.memref_slice %arg5[%dma_wait3A_122, %dma_wait3A_128] : memref<2x80xi32, #tpu.memory_space<vmem>> -> memref<1x80xi32, #tpu.memory_space<vmem>>
          %dma_wait3A_130 = tpu.memref_squeeze %dma_wait3A_129 : memref<1x80xi32, #tpu.memory_space<vmem>> -> memref<80xi32, #tpu.memory_space<vmem>>
          %dma_wait3A_131 = arith.constant 0 : i32
          %dma_wait3A_132 = tpu.memref_slice %arg3[%dma_wait3A_131] : memref<320000xi32, #tpu.memory_space<hbm>> -> memref<80xi32, #tpu.memory_space<hbm>>
          tpu.wait_dma2 semaphore(%arg7 : memref<!tpu.dma_semaphore, #tpu.memory_space<semaphore_mem>>) src(%dma_wait3A_132 : memref<80xi32, #tpu.memory_space<hbm>>) dst(%dma_wait3A_130 : memref<80xi32, #tpu.memory_space<vmem>>)
          %dma_start3A_133 = arith.constant 0 : i32
          %dma_start3A_134 = arith.constant 0 : i32
          %dma_start3A_135 = arith.constant 0 : i32
          %dma_start3A_136 = arith.constant 0 : i32
          %dma_start3A_137 = tpu.memref_slice %arg6[%dma_start3A_134, %dma_start3A_135, %dma_start3A_136] : memref<2x80x8xf32, #tpu.memory_space<vmem>> -> memref<1x80x8xf32, #tpu.memory_space<vmem>>
          %dma_start3A_138 = tpu.memref_squeeze %dma_start3A_137 : memref<1x80x8xf32, #tpu.memory_space<vmem>> -> memref<80x8xf32, #tpu.memory_space<vmem>>
          %dma_start3A_139 = arith.constant 0 : i32
          %dma_start3A_140 = tpu.memref_slice %arg5[%dma_start3A_133, %dma_start3A_139] : memref<2x80xi32, #tpu.memory_space<vmem>> -> memref<1x80xi32, #tpu.memory_space<vmem>>
          %dma_start3A_141 = tpu.memref_squeeze %dma_start3A_140 : memref<1x80xi32, #tpu.memory_space<vmem>> -> memref<80xi32, #tpu.memory_space<vmem>>
          %dma_start3A_142 = arith.constant 0 : i32
          %dma_start3A_143 = arith.constant 0 : i32
          %dma_start3A_144 = tpu.memref_slice %arg2[%dma_start3A_142, %dma_start3A_143] : memref<10000x8xf32, #tpu.memory_space<hbm>> -> memref<10000x8xf32, #tpu.memory_space<hbm>>
          tpu.enqueue_indirect_dma source(%dma_start3A_144 : memref<10000x8xf32, #tpu.memory_space<hbm>>) target(%dma_start3A_138 : memref<80x8xf32, #tpu.memory_space<vmem>>) offsets(%dma_start3A_141 : memref<80xi32, #tpu.memory_space<vmem>>) semaphore(%arg9 : memref<!tpu.dma_semaphore, #tpu.memory_space<semaphore_mem>>)
        } else {
        }
        %add3A_99 = arith.constant 2 : i32
        %add3A_100 = arith.addi %scan3A_66, %add3A_99 : i32
        %lt3A_101 = arith.constant 125 : i32
        %lt3A_102 = arith.cmpi slt, %add3A_100, %lt3A_101 : i32
        %convert_element_type3A_103 = arith.extui %lt3A_102 : i1 to i32
        %cond3A_104 = arith.constant 0 : i32
        %cond3A_105 = arith.cmpi ne, %convert_element_type3A_103, %cond3A_104 : i32
        scf.if %cond3A_105 {
          %add3A_122 = arith.constant 2 : i32
          %add3A_123 = arith.addi %scan3A_66, %add3A_122 : i32
          %mul3A_124 = arith.constant 80 : i32
          %mul3A_125 = arith.muli %add3A_123, %mul3A_124 : i32
          %add3A_126 = arith.addi %mul3A_2, %mul3A_125 : i32
          %dma_start3A_127 = arith.constant 1 : i32
          %dma_start3A_128 = arith.constant 0 : i32
          %dma_start3A_129 = tpu.memref_slice %arg5[%dma_start3A_127, %dma_start3A_128] : memref<2x80xi32, #tpu.memory_space<vmem>> -> memref<1x80xi32, #tpu.memory_space<vmem>>
          %dma_start3A_130 = tpu.memref_squeeze %dma_start3A_129 : memref<1x80xi32, #tpu.memory_space<vmem>> -> memref<80xi32, #tpu.memory_space<vmem>>
          %dma_start3A_131 = tpu.memref_slice %arg3[%add3A_126] : memref<320000xi32, #tpu.memory_space<hbm>> -> memref<80xi32, #tpu.memory_space<hbm>>
          %dma_start3A_132 = arith.constant 0 : i32
          %dma_start3A_133 = tpu.memref_slice %arg5[%dma_start3A_127, %dma_start3A_132] : memref<2x80xi32, #tpu.memory_space<vmem>> -> memref<1x80xi32, #tpu.memory_space<vmem>>
          %dma_start3A_134 = tpu.memref_squeeze %dma_start3A_133 : memref<1x80xi32, #tpu.memory_space<vmem>> -> memref<80xi32, #tpu.memory_space<vmem>>
          %dma_start3A_135 = tpu.memref_slice %arg3[%add3A_126] : memref<320000xi32, #tpu.memory_space<hbm>> -> memref<80xi32, #tpu.memory_space<hbm>>
          tpu.enqueue_dma source(%dma_start3A_135 : memref<80xi32, #tpu.memory_space<hbm>>) target(%dma_start3A_134 : memref<80xi32, #tpu.memory_space<vmem>>) target_semaphore(%arg8 : memref<!tpu.dma_semaphore, #tpu.memory_space<semaphore_mem>>)
        } else {
        }
        %mul3A_106 = arith.constant 80 : i32
        %mul3A_107 = arith.muli %scan3A_66, %mul3A_106 : i32
        %add3A_108 = arith.addi %mul3A_2, %mul3A_107 : i32
        %dma_start3A_109 = arith.constant 1 : i32
        %dma_start3A_110 = arith.constant 0 : i32
        %dma_start3A_111 = arith.constant 0 : i32
        %dma_start3A_112 = tpu.memref_slice %arg6[%dma_start3A_109, %dma_start3A_110, %dma_start3A_111] : memref<2x80x8xf32, #tpu.memory_space<vmem>> -> memref<1x80x8xf32, #tpu.memory_space<vmem>>
        %dma_start3A_113 = tpu.memref_squeeze %dma_start3A_112 : memref<1x80x8xf32, #tpu.memory_space<vmem>> -> memref<80x8xf32, #tpu.memory_space<vmem>>
        %dma_start3A_114 = arith.constant 0 : i32
        %dma_start3A_115 = tpu.memref_slice %arg4[%add3A_108, %dma_start3A_114] : memref<320000x8xf32, #tpu.memory_space<hbm>> -> memref<80x8xf32, #tpu.memory_space<hbm>>
        %dma_start3A_116 = arith.constant 0 : i32
        %dma_start3A_117 = tpu.memref_slice %arg4[%add3A_108, %dma_start3A_116] : memref<320000x8xf32, #tpu.memory_space<hbm>> -> memref<80x8xf32, #tpu.memory_space<hbm>>
        %dma_start3A_118 = arith.constant 0 : i32
        %dma_start3A_119 = arith.constant 0 : i32
        %dma_start3A_120 = tpu.memref_slice %arg6[%dma_start3A_109, %dma_start3A_118, %dma_start3A_119] : memref<2x80x8xf32, #tpu.memory_space<vmem>> -> memref<1x80x8xf32, #tpu.memory_space<vmem>>
        %dma_start3A_121 = tpu.memref_squeeze %dma_start3A_120 : memref<1x80x8xf32, #tpu.memory_space<vmem>> -> memref<80x8xf32, #tpu.memory_space<vmem>>
        tpu.enqueue_dma source(%dma_start3A_121 : memref<80x8xf32, #tpu.memory_space<vmem>>) target(%dma_start3A_117 : memref<80x8xf32, #tpu.memory_space<hbm>>) target_semaphore(%arg12 : memref<!tpu.dma_semaphore, #tpu.memory_space<semaphore_mem>>)
      } else {
      }
    }
    %scan3A_50 = arith.constant 125 : i32
    %dma_wait3A_51 = arith.constant 0 : i32
    %dma_wait3A_52 = arith.constant 0 : i32
    %dma_wait3A_53 = arith.constant 0 : i32
    %dma_wait3A_54 = tpu.memref_slice %arg6[%dma_wait3A_51, %dma_wait3A_52, %dma_wait3A_53] : memref<2x80x8xf32, #tpu.memory_space<vmem>> -> memref<1x80x8xf32, #tpu.memory_space<vmem>>
    %dma_wait3A_55 = tpu.memref_squeeze %dma_wait3A_54 : memref<1x80x8xf32, #tpu.memory_space<vmem>> -> memref<80x8xf32, #tpu.memory_space<vmem>>
    %dma_wait3A_56 = arith.constant 0 : i32
    %dma_wait3A_57 = arith.constant 0 : i32
    %dma_wait3A_58 = tpu.memref_slice %arg4[%dma_wait3A_56, %dma_wait3A_57] : memref<320000x8xf32, #tpu.memory_space<hbm>> -> memref<80x8xf32, #tpu.memory_space<hbm>>
    %dma_wait3A_59 = arith.constant 0 : i32
    %dma_wait3A_60 = arith.constant 0 : i32
    %dma_wait3A_61 = tpu.memref_slice %arg4[%dma_wait3A_59, %dma_wait3A_60] : memref<320000x8xf32, #tpu.memory_space<hbm>> -> memref<80x8xf32, #tpu.memory_space<hbm>>
    %dma_wait3A_62 = arith.constant 0 : i32
    %dma_wait3A_63 = arith.constant 0 : i32
    %dma_wait3A_64 = tpu.memref_slice %arg6[%dma_wait3A_51, %dma_wait3A_62, %dma_wait3A_63] : memref<2x80x8xf32, #tpu.memory_space<vmem>> -> memref<1x80x8xf32, #tpu.memory_space<vmem>>
    %dma_wait3A_65 = tpu.memref_squeeze %dma_wait3A_64 : memref<1x80x8xf32, #tpu.memory_space<vmem>> -> memref<80x8xf32, #tpu.memory_space<vmem>>
    tpu.wait_dma2 semaphore(%arg11 : memref<!tpu.dma_semaphore, #tpu.memory_space<semaphore_mem>>) src(%dma_wait3A_65 : memref<80x8xf32, #tpu.memory_space<vmem>>) dst(%dma_wait3A_61 : memref<80x8xf32, #tpu.memory_space<hbm>>)
    return
  }
}

module attributes {stable_mosaic.version = 14 : i64} {
  func.func @_mlp_body(%arg0: i32, %arg1: memref<2000x128xf32, #tpu.memory_space<vmem>>, %arg2: memref<2000x128xf32, #tpu.memory_space<vmem>>, %arg3: memref<2000x128xf32, #tpu.memory_space<vmem>>, %arg4: memref<2000x16xf32, #tpu.memory_space<vmem>>, %arg5: memref<128x256xbf16, #tpu.memory_space<vmem>>, %arg6: memref<128x256xbf16, #tpu.memory_space<vmem>>, %arg7: memref<32x256xbf16, #tpu.memory_space<vmem>>, %arg8: memref<16x256xbf16, #tpu.memory_space<vmem>>, %arg9: memref<256x8xbf16, #tpu.memory_space<vmem>>, %arg10: memref<2000x8xf32, #tpu.memory_space<vmem>>) attributes {dimension_semantics = [#tpu.dimension_semantics<arbitrary>], iteration_bounds = array<i64: 96>, scalar_prefetch = 0 : i64, scratch_operands = 0 : i64, tpu.core_type = #tpu.core_type<tc>, window_params = [{transform_indices = @transform_0, window_bounds = array<i64: 2000, 128>}, {transform_indices = @transform_1, window_bounds = array<i64: 2000, 128>}, {transform_indices = @transform_2, window_bounds = array<i64: 2000, 128>}, {transform_indices = @transform_3, window_bounds = array<i64: 2000, 16>}, {pipeline_mode = #tpu.pipeline_mode<synchronous>, transform_indices = @transform_4, window_bounds = array<i64: 128, 256>}, {pipeline_mode = #tpu.pipeline_mode<synchronous>, transform_indices = @transform_5, window_bounds = array<i64: 128, 256>}, {pipeline_mode = #tpu.pipeline_mode<synchronous>, transform_indices = @transform_6, window_bounds = array<i64: 32, 256>}, {pipeline_mode = #tpu.pipeline_mode<synchronous>, transform_indices = @transform_7, window_bounds = array<i64: 16, 256>}, {pipeline_mode = #tpu.pipeline_mode<synchronous>, transform_indices = @transform_8, window_bounds = array<i64: 256, 8>}, {transform_indices = @transform_9, window_bounds = array<i64: 2000, 8>}]} {
    %get3A = arith.constant 0 : index
    %get3A_0 = arith.constant 0 : index
    %get3A_1 = vector.load %arg1[%get3A, %get3A_0] : memref<2000x128xf32, #tpu.memory_space<vmem>>, vector<2000x128xf32>
    %convert_element_type3A = arith.truncf %get3A_1 : vector<2000x128xf32> to vector<2000x128xbf16>
    %get3A_2 = arith.constant 0 : index
    %get3A_3 = arith.constant 0 : index
    %get3A_4 = vector.load %arg5[%get3A_2, %get3A_3] : memref<128x256xbf16, #tpu.memory_space<vmem>>, vector<128x256xbf16>
    %dot_general3A = arith.constant dense<0.000000e+00> : vector<2000x256xf32>
    %dot_general3A_5 = tpu.matmul %convert_element_type3A, %get3A_4, %dot_general3A {dimension_numbers = #tpu.dot_dimension_numbers<[1], [0], [0], [1], [0, 0, 1, 1], [], []>, transpose_lhs_hint = false} : vector<2000x128xbf16>, vector<128x256xbf16>, vector<2000x256xf32> -> vector<2000x256xf32>
    %get3A_6 = arith.constant 0 : index
    %get3A_7 = arith.constant 0 : index
    %get3A_8 = vector.load %arg2[%get3A_6, %get3A_7] : memref<2000x128xf32, #tpu.memory_space<vmem>>, vector<2000x128xf32>
    %convert_element_type3A_9 = arith.truncf %get3A_8 : vector<2000x128xf32> to vector<2000x128xbf16>
    %get3A_10 = arith.constant 0 : index
    %get3A_11 = arith.constant 0 : index
    %get3A_12 = vector.load %arg6[%get3A_10, %get3A_11] : memref<128x256xbf16, #tpu.memory_space<vmem>>, vector<128x256xbf16>
    %dot_general3A_13 = arith.constant dense<0.000000e+00> : vector<2000x256xf32>
    %dot_general3A_14 = tpu.matmul %convert_element_type3A_9, %get3A_12, %dot_general3A_13 {dimension_numbers = #tpu.dot_dimension_numbers<[1], [0], [0], [1], [0, 0, 1, 1], [], []>, transpose_lhs_hint = false} : vector<2000x128xbf16>, vector<128x256xbf16>, vector<2000x256xf32> -> vector<2000x256xf32>
    %add3A = arith.addf %dot_general3A_5, %dot_general3A_14 : vector<2000x256xf32>
    %get3A_15 = arith.constant 0 : index
    %get3A_16 = arith.constant 0 : index
    %get3A_17 = vector.load %arg3[%get3A_15, %get3A_16] : memref<2000x128xf32, #tpu.memory_space<vmem>>, vector<2000x32xf32>
    %convert_element_type3A_18 = arith.truncf %get3A_17 : vector<2000x32xf32> to vector<2000x32xbf16>
    %get3A_19 = arith.constant 0 : index
    %get3A_20 = arith.constant 0 : index
    %get3A_21 = vector.load %arg7[%get3A_19, %get3A_20] : memref<32x256xbf16, #tpu.memory_space<vmem>>, vector<32x256xbf16>
    %dot_general3A_22 = arith.constant dense<0.000000e+00> : vector<2000x256xf32>
    %dot_general3A_23 = tpu.matmul %convert_element_type3A_18, %get3A_21, %dot_general3A_22 {dimension_numbers = #tpu.dot_dimension_numbers<[1], [0], [0], [1], [0, 0, 1, 1], [], []>, transpose_lhs_hint = false} : vector<2000x32xbf16>, vector<32x256xbf16>, vector<2000x256xf32> -> vector<2000x256xf32>
    %add3A_24 = arith.addf %add3A, %dot_general3A_23 : vector<2000x256xf32>
    %get3A_25 = arith.constant 0 : index
    %get3A_26 = arith.constant 0 : index
    %get3A_27 = vector.load %arg4[%get3A_25, %get3A_26] : memref<2000x16xf32, #tpu.memory_space<vmem>>, vector<2000x16xf32>
    %convert_element_type3A_28 = arith.truncf %get3A_27 : vector<2000x16xf32> to vector<2000x16xbf16>
    %get3A_29 = arith.constant 0 : index
    %get3A_30 = arith.constant 0 : index
    %get3A_31 = vector.load %arg8[%get3A_29, %get3A_30] : memref<16x256xbf16, #tpu.memory_space<vmem>>, vector<16x256xbf16>
    %dot_general3A_32 = arith.constant dense<0.000000e+00> : vector<2000x256xf32>
    %dot_general3A_33 = tpu.matmul %convert_element_type3A_28, %get3A_31, %dot_general3A_32 {dimension_numbers = #tpu.dot_dimension_numbers<[1], [0], [0], [1], [0, 0, 1, 1], [], []>, transpose_lhs_hint = false} : vector<2000x16xbf16>, vector<16x256xbf16>, vector<2000x256xf32> -> vector<2000x256xf32>
    %add3A_34 = arith.addf %add3A_24, %dot_general3A_33 : vector<2000x256xf32>
    %max3A = arith.constant 0.000000e+00 : f32
    %max3A_35 = vector.broadcast %max3A : f32 to vector<2000x256xf32>
    %max3A_36 = arith.maximumf %add3A_34, %max3A_35 : vector<2000x256xf32>
    %convert_element_type3A_37 = arith.truncf %max3A_36 : vector<2000x256xf32> to vector<2000x256xbf16>
    %get3A_38 = arith.constant 0 : index
    %get3A_39 = arith.constant 0 : index
    %get3A_40 = vector.load %arg9[%get3A_38, %get3A_39] : memref<256x8xbf16, #tpu.memory_space<vmem>>, vector<256x8xbf16>
    %dot_general3A_41 = arith.constant dense<0.000000e+00> : vector<2000x8xf32>
    %dot_general3A_42 = tpu.matmul %convert_element_type3A_37, %get3A_40, %dot_general3A_41 {dimension_numbers = #tpu.dot_dimension_numbers<[1], [0], [0], [1], [0, 0, 1, 1], [], []>, transpose_lhs_hint = false} : vector<2000x256xbf16>, vector<256x8xbf16>, vector<2000x8xf32> -> vector<2000x8xf32>
    %mul3A = arith.constant 0.00999999977 : f32
    %mul3A_43 = vector.broadcast %mul3A : f32 to vector<2000x8xf32>
    %mul3A_44 = arith.mulf %mul3A_43, %dot_general3A_42 : vector<2000x8xf32>
    %max3A_45 = arith.maximumf %dot_general3A_42, %mul3A_44 : vector<2000x8xf32>
    %sqrt3A = arith.constant 1.600000e+01 : f32
    %sqrt3A_46 = math.sqrt %sqrt3A : f32
    %div3A = arith.constant 1.000000e+00 : f32
    %div3A_47 = arith.divf %div3A, %sqrt3A_46 : f32
    %mul3A_48 = vector.broadcast %div3A_47 : f32 to vector<2000x8xf32>
    %mul3A_49 = arith.mulf %max3A_45, %mul3A_48 : vector<2000x8xf32>
    %exp3A = math.exp %mul3A_49 : vector<2000x8xf32>
    %swap3A = arith.constant 0 : index
    %swap3A_50 = arith.constant 0 : index
    %swap3A_51 = vector.load %arg10[%swap3A, %swap3A_50] : memref<2000x8xf32, #tpu.memory_space<vmem>>, vector<2000x8xf32>
    tpu.vector_store %arg10[%swap3A, %swap3A_50], %exp3A {strides = array<i32>} : memref<2000x8xf32, #tpu.memory_space<vmem>>, vector<2000x8xf32>,
    return
  }
  func.func @transform_0(%arg0: i32) -> (i32, i32) {
    %c0_i32 = arith.constant 0 : i32
    %c0_i32_0 = arith.constant 0 : i32
    return %arg0, %c0_i32 : i32, i32
  }
  func.func @transform_1(%arg0: i32) -> (i32, i32) {
    %c0_i32 = arith.constant 0 : i32
    %c0_i32_0 = arith.constant 0 : i32
    return %arg0, %c0_i32 : i32, i32
  }
  func.func @transform_2(%arg0: i32) -> (i32, i32) {
    %c0_i32 = arith.constant 0 : i32
    %c0_i32_0 = arith.constant 0 : i32
    return %arg0, %c0_i32 : i32, i32
  }
  func.func @transform_3(%arg0: i32) -> (i32, i32) {
    %c0_i32 = arith.constant 0 : i32
    %c0_i32_0 = arith.constant 0 : i32
    return %arg0, %c0_i32 : i32, i32
  }
  func.func @transform_4(%arg0: i32) -> (i32, i32) {
    %c0_i32 = arith.constant 0 : i32
    %c0_i32_0 = arith.constant 0 : i32
    %c0_i32_1 = arith.constant 0 : i32
    return %c0_i32, %c0_i32_0 : i32, i32
  }
  func.func @transform_5(%arg0: i32) -> (i32, i32) {
    %c0_i32 = arith.constant 0 : i32
    %c0_i32_0 = arith.constant 0 : i32
    %c0_i32_1 = arith.constant 0 : i32
    return %c0_i32, %c0_i32_0 : i32, i32
  }
  func.func @transform_6(%arg0: i32) -> (i32, i32) {
    %c0_i32 = arith.constant 0 : i32
    %c0_i32_0 = arith.constant 0 : i32
    %c0_i32_1 = arith.constant 0 : i32
    return %c0_i32, %c0_i32_0 : i32, i32
  }
  func.func @transform_7(%arg0: i32) -> (i32, i32) {
    %c0_i32 = arith.constant 0 : i32
    %c0_i32_0 = arith.constant 0 : i32
    %c0_i32_1 = arith.constant 0 : i32
    return %c0_i32, %c0_i32_0 : i32, i32
  }
  func.func @transform_8(%arg0: i32) -> (i32, i32) {
    %c0_i32 = arith.constant 0 : i32
    %c0_i32_0 = arith.constant 0 : i32
    %c0_i32_1 = arith.constant 0 : i32
    return %c0_i32, %c0_i32_0 : i32, i32
  }
  func.func @transform_9(%arg0: i32) -> (i32, i32) {
    %c0_i32 = arith.constant 0 : i32
    %c0_i32_0 = arith.constant 0 : i32
    return %arg0, %c0_i32 : i32, i32
  }
}

module attributes {stable_mosaic.version = 14 : i64} {
  func.func @_mlp_body(%arg0: i32, %arg1: memref<2000x128xf32, #tpu.memory_space<vmem>>, %arg2: memref<2000x128xf32, #tpu.memory_space<vmem>>, %arg3: memref<2000x128xf32, #tpu.memory_space<vmem>>, %arg4: memref<2000x16xf32, #tpu.memory_space<vmem>>, %arg5: memref<128x256xbf16, #tpu.memory_space<vmem>>, %arg6: memref<128x256xbf16, #tpu.memory_space<vmem>>, %arg7: memref<32x256xbf16, #tpu.memory_space<vmem>>, %arg8: memref<16x256xbf16, #tpu.memory_space<vmem>>, %arg9: memref<256x8xbf16, #tpu.memory_space<vmem>>, %arg10: memref<2000x8xf32, #tpu.memory_space<vmem>>) attributes {dimension_semantics = [#tpu.dimension_semantics<arbitrary>], iteration_bounds = array<i64: 64>, scalar_prefetch = 0 : i64, scratch_operands = 0 : i64, tpu.core_type = #tpu.core_type<tc>, window_params = [{transform_indices = @transform_0, window_bounds = array<i64: 2000, 128>}, {transform_indices = @transform_1, window_bounds = array<i64: 2000, 128>}, {transform_indices = @transform_2, window_bounds = array<i64: 2000, 128>}, {transform_indices = @transform_3, window_bounds = array<i64: 2000, 16>}, {pipeline_mode = #tpu.pipeline_mode<synchronous>, transform_indices = @transform_4, window_bounds = array<i64: 128, 256>}, {pipeline_mode = #tpu.pipeline_mode<synchronous>, transform_indices = @transform_5, window_bounds = array<i64: 128, 256>}, {pipeline_mode = #tpu.pipeline_mode<synchronous>, transform_indices = @transform_6, window_bounds = array<i64: 32, 256>}, {pipeline_mode = #tpu.pipeline_mode<synchronous>, transform_indices = @transform_7, window_bounds = array<i64: 16, 256>}, {pipeline_mode = #tpu.pipeline_mode<synchronous>, transform_indices = @transform_8, window_bounds = array<i64: 256, 8>}, {transform_indices = @transform_9, window_bounds = array<i64: 2000, 8>}]} {
    %get3A = arith.constant 0 : index
    %get3A_0 = arith.constant 0 : index
    %get3A_1 = vector.load %arg1[%get3A, %get3A_0] : memref<2000x128xf32, #tpu.memory_space<vmem>>, vector<2000x128xf32>
    %convert_element_type3A = arith.truncf %get3A_1 : vector<2000x128xf32> to vector<2000x128xbf16>
    %get3A_2 = arith.constant 0 : index
    %get3A_3 = arith.constant 0 : index
    %get3A_4 = vector.load %arg5[%get3A_2, %get3A_3] : memref<128x256xbf16, #tpu.memory_space<vmem>>, vector<128x256xbf16>
    %dot_general3A = arith.constant dense<0.000000e+00> : vector<2000x256xf32>
    %dot_general3A_5 = tpu.matmul %convert_element_type3A, %get3A_4, %dot_general3A {dimension_numbers = #tpu.dot_dimension_numbers<[1], [0], [0], [1], [0, 0, 1, 1], [], []>, transpose_lhs_hint = false} : vector<2000x128xbf16>, vector<128x256xbf16>, vector<2000x256xf32> -> vector<2000x256xf32>
    %get3A_6 = arith.constant 0 : index
    %get3A_7 = arith.constant 0 : index
    %get3A_8 = vector.load %arg2[%get3A_6, %get3A_7] : memref<2000x128xf32, #tpu.memory_space<vmem>>, vector<2000x128xf32>
    %convert_element_type3A_9 = arith.truncf %get3A_8 : vector<2000x128xf32> to vector<2000x128xbf16>
    %get3A_10 = arith.constant 0 : index
    %get3A_11 = arith.constant 0 : index
    %get3A_12 = vector.load %arg6[%get3A_10, %get3A_11] : memref<128x256xbf16, #tpu.memory_space<vmem>>, vector<128x256xbf16>
    %dot_general3A_13 = arith.constant dense<0.000000e+00> : vector<2000x256xf32>
    %dot_general3A_14 = tpu.matmul %convert_element_type3A_9, %get3A_12, %dot_general3A_13 {dimension_numbers = #tpu.dot_dimension_numbers<[1], [0], [0], [1], [0, 0, 1, 1], [], []>, transpose_lhs_hint = false} : vector<2000x128xbf16>, vector<128x256xbf16>, vector<2000x256xf32> -> vector<2000x256xf32>
    %add3A = arith.addf %dot_general3A_5, %dot_general3A_14 : vector<2000x256xf32>
    %get3A_15 = arith.constant 0 : index
    %get3A_16 = arith.constant 0 : index
    %get3A_17 = vector.load %arg3[%get3A_15, %get3A_16] : memref<2000x128xf32, #tpu.memory_space<vmem>>, vector<2000x32xf32>
    %convert_element_type3A_18 = arith.truncf %get3A_17 : vector<2000x32xf32> to vector<2000x32xbf16>
    %get3A_19 = arith.constant 0 : index
    %get3A_20 = arith.constant 0 : index
    %get3A_21 = vector.load %arg7[%get3A_19, %get3A_20] : memref<32x256xbf16, #tpu.memory_space<vmem>>, vector<32x256xbf16>
    %dot_general3A_22 = arith.constant dense<0.000000e+00> : vector<2000x256xf32>
    %dot_general3A_23 = tpu.matmul %convert_element_type3A_18, %get3A_21, %dot_general3A_22 {dimension_numbers = #tpu.dot_dimension_numbers<[1], [0], [0], [1], [0, 0, 1, 1], [], []>, transpose_lhs_hint = false} : vector<2000x32xbf16>, vector<32x256xbf16>, vector<2000x256xf32> -> vector<2000x256xf32>
    %add3A_24 = arith.addf %add3A, %dot_general3A_23 : vector<2000x256xf32>
    %get3A_25 = arith.constant 0 : index
    %get3A_26 = arith.constant 0 : index
    %get3A_27 = vector.load %arg4[%get3A_25, %get3A_26] : memref<2000x16xf32, #tpu.memory_space<vmem>>, vector<2000x16xf32>
    %convert_element_type3A_28 = arith.truncf %get3A_27 : vector<2000x16xf32> to vector<2000x16xbf16>
    %get3A_29 = arith.constant 0 : index
    %get3A_30 = arith.constant 0 : index
    %get3A_31 = vector.load %arg8[%get3A_29, %get3A_30] : memref<16x256xbf16, #tpu.memory_space<vmem>>, vector<16x256xbf16>
    %dot_general3A_32 = arith.constant dense<0.000000e+00> : vector<2000x256xf32>
    %dot_general3A_33 = tpu.matmul %convert_element_type3A_28, %get3A_31, %dot_general3A_32 {dimension_numbers = #tpu.dot_dimension_numbers<[1], [0], [0], [1], [0, 0, 1, 1], [], []>, transpose_lhs_hint = false} : vector<2000x16xbf16>, vector<16x256xbf16>, vector<2000x256xf32> -> vector<2000x256xf32>
    %add3A_34 = arith.addf %add3A_24, %dot_general3A_33 : vector<2000x256xf32>
    %max3A = arith.constant 0.000000e+00 : f32
    %max3A_35 = vector.broadcast %max3A : f32 to vector<2000x256xf32>
    %max3A_36 = arith.maximumf %add3A_34, %max3A_35 : vector<2000x256xf32>
    %convert_element_type3A_37 = arith.truncf %max3A_36 : vector<2000x256xf32> to vector<2000x256xbf16>
    %get3A_38 = arith.constant 0 : index
    %get3A_39 = arith.constant 0 : index
    %get3A_40 = vector.load %arg9[%get3A_38, %get3A_39] : memref<256x8xbf16, #tpu.memory_space<vmem>>, vector<256x8xbf16>
    %dot_general3A_41 = arith.constant dense<0.000000e+00> : vector<2000x8xf32>
    %dot_general3A_42 = tpu.matmul %convert_element_type3A_37, %get3A_40, %dot_general3A_41 {dimension_numbers = #tpu.dot_dimension_numbers<[1], [0], [0], [1], [0, 0, 1, 1], [], []>, transpose_lhs_hint = false} : vector<2000x256xbf16>, vector<256x8xbf16>, vector<2000x8xf32> -> vector<2000x8xf32>
    %mul3A = arith.constant 0.00999999977 : f32
    %mul3A_43 = vector.broadcast %mul3A : f32 to vector<2000x8xf32>
    %mul3A_44 = arith.mulf %mul3A_43, %dot_general3A_42 : vector<2000x8xf32>
    %max3A_45 = arith.maximumf %dot_general3A_42, %mul3A_44 : vector<2000x8xf32>
    %sqrt3A = arith.constant 1.600000e+01 : f32
    %sqrt3A_46 = math.sqrt %sqrt3A : f32
    %div3A = arith.constant 1.000000e+00 : f32
    %div3A_47 = arith.divf %div3A, %sqrt3A_46 : f32
    %mul3A_48 = vector.broadcast %div3A_47 : f32 to vector<2000x8xf32>
    %mul3A_49 = arith.mulf %max3A_45, %mul3A_48 : vector<2000x8xf32>
    %exp3A = math.exp %mul3A_49 : vector<2000x8xf32>
    %swap3A = arith.constant 0 : index
    %swap3A_50 = arith.constant 0 : index
    %swap3A_51 = vector.load %arg10[%swap3A, %swap3A_50] : memref<2000x8xf32, #tpu.memory_space<vmem>>, vector<2000x8xf32>
    tpu.vector_store %arg10[%swap3A, %swap3A_50], %exp3A {strides = array<i32>} : memref<2000x8xf32, #tpu.memory_space<vmem>>, vector<2000x8xf32>,
    return
  }
  func.func @transform_0(%arg0: i32) -> (i32, i32) {
    %c0_i32 = arith.constant 0 : i32
    %c0_i32_0 = arith.constant 0 : i32
    return %arg0, %c0_i32 : i32, i32
  }
  func.func @transform_1(%arg0: i32) -> (i32, i32) {
    %c0_i32 = arith.constant 0 : i32
    %c0_i32_0 = arith.constant 0 : i32
    return %arg0, %c0_i32 : i32, i32
  }
  func.func @transform_2(%arg0: i32) -> (i32, i32) {
    %c0_i32 = arith.constant 0 : i32
    %c0_i32_0 = arith.constant 0 : i32
    return %arg0, %c0_i32 : i32, i32
  }
  func.func @transform_3(%arg0: i32) -> (i32, i32) {
    %c0_i32 = arith.constant 0 : i32
    %c0_i32_0 = arith.constant 0 : i32
    return %arg0, %c0_i32 : i32, i32
  }
  func.func @transform_4(%arg0: i32) -> (i32, i32) {
    %c0_i32 = arith.constant 0 : i32
    %c0_i32_0 = arith.constant 0 : i32
    %c0_i32_1 = arith.constant 0 : i32
    return %c0_i32, %c0_i32_0 : i32, i32
  }
  func.func @transform_5(%arg0: i32) -> (i32, i32) {
    %c0_i32 = arith.constant 0 : i32
    %c0_i32_0 = arith.constant 0 : i32
    %c0_i32_1 = arith.constant 0 : i32
    return %c0_i32, %c0_i32_0 : i32, i32
  }
  func.func @transform_6(%arg0: i32) -> (i32, i32) {
    %c0_i32 = arith.constant 0 : i32
    %c0_i32_0 = arith.constant 0 : i32
    %c0_i32_1 = arith.constant 0 : i32
    return %c0_i32, %c0_i32_0 : i32, i32
  }
  func.func @transform_7(%arg0: i32) -> (i32, i32) {
    %c0_i32 = arith.constant 0 : i32
    %c0_i32_0 = arith.constant 0 : i32
    %c0_i32_1 = arith.constant 0 : i32
    return %c0_i32, %c0_i32_0 : i32, i32
  }
  func.func @transform_8(%arg0: i32) -> (i32, i32) {
    %c0_i32 = arith.constant 0 : i32
    %c0_i32_0 = arith.constant 0 : i32
    %c0_i32_1 = arith.constant 0 : i32
    return %c0_i32, %c0_i32_0 : i32, i32
  }
  func.func @transform_9(%arg0: i32) -> (i32, i32) {
    %c0_i32 = arith.constant 0 : i32
    %c0_i32_0 = arith.constant 0 : i32
    return %arg0, %c0_i32 : i32, i32
  }
}

module attributes {stable_mosaic.version = 14 : i64} {
  func.func @_reduce_body(%arg0: i32, %arg1: memref<400x144xf32, #tpu.memory_space<vmem>>, %arg2: memref<400x144xf32, #tpu.memory_space<vmem>>, %arg3: memref<400x144xf32, #tpu.memory_space<vmem>>, %arg4: memref<400x144xf32, #tpu.memory_space<vmem>>, %arg5: memref<8x128xf32, #tpu.memory_space<vmem>>, %arg6: memref<128x128xf32, #tpu.memory_space<vmem>>, %arg7: memref<400x128xf32, #tpu.memory_space<vmem>>, %arg8: memref<400x8xf32, #tpu.memory_space<vmem>>) attributes {dimension_semantics = [#tpu.dimension_semantics<arbitrary>], iteration_bounds = array<i64: 25>, scalar_prefetch = 0 : i64, scratch_operands = 0 : i64, tpu.core_type = #tpu.core_type<tc>, window_params = [{transform_indices = @transform_0, window_bounds = array<i64: 400, 144>}, {transform_indices = @transform_1, window_bounds = array<i64: 400, 144>}, {transform_indices = @transform_2, window_bounds = array<i64: 400, 144>}, {transform_indices = @transform_3, window_bounds = array<i64: 400, 144>}, {pipeline_mode = #tpu.pipeline_mode<synchronous>, transform_indices = @transform_4, window_bounds = array<i64: 8, 128>}, {pipeline_mode = #tpu.pipeline_mode<synchronous>, transform_indices = @transform_5, window_bounds = array<i64: 128, 128>}, {transform_indices = @transform_6, window_bounds = array<i64: 400, 128>}, {transform_indices = @transform_7, window_bounds = array<i64: 400, 8>}]} {
    %get3A = arith.constant 0 : index
    %get3A_0 = arith.constant 0 : index
    %get3A_1 = vector.load %arg1[%get3A, %get3A_0] : memref<400x144xf32, #tpu.memory_space<vmem>>, vector<400x144xf32>
    %get3A_2 = arith.constant 0 : index
    %get3A_3 = arith.constant 0 : index
    %get3A_4 = vector.load %arg2[%get3A_2, %get3A_3] : memref<400x144xf32, #tpu.memory_space<vmem>>, vector<400x144xf32>
    %add3A = arith.addf %get3A_1, %get3A_4 : vector<400x144xf32>
    %get3A_5 = arith.constant 0 : index
    %get3A_6 = arith.constant 0 : index
    %get3A_7 = vector.load %arg3[%get3A_5, %get3A_6] : memref<400x144xf32, #tpu.memory_space<vmem>>, vector<400x144xf32>
    %get3A_8 = arith.constant 0 : index
    %get3A_9 = arith.constant 0 : index
    %get3A_10 = vector.load %arg4[%get3A_8, %get3A_9] : memref<400x144xf32, #tpu.memory_space<vmem>>, vector<400x144xf32>
    %add3A_11 = arith.addf %get3A_7, %get3A_10 : vector<400x144xf32>
    %add3A_12 = arith.addf %add3A, %add3A_11 : vector<400x144xf32>
    %slice3A = vector.extract_strided_slice %add3A_12 {offsets = [0, 0], sizes = [400, 128], strides = [1, 1]} : vector<400x144xf32> to vector<400x128xf32>
    %slice3A_13 = vector.extract_strided_slice %add3A_12 {offsets = [0, 128], sizes = [400, 8], strides = [1, 1]} : vector<400x144xf32> to vector<400x8xf32>
    %add3A_14 = arith.constant 9.99999971E-10 : f32
    %add3A_15 = vector.broadcast %add3A_14 : f32 to vector<400x8xf32>
    %add3A_16 = arith.addf %slice3A_13, %add3A_15 : vector<400x8xf32>
    %div3A = arith.constant 1.000000e+00 : f32
    %div3A_17 = vector.broadcast %div3A : f32 to vector<400x8xf32>
    %div3A_18 = arith.divf %div3A_17, %add3A_16 : vector<400x8xf32>
    %swap3A = arith.constant 0 : index
    %swap3A_19 = arith.constant 0 : index
    %swap3A_20 = vector.load %arg8[%swap3A, %swap3A_19] : memref<400x8xf32, #tpu.memory_space<vmem>>, vector<400x8xf32>
    tpu.vector_store %arg8[%swap3A, %swap3A_19], %div3A_18 {strides = array<i32>} : memref<400x8xf32, #tpu.memory_space<vmem>>, vector<400x8xf32>,
    %get3A_21 = arith.constant 0 : index
    %get3A_22 = arith.constant 0 : index
    %get3A_23 = vector.load %arg5[%get3A_21, %get3A_22] : memref<8x128xf32, #tpu.memory_space<vmem>>, vector<8x128xf32>
    %dot_general3A = arith.constant dense<0.000000e+00> : vector<400x128xf32>
    %dot_general3A_24 = tpu.matmul %div3A_18, %get3A_23, %dot_general3A {dimension_numbers = #tpu.dot_dimension_numbers<[1], [0], [0], [1], [0, 0, 1, 1], [], []>, transpose_lhs_hint = false} : vector<400x8xf32>, vector<8x128xf32>, vector<400x128xf32> -> vector<400x128xf32>
    %mul3A = arith.mulf %slice3A, %dot_general3A_24 : vector<400x128xf32>
    %get3A_25 = arith.constant 0 : index
    %get3A_26 = arith.constant 0 : index
    %get3A_27 = vector.load %arg6[%get3A_25, %get3A_26] : memref<128x128xf32, #tpu.memory_space<vmem>>, vector<128x128xf32>
    %dot_general3A_28 = arith.constant dense<0.000000e+00> : vector<400x128xf32>
    %dot_general3A_29 = tpu.matmul %mul3A, %get3A_27, %dot_general3A_28 {dimension_numbers = #tpu.dot_dimension_numbers<[1], [0], [0], [1], [0, 0, 1, 1], [], []>, transpose_lhs_hint = false} : vector<400x128xf32>, vector<128x128xf32>, vector<400x128xf32> -> vector<400x128xf32>
    %swap3A_30 = arith.constant 0 : index
    %swap3A_31 = arith.constant 0 : index
    %swap3A_32 = vector.load %arg7[%swap3A_30, %swap3A_31] : memref<400x128xf32, #tpu.memory_space<vmem>>, vector<400x128xf32>
    tpu.vector_store %arg7[%swap3A_30, %swap3A_31], %dot_general3A_29 {strides = array<i32>} : memref<400x128xf32, #tpu.memory_space<vmem>>, vector<400x128xf32>,
    return
  }
  func.func @transform_0(%arg0: i32) -> (i32, i32) {
    %c0_i32 = arith.constant 0 : i32
    %c0_i32_0 = arith.constant 0 : i32
    return %arg0, %c0_i32 : i32, i32
  }
  func.func @transform_1(%arg0: i32) -> (i32, i32) {
    %c0_i32 = arith.constant 0 : i32
    %c0_i32_0 = arith.constant 0 : i32
    return %arg0, %c0_i32 : i32, i32
  }
  func.func @transform_2(%arg0: i32) -> (i32, i32) {
    %c0_i32 = arith.constant 0 : i32
    %c0_i32_0 = arith.constant 0 : i32
    return %arg0, %c0_i32 : i32, i32
  }
  func.func @transform_3(%arg0: i32) -> (i32, i32) {
    %c0_i32 = arith.constant 0 : i32
    %c0_i32_0 = arith.constant 0 : i32
    return %arg0, %c0_i32 : i32, i32
  }
  func.func @transform_4(%arg0: i32) -> (i32, i32) {
    %c0_i32 = arith.constant 0 : i32
    %c0_i32_0 = arith.constant 0 : i32
    %c0_i32_1 = arith.constant 0 : i32
    return %c0_i32, %c0_i32_0 : i32, i32
  }
  func.func @transform_5(%arg0: i32) -> (i32, i32) {
    %c0_i32 = arith.constant 0 : i32
    %c0_i32_0 = arith.constant 0 : i32
    %c0_i32_1 = arith.constant 0 : i32
    return %c0_i32, %c0_i32_0 : i32, i32
  }
  func.func @transform_6(%arg0: i32) -> (i32, i32) {
    %c0_i32 = arith.constant 0 : i32
    %c0_i32_0 = arith.constant 0 : i32
    return %arg0, %c0_i32 : i32, i32
  }
  func.func @transform_7(%arg0: i32) -> (i32, i32) {
    %c0_i32 = arith.constant 0 : i32
    %c0_i32_0 = arith.constant 0 : i32
    return %arg0, %c0_i32 : i32, i32
  }
}

module attributes {stable_mosaic.version = 14 : i64} {
  func.func @_mul_body(%arg0: i32, %arg1: memref<2000x128xf32, #tpu.memory_space<vmem>>, %arg2: memref<2000x128xf32, #tpu.memory_space<vmem>>, %arg3: memref<2000x128xf32, #tpu.memory_space<vmem>>) attributes {dimension_semantics = [#tpu.dimension_semantics<arbitrary>], iteration_bounds = array<i64: 10>, scalar_prefetch = 0 : i64, scratch_operands = 0 : i64, tpu.core_type = #tpu.core_type<tc>, window_params = [{transform_indices = @transform_0, window_bounds = array<i64: 2000, 128>}, {transform_indices = @transform_1, window_bounds = array<i64: 2000, 128>}, {transform_indices = @transform_2, window_bounds = array<i64: 2000, 128>}]} {
    %get3A = arith.constant 0 : index
    %get3A_0 = arith.constant 0 : index
    %get3A_1 = vector.load %arg1[%get3A, %get3A_0] : memref<2000x128xf32, #tpu.memory_space<vmem>>, vector<2000x128xf32>
    %get3A_2 = arith.constant 0 : index
    %get3A_3 = arith.constant 0 : index
    %get3A_4 = vector.load %arg2[%get3A_2, %get3A_3] : memref<2000x128xf32, #tpu.memory_space<vmem>>, vector<2000x128xf32>
    %mul3A = arith.mulf %get3A_1, %get3A_4 : vector<2000x128xf32>
    %swap3A = arith.constant 0 : index
    %swap3A_5 = arith.constant 0 : index
    %swap3A_6 = vector.load %arg3[%swap3A, %swap3A_5] : memref<2000x128xf32, #tpu.memory_space<vmem>>, vector<2000x128xf32>
    tpu.vector_store %arg3[%swap3A, %swap3A_5], %mul3A {strides = array<i32>} : memref<2000x128xf32, #tpu.memory_space<vmem>>, vector<2000x128xf32>,
    return
  }
  func.func @transform_0(%arg0: i32) -> (i32, i32) {
    %c0_i32 = arith.constant 0 : i32
    %c0_i32_0 = arith.constant 0 : i32
    return %arg0, %c0_i32 : i32, i32
  }
  func.func @transform_1(%arg0: i32) -> (i32, i32) {
    %c0_i32 = arith.constant 0 : i32
    %c0_i32_0 = arith.constant 0 : i32
    return %arg0, %c0_i32 : i32, i32
  }
  func.func @transform_2(%arg0: i32) -> (i32, i32) {
    %c0_i32 = arith.constant 0 : i32
    %c0_i32_0 = arith.constant 0 : i32
    return %arg0, %c0_i32 : i32, i32
  }
}

</mosaic_0001>

<sc_bundles>
// kernel: kernel.11.cloned.1.call-start
scs
__scs_entry_jumppad:
0x0: {  	(pc) =	sbr.rel $0x88, $3  }
0x1: {  	(tag) =	ssettag $0x0;
	lr =	simm.s32 $0x1  }
0x2: {  	[smem:$0x3F9A] =	sst lr;
	_ =	strace $0xD0000000  }
0x3: {  	_ = 	snop  }
0x4: {  	_ = 	snop  }
0x5: {  	_ = 	snop  }
0x6: {  	_ = 	snop  }
0x7: {  	_ = 	snop  }
__scs_overlays_trampoline_lowered:
0x8: {  	[smem:$0x3FA9] =	sst s0  }
0x9: {  	[smem:$0x3FAA] =	sst s1  }
0xa: {  	[smem:$0x3FAB] =	sst s2  }
0xb: {  	[smem:$0x3FAC] =	sst s3  }
0xc: {  	[smem:$0x3FAD] =	sst s4  }
0xd: {  	[smem:$0x3FAE] =	sst s5  }
0xe: {  	[smem:$0x3FAF] =	sst s6  }
0xf: {  	[smem:$0x3FB0] =	sst s7  }
0x10: {  	[smem:$0x3FB1] =	sst s8  }
0x11: {  	[smem:$0x3FB2] =	sst s9;
	s0 =	simm.s32 @!p0 $0x0  }
0x12: {  	s1 =	sld [smem:$0x3F98];
	s0 =	simm.s32 @p0 $0x1  }
0x13: {  	[smem:$0x3FB3] =	sst s0;
	s0 =	simm.s32 @!p1 $0x0  }
0x14: {  	s2 =	sld [smem:$0x3F97];
	s0 =	simm.s32 @p1 $0x1  }
0x15: {  	[smem:$0x3FB4] =	sst s0;
	s0 =	simm.s32 @!p2 $0x0  }
0x16: {  	s3 =	sld [smem:$0x3FDB];
	s0 =	simm.s32 @p2 $0x1  }
0x17: {  	s4 =	simm.s32 $0x1BF5;
	[smem:$0x3FB6] =	sst s0  }
0x18: {  	s0 =	sld [smem:$0x3F99];
	_ =	swait.ge [sflag:s4], $0x0  }
0x19: {  	s7 =	sld [smem:$0x3F9A]  }
0x1a: {  	s8 =	sadd.s32 $0xFFFFE003, lr  }
0x1b: {  	s9 =	sadd.s32 $0xFFFFFEF7, lr;
	s5 =	simm.s32 $0xFFFFFFFF;
	p2 =	slt.u32 s8, $0xFFFFF086  }
0x1c: {  	p1 =	slt.u32 s9, $0xF7A;
	s5 =	simm.s32 @!p2 $0x0  }
0x1d: {  	s5 =	simm.s32 @p1 $0x1;
	p0 =	seq.s32 s7, s2  }
0x1e: {  	s7 =	smul.u32 @!p0 $0xF7A, s2;
	p2 =	seq.s32 @!p0 s5, $0x0  }
0x1f: {  	s9 =	smul.u32 $0xF7A, s1;
	s8 =	simm.s32 @!p0 $0x1BF5;
	p2 =	por !p2, p0  }
0x20: {  	[sflag:s8] =	ssyncset.s32 @!p0 $0xFFFFF086;
	s6 =	sadd.s32 @!p0 s3, s7;
	s7 =	simm.s32 @!p0 $0x108  }
0x21: {  	s3 =	sadd.s32 s3, s9;
	s6 =	sadd.s32 @!p0 $0x88, s6;
	s7 =	simm.s32 @p2 $0x1082  }
0x22: {  	[simem:s7], [sflag:s8] =	dma.local @!p0 [hbm:s6], $0xF7A  }
0x23: {  	s9 =	sor.u32 $0xD0000000, s2;
	s6 =	simm.s32 $0x108;
	_ =	swait.ge @!p0 [sflag:s8], $0x0  }
0x24: {  	s3 =	sadd.s32 $0x88, s3;
	s6 =	simm.s32 @!p1 $0x1082;
	[sflag:s4] =	ssyncset.s32 $0xFFFFF086  }
0x25: {  	[simem:s6], [sflag:s4] =	dma.local [hbm:s3], $0xF7A  }
0x26: {  	[smem:$0x3F9A] =	sst s1;
	(tag) =	ssettag s2;
	_ =	strace s9  }
0x27: {  	s1 =	sld [smem:$0x3FAA]  }
0x28: {  	s2 =	sld [smem:$0x3FAB]  }
0x29: {  	s4 =	sld [smem:$0x3FAD]  }
0x2a: {  	p0 =	seq.s32 s5, $0x0;
	s5 =	sld [smem:$0x3FAE]  }
0x2b: {  	s6 =	sld [smem:$0x3FAF]  }
0x2c: {  	s7 =	sld [smem:$0x3FB0]  }
0x2d: {  	s3 =	simm.s32 $0x108;
	s8 =	sld [smem:$0x3FB1]  }
0x2e: {  	s3 =	simm.s32 @!p0 $0x1082;
	s9 =	sld [smem:$0x3FB2]  }
0x2f: {  	lr =	sadd.s32 s0, s3;
	s0 =	sld [smem:$0x3FA9]  }
0x30: {  	s3 =	sld [smem:$0x3FAC]  }
0x31: {  	[smem:$0x3FB5] =	sst s10  }
0x32: {  	s10 =	sld [smem:$0x3FB3];
	_ =	sdelay $0x3  }
0x33: {  	p0 =	seq.s32 s10, $0x1;
	s10 =	sld [smem:$0x3FB5];
	_ =	sdelay $0x3  }
0x34: {  	[smem:$0x3FB5] =	sst s10  }
0x35: {  	s10 =	sld [smem:$0x3FB4];
	_ =	sdelay $0x3  }
0x36: {  	p1 =	seq.s32 s10, $0x1;
	s10 =	sld [smem:$0x3FB5];
	_ =	sdelay $0x3  }
0x37: {  	[smem:$0x3FB5] =	sst s10  }
0x38: {  	s10 =	sld [smem:$0x3FB6]  }
0x39: {  	_ = 	snop;
	(pc) =	sbr.ind lr, $3  }
0x3a: {  	_ = 	snop  }
0x3b: {  	_ = 	snop  }
0x3c: {  	p2 =	seq.s32 s10, $0x1;
	s10 =	sld [smem:$0x3FB5]  }
0x3d: {  	_ =	shalt  }
0x3e: {  	_ =	shalt  }
0x3f: {  	_ =	shalt  }
0x40: {  	_ =	shalt  }
0x41: {  	_ =	shalt  }
0x42: {  	_ =	shalt  }
0x43: {  	_ =	shalt  }
0x44: {  	_ =	shalt  }
0x45: {  	_ =	shalt  }
0x46: {  	_ =	shalt  }
0x47: {  	_ =	shalt  }
0x48: {  	_ =	shalt  }
0x49: {  	_ =	shalt  }
0x4a: {  	_ =	shalt  }
0x4b: {  	_ =	shalt  }
0x4c: {  	_ =	shalt  }
0x4d: {  	_ =	shalt  }
0x4e: {  	_ =	shalt  }
0x4f: {  	_ =	shalt  }
0x50: {  	_ =	shalt  }
0x51: {  	_ =	shalt  }
0x52: {  	_ =	shalt  }
0x53: {  	_ =	shalt  }
0x54: {  	_ =	shalt  }
0x55: {  	_ =	shalt  }
0x56: {  	_ =	shalt  }
0x57: {  	_ =	shalt  }
0x58: {  	_ =	shalt  }
0x59: {  	_ =	shalt  }
0x5a: {  	_ =	shalt  }
0x5b: {  	_ =	shalt  }
0x5c: {  	_ =	shalt  }
0x5d: {  	_ =	shalt  }
0x5e: {  	_ =	shalt  }
0x5f: {  	_ =	shalt  }
0x60: {  	_ =	shalt  }
0x61: {  	_ =	shalt  }
0x62: {  	_ =	shalt  }
0x63: {  	_ =	shalt  }
0x64: {  	_ =	shalt  }
0x65: {  	_ =	shalt  }
0x66: {  	_ =	shalt  }
0x67: {  	_ =	shalt  }
0x68: {  	_ =	shalt  }
0x69: {  	_ =	shalt  }
0x6a: {  	_ =	shalt  }
0x6b: {  	_ =	shalt  }
0x6c: {  	_ =	shalt  }
0x6d: {  	_ =	shalt  }
0x6e: {  	_ =	shalt  }
0x6f: {  	_ =	shalt  }
0x70: {  	_ =	shalt  }
0x71: {  	_ =	shalt  }
0x72: {  	_ =	shalt  }
0x73: {  	_ =	shalt  }
0x74: {  	_ =	shalt  }
0x75: {  	_ =	shalt  }
0x76: {  	_ =	shalt  }
0x77: {  	_ =	shalt  }
0x78: {  	_ =	shalt  }
0x79: {  	_ =	shalt  }
0x7a: {  	_ =	shalt  }
0x7b: {  	_ =	shalt  }
0x7c: {  	_ =	shalt  }
0x7d: {  	_ =	shalt  }
0x7e: {  	_ =	shalt  }
0x7f: {  	_ =	shalt  }
0x80: {  	_ =	shalt  }
0x81: {  	_ =	shalt  }
0x82: {  	_ =	shalt  }
0x83: {  	_ =	shalt  }
0x84: {  	_ =	shalt  }
0x85: {  	_ =	shalt  }
0x86: {  	_ =	shalt  }
0x87: {  	_ =	shalt  }
.Lfunc_end0:
.L_simem_size_0:
called_computation_lowered:
.L_overlay_start_0:
0x88: {  	s2 =	sld [smem:$0x3FD9]  }
0x89: {  	s3 =	sld [smem:$0x3FFE];
	_ =	sdelay $0x1  }
0x8a: {  	s1 =	srdreg.scid  }
0x8b: {  	s0 =	sand.u32 $0x1, s1  }
0x8c: {  	s14 =	sshll.u32 s0, $0xA;
	s2 =	sadd.s32 s3, s2  }
0x8d: {  	s2 =	sadd.s32 s2, s14  }
0x8e: {  	[smem:$0x3FC1] =	sst s2  }
0x8f: {  	_ = 	snop  }
0x90: {  	s2 =	sld [smem:$0x3FD0];
	_ =	sdelay $0x2  }
0x91: {  	s4 =	simm.s32 $0xB;
	s5 =	simm.s32 $0x10;
	s15 =	sld [smem:$0x3FC9]  }
0x92: {  	[smem:s5], [sflag:s4] =	dma.local [hbm:s2], $0x1  }
0x93: {  	_ =	swait.eq [sflag:s4], $0x1  }
0x94: {  	[sflag:s4] =	ssyncset.done $0x0  }
0x95: {  	[sflag:s4] =	ssyncadd.s32 $0xFFFFFFFF  }
0x96: {  	s16 =	sld [smem:$0x10];
	(tm) =	ssettm $0x1  }
0x97: {  	s17 =	sld [smem:$0x3FFB];
	_ =	sdelay $0x3  }
0x98: {  	_ =	strace s17  }
0x99: {  	s4 =	sld [smem:$0x3FFC];
	_ =	sdelay $0x3  }
0x9a: {  	_ =	strace s4  }
0x9b: {  	s4 =	sld [smem:$0x3FFD];
	_ =	sdelay $0x3  }
0x9c: {  	_ =	strace s4  }
0x9d: {  	_ =	strace $0x8FFFFFFF  }
0x9e: {  	s18 =	sld [smem:$0x3FDB];
	_ =	sdelay $0x1  }
0x9f: {  	s19 =	simm.s32 $_scs_section_size  }
0xa0: {  	s6 =	simm.s32 $_size__tile_overlayer_lowered;
	s7 =	simm.s32 $_tile_overlayer_lowered  }
0xa1: {  	s22 =	simm.s32 $0x1BFF;
	s21 =	sshll.u32 s7, $0x1;
	s4 =	sadd.s32 s19, s18  }
0xa2: {  	s8 =	simm.s32 $0x0;
	s20 =	sshll.u32 s6, $0x1;
	s6 =	sadd.s32 s21, s4  }
0xa3: {  	[timem:s8], [sflag:s22] =	dma.local [hbm:s6], s20  }
0xa4: {  	_ =	swait.ge [sflag:s22], s20  }
0xa5: {  	s5 =	ssub.s32 $0x0, s20;
	[sflag:s22] =	ssyncset.done $0x0  }
0xa6: {  	[sflag:s22] =	ssyncadd.s32 s5;
	_ =	sdelay $0x1  }
0xa7: {  	s23 =	simm.s32 $0x1B8B  }
0xa8: {  	_ =	swait.ge [sflag:s23], $0x1  }
0xa9: {  	[sflag:s23] =	ssyncset.done $0x0  }
0xaa: {  	s25 =	simm.s32 $0x1B8E;
	s24 =	sld [smem:$0x3FFE];
	[sflag:s23] =	ssyncadd.s32 $0xFFFFFFFF  }
0xab: {  	s26 =	simm.s32 $execute0_lowered;
	[smem:$0x3FD2] =	sst s25  }
0xac: {  	s6 =	sshll.u32 s26, $0x1;
	_ =	strace $0x80000046;
	[dreg:$0x1] =	wrdreg $0xFFFFFFFF  }
0xad: {  	s28 =	simm.s32 $_size_execute0_lowered;
	s4 =	sadd.s32 s4, s6;
	[dreg:$0x0] =	wrdreg $0x0  }
0xae: {  	s6 =	sshll.u32 s28, $0x1;
	[dreg:$0x2] =	wrdreg s4  }
0xaf: {  	[dreg:$0x3] =	wrdreg s6  }
0xb0: {  	[dreg:$0x4] =	wrdreg $0xC0  }
0xb1: {  	_ =	task [dreg:s8], $0x5FFFF  }
0xb2: {  	[dreg:$0x1] =	wrdreg $0xFFFFFFFF  }
0xb3: {  	[dreg:$0x0] =	wrdreg $0x60  }
0xb4: {  	[dreg:$0x2] =	wrdreg s15  }
0xb5: {  	[dreg:$0x3] =	wrdreg s24  }
0xb6: {  	[dreg:$0x4] =	wrdreg s16  }
0xb7: {  	[dreg:$0x5] =	wrdreg $0xA  }
0xb8: {  	_ =	task.clear_ibuf [dreg:s8], $0x6FFFF;
	_ =	strace $0x90000046  }
0xb9: {  	s29 =	simm.s32 $0xA;
	_ =	strace $0x80000048  }
0xba: {  	_ =	swait.ge [sflag:s29], $0x1  }
0xbb: {  	[sflag:s29] =	ssyncadd.s32 $0xFFFFFFFF  }
0xbc: {  	_ =	strace $0x90000048  }
0xbd: {  	_ =	sfence  }
0xbe: {  	s30 =	sld [smem:$0x0];
	_ =	sdelay $0x2  }
0xbf: {  	s31 =	sshll.u32 s1, $0xD;
	s1 =	sshrl.u32 s1, $0x2  }
0xc0: {  	s3 =	sand.u32 $0x4000, s31;
	s1 =	sadd.s32 s1, s30  }
0xc1: {  	s0 =	sor.u32 s3, s0;
	s1 =	sshll.u32 s1, $0x11  }
0xc2: {  	s0 =	sor.u32 s1, s0  }
0xc3: {  	s0 =	sadd.s32 $0x8F2B, s0  }
0xc4: {  	[sflag:s0] =	ssyncadd.remote.s32 $0x1  }
0xc5: {  	_ =	sfence.sel $0xFFFF  }
0xc6: {  	[dreg:$0x0] =	wrdreg $0xFFFFFFFF;
	(pc) =	sbr.abs _section_cstart, $3  }
0xc7: {  	[dreg:$0x1] =	wrdreg $0xFFFFFFFF  }
0xc8: {  	_ =	task.clear_ibuf [dreg:s8], $0x2FFFF;
	_ =	strace $0x9FFFFFFF  }
0xc9: {  	(tm) =	ssettm $0x7FFFFFFF  }
tec
execute0_lowered:
.L_overlay_start_1:
0x0: {  	(tag) =	ssettag $0x1  }
0x1: {  	s1 =	rddreg [dreg:$0x0]  }
0x2: {  	s0 =	rddreg [dreg:$0x1]  }
0x3: {  	s3 =	rddreg [dreg:$0x2];
	s4 =	simm.s32 $0x0;
	s2 =	srdreg.scid  }
0x4: {  	s5 =	stileid.u32;
	s17 =	simm.s32 $0xA0;
	s18 =	simm.s32 $0x50  }
0x5: {  	s19 =	simm.s32 $0xF0;
	s20 =	simm.s32 $0x1;
	s21 =	simm.s32 $0x140  }
0x6: {  	s22 =	simm.s32 $0x5140;
	s23 =	simm.s32 $0xA140;
	s28 =	simm.s32 $0x2940  }
0x7: {  	s29 =	simm.s32 $0x7940;
	s31 =	simm.s32 $0x3;
	s12 =	simm.s32 $0x0  }
0x8: {  	[smem:$0x7FF] =	sst s4;
	s2 =	sand.u32 $0x1, s2;
	s5 =	sshll.u32 s5, $0x1  }
0x9: {  	s6 =	sadd.s32 $0x3C00, s0;
	s8 =	sadd.s32 $0x5EEA00, s0;
	s9 =	sadd.s32 $0x12A00, s0  }
0xa: {  	s10 =	sadd.s32 $0x300A00, s0;
	s7 =	sor.u32 s2, s5;
	s2 =	ssub.s32 $0x2, s2  }
0xb: {  	_ =	strace $0x80000047;
	s7 =	smul.u32 $0x1770, s7;
	s24 =	sshrl.u32 s2, $0x1  }
0xc: {  	s5 =	sadd.s32 $0xDA00, s0;
	s0 =	ssub.s32 s2, s24;
	s24 =	simm.s32 $0xAB40  }
0xd: {  	s11 =	sshrl.u32 s7, $0x3;
	s15 =	sadd.s32 $0xA0, s7;
	s0 =	smax.u32 s0, $0x1  }
.Ltmp0:
0xe: {  	s25 =	sadd.s32 s3, s11;
	[dreg:$0x8] =	wrdreg s0;
	(pc) =	sbr.rel .LBB2_1-.Ltmp0, $4  }
0xf: {  	s26 =	sadd.s32 $0xA, s11;
	s11 =	sadd.s32 s6, s11;
	[dreg:$0x4] =	wrdreg s25  }
0x10: {  	s0 =	simm.s32 $0xB540;
	[dreg:$0x5] =	wrdreg s11;
	s30 =	sadd.s32 s3, s26  }
0x11: {  	s2 =	sadd.s32 s6, s26;
	s25 =	simm.s32 $0x4;
	[dreg:$0x6] =	wrdreg s30  }
0x12: {  	s26 =	simm.s32 $0x5;
	[dreg:$0x7] =	wrdreg s2;
	s2 =	simm.s32 $0x2  }
.LBB2_12:
0x13: {  	_ =	swait.ge [sflag:s26], $0x2800  }
0x14: {  	[sflag:s26] =	ssyncset.done $0x0  }
0x15: {  	[sflag:s26] =	ssyncadd.s32 $0xFFFFD800  }
0x16: {  	_ =	swait.ge [sflag:s26], $0x2800  }
0x17: {  	[sflag:s26] =	ssyncset.done $0x0  }
0x18: {  	[sflag:s26] =	ssyncadd.s32 $0xFFFFD800  }
0x19: {  	_ =	swait.ge [sflag:s26], $0x2800  }
0x1a: {  	s12 =	rddreg [dreg:$0x9]  }
0x1b: {  	s11 =	rddreg [dreg:$0x8];
	s12 =	sadd.s32 $0x1, s12  }
0x1c: {  	p0 =	sne.s32 s12, s11  }
.Ltmp1:
0x1d: {  	_ = 	snop;
	(pc) =	sbr.rel @!p0 .LBB2_13-.Ltmp1, $3  }
0x1e: {  	_ =	sdelay $0x1  }
0x1f: {  	[sflag:s26] =	ssyncset.done $0x0  }
0x20: {  	[sflag:s26] =	ssyncadd.s32 $0xFFFFD800  }
.LBB2_1:
0x21: {  	[dreg:$0x9] =	wrdreg s12  }
0x22: {  	s11 =	rddreg [dreg:$0x4]  }
0x23: {  	[tilespmem:s4], [sflag:$0x1] =	stream.linear.gather [hbm4b:s11+s4], $0x50, $0x38;
	[tilespmem:$0x10540] =	vst v63  }
0x24: {  	s14 =	rddreg [dreg:$0x5]  }
0x25: {  	[tilespmem:s17], [sflag:$0x1] =	stream.linear.gather [hbm4b:s14+s4], $0x50, $0x38;
	[tilespmem:$0x10540] =	vst v63  }
0x26: {  	s16 =	rddreg [dreg:$0x6]  }
0x27: {  	[tilespmem:s18], [sflag:$0x2] =	stream.linear.gather [hbm4b:s16+s4], $0x50, $0x38;
	[tilespmem:$0x10540] =	vst v63  }
0x28: {  	s30 =	rddreg [dreg:$0x7]  }
0x29: {  	[tilespmem:s19], [sflag:$0x2] =	stream.linear.gather [hbm4b:s30+s4], $0x50, $0x38;
	[tilespmem:$0x10540] =	vst v63  }
0x2a: {  	_ =	swait.ge [sflag:s20], $0x50  }
0x2b: {  	[sflag:s20] =	ssyncset.done $0x0  }
0x2c: {  	[sflag:s20] =	ssyncadd.s32 $0xFFFFFFB0  }
0x2d: {  	_ =	swait.ge [sflag:s20], $0x50  }
0x2e: {  	[sflag:s20] =	ssyncset.done $0x0  }
0x2f: {  	[sflag:s20] =	ssyncadd.s32 $0xFFFFFFB0  }
0x30: {  	[tilespmem:s21], [sflag:$0x3] =	stream.indirect.gather [hbm4b:s1+s18], $0x80, s4, s18, $0xb8;
	[tilespmem:$0x10540] =	vst v63  }
0x31: {  	_ = 	snop  }
0x32: {  	[tilespmem:s22], [sflag:$0x3] =	stream.indirect.gather [hbm4b:s1+s18], $0x80, s17, s18, $0xb8;
	[tilespmem:$0x10540] =	vst v63  }
.Ltmp2:
0x33: {  	_ = 	snop;
	(pc) =	sbr.rel .LBB2_2-.Ltmp2, $4  }
0x34: {  	_ = 	snop  }
0x35: {  	[tilespmem:s23], [sflag:$0x3] =	stream.indirect.gather [hbm4b:s5+s18], $0x10, s4, s18, $0xb8;
	[tilespmem:$0x10540] =	vst v63  }
0x36: {  	s14 =	simm.s32 $0x0  }
0x37: {  	[tilespmem:s24], [sflag:$0x3] =	stream.indirect.gather [hbm4b:s5+s18], $0x10, s17, s18, $0xb8;
	[tilespmem:$0x10540] =	vst v63  }
.LBB2_7:
0x38: {  	s11 =	smul.u32 $0x50, s14;
	_ =	sdelay $0x1  }
0x39: {  	s11 =	sadd.s32 s7, s11  }
0x3a: {  	s11 =	sshll.u32 s11, $0x4  }
0x3b: {  	s12 =	sadd.s32 s8, s11  }
0x3c: {  	[hbm4b:s12+s4] =	stream.linear.scatter [tilespmem:s21], [sflag:$0x5], $0x2800, $0x38;
	[tilespmem:$0x10540] =	vst v63  }
0x3d: {  	s30 =	sadd.s32 s9, s11  }
0x3e: {  	[hbm4b:s30+s4] =	stream.linear.scatter [tilespmem:s22], [sflag:$0x5], $0x2800, $0x38;
	[tilespmem:$0x10540] =	vst v63  }
0x3f: {  	s11 =	sadd.s32 s10, s11  }
0x40: {  	[hbm4b:s11+s4] =	stream.linear.scatter [tilespmem:s0], [sflag:$0x5], $0x2800, $0x38;
	[tilespmem:$0x10540] =	vst v63  }
.LBB2_11:
0x41: {  	s14 =	sadd.s32 $0x1, s14  }
0x42: {  	p0 =	sne.s32 s14, $0x4B  }
.Ltmp3:
0x43: {  	_ = 	snop;
	(pc) =	sbr.rel @!p0 .LBB2_12-.Ltmp3, $1  }
0x44: {  	_ =	sdelay $0x3  }
.LBB2_2:
0x45: {  	s11 =	sand.u32 $0x1, s14  }
0x46: {  	p0 =	seq.s32 s11, $0x1  }
.Ltmp4:
0x47: {  	_ = 	snop;
	(pc) =	sbr.rel @!p0 .LBB2_3-.Ltmp4, $1  }
0x48: {  	_ =	sdelay $0x3  }
0x49: {  	_ =	swait.ge [sflag:s25], $0x2800  }
0x4a: {  	[sflag:s25] =	ssyncset.done $0x0  }
0x4b: {  	[sflag:s25] =	ssyncadd.s32 $0xFFFFD800  }
0x4c: {  	_ =	swait.ge [sflag:s25], $0x2800  }
0x4d: {  	[sflag:s25] =	ssyncset.done $0x0  }
0x4e: {  	[sflag:s25] =	ssyncadd.s32 $0xFFFFD800  }
0x4f: {  	_ =	swait.ge [sflag:s25], $0x500  }
0x50: {  	[sflag:s25] =	ssyncset.done $0x0  }
0x51: {  	[sflag:s25] =	ssyncadd.s32 $0xFFFFFB00  }
0x52: {  	_ =	swait.ge [sflag:s25], $0x500  }
0x53: {  	[sflag:s25] =	ssyncset.done $0x0  }
0x54: {  	s11 =	simm.s32 $0x0;
	[sflag:s25] =	ssyncadd.s32 $0xFFFFFB00  }
0x55: {  	v0 =	vld [tilespmem:s11+$0xA640];
	_ =	sdelay $0x3  }
0x56: {  	s16 =	simm.s32 $0xDD50  }
0x57: {  	[tilespmem:s16+$0xFFFFFFF0] =	vst v0  }
0x58: {  	v0 =	vld [tilespmem:s11+$0xB040];
	_ =	sdelay $0x4  }
0x59: {  	s12 =	simm.s32 $0x10;
	s11 =	simm.s32 $0x80;
	[tilespmem:s16+$0x0] =	vst v0  }
.LBB2_9:
0x5a: {  	p0 =	sne.s32 s11, $0x13C0;
	v0 =	vld [tilespmem:s12+$0xA640];
	_ =	sdelay $0x3  }
0x5b: {  	s16 =	sadd.s32 $0x80, s16  }
0x5c: {  	[tilespmem:s16+$0xFFFFFFF0] =	vst v0  }
0x5d: {  	v0 =	vld [tilespmem:s12+$0xB040]  }
.Ltmp5:
0x5e: {  	(pc) =	sbr.rel @p0 .LBB2_9-.Ltmp5, $2  }
0x5f: {  	_ =	sdelay $0x2  }
0x60: {  	s12 =	sshra.s32 s11, $0x2;
	s11 =	sadd.s32 $0x40, s11;
	[tilespmem:s16+$0x0] =	vst v0  }
0x61: {  	v0 =	vld [tilespmem:s12+$0xA640];
	_ =	sdelay $0x3  }
0x62: {  	s11 =	sadd.s32 $0x80, s16  }
0x63: {  	[tilespmem:s11+$0xFFFFFFF0] =	vst v0  }
0x64: {  	v0 =	vld [tilespmem:s12+$0xB040];
	_ =	sdelay $0x4  }
0x65: {  	[tilespmem:s11+$0x0] =	vst v0  }
0x66: {  	_ =	swait.ge [sflag:s26], $0x2800  }
0x67: {  	[sflag:s26] =	ssyncset.done $0x0  }
0x68: {  	[sflag:s26] =	ssyncadd.s32 $0xFFFFD800  }
0x69: {  	_ =	swait.ge [sflag:s26], $0x2800  }
0x6a: {  	[sflag:s26] =	ssyncset.done $0x0  }
0x6b: {  	[sflag:s26] =	ssyncadd.s32 $0xFFFFD800  }
0x6c: {  	_ =	swait.ge [sflag:s26], $0x2800  }
0x6d: {  	[sflag:s26] =	ssyncset.done $0x0  }
0x6e: {  	[sflag:s26] =	ssyncadd.s32 $0xFFFFD800  }
0x6f: {  	_ =	swait.ge [sflag:s20], $0x50  }
0x70: {  	[sflag:s20] =	ssyncset.done $0x0  }
0x71: {  	[sflag:s20] =	ssyncadd.s32 $0xFFFFFFB0  }
0x72: {  	_ =	swait.ge [sflag:s20], $0x50  }
0x73: {  	[sflag:s20] =	ssyncset.done $0x0  }
0x74: {  	[sflag:s20] =	ssyncadd.s32 $0xFFFFFFB0  }
0x75: {  	[tilespmem:s21], [sflag:$0x3] =	stream.indirect.gather [hbm4b:s1+s18], $0x80, s4, s18, $0xb8;
	[tilespmem:$0x10540] =	vst v63  }
0x76: {  	p0 =	sgt.u32 s14, $0x48;
	s11 =	smul.u32 $0x50, s14  }
0x77: {  	[tilespmem:s22], [sflag:$0x3] =	stream.indirect.gather [hbm4b:s1+s18], $0x80, s17, s18, $0xb8;
	[tilespmem:$0x10540] =	vst v63  }
0x78: {  	s12 =	sadd.s32 @!p0 s11, s15  }
0x79: {  	[tilespmem:s23], [sflag:$0x3] =	stream.indirect.gather [hbm4b:s5+s18], $0x10, s4, s18, $0xb8;
	[tilespmem:$0x10540] =	vst v63  }
0x7a: {  	s13 =	simm.s32 @!p0 $0x0;
	s12 =	sshrl.u32 @!p0 s12, $0x3  }
0x7b: {  	[tilespmem:s24], [sflag:$0x3] =	stream.indirect.gather [hbm4b:s5+s18], $0x10, s17, s18, $0xb8;
	[tilespmem:$0x10540] =	vst v63  }
0x7c: {  	s30 =	simm.s32 @!p0 $0x50;
	s11 =	sadd.s32 s7, s11;
	s16 =	sadd.s32 @!p0 s3, s12  }
0x7d: {  	[tilespmem:s30], [sflag:$0x2] =	stream.linear.gather @!p0 [hbm4b:s16+s13], $0x50, $0x38;
	[tilespmem:$0x10540] =	vst v63  }
0x7e: {  	s11 =	sshll.u32 s11, $0x4;
	s12 =	sadd.s32 @!p0 s6, s12;
	s16 =	simm.s32 @!p0 $0xF0  }
0x7f: {  	[tilespmem:s16], [sflag:$0x2] =	stream.linear.gather @!p0 [hbm4b:s12+s13], $0x50, $0x38;
	[tilespmem:$0x10540] =	vst v63  }
0x80: {  	s13 =	sadd.s32 s8, s11  }
0x81: {  	[hbm4b:s13+s4] =	stream.linear.scatter [tilespmem:s28], [sflag:$0x6], $0x2800, $0x38;
	[tilespmem:$0x10540] =	vst v63  }
.Ltmp6:
0x82: {  	_ = 	snop;
	(pc) =	sbr.rel .LBB2_11-.Ltmp6, $4  }
0x83: {  	s16 =	sadd.s32 s9, s11  }
0x84: {  	[hbm4b:s16+s4] =	stream.linear.scatter [tilespmem:s29], [sflag:$0x6], $0x2800, $0x38;
	[tilespmem:$0x10540] =	vst v63  }
0x85: {  	s30 =	simm.s32 $0xDD40;
	s11 =	sadd.s32 s10, s11  }
0x86: {  	[hbm4b:s11+s4] =	stream.linear.scatter [tilespmem:s30], [sflag:$0x6], $0x2800, $0x38;
	[tilespmem:$0x10540] =	vst v63  }
.LBB2_3:
0x87: {  	_ =	swait.ge [sflag:s31], $0x2800  }
0x88: {  	[sflag:s31] =	ssyncset.done $0x0  }
0x89: {  	[sflag:s31] =	ssyncadd.s32 $0xFFFFD800  }
0x8a: {  	_ =	swait.ge [sflag:s31], $0x2800  }
0x8b: {  	[sflag:s31] =	ssyncset.done $0x0  }
0x8c: {  	[sflag:s31] =	ssyncadd.s32 $0xFFFFD800  }
0x8d: {  	_ =	swait.ge [sflag:s31], $0x500  }
0x8e: {  	[sflag:s31] =	ssyncset.done $0x0  }
0x8f: {  	[sflag:s31] =	ssyncadd.s32 $0xFFFFFB00  }
0x90: {  	_ =	swait.ge [sflag:s31], $0x500  }
0x91: {  	[sflag:s31] =	ssyncset.done $0x0  }
0x92: {  	s11 =	simm.s32 $0x0;
	[sflag:s31] =	ssyncadd.s32 $0xFFFFFB00  }
0x93: {  	v0 =	vld [tilespmem:s11+$0xA140];
	_ =	sdelay $0x3  }
0x94: {  	s16 =	simm.s32 $0xB550  }
0x95: {  	[tilespmem:s16+$0xFFFFFFF0] =	vst v0  }
0x96: {  	v0 =	vld [tilespmem:s11+$0xAB40];
	_ =	sdelay $0x4  }
0x97: {  	s12 =	simm.s32 $0x10;
	s11 =	simm.s32 $0x80;
	[tilespmem:s16+$0x0] =	vst v0  }
.LBB2_4:
0x98: {  	p0 =	sne.s32 s11, $0x13C0;
	v0 =	vld [tilespmem:s12+$0xA140];
	_ =	sdelay $0x3  }
0x99: {  	s16 =	sadd.s32 $0x80, s16  }
0x9a: {  	[tilespmem:s16+$0xFFFFFFF0] =	vst v0  }
0x9b: {  	v0 =	vld [tilespmem:s12+$0xAB40]  }
.Ltmp7:
0x9c: {  	(pc) =	sbr.rel @p0 .LBB2_4-.Ltmp7, $2  }
0x9d: {  	_ =	sdelay $0x2  }
0x9e: {  	s12 =	sshra.s32 s11, $0x2;
	s11 =	sadd.s32 $0x40, s11;
	[tilespmem:s16+$0x0] =	vst v0  }
0x9f: {  	v0 =	vld [tilespmem:s12+$0xA140];
	_ =	sdelay $0x3  }
0xa0: {  	s11 =	sadd.s32 $0x80, s16  }
0xa1: {  	[tilespmem:s11+$0xFFFFFFF0] =	vst v0  }
0xa2: {  	v0 =	vld [tilespmem:s12+$0xAB40];
	_ =	sdelay $0x3  }
0xa3: {  	p0 =	seq.s32 s14, $0x0  }
0xa4: {  	[tilespmem:s11+$0x0] =	vst v0;
	s11 =	simm.s32 @!p0 $0x6  }
0xa5: {  	_ =	swait.ge @!p0 [sflag:s11], $0x2800  }
0xa6: {  	[sflag:s11] =	ssyncset.done @!p0 $0x0  }
0xa7: {  	p1 =	seq.s32 @!p0 s14, $0x4A;
	[sflag:s11] =	ssyncadd.s32 @!p0 $0xFFFFD800  }
0xa8: {  	p1 =	por p0, !p1;
	_ =	swait.ge @!p0 [sflag:s11], $0x2800  }
.Ltmp8:
0xa9: {  	[sflag:s11] =	ssyncset.done @!p0 $0x0;
	(pc) =	sbr.rel @!p1 .LBB2_7-.Ltmp8, $4  }
0xaa: {  	[sflag:s11] =	ssyncadd.s32 @!p0 $0xFFFFD800  }
0xab: {  	_ =	swait.ge @!p0 [sflag:s11], $0x2800  }
0xac: {  	[sflag:s11] =	ssyncset.done @!p0 $0x0  }
0xad: {  	[sflag:s11] =	ssyncadd.s32 @!p0 $0xFFFFD800  }
0xae: {  	_ =	swait.ge [sflag:s2], $0x50  }
0xaf: {  	[sflag:s2] =	ssyncset.done $0x0  }
0xb0: {  	[sflag:s2] =	ssyncadd.s32 $0xFFFFFFB0  }
0xb1: {  	_ =	swait.ge [sflag:s2], $0x50  }
0xb2: {  	[sflag:s2] =	ssyncset.done $0x0  }
0xb3: {  	[sflag:s2] =	ssyncadd.s32 $0xFFFFFFB0  }
0xb4: {  	[tilespmem:s28], [sflag:$0x4] =	stream.indirect.gather [hbm4b:s1+s18], $0x80, s18, s18, $0xb8;
	[tilespmem:$0x10540] =	vst v63  }
0xb5: {  	_ = 	snop  }
0xb6: {  	[tilespmem:s29], [sflag:$0x4] =	stream.indirect.gather [hbm4b:s1+s18], $0x80, s19, s18, $0xb8;
	[tilespmem:$0x10540] =	vst v63  }
0xb7: {  	s11 =	simm.s32 $0xA640;
	p0 =	sgt.u32 s14, $0x48  }
0xb8: {  	[tilespmem:s11], [sflag:$0x4] =	stream.indirect.gather [hbm4b:s5+s18], $0x10, s18, s18, $0xb8;
	[tilespmem:$0x10540] =	vst v63  }
0xb9: {  	s12 =	simm.s32 $0xB040;
	s11 =	smul.u32 @!p0 $0x50, s14  }
0xba: {  	[tilespmem:s12], [sflag:$0x4] =	stream.indirect.gather [hbm4b:s5+s18], $0x10, s19, s18, $0xb8;
	[tilespmem:$0x10540] =	vst v63  }
0xbb: {  	s11 =	sadd.s32 @!p0 s11, s15  }
.Ltmp9:
0xbc: {  	s11 =	sshrl.u32 @!p0 s11, $0x3;
	(pc) =	sbr.rel .LBB2_7-.Ltmp9, $4  }
0xbd: {  	s16 =	simm.s32 @!p0 $0x0;
	s12 =	sadd.s32 @!p0 s3, s11  }
0xbe: {  	[tilespmem:s16], [sflag:$0x1] =	stream.linear.gather @!p0 [hbm4b:s12+s16], $0x50, $0x38;
	[tilespmem:$0x10540] =	vst v63  }
0xbf: {  	s11 =	sadd.s32 @!p0 s6, s11;
	s12 =	simm.s32 @!p0 $0xA0  }
0xc0: {  	[tilespmem:s12], [sflag:$0x1] =	stream.linear.gather @!p0 [hbm4b:s11+s16], $0x50, $0x38;
	[tilespmem:$0x10540] =	vst v63  }
.LBB2_13:
0xc1: {  	_ =	sfence.sel $0x180000  }
0xc2: {  	[bflag:$0x0] =	sbarrier.arrive $0xFFFF  }
0xc3: {  	_ =	strace $0x90000047  }
0xc4: {  	s0 =	stileid.u32;
	[bflag:$0x2] =	sbarrier.arrive $0xFFFF  }
0xc5: {  	p0 =	sne.s32 s0, $0x0;
	s0 =	rddreg [dreg:$0x3]  }
0xc6: {  	s0 =	sadd.s32 @!p0 $0x100000, s0  }
0xc7: {  	[sflag:s0] =	ssyncadd.tile.s32 @!p0 $0x1;
	_ =	shalt  }
.Lfunc_end2:
_tile_overlayer_lowered:
.L_overlay_start_2:
0xc8: {  	(tag) =	ssettag $0x2  }
0xc9: {  	s0 =	rddreg [dreg:$0x0];
	s2 =	stileid.u32  }
0xca: {  	s1 =	rddreg [dreg:$0x1];
	p0 =	sne.s32 s2, $0x0  }
0xcb: {  	s3 =	rddreg [dreg:$0x2];
	[bflag:$0x3] =	sbarrier.arrive $0xFFFF;
	s2 =	simm.s32 @!p0 $0x1C07  }
0xcc: {  	[timem:s3], [sflag:s2] =	dma.local @!p0 [hbm:s0], s1  }
0xcd: {  	s0 =	simm.s32 @!p0 $0x7  }
0xce: {  	_ =	swait.ge @!p0 [sflag:s0], s1  }
0xcf: {  	s1 =	ssub.s32 @!p0 $0x0, s1;
	[sflag:s0] =	ssyncset.done @!p0 $0x0  }
0xd0: {  	[sflag:s0] =	ssyncadd.s32 @!p0 s1  }
0xd1: {  	[bflag:$0x3] =	sbarrier.arrive $0xFFFF  }
0xd2: {  	_ =	shalt  }

// kernel: kernel.14.cloned.1.call-start
scs
__scs_entry_jumppad:
0x0: {  	(pc) =	sbr.rel $0x88, $3  }
0x1: {  	(tag) =	ssettag $0x0;
	lr =	simm.s32 $0x1  }
0x2: {  	[smem:$0x3F9A] =	sst lr;
	_ =	strace $0xD0000000  }
0x3: {  	_ = 	snop  }
0x4: {  	_ = 	snop  }
0x5: {  	_ = 	snop  }
0x6: {  	_ = 	snop  }
0x7: {  	_ = 	snop  }
__scs_overlays_trampoline_lowered:
0x8: {  	[smem:$0x3FA9] =	sst s0  }
0x9: {  	[smem:$0x3FAA] =	sst s1  }
0xa: {  	[smem:$0x3FAB] =	sst s2  }
0xb: {  	[smem:$0x3FAC] =	sst s3  }
0xc: {  	[smem:$0x3FAD] =	sst s4  }
0xd: {  	[smem:$0x3FAE] =	sst s5  }
0xe: {  	[smem:$0x3FAF] =	sst s6  }
0xf: {  	[smem:$0x3FB0] =	sst s7  }
0x10: {  	[smem:$0x3FB1] =	sst s8  }
0x11: {  	[smem:$0x3FB2] =	sst s9;
	s0 =	simm.s32 @!p0 $0x0  }
0x12: {  	s1 =	sld [smem:$0x3F98];
	s0 =	simm.s32 @p0 $0x1  }
0x13: {  	[smem:$0x3FB3] =	sst s0;
	s0 =	simm.s32 @!p1 $0x0  }
0x14: {  	s2 =	sld [smem:$0x3F97];
	s0 =	simm.s32 @p1 $0x1  }
0x15: {  	[smem:$0x3FB4] =	sst s0;
	s0 =	simm.s32 @!p2 $0x0  }
0x16: {  	s3 =	sld [smem:$0x3FDB];
	s0 =	simm.s32 @p2 $0x1  }
0x17: {  	s4 =	simm.s32 $0x1BF5;
	[smem:$0x3FB6] =	sst s0  }
0x18: {  	s0 =	sld [smem:$0x3F99];
	_ =	swait.ge [sflag:s4], $0x0  }
0x19: {  	s7 =	sld [smem:$0x3F9A]  }
0x1a: {  	s8 =	sadd.s32 $0xFFFFE003, lr  }
0x1b: {  	s9 =	sadd.s32 $0xFFFFFEF7, lr;
	s5 =	simm.s32 $0xFFFFFFFF;
	p2 =	slt.u32 s8, $0xFFFFF086  }
0x1c: {  	p1 =	slt.u32 s9, $0xF7A;
	s5 =	simm.s32 @!p2 $0x0  }
0x1d: {  	s5 =	simm.s32 @p1 $0x1;
	p0 =	seq.s32 s7, s2  }
0x1e: {  	s7 =	smul.u32 @!p0 $0xF7A, s2;
	p2 =	seq.s32 @!p0 s5, $0x0  }
0x1f: {  	s9 =	smul.u32 $0xF7A, s1;
	s8 =	simm.s32 @!p0 $0x1BF5;
	p2 =	por !p2, p0  }
0x20: {  	[sflag:s8] =	ssyncset.s32 @!p0 $0xFFFFF086;
	s6 =	sadd.s32 @!p0 s3, s7;
	s7 =	simm.s32 @!p0 $0x108  }
0x21: {  	s3 =	sadd.s32 s3, s9;
	s6 =	sadd.s32 @!p0 $0x88, s6;
	s7 =	simm.s32 @p2 $0x1082  }
0x22: {  	[simem:s7], [sflag:s8] =	dma.local @!p0 [hbm:s6], $0xF7A  }
0x23: {  	s9 =	sor.u32 $0xD0000000, s2;
	s6 =	simm.s32 $0x108;
	_ =	swait.ge @!p0 [sflag:s8], $0x0  }
0x24: {  	s3 =	sadd.s32 $0x88, s3;
	s6 =	simm.s32 @!p1 $0x1082;
	[sflag:s4] =	ssyncset.s32 $0xFFFFF086  }
0x25: {  	[simem:s6], [sflag:s4] =	dma.local [hbm:s3], $0xF7A  }
0x26: {  	[smem:$0x3F9A] =	sst s1;
	(tag) =	ssettag s2;
	_ =	strace s9  }
0x27: {  	s1 =	sld [smem:$0x3FAA]  }
0x28: {  	s2 =	sld [smem:$0x3FAB]  }
0x29: {  	s4 =	sld [smem:$0x3FAD]  }
0x2a: {  	p0 =	seq.s32 s5, $0x0;
	s5 =	sld [smem:$0x3FAE]  }
0x2b: {  	s6 =	sld [smem:$0x3FAF]  }
0x2c: {  	s7 =	sld [smem:$0x3FB0]  }
0x2d: {  	s3 =	simm.s32 $0x108;
	s8 =	sld [smem:$0x3FB1]  }
0x2e: {  	s3 =	simm.s32 @!p0 $0x1082;
	s9 =	sld [smem:$0x3FB2]  }
0x2f: {  	lr =	sadd.s32 s0, s3;
	s0 =	sld [smem:$0x3FA9]  }
0x30: {  	s3 =	sld [smem:$0x3FAC]  }
0x31: {  	[smem:$0x3FB5] =	sst s10  }
0x32: {  	s10 =	sld [smem:$0x3FB3];
	_ =	sdelay $0x3  }
0x33: {  	p0 =	seq.s32 s10, $0x1;
	s10 =	sld [smem:$0x3FB5];
	_ =	sdelay $0x3  }
0x34: {  	[smem:$0x3FB5] =	sst s10  }
0x35: {  	s10 =	sld [smem:$0x3FB4];
	_ =	sdelay $0x3  }
0x36: {  	p1 =	seq.s32 s10, $0x1;
	s10 =	sld [smem:$0x3FB5];
	_ =	sdelay $0x3  }
0x37: {  	[smem:$0x3FB5] =	sst s10  }
0x38: {  	s10 =	sld [smem:$0x3FB6]  }
0x39: {  	_ = 	snop;
	(pc) =	sbr.ind lr, $3  }
0x3a: {  	_ = 	snop  }
0x3b: {  	_ = 	snop  }
0x3c: {  	p2 =	seq.s32 s10, $0x1;
	s10 =	sld [smem:$0x3FB5]  }
0x3d: {  	_ =	shalt  }
0x3e: {  	_ =	shalt  }
0x3f: {  	_ =	shalt  }
0x40: {  	_ =	shalt  }
0x41: {  	_ =	shalt  }
0x42: {  	_ =	shalt  }
0x43: {  	_ =	shalt  }
0x44: {  	_ =	shalt  }
0x45: {  	_ =	shalt  }
0x46: {  	_ =	shalt  }
0x47: {  	_ =	shalt  }
0x48: {  	_ =	shalt  }
0x49: {  	_ =	shalt  }
0x4a: {  	_ =	shalt  }
0x4b: {  	_ =	shalt  }
0x4c: {  	_ =	shalt  }
0x4d: {  	_ =	shalt  }
0x4e: {  	_ =	shalt  }
0x4f: {  	_ =	shalt  }
0x50: {  	_ =	shalt  }
0x51: {  	_ =	shalt  }
0x52: {  	_ =	shalt  }
0x53: {  	_ =	shalt  }
0x54: {  	_ =	shalt  }
0x55: {  	_ =	shalt  }
0x56: {  	_ =	shalt  }
0x57: {  	_ =	shalt  }
0x58: {  	_ =	shalt  }
0x59: {  	_ =	shalt  }
0x5a: {  	_ =	shalt  }
0x5b: {  	_ =	shalt  }
0x5c: {  	_ =	shalt  }
0x5d: {  	_ =	shalt  }
0x5e: {  	_ =	shalt  }
0x5f: {  	_ =	shalt  }
0x60: {  	_ =	shalt  }
0x61: {  	_ =	shalt  }
0x62: {  	_ =	shalt  }
0x63: {  	_ =	shalt  }
0x64: {  	_ =	shalt  }
0x65: {  	_ =	shalt  }
0x66: {  	_ =	shalt  }
0x67: {  	_ =	shalt  }
0x68: {  	_ =	shalt  }
0x69: {  	_ =	shalt  }
0x6a: {  	_ =	shalt  }
0x6b: {  	_ =	shalt  }
0x6c: {  	_ =	shalt  }
0x6d: {  	_ =	shalt  }
0x6e: {  	_ =	shalt  }
0x6f: {  	_ =	shalt  }
0x70: {  	_ =	shalt  }
0x71: {  	_ =	shalt  }
0x72: {  	_ =	shalt  }
0x73: {  	_ =	shalt  }
0x74: {  	_ =	shalt  }
0x75: {  	_ =	shalt  }
0x76: {  	_ =	shalt  }
0x77: {  	_ =	shalt  }
0x78: {  	_ =	shalt  }
0x79: {  	_ =	shalt  }
0x7a: {  	_ =	shalt  }
0x7b: {  	_ =	shalt  }
0x7c: {  	_ =	shalt  }
0x7d: {  	_ =	shalt  }
0x7e: {  	_ =	shalt  }
0x7f: {  	_ =	shalt  }
0x80: {  	_ =	shalt  }
0x81: {  	_ =	shalt  }
0x82: {  	_ =	shalt  }
0x83: {  	_ =	shalt  }
0x84: {  	_ =	shalt  }
0x85: {  	_ =	shalt  }
0x86: {  	_ =	shalt  }
0x87: {  	_ =	shalt  }
.Lfunc_end0:
.L_simem_size_0:
called_computation.1_lowered:
.L_overlay_start_0:
0x88: {  	s2 =	sld [smem:$0x3FD9]  }
0x89: {  	s3 =	sld [smem:$0x3FFE];
	_ =	sdelay $0x1  }
0x8a: {  	s1 =	srdreg.scid  }
0x8b: {  	s0 =	sand.u32 $0x1, s1  }
0x8c: {  	s15 =	sshll.u32 s0, $0xA;
	s2 =	sadd.s32 s3, s2  }
0x8d: {  	s2 =	sadd.s32 s2, s15  }
0x8e: {  	[smem:$0x3FC1] =	sst s2  }
0x8f: {  	_ = 	snop  }
0x90: {  	s16 =	sld [smem:$0x3FD0];
	_ =	sdelay $0x2  }
0x91: {  	s4 =	simm.s32 $0xB;
	s5 =	simm.s32 $0x10;
	s2 =	sld [smem:$0x3FC9]  }
0x92: {  	[smem:s5], [sflag:s4] =	dma.local [hbm:s16], $0x1  }
0x93: {  	_ =	swait.eq [sflag:s4], $0x1  }
0x94: {  	[sflag:s4] =	ssyncset.done $0x0  }
0x95: {  	[sflag:s4] =	ssyncadd.s32 $0xFFFFFFFF  }
0x96: {  	s17 =	sld [smem:$0x10];
	(tm) =	ssettm $0x1  }
0x97: {  	s18 =	sld [smem:$0x3FFB];
	_ =	sdelay $0x3  }
0x98: {  	_ =	strace s18  }
0x99: {  	s3 =	sld [smem:$0x3FFC];
	_ =	sdelay $0x3  }
0x9a: {  	_ =	strace s3  }
0x9b: {  	s3 =	sld [smem:$0x3FFD];
	_ =	sdelay $0x3  }
0x9c: {  	_ =	strace s3  }
0x9d: {  	_ =	strace $0x8FFFFFFF  }
0x9e: {  	s19 =	sld [smem:$0x3FDB];
	_ =	sdelay $0x1  }
0x9f: {  	s20 =	simm.s32 $_scs_section_size  }
0xa0: {  	s6 =	simm.s32 $_size__tile_overlayer_lowered;
	s7 =	simm.s32 $_tile_overlayer_lowered  }
0xa1: {  	s8 =	simm.s32 $0x1BFF;
	s21 =	sshll.u32 s7, $0x1;
	s5 =	sadd.s32 s20, s19  }
0xa2: {  	s22 =	simm.s32 $0x0;
	s6 =	sshll.u32 s6, $0x1;
	s7 =	sadd.s32 s21, s5  }
0xa3: {  	[timem:s22], [sflag:s8] =	dma.local [hbm:s7], s6  }
0xa4: {  	_ =	swait.ge [sflag:s8], s6  }
0xa5: {  	s6 =	ssub.s32 $0x0, s6;
	[sflag:s8] =	ssyncset.done $0x0  }
0xa6: {  	[sflag:s8] =	ssyncadd.s32 s6;
	_ =	sdelay $0x1  }
0xa7: {  	s23 =	simm.s32 $0x1B8B  }
0xa8: {  	_ =	swait.ge [sflag:s23], $0x1  }
0xa9: {  	[sflag:s23] =	ssyncset.done $0x0  }
0xaa: {  	[sflag:s23] =	ssyncadd.s32 $0xFFFFFFFF  }
0xab: {  	s6 =	sld [smem:$0x0]  }
0xac: {  	s7 =	sand.u32 $0xFFFFFFFE, s1  }
0xad: {  	p0 =	sne.s32 s1, s7  }
0xae: {  	s7 =	sshll.u32 @p0 s7, $0xE  }
0xaf: {  	s7 =	sadd.s32 @p0 $0x11B8D, s7;
	s8 =	sshll.u32 @p0 s6, $0x11  }
0xb0: {  	s7 =	sor.u32 @p0 s8, s7  }
0xb1: {  	[sflag:s7] =	ssyncadd.remote.s32 @p0 $0x1;
	_ =	sdelay $0x1  }
0xb2: {  	s7 =	simm.s32 @p0 $0x1B8D  }
0xb3: {  	_ =	swait.eq @p0 [sflag:s7], $0x1  }
0xb4: {  	[sflag:s7] =	ssyncadd.s32 @p0 $0xFFFFFFFF  }
0xb5: {  	s8 =	sshll.u32 @!p0 s1, $0xE  }
0xb6: {  	s8 =	sor.u32 @!p0 $0x4000, s8;
	s7 =	simm.s32 @!p0 $0x1B8D  }
0xb7: {  	s6 =	sshll.u32 @!p0 s6, $0x11;
	s8 =	sadd.s32 @!p0 $0x11B8D, s8;
	_ =	swait.eq @!p0 [sflag:s7], $0x1  }
0xb8: {  	s6 =	sor.u32 @!p0 s6, s8;
	[sflag:s7] =	ssyncadd.s32 @!p0 $0xFFFFFFFF  }
0xb9: {  	s25 =	simm.s32 $0x1B8E;
	s24 =	sld [smem:$0x3FFE];
	[sflag:s6] =	ssyncadd.remote.s32 @!p0 $0x1  }
0xba: {  	s26 =	simm.s32 $execute0_lowered;
	[smem:$0x3FD2] =	sst s25  }
0xbb: {  	s7 =	sshll.u32 s26, $0x1;
	_ =	strace $0x80000049;
	[dreg:$0x1] =	wrdreg $0xFFFFFFFF  }
0xbc: {  	s28 =	simm.s32 $_size_execute0_lowered;
	s5 =	sadd.s32 s5, s7;
	[dreg:$0x0] =	wrdreg $0x0  }
0xbd: {  	s7 =	sshll.u32 s28, $0x1;
	[dreg:$0x2] =	wrdreg s5  }
0xbe: {  	[dreg:$0x3] =	wrdreg s7  }
0xbf: {  	[dreg:$0x4] =	wrdreg $0xC0  }
0xc0: {  	_ =	task [dreg:s22], $0x5FFFF  }
0xc1: {  	[dreg:$0x1] =	wrdreg $0xFFFFFFFF  }
0xc2: {  	[dreg:$0x0] =	wrdreg $0x60  }
0xc3: {  	[dreg:$0x2] =	wrdreg s2  }
0xc4: {  	[dreg:$0x3] =	wrdreg s24  }
0xc5: {  	[dreg:$0x4] =	wrdreg s17  }
0xc6: {  	[dreg:$0x5] =	wrdreg $0x9  }
0xc7: {  	_ =	task.clear_ibuf [dreg:s22], $0x6FFFF;
	_ =	strace $0x90000049  }
0xc8: {  	s29 =	simm.s32 $0x9;
	_ =	strace $0x8000004B  }
0xc9: {  	_ =	swait.ge [sflag:s29], $0x1  }
0xca: {  	[sflag:s29] =	ssyncadd.s32 $0xFFFFFFFF  }
0xcb: {  	_ =	strace $0x9000004B  }
0xcc: {  	_ =	sfence  }
0xcd: {  	s30 =	sld [smem:$0x0];
	_ =	sdelay $0x2  }
0xce: {  	s31 =	sshll.u32 s1, $0xD;
	s1 =	sshrl.u32 s1, $0x2  }
0xcf: {  	s4 =	sand.u32 $0x4000, s31;
	s1 =	sadd.s32 s1, s30  }
0xd0: {  	s0 =	sor.u32 s4, s0;
	s1 =	sshll.u32 s1, $0x11  }
0xd1: {  	s0 =	sor.u32 s1, s0  }
0xd2: {  	s0 =	sadd.s32 $0x8F2B, s0  }
0xd3: {  	[sflag:s0] =	ssyncadd.remote.s32 $0x1  }
0xd4: {  	_ =	sfence.sel $0xFFFF  }
0xd5: {  	[dreg:$0x0] =	wrdreg $0xFFFFFFFF;
	(pc) =	sbr.abs _section_cstart, $3  }
0xd6: {  	[dreg:$0x1] =	wrdreg $0xFFFFFFFF  }
0xd7: {  	_ =	task.clear_ibuf [dreg:s22], $0x2FFFF;
	_ =	strace $0x9FFFFFFF  }
0xd8: {  	(tm) =	ssettm $0x7FFFFFFF  }
0xd9: {  	_ =	shalt  }
tec
execute0_lowered:
.L_overlay_start_1:
0x0: {  	(tag) =	ssettag $0x1  }
0x1: {  	s1 =	rddreg [dreg:$0x0]  }
0x2: {  	s0 =	rddreg [dreg:$0x1]  }
0x3: {  	s3 =	rddreg [dreg:$0x2]  }
0x4: {  	s2 =	srdreg.scid;
	s5 =	stileid.u32;
	s4 =	simm.s32 $0x0  }
0x5: {  	s18 =	simm.s32 $0x50;
	s19 =	simm.s32 $0xF0;
	s21 =	simm.s32 $0x140  }
0x6: {  	s28 =	simm.s32 $0x2940;
	s29 =	simm.s32 $0x7940;
	s30 =	simm.s32 $0xDD40  }
0x7: {  	s31 =	simm.s32 $0x6;
	s2 =	sand.u32 $0x1, s2;
	s5 =	sshll.u32 s5, $0x1  }
0x8: {  	[smem:$0x7FF] =	sst s4;
	s7 =	sadd.s32 $0x3C00, s0;
	s8 =	sadd.s32 $0xCC4A00, s0  }
0x9: {  	s9 =	sadd.s32 $0x8DCA00, s0;
	s6 =	sor.u32 s2, s5;
	s2 =	ssub.s32 $0x2, s2  }
0xa: {  	s10 =	sadd.s32 $0xAD0A00, s0;
	s6 =	smul.u32 $0xFA0, s6;
	s11 =	sshrl.u32 s2, $0x1  }
0xb: {  	_ =	strace $0x8000004A;
	s5 =	sadd.s32 $0xDA00, s0;
	s22 =	ssub.s32 s2, s11  }
0xc: {  	s11 =	simm.s32 $0xB540;
	s12 =	sshrl.u32 s6, $0x3;
	s15 =	sadd.s32 $0x2EEA0, s6  }
0xd: {  	s0 =	smax.u32 s22, $0x1;
	s22 =	simm.s32 $0x5140;
	s23 =	sadd.s32 $0x5DC0, s12  }
0xe: {  	s25 =	sadd.s32 $0x5DCA, s12;
	[dreg:$0x8] =	wrdreg s0;
	s24 =	sadd.s32 s3, s23  }
.Ltmp0:
0xf: {  	s2 =	sadd.s32 s7, s23;
	[dreg:$0x4] =	wrdreg s24;
	(pc) =	sbr.rel .LBB2_1-.Ltmp0, $4  }
0x10: {  	s0 =	simm.s32 $0x3;
	s26 =	sadd.s32 s3, s25;
	[dreg:$0x5] =	wrdreg s2  }
0x11: {  	s12 =	simm.s32 $0x0;
	s23 =	simm.s32 $0xA640;
	[dreg:$0x6] =	wrdreg s26  }
0x12: {  	s2 =	sadd.s32 s7, s25;
	s25 =	simm.s32 $0x4;
	s26 =	simm.s32 $0x5  }
0x13: {  	s24 =	simm.s32 $0xB040;
	[dreg:$0x7] =	wrdreg s2;
	s2 =	simm.s32 $0x2  }
.LBB2_10:
0x14: {  	_ =	swait.ge [sflag:s31], $0x2800  }
0x15: {  	[sflag:s31] =	ssyncset.done $0x0  }
0x16: {  	[sflag:s31] =	ssyncadd.s32 $0xFFFFD800  }
0x17: {  	_ =	swait.ge [sflag:s31], $0x2800  }
0x18: {  	[sflag:s31] =	ssyncset.done $0x0  }
0x19: {  	[sflag:s31] =	ssyncadd.s32 $0xFFFFD800  }
0x1a: {  	_ =	swait.ge [sflag:s31], $0x2800  }
0x1b: {  	s12 =	sadd.s32 $0x1, s12;
	s13 =	rddreg [dreg:$0x8]  }
0x1c: {  	p0 =	sne.s32 s12, s13  }
.Ltmp1:
0x1d: {  	_ = 	snop;
	(pc) =	sbr.rel @!p0 .LBB2_11-.Ltmp1, $3  }
0x1e: {  	_ =	sdelay $0x1  }
0x1f: {  	[sflag:s31] =	ssyncset.done $0x0  }
0x20: {  	[sflag:s31] =	ssyncadd.s32 $0xFFFFD800  }
.LBB2_1:
0x21: {  	s13 =	rddreg [dreg:$0x4]  }
0x22: {  	[tilespmem:s4], [sflag:$0x1] =	stream.linear.gather [hbm4b:s13+s4], $0x50, $0x38;
	[tilespmem:$0x10540] =	vst v63  }
0x23: {  	s16 =	rddreg [dreg:$0x5];
	s14 =	simm.s32 $0xA0  }
0x24: {  	[tilespmem:s14], [sflag:$0x1] =	stream.linear.gather [hbm4b:s16+s4], $0x50, $0x38;
	[tilespmem:$0x10540] =	vst v63  }
0x25: {  	s17 =	rddreg [dreg:$0x6]  }
0x26: {  	[tilespmem:s18], [sflag:$0x2] =	stream.linear.gather [hbm4b:s17+s4], $0x50, $0x38;
	[tilespmem:$0x10540] =	vst v63  }
0x27: {  	s20 =	rddreg [dreg:$0x7];
	s16 =	simm.s32 $0x1  }
0x28: {  	[tilespmem:s19], [sflag:$0x2] =	stream.linear.gather [hbm4b:s20+s4], $0x50, $0x38;
	[tilespmem:$0x10540] =	vst v63  }
0x29: {  	_ =	swait.ge [sflag:s16], $0x50  }
0x2a: {  	[sflag:s16] =	ssyncset.done $0x0  }
0x2b: {  	[sflag:s16] =	ssyncadd.s32 $0xFFFFFFB0  }
0x2c: {  	_ =	swait.ge [sflag:s16], $0x50  }
0x2d: {  	[sflag:s16] =	ssyncset.done $0x0  }
0x2e: {  	[sflag:s16] =	ssyncadd.s32 $0xFFFFFFB0  }
0x2f: {  	[tilespmem:s21], [sflag:$0x3] =	stream.indirect.gather [hbm4b:s1+s18], $0x80, s4, s18, $0xb8;
	[tilespmem:$0x10540] =	vst v63  }
0x30: {  	_ = 	snop  }
0x31: {  	[tilespmem:s22], [sflag:$0x3] =	stream.indirect.gather [hbm4b:s1+s18], $0x80, s14, s18, $0xb8;
	[tilespmem:$0x10540] =	vst v63  }
.Ltmp2:
0x32: {  	_ = 	snop;
	(pc) =	sbr.rel .LBB2_2-.Ltmp2, $4  }
0x33: {  	s17 =	simm.s32 $0xA140  }
0x34: {  	[tilespmem:s17], [sflag:$0x3] =	stream.indirect.gather [hbm4b:s5+s18], $0x10, s4, s18, $0xb8;
	[tilespmem:$0x10540] =	vst v63  }
0x35: {  	s13 =	simm.s32 $0x0;
	s20 =	simm.s32 $0xAB40  }
0x36: {  	[tilespmem:s20], [sflag:$0x3] =	stream.indirect.gather [hbm4b:s5+s18], $0x10, s14, s18, $0xb8;
	[tilespmem:$0x10540] =	vst v63  }
.LBB2_5:
0x37: {  	v0 =	vld [tilespmem:s17+$0xA140];
	_ =	sdelay $0x3  }
0x38: {  	s14 =	sadd.s32 $0x80, s14  }
0x39: {  	[tilespmem:s14+$0xFFFFFFF0] =	vst v0  }
0x3a: {  	v0 =	vld [tilespmem:s17+$0xAB40];
	_ =	sdelay $0x3  }
0x3b: {  	p0 =	seq.s32 s13, $0x0  }
0x3c: {  	[tilespmem:s14+$0x0] =	vst v0;
	s14 =	simm.s32 @!p0 $0x6  }
0x3d: {  	_ =	swait.ge @!p0 [sflag:s14], $0x2800  }
0x3e: {  	[sflag:s14] =	ssyncset.done @!p0 $0x0  }
0x3f: {  	[sflag:s14] =	ssyncadd.s32 @!p0 $0xFFFFD800  }
0x40: {  	_ =	swait.ge @!p0 [sflag:s14], $0x2800  }
0x41: {  	[sflag:s14] =	ssyncset.done @!p0 $0x0  }
0x42: {  	[sflag:s14] =	ssyncadd.s32 @!p0 $0xFFFFD800  }
0x43: {  	_ =	swait.ge @!p0 [sflag:s14], $0x2800  }
0x44: {  	[sflag:s14] =	ssyncset.done @!p0 $0x0  }
0x45: {  	[sflag:s14] =	ssyncadd.s32 @!p0 $0xFFFFD800  }
0x46: {  	_ =	swait.ge [sflag:s2], $0x50  }
0x47: {  	[sflag:s2] =	ssyncset.done $0x0  }
0x48: {  	[sflag:s2] =	ssyncadd.s32 $0xFFFFFFB0  }
0x49: {  	_ =	swait.ge [sflag:s2], $0x50  }
0x4a: {  	[sflag:s2] =	ssyncset.done $0x0  }
0x4b: {  	[sflag:s2] =	ssyncadd.s32 $0xFFFFFFB0  }
0x4c: {  	[tilespmem:s28], [sflag:$0x4] =	stream.indirect.gather [hbm4b:s1+s18], $0x80, s18, s18, $0xb8;
	[tilespmem:$0x10540] =	vst v63  }
0x4d: {  	s14 =	smul.u32 $0x50, s13;
	p0 =	sgt.u32 s13, $0x2F  }
0x4e: {  	[tilespmem:s29], [sflag:$0x4] =	stream.indirect.gather [hbm4b:s1+s18], $0x80, s19, s18, $0xb8;
	[tilespmem:$0x10540] =	vst v63  }
0x4f: {  	s16 =	sadd.s32 @!p0 s14, s15  }
0x50: {  	[tilespmem:s23], [sflag:$0x4] =	stream.indirect.gather [hbm4b:s5+s18], $0x10, s18, s18, $0xb8;
	[tilespmem:$0x10540] =	vst v63  }
0x51: {  	s14 =	sadd.s32 s6, s14;
	s16 =	sshrl.u32 @!p0 s16, $0x3  }
0x52: {  	[tilespmem:s24], [sflag:$0x4] =	stream.indirect.gather [hbm4b:s5+s18], $0x10, s19, s18, $0xb8;
	[tilespmem:$0x10540] =	vst v63  }
0x53: {  	s20 =	simm.s32 @!p0 $0x0;
	s14 =	sshll.u32 s14, $0x4;
	s17 =	sadd.s32 @!p0 s3, s16  }
0x54: {  	[tilespmem:s20], [sflag:$0x1] =	stream.linear.gather @!p0 [hbm4b:s17+s20], $0x50, $0x38;
	[tilespmem:$0x10540] =	vst v63  }
0x55: {  	s16 =	sadd.s32 @!p0 s7, s16;
	s14 =	sand.u32 $0x1FFFFE00, s14;
	s17 =	simm.s32 @!p0 $0xA0  }
0x56: {  	[tilespmem:s17], [sflag:$0x1] =	stream.linear.gather @!p0 [hbm4b:s16+s20], $0x50, $0x38;
	[tilespmem:$0x10540] =	vst v63  }
0x57: {  	s17 =	sadd.s32 s8, s14  }
0x58: {  	[hbm4b:s17+s4] =	stream.linear.scatter [tilespmem:s21], [sflag:$0x5], $0x2800, $0x38;
	[tilespmem:$0x10540] =	vst v63  }
0x59: {  	s20 =	sadd.s32 s9, s14  }
0x5a: {  	[hbm4b:s20+s4] =	stream.linear.scatter [tilespmem:s22], [sflag:$0x5], $0x2800, $0x38;
	[tilespmem:$0x10540] =	vst v63  }
0x5b: {  	s14 =	sadd.s32 s10, s14  }
0x5c: {  	[hbm4b:s14+s4] =	stream.linear.scatter [tilespmem:s11], [sflag:$0x5], $0x2800, $0x38;
	[tilespmem:$0x10540] =	vst v63  }
.LBB2_9:
0x5d: {  	s13 =	sadd.s32 $0x1, s13  }
0x5e: {  	p0 =	sne.s32 s13, $0x32  }
.Ltmp3:
0x5f: {  	_ = 	snop;
	(pc) =	sbr.rel @!p0 .LBB2_10-.Ltmp3, $1  }
0x60: {  	_ =	sdelay $0x3  }
.LBB2_2:
0x61: {  	s14 =	sand.u32 $0x1, s13  }
0x62: {  	p0 =	seq.s32 s14, $0x1  }
.Ltmp4:
0x63: {  	_ = 	snop;
	(pc) =	sbr.rel @!p0 .LBB2_3-.Ltmp4, $1  }
0x64: {  	_ =	sdelay $0x3  }
0x65: {  	_ =	swait.ge [sflag:s25], $0x2800  }
0x66: {  	[sflag:s25] =	ssyncset.done $0x0  }
0x67: {  	[sflag:s25] =	ssyncadd.s32 $0xFFFFD800  }
0x68: {  	_ =	swait.ge [sflag:s25], $0x2800  }
0x69: {  	[sflag:s25] =	ssyncset.done $0x0  }
0x6a: {  	[sflag:s25] =	ssyncadd.s32 $0xFFFFD800  }
0x6b: {  	_ =	swait.ge [sflag:s25], $0x500  }
0x6c: {  	[sflag:s25] =	ssyncset.done $0x0  }
0x6d: {  	[sflag:s25] =	ssyncadd.s32 $0xFFFFFB00  }
0x6e: {  	_ =	swait.ge [sflag:s25], $0x500  }
0x6f: {  	[sflag:s25] =	ssyncset.done $0x0  }
0x70: {  	s16 =	simm.s32 $0x0;
	[sflag:s25] =	ssyncadd.s32 $0xFFFFFB00  }
0x71: {  	v0 =	vld [tilespmem:s16+$0xA640];
	_ =	sdelay $0x3  }
0x72: {  	s14 =	simm.s32 $0xDD50  }
0x73: {  	[tilespmem:s14+$0xFFFFFFF0] =	vst v0  }
0x74: {  	v0 =	vld [tilespmem:s16+$0xB040];
	_ =	sdelay $0x4  }
0x75: {  	s17 =	simm.s32 $0x10;
	s16 =	simm.s32 $0x80;
	[tilespmem:s14+$0x0] =	vst v0  }
.LBB2_7:
0x76: {  	p0 =	sne.s32 s16, $0x13C0;
	v0 =	vld [tilespmem:s17+$0xA640];
	_ =	sdelay $0x3  }
0x77: {  	s14 =	sadd.s32 $0x80, s14  }
0x78: {  	[tilespmem:s14+$0xFFFFFFF0] =	vst v0  }
0x79: {  	v0 =	vld [tilespmem:s17+$0xB040]  }
.Ltmp5:
0x7a: {  	(pc) =	sbr.rel @p0 .LBB2_7-.Ltmp5, $2  }
0x7b: {  	_ =	sdelay $0x2  }
0x7c: {  	s17 =	sshra.s32 s16, $0x2;
	s16 =	sadd.s32 $0x40, s16;
	[tilespmem:s14+$0x0] =	vst v0  }
0x7d: {  	v0 =	vld [tilespmem:s17+$0xA640];
	_ =	sdelay $0x3  }
0x7e: {  	s14 =	sadd.s32 $0x80, s14  }
0x7f: {  	[tilespmem:s14+$0xFFFFFFF0] =	vst v0  }
0x80: {  	v0 =	vld [tilespmem:s17+$0xB040];
	_ =	sdelay $0x4  }
0x81: {  	[tilespmem:s14+$0x0] =	vst v0  }
0x82: {  	_ =	swait.ge [sflag:s26], $0x2800  }
0x83: {  	[sflag:s26] =	ssyncset.done $0x0  }
0x84: {  	[sflag:s26] =	ssyncadd.s32 $0xFFFFD800  }
0x85: {  	_ =	swait.ge [sflag:s26], $0x2800  }
0x86: {  	[sflag:s26] =	ssyncset.done $0x0  }
0x87: {  	[sflag:s26] =	ssyncadd.s32 $0xFFFFD800  }
0x88: {  	_ =	swait.ge [sflag:s26], $0x2800  }
0x89: {  	p0 =	seq.s32 s13, $0x31;
	[sflag:s26] =	ssyncset.done $0x0  }
0x8a: {  	s14 =	simm.s32 @!p0 $0x1;
	[sflag:s26] =	ssyncadd.s32 $0xFFFFD800  }
0x8b: {  	_ =	swait.ge @!p0 [sflag:s14], $0x50  }
0x8c: {  	[sflag:s14] =	ssyncset.done @!p0 $0x0  }
0x8d: {  	[sflag:s14] =	ssyncadd.s32 @!p0 $0xFFFFFFB0  }
0x8e: {  	_ =	swait.ge @!p0 [sflag:s14], $0x50  }
0x8f: {  	s16 =	simm.s32 @!p0 $0x0;
	[sflag:s14] =	ssyncset.done @!p0 $0x0  }
0x90: {  	s17 =	simm.s32 @!p0 $0x140;
	[sflag:s14] =	ssyncadd.s32 @!p0 $0xFFFFFFB0;
	s14 =	simm.s32 @!p0 $0x50  }
0x91: {  	[tilespmem:s17], [sflag:$0x3] =	stream.indirect.gather @!p0 [hbm4b:s1+s14], $0x80, s16, s14, $0xb8;
	[tilespmem:$0x10540] =	vst v63  }
0x92: {  	s20 =	simm.s32 @!p0 $0x5140;
	p1 =	sgt.u32 @!p0 s13, $0x2F;
	s17 =	simm.s32 @!p0 $0xA0  }
0x93: {  	[tilespmem:s20], [sflag:$0x3] =	stream.indirect.gather @!p0 [hbm4b:s1+s14], $0x80, s17, s14, $0xb8;
	[tilespmem:$0x10540] =	vst v63  }
0x94: {  	p1 =	por p1, p0;
	s20 =	simm.s32 @!p0 $0xA140  }
0x95: {  	[tilespmem:s20], [sflag:$0x3] =	stream.indirect.gather @!p0 [hbm4b:s5+s14], $0x10, s16, s14, $0xb8;
	[tilespmem:$0x10540] =	vst v63  }
0x96: {  	s16 =	simm.s32 @!p0 $0xAB40;
	s20 =	smul.u32 @!p1 $0x50, s13  }
0x97: {  	[tilespmem:s16], [sflag:$0x3] =	stream.indirect.gather @!p0 [hbm4b:s5+s14], $0x10, s17, s14, $0xb8;
	[tilespmem:$0x10540] =	vst v63  }
0x98: {  	s14 =	sadd.s32 @!p1 s20, s15  }
0x99: {  	s14 =	sshrl.u32 @!p1 s14, $0x3  }
0x9a: {  	s17 =	simm.s32 @!p1 $0x0;
	s20 =	simm.s32 @!p1 $0x50;
	s16 =	sadd.s32 @!p1 s3, s14  }
0x9b: {  	[tilespmem:s20], [sflag:$0x2] =	stream.linear.gather @!p1 [hbm4b:s16+s17], $0x50, $0x38;
	[tilespmem:$0x10540] =	vst v63  }
0x9c: {  	s14 =	sadd.s32 @!p1 s7, s14;
	s16 =	simm.s32 @!p1 $0xF0;
	s20 =	smul.u32 $0x50, s13  }
0x9d: {  	[tilespmem:s16], [sflag:$0x2] =	stream.linear.gather @!p1 [hbm4b:s14+s17], $0x50, $0x38;
	[tilespmem:$0x10540] =	vst v63  }
0x9e: {  	s16 =	sadd.s32 s6, s20  }
0x9f: {  	s14 =	sshll.u32 s16, $0x4  }
0xa0: {  	s17 =	sadd.s32 s8, s14  }
0xa1: {  	[hbm4b:s17+s4] =	stream.linear.scatter [tilespmem:s28], [sflag:$0x6], $0x2800, $0x38;
	[tilespmem:$0x10540] =	vst v63  }
.Ltmp6:
0xa2: {  	_ = 	snop;
	(pc) =	sbr.rel .LBB2_9-.Ltmp6, $4  }
0xa3: {  	s20 =	sadd.s32 s9, s14  }
0xa4: {  	[hbm4b:s20+s4] =	stream.linear.scatter [tilespmem:s29], [sflag:$0x6], $0x2800, $0x38;
	[tilespmem:$0x10540] =	vst v63  }
0xa5: {  	s14 =	sadd.s32 s10, s14  }
0xa6: {  	[hbm4b:s14+s4] =	stream.linear.scatter [tilespmem:s30], [sflag:$0x6], $0x2800, $0x38;
	[tilespmem:$0x10540] =	vst v63  }
.LBB2_3:
0xa7: {  	_ =	swait.ge [sflag:s0], $0x2800  }
0xa8: {  	[sflag:s0] =	ssyncset.done $0x0  }
0xa9: {  	[sflag:s0] =	ssyncadd.s32 $0xFFFFD800  }
0xaa: {  	_ =	swait.ge [sflag:s0], $0x2800  }
0xab: {  	[sflag:s0] =	ssyncset.done $0x0  }
0xac: {  	[sflag:s0] =	ssyncadd.s32 $0xFFFFD800  }
0xad: {  	_ =	swait.ge [sflag:s0], $0x500  }
0xae: {  	[sflag:s0] =	ssyncset.done $0x0  }
0xaf: {  	[sflag:s0] =	ssyncadd.s32 $0xFFFFFB00  }
0xb0: {  	_ =	swait.ge [sflag:s0], $0x500  }
0xb1: {  	[sflag:s0] =	ssyncset.done $0x0  }
0xb2: {  	s16 =	simm.s32 $0x0;
	[sflag:s0] =	ssyncadd.s32 $0xFFFFFB00  }
0xb3: {  	v0 =	vld [tilespmem:s16+$0xA140];
	_ =	sdelay $0x3  }
0xb4: {  	s14 =	simm.s32 $0xB550  }
0xb5: {  	[tilespmem:s14+$0xFFFFFFF0] =	vst v0  }
0xb6: {  	v0 =	vld [tilespmem:s16+$0xAB40];
	_ =	sdelay $0x4  }
0xb7: {  	s17 =	simm.s32 $0x10;
	s16 =	simm.s32 $0x80;
	[tilespmem:s14+$0x0] =	vst v0  }
.LBB2_4:
0xb8: {  	p0 =	sne.s32 s16, $0x13C0;
	v0 =	vld [tilespmem:s17+$0xA140];
	_ =	sdelay $0x3  }
0xb9: {  	s14 =	sadd.s32 $0x80, s14  }
0xba: {  	[tilespmem:s14+$0xFFFFFFF0] =	vst v0  }
0xbb: {  	v0 =	vld [tilespmem:s17+$0xAB40]  }
.Ltmp7:
0xbc: {  	(pc) =	sbr.rel @p0 .LBB2_4-.Ltmp7, $2  }
0xbd: {  	_ =	sdelay $0x2  }
0xbe: {  	s17 =	sshra.s32 s16, $0x2;
	s16 =	sadd.s32 $0x40, s16;
	[tilespmem:s14+$0x0] =	vst v0  }
.Ltmp8:
0xbf: {  	_ = 	snop;
	(pc) =	sbr.rel .LBB2_5-.Ltmp8, $1  }
0xc0: {  	_ =	sdelay $0x3  }
.LBB2_11:
0xc1: {  	_ =	sfence.sel $0x180000  }
0xc2: {  	[bflag:$0x0] =	sbarrier.arrive $0xFFFF  }
0xc3: {  	_ =	strace $0x9000004A  }
0xc4: {  	s0 =	stileid.u32;
	[bflag:$0x2] =	sbarrier.arrive $0xFFFF  }
0xc5: {  	p0 =	sne.s32 s0, $0x0;
	s0 =	rddreg [dreg:$0x3]  }
0xc6: {  	s0 =	sadd.s32 @!p0 $0x100000, s0  }
0xc7: {  	[sflag:s0] =	ssyncadd.tile.s32 @!p0 $0x1;
	_ =	shalt  }
.Lfunc_end2:
_tile_overlayer_lowered:
.L_overlay_start_2:
0xc8: {  	(tag) =	ssettag $0x2  }
0xc9: {  	s0 =	rddreg [dreg:$0x0];
	s2 =	stileid.u32  }
0xca: {  	s1 =	rddreg [dreg:$0x1];
	p0 =	sne.s32 s2, $0x0  }
0xcb: {  	s3 =	rddreg [dreg:$0x2];
	[bflag:$0x3] =	sbarrier.arrive $0xFFFF;
	s2 =	simm.s32 @!p0 $0x1C07  }
0xcc: {  	[timem:s3], [sflag:s2] =	dma.local @!p0 [hbm:s0], s1  }
0xcd: {  	s0 =	simm.s32 @!p0 $0x7  }
0xce: {  	_ =	swait.ge @!p0 [sflag:s0], s1  }
0xcf: {  	s1 =	ssub.s32 @!p0 $0x0, s1;
	[sflag:s0] =	ssyncset.done @!p0 $0x0  }
0xd0: {  	[sflag:s0] =	ssyncadd.s32 @!p0 s1  }
0xd1: {  	[bflag:$0x3] =	sbarrier.arrive $0xFFFF  }
0xd2: {  	_ =	shalt  }

// kernel: kernel.17.cloned.1.call-start
scs
__scs_entry_jumppad:
0x0: {  	(pc) =	sbr.rel $0x88, $3  }
0x1: {  	(tag) =	ssettag $0x0;
	lr =	simm.s32 $0x1  }
0x2: {  	[smem:$0x3F9A] =	sst lr;
	_ =	strace $0xD0000000  }
0x3: {  	_ = 	snop  }
0x4: {  	_ = 	snop  }
0x5: {  	_ = 	snop  }
0x6: {  	_ = 	snop  }
0x7: {  	_ = 	snop  }
__scs_overlays_trampoline_lowered:
0x8: {  	[smem:$0x3FA9] =	sst s0  }
0x9: {  	[smem:$0x3FAA] =	sst s1  }
0xa: {  	[smem:$0x3FAB] =	sst s2  }
0xb: {  	[smem:$0x3FAC] =	sst s3  }
0xc: {  	[smem:$0x3FAD] =	sst s4  }
0xd: {  	[smem:$0x3FAE] =	sst s5  }
0xe: {  	[smem:$0x3FAF] =	sst s6  }
0xf: {  	[smem:$0x3FB0] =	sst s7  }
0x10: {  	[smem:$0x3FB1] =	sst s8  }
0x11: {  	[smem:$0x3FB2] =	sst s9;
	s0 =	simm.s32 @!p0 $0x0  }
0x12: {  	s1 =	sld [smem:$0x3F98];
	s0 =	simm.s32 @p0 $0x1  }
0x13: {  	[smem:$0x3FB3] =	sst s0;
	s0 =	simm.s32 @!p1 $0x0  }
0x14: {  	s2 =	sld [smem:$0x3F97];
	s0 =	simm.s32 @p1 $0x1  }
0x15: {  	[smem:$0x3FB4] =	sst s0;
	s0 =	simm.s32 @!p2 $0x0  }
0x16: {  	s3 =	sld [smem:$0x3FDB];
	s0 =	simm.s32 @p2 $0x1  }
0x17: {  	s4 =	simm.s32 $0x1BF5;
	[smem:$0x3FB6] =	sst s0  }
0x18: {  	s0 =	sld [smem:$0x3F99];
	_ =	swait.ge [sflag:s4], $0x0  }
0x19: {  	s7 =	sld [smem:$0x3F9A]  }
0x1a: {  	s8 =	sadd.s32 $0xFFFFE003, lr  }
0x1b: {  	s9 =	sadd.s32 $0xFFFFFEF7, lr;
	s5 =	simm.s32 $0xFFFFFFFF;
	p2 =	slt.u32 s8, $0xFFFFF086  }
0x1c: {  	p1 =	slt.u32 s9, $0xF7A;
	s5 =	simm.s32 @!p2 $0x0  }
0x1d: {  	s5 =	simm.s32 @p1 $0x1;
	p0 =	seq.s32 s7, s2  }
0x1e: {  	s7 =	smul.u32 @!p0 $0xF7A, s2;
	p2 =	seq.s32 @!p0 s5, $0x0  }
0x1f: {  	s9 =	smul.u32 $0xF7A, s1;
	s8 =	simm.s32 @!p0 $0x1BF5;
	p2 =	por !p2, p0  }
0x20: {  	[sflag:s8] =	ssyncset.s32 @!p0 $0xFFFFF086;
	s6 =	sadd.s32 @!p0 s3, s7;
	s7 =	simm.s32 @!p0 $0x108  }
0x21: {  	s3 =	sadd.s32 s3, s9;
	s6 =	sadd.s32 @!p0 $0x88, s6;
	s7 =	simm.s32 @p2 $0x1082  }
0x22: {  	[simem:s7], [sflag:s8] =	dma.local @!p0 [hbm:s6], $0xF7A  }
0x23: {  	s9 =	sor.u32 $0xD0000000, s2;
	s6 =	simm.s32 $0x108;
	_ =	swait.ge @!p0 [sflag:s8], $0x0  }
0x24: {  	s3 =	sadd.s32 $0x88, s3;
	s6 =	simm.s32 @!p1 $0x1082;
	[sflag:s4] =	ssyncset.s32 $0xFFFFF086  }
0x25: {  	[simem:s6], [sflag:s4] =	dma.local [hbm:s3], $0xF7A  }
0x26: {  	[smem:$0x3F9A] =	sst s1;
	(tag) =	ssettag s2;
	_ =	strace s9  }
0x27: {  	s1 =	sld [smem:$0x3FAA]  }
0x28: {  	s2 =	sld [smem:$0x3FAB]  }
0x29: {  	s4 =	sld [smem:$0x3FAD]  }
0x2a: {  	p0 =	seq.s32 s5, $0x0;
	s5 =	sld [smem:$0x3FAE]  }
0x2b: {  	s6 =	sld [smem:$0x3FAF]  }
0x2c: {  	s7 =	sld [smem:$0x3FB0]  }
0x2d: {  	s3 =	simm.s32 $0x108;
	s8 =	sld [smem:$0x3FB1]  }
0x2e: {  	s3 =	simm.s32 @!p0 $0x1082;
	s9 =	sld [smem:$0x3FB2]  }
0x2f: {  	lr =	sadd.s32 s0, s3;
	s0 =	sld [smem:$0x3FA9]  }
0x30: {  	s3 =	sld [smem:$0x3FAC]  }
0x31: {  	[smem:$0x3FB5] =	sst s10  }
0x32: {  	s10 =	sld [smem:$0x3FB3];
	_ =	sdelay $0x3  }
0x33: {  	p0 =	seq.s32 s10, $0x1;
	s10 =	sld [smem:$0x3FB5];
	_ =	sdelay $0x3  }
0x34: {  	[smem:$0x3FB5] =	sst s10  }
0x35: {  	s10 =	sld [smem:$0x3FB4];
	_ =	sdelay $0x3  }
0x36: {  	p1 =	seq.s32 s10, $0x1;
	s10 =	sld [smem:$0x3FB5];
	_ =	sdelay $0x3  }
0x37: {  	[smem:$0x3FB5] =	sst s10  }
0x38: {  	s10 =	sld [smem:$0x3FB6]  }
0x39: {  	_ = 	snop;
	(pc) =	sbr.ind lr, $3  }
0x3a: {  	_ = 	snop  }
0x3b: {  	_ = 	snop  }
0x3c: {  	p2 =	seq.s32 s10, $0x1;
	s10 =	sld [smem:$0x3FB5]  }
0x3d: {  	_ =	shalt  }
0x3e: {  	_ =	shalt  }
0x3f: {  	_ =	shalt  }
0x40: {  	_ =	shalt  }
0x41: {  	_ =	shalt  }
0x42: {  	_ =	shalt  }
0x43: {  	_ =	shalt  }
0x44: {  	_ =	shalt  }
0x45: {  	_ =	shalt  }
0x46: {  	_ =	shalt  }
0x47: {  	_ =	shalt  }
0x48: {  	_ =	shalt  }
0x49: {  	_ =	shalt  }
0x4a: {  	_ =	shalt  }
0x4b: {  	_ =	shalt  }
0x4c: {  	_ =	shalt  }
0x4d: {  	_ =	shalt  }
0x4e: {  	_ =	shalt  }
0x4f: {  	_ =	shalt  }
0x50: {  	_ =	shalt  }
0x51: {  	_ =	shalt  }
0x52: {  	_ =	shalt  }
0x53: {  	_ =	shalt  }
0x54: {  	_ =	shalt  }
0x55: {  	_ =	shalt  }
0x56: {  	_ =	shalt  }
0x57: {  	_ =	shalt  }
0x58: {  	_ =	shalt  }
0x59: {  	_ =	shalt  }
0x5a: {  	_ =	shalt  }
0x5b: {  	_ =	shalt  }
0x5c: {  	_ =	shalt  }
0x5d: {  	_ =	shalt  }
0x5e: {  	_ =	shalt  }
0x5f: {  	_ =	shalt  }
0x60: {  	_ =	shalt  }
0x61: {  	_ =	shalt  }
0x62: {  	_ =	shalt  }
0x63: {  	_ =	shalt  }
0x64: {  	_ =	shalt  }
0x65: {  	_ =	shalt  }
0x66: {  	_ =	shalt  }
0x67: {  	_ =	shalt  }
0x68: {  	_ =	shalt  }
0x69: {  	_ =	shalt  }
0x6a: {  	_ =	shalt  }
0x6b: {  	_ =	shalt  }
0x6c: {  	_ =	shalt  }
0x6d: {  	_ =	shalt  }
0x6e: {  	_ =	shalt  }
0x6f: {  	_ =	shalt  }
0x70: {  	_ =	shalt  }
0x71: {  	_ =	shalt  }
0x72: {  	_ =	shalt  }
0x73: {  	_ =	shalt  }
0x74: {  	_ =	shalt  }
0x75: {  	_ =	shalt  }
0x76: {  	_ =	shalt  }
0x77: {  	_ =	shalt  }
0x78: {  	_ =	shalt  }
0x79: {  	_ =	shalt  }
0x7a: {  	_ =	shalt  }
0x7b: {  	_ =	shalt  }
0x7c: {  	_ =	shalt  }
0x7d: {  	_ =	shalt  }
0x7e: {  	_ =	shalt  }
0x7f: {  	_ =	shalt  }
0x80: {  	_ =	shalt  }
0x81: {  	_ =	shalt  }
0x82: {  	_ =	shalt  }
0x83: {  	_ =	shalt  }
0x84: {  	_ =	shalt  }
0x85: {  	_ =	shalt  }
0x86: {  	_ =	shalt  }
0x87: {  	_ =	shalt  }
.Lfunc_end0:
.L_simem_size_0:
called_computation.2_lowered:
.L_overlay_start_0:
0x88: {  	s2 =	sld [smem:$0x3FD9]  }
0x89: {  	s3 =	sld [smem:$0x3FFE];
	_ =	sdelay $0x1  }
0x8a: {  	s1 =	srdreg.scid  }
0x8b: {  	s0 =	sand.u32 $0x1, s1  }
0x8c: {  	s15 =	sshll.u32 s0, $0xA;
	s2 =	sadd.s32 s3, s2  }
0x8d: {  	s2 =	sadd.s32 s2, s15  }
0x8e: {  	[smem:$0x3FC1] =	sst s2  }
0x8f: {  	_ = 	snop  }
0x90: {  	s2 =	sld [smem:$0x3FD0];
	_ =	sdelay $0x2  }
0x91: {  	s16 =	simm.s32 $0xB;
	s4 =	simm.s32 $0x10  }
0x92: {  	[smem:s4], [sflag:s16] =	dma.local [hbm:s2], $0x1  }
0x93: {  	_ =	swait.eq [sflag:s16], $0x1  }
0x94: {  	[sflag:s16] =	ssyncset.done $0x0  }
0x95: {  	[sflag:s16] =	ssyncadd.s32 $0xFFFFFFFF  }
0x96: {  	s17 =	sld [smem:$0x11];
	(tm) =	ssettm $0x1  }
0x97: {  	s18 =	sld [smem:$0x3FFB];
	_ =	sdelay $0x3  }
0x98: {  	_ =	strace s18  }
0x99: {  	s2 =	sld [smem:$0x3FFC];
	_ =	sdelay $0x3  }
0x9a: {  	_ =	strace s2  }
0x9b: {  	s2 =	sld [smem:$0x3FFD];
	_ =	sdelay $0x3  }
0x9c: {  	_ =	strace s2  }
0x9d: {  	_ =	strace $0x8FFFFFFF  }
0x9e: {  	s19 =	sld [smem:$0x3FDB];
	_ =	sdelay $0x1  }
0x9f: {  	s20 =	simm.s32 $_scs_section_size  }
0xa0: {  	s5 =	simm.s32 $_size__tile_overlayer_lowered;
	s6 =	simm.s32 $_tile_overlayer_lowered  }
0xa1: {  	s7 =	simm.s32 $0x1BFF;
	s21 =	sshll.u32 s6, $0x1;
	s4 =	sadd.s32 s20, s19  }
0xa2: {  	s22 =	simm.s32 $0x0;
	s5 =	sshll.u32 s5, $0x1;
	s6 =	sadd.s32 s21, s4  }
0xa3: {  	[timem:s22], [sflag:s7] =	dma.local [hbm:s6], s5  }
0xa4: {  	_ =	swait.ge [sflag:s7], s5  }
0xa5: {  	s5 =	ssub.s32 $0x0, s5;
	[sflag:s7] =	ssyncset.done $0x0  }
0xa6: {  	[sflag:s7] =	ssyncadd.s32 s5;
	_ =	sdelay $0x1  }
0xa7: {  	s23 =	simm.s32 $0x1B8B  }
0xa8: {  	_ =	swait.ge [sflag:s23], $0x1  }
0xa9: {  	[sflag:s23] =	ssyncset.done $0x0  }
0xaa: {  	[sflag:s23] =	ssyncadd.s32 $0xFFFFFFFF  }
0xab: {  	s5 =	sld [smem:$0x0]  }
0xac: {  	s6 =	sand.u32 $0xFFFFFFFE, s1  }
0xad: {  	p0 =	sne.s32 s1, s6  }
0xae: {  	s6 =	sshll.u32 @p0 s6, $0xE  }
0xaf: {  	s6 =	sadd.s32 @p0 $0x11B8D, s6;
	s7 =	sshll.u32 @p0 s5, $0x11  }
0xb0: {  	s6 =	sor.u32 @p0 s7, s6  }
0xb1: {  	[sflag:s6] =	ssyncadd.remote.s32 @p0 $0x1;
	_ =	sdelay $0x1  }
0xb2: {  	s6 =	simm.s32 @p0 $0x1B8D  }
0xb3: {  	_ =	swait.eq @p0 [sflag:s6], $0x1  }
0xb4: {  	[sflag:s6] =	ssyncadd.s32 @p0 $0xFFFFFFFF  }
0xb5: {  	s7 =	sshll.u32 @!p0 s1, $0xE  }
0xb6: {  	s7 =	sor.u32 @!p0 $0x4000, s7;
	s6 =	simm.s32 @!p0 $0x1B8D  }
0xb7: {  	s5 =	sshll.u32 @!p0 s5, $0x11;
	s7 =	sadd.s32 @!p0 $0x11B8D, s7;
	_ =	swait.eq @!p0 [sflag:s6], $0x1  }
0xb8: {  	s5 =	sor.u32 @!p0 s5, s7;
	[sflag:s6] =	ssyncadd.s32 @!p0 $0xFFFFFFFF  }
0xb9: {  	s25 =	simm.s32 $0x1B8E;
	s24 =	sld [smem:$0x3FFE];
	[sflag:s5] =	ssyncadd.remote.s32 @!p0 $0x1  }
0xba: {  	s26 =	simm.s32 $execute0_lowered;
	[smem:$0x3FD2] =	sst s25  }
0xbb: {  	s6 =	sshll.u32 s26, $0x1;
	_ =	strace $0x8000004C;
	[dreg:$0x1] =	wrdreg $0xFFFFFFFF  }
0xbc: {  	s28 =	simm.s32 $_size_execute0_lowered;
	s4 =	sadd.s32 s4, s6;
	[dreg:$0x0] =	wrdreg $0x0  }
0xbd: {  	s6 =	sshll.u32 s28, $0x1;
	[dreg:$0x2] =	wrdreg s4  }
0xbe: {  	[dreg:$0x3] =	wrdreg s6  }
0xbf: {  	[dreg:$0x4] =	wrdreg $0xC0  }
0xc0: {  	_ =	task [dreg:s22], $0x5FFFF  }
0xc1: {  	[dreg:$0x1] =	wrdreg $0xFFFFFFFF  }
0xc2: {  	[dreg:$0x0] =	wrdreg $0x60  }
0xc3: {  	[dreg:$0x2] =	wrdreg s24  }
0xc4: {  	[dreg:$0x3] =	wrdreg s17  }
0xc5: {  	[dreg:$0x4] =	wrdreg $0x82C00  }
0xc6: {  	[dreg:$0x5] =	wrdreg $0xA  }
0xc7: {  	_ =	task.clear_ibuf [dreg:s22], $0x6FFFF;
	_ =	strace $0x9000004C  }
0xc8: {  	s29 =	simm.s32 $0xA;
	_ =	strace $0x8000004E  }
0xc9: {  	_ =	swait.ge [sflag:s29], $0x1  }
0xca: {  	[sflag:s29] =	ssyncadd.s32 $0xFFFFFFFF  }
0xcb: {  	_ =	strace $0x9000004E  }
0xcc: {  	_ =	sfence  }
0xcd: {  	s30 =	sld [smem:$0x0];
	_ =	sdelay $0x2  }
0xce: {  	s31 =	sshll.u32 s1, $0xD;
	s1 =	sshrl.u32 s1, $0x2  }
0xcf: {  	s4 =	sand.u32 $0x4000, s31;
	s1 =	sadd.s32 s1, s30  }
0xd0: {  	s0 =	sor.u32 s4, s0;
	s1 =	sshll.u32 s1, $0x11  }
0xd1: {  	s0 =	sor.u32 s1, s0  }
0xd2: {  	s0 =	sadd.s32 $0x8F2B, s0  }
0xd3: {  	[sflag:s0] =	ssyncadd.remote.s32 $0x1  }
0xd4: {  	_ =	sfence.sel $0xFFFF  }
0xd5: {  	[dreg:$0x0] =	wrdreg $0xFFFFFFFF;
	(pc) =	sbr.abs _section_cstart, $3  }
0xd6: {  	[dreg:$0x1] =	wrdreg $0xFFFFFFFF  }
0xd7: {  	_ =	task.clear_ibuf [dreg:s22], $0x2FFFF;
	_ =	strace $0x9FFFFFFF  }
0xd8: {  	(tm) =	ssettm $0x7FFFFFFF  }
0xd9: {  	_ =	shalt  }
tec
execute0_lowered:
.L_overlay_start_1:
0x0: {  	(tag) =	ssettag $0x1  }
0x1: {  	s0 =	rddreg [dreg:$0x0]  }
0x2: {  	s1 =	rddreg [dreg:$0x1]  }
0x3: {  	s2 =	rddreg [dreg:$0x2];
	s3 =	simm.s32 $0x0;
	s4 =	srdreg.scid  }
0x4: {  	s11 =	stileid.u32;
	s16 =	simm.s32 $0xA0;
	s17 =	simm.s32 $0x50A0  }
0x5: {  	s18 =	simm.s32 $0x2;
	s19 =	simm.s32 $0x3;
	s20 =	simm.s32 $0x50  }
0x6: {  	s21 =	simm.s32 $0x55C0;
	s23 =	simm.s32 $0x1;
	s24 =	simm.s32 $0x28A0  }
0x7: {  	s25 =	simm.s32 $0x5330;
	s26 =	simm.s32 $0x0;
	[smem:$0x7FF] =	sst s3  }
0x8: {  	s5 =	sadd.s32 $0x5EEA00, s0;
	s4 =	sand.u32 $0x1, s4;
	s6 =	sadd.s32 $0x3C00, s0  }
0x9: {  	s7 =	sshll.u32 s11, $0x1;
	s13 =	smul.u32 $0x15F90, s11;
	_ =	strace $0x8000004D  }
0xa: {  	s8 =	smul.u32 $0x2BF20, s4;
	s9 =	ssub.s32 $0x2, s4;
	s4 =	sor.u32 s4, s7  }
0xb: {  	s29 =	sshll.u32 s11, $0x6;
	s7 =	sadd.s32 $0xEB9200, s0;
	s12 =	smul.u32 $0x1770, s4  }
0xc: {  	s10 =	sshrl.u32 s9, $0x1;
	s4 =	smul.u32 $0x17700, s4;
	s15 =	sadd.s32 s13, s2  }
.Ltmp0:
0xd: {  	s31 =	sshrl.u32 s13, $0x3;
	s0 =	sadd.s32 s8, s0;
	(pc) =	sbr.rel .LBB2_1-.Ltmp0, $4  }
0xe: {  	s14 =	ssub.s32 s9, s10;
	s8 =	sor.u32 $0x1C04, s29;
	s30 =	sshrl.u32 s12, $0x3  }
0xf: {  	s10 =	sadd.s32 s5, s4;
	s11 =	sadd.s32 s1, s12;
	s12 =	sadd.s32 $0x50, s12  }
0x10: {  	s0 =	sadd.s32 $0xEBBE00, s0;
	s13 =	smax.u32 s14, $0x1;
	s14 =	sshrl.u32 s15, $0x3  }
0x11: {  	v0 =	vimm.f32 $0.0e+00;
	s15 =	simm.s32 $0x4;
	s9 =	sadd.s32 s6, s30;
	s22 =	sadd.s32 s31, s0  }
.LBB2_10:
0x12: {  	_ =	swait.ge [sflag:s19], $0x2D00  }
0x13: {  	s26 =	sadd.s32 $0x1, s26;
	[sflag:s19] =	ssyncset.done $0x0  }
0x14: {  	p0 =	sne.s32 s26, s13;
	[sflag:s19] =	ssyncadd.s32 $0xFFFFD300  }
.Ltmp1:
0x15: {  	[bflag:$0x0] =	sbarrier.arrive $0xFFFF;
	(pc) =	sbr.rel @!p0 .LBB2_11-.Ltmp1, $4  }
0x16: {  	[hbm:s22], [sflag:s8] =	dma.local [spmem:s14], $0x2BF2  }
0x17: {  	_ =	swait.ge [sflag:s15], $0x2BF2  }
0x18: {  	[sflag:s15] =	ssyncset.done $0x0  }
0x19: {  	[sflag:s15] =	ssyncadd.s32 $0xFFFFD40E  }
.LBB2_1:
0x1a: {  	[spmem:s14], [sflag:s8] =	dma.local [hbm:s7], $0x2BF2  }
0x1b: {  	_ =	swait.ge [sflag:s15], $0x2BF2  }
0x1c: {  	[sflag:s15] =	ssyncset.done $0x0  }
0x1d: {  	[sflag:s15] =	ssyncadd.s32 $0xFFFFD40E  }
0x1e: {  	[tilespmem:$0x5320] =	vst v0  }
0x1f: {  	[tilespmem:$0x55B0] =	vst v0  }
0x20: {  	[bflag:$0x0] =	sbarrier.arrive $0xFFFF  }
0x21: {  	[tilespmem:s3], [sflag:$0x1] =	stream.linear.gather [hbm4b:s9+s3], $0x50, $0x38;
	[tilespmem:$0x1E250] =	vst v63  }
.Ltmp2:
0x22: {  	_ = 	snop;
	(pc) =	sbr.rel .LBB2_2-.Ltmp2, $4  }
0x23: {  	_ = 	snop  }
0x24: {  	[tilespmem:s16], [sflag:$0x1] =	stream.linear.gather [hbm4b:s10+s3], $0x2800, $0x38;
	[tilespmem:$0x1E250] =	vst v63  }
0x25: {  	s28 =	simm.s32 $0x0  }
0x26: {  	[tilespmem:s17], [sflag:$0x1] =	stream.linear.gather [hbm4b:s11+s3], $0x280, $0x38;
	[tilespmem:$0x1E250] =	vst v63  }
.LBB2_5:
0x27: {  	v1 =	vld [tilespmem:s4+$0x50A0]  }
0x28: {  	s0 =	sadd.s32 $0x80, s30  }
0x29: {  	v2 =	vld [tilespmem:s0+$0xFFFFFFC0];
	_ =	sdelay $0x2  }
0x2a: {  	v3 =	vbroadcast v1, $0x0;
	_ =	sdelay $0x1  }
0x2b: {  	v2 =	vmul.f32 v3, v2  }
0x2c: {  	s31 =	sadd.s32 $0x90, s31  }
0x2d: {  	[tilespmem:s31+$0xFFFFFFC0] =	vst v2  }
0x2e: {  	v2 =	vld [tilespmem:s0+$0xFFFFFFD0];
	_ =	sdelay $0x2  }
0x2f: {  	v3 =	vbroadcast v1, $0x1;
	_ =	sdelay $0x1  }
0x30: {  	v2 =	vmul.f32 v2, v3;
	_ =	sdelay $0x1  }
0x31: {  	[tilespmem:s31+$0xFFFFFFD0] =	vst v2  }
0x32: {  	v2 =	vld [tilespmem:s0+$0xFFFFFFE0];
	_ =	sdelay $0x2  }
0x33: {  	v3 =	vbroadcast v1, $0x2;
	_ =	sdelay $0x1  }
0x34: {  	v2 =	vmul.f32 v2, v3;
	_ =	sdelay $0x1  }
0x35: {  	[tilespmem:s31+$0xFFFFFFE0] =	vst v2  }
0x36: {  	v2 =	vld [tilespmem:s0+$0xFFFFFFF0];
	_ =	sdelay $0x2  }
0x37: {  	v3 =	vbroadcast v1, $0x3;
	_ =	sdelay $0x1  }
0x38: {  	v2 =	vmul.f32 v2, v3;
	_ =	sdelay $0x1  }
0x39: {  	[tilespmem:s31+$0xFFFFFFF0] =	vst v2  }
0x3a: {  	v2 =	vld [tilespmem:s0+$0x0];
	_ =	sdelay $0x2  }
0x3b: {  	v3 =	vbroadcast v1, $0x4;
	_ =	sdelay $0x1  }
0x3c: {  	v2 =	vmul.f32 v2, v3;
	_ =	sdelay $0x1  }
0x3d: {  	[tilespmem:s31+$0x0] =	vst v2  }
0x3e: {  	v2 =	vld [tilespmem:s0+$0x10];
	_ =	sdelay $0x2  }
0x3f: {  	v3 =	vbroadcast v1, $0x5;
	_ =	sdelay $0x1  }
0x40: {  	v2 =	vmul.f32 v2, v3;
	_ =	sdelay $0x1  }
0x41: {  	[tilespmem:s31+$0x10] =	vst v2  }
0x42: {  	v2 =	vld [tilespmem:s0+$0x20];
	_ =	sdelay $0x2  }
0x43: {  	v3 =	vbroadcast v1, $0x6;
	_ =	sdelay $0x1  }
0x44: {  	v2 =	vmul.f32 v2, v3;
	_ =	sdelay $0x1  }
0x45: {  	[tilespmem:s31+$0x20] =	vst v2  }
0x46: {  	v2 =	vld [tilespmem:s0+$0x30];
	_ =	sdelay $0x2  }
0x47: {  	v3 =	vbroadcast v1, $0x7;
	_ =	sdelay $0x1  }
0x48: {  	v2 =	vmul.f32 v2, v3  }
0x49: {  	[tilespmem:s31+$0x40] =	vst v1  }
0x4a: {  	[tilespmem:s31+$0x30] =	vst v2  }
.LBB2_9:
0x4b: {  	s28 =	sadd.s32 $0x1, s28  }
0x4c: {  	p0 =	sne.s32 s28, $0x4B  }
.Ltmp3:
0x4d: {  	_ = 	snop;
	(pc) =	sbr.rel @!p0 .LBB2_10-.Ltmp3, $2  }
0x4e: {  	_ =	sdelay $0x2  }
0x4f: {  	[spmem:s2] =	stream.indirect.scatter.add.f32 [tilespmem:s21], [sflag:$0x3], $0x90, s29, s20, $0xb8;
	[tilespmem:$0x1E250] =	vst v63  }
.LBB2_2:
0x50: {  	s0 =	sand.u32 $0x1, s28  }
0x51: {  	p0 =	seq.s32 s0, $0x1  }
.Ltmp4:
0x52: {  	_ = 	snop;
	(pc) =	sbr.rel @!p0 .LBB2_3-.Ltmp4, $1  }
0x53: {  	_ =	sdelay $0x3  }
0x54: {  	_ =	swait.ge [sflag:s18], $0x50  }
0x55: {  	[sflag:s18] =	ssyncset.done $0x0  }
0x56: {  	[sflag:s18] =	ssyncadd.s32 $0xFFFFFFB0  }
0x57: {  	_ =	swait.ge [sflag:s18], $0x2800  }
0x58: {  	[sflag:s18] =	ssyncset.done $0x0  }
0x59: {  	[sflag:s18] =	ssyncadd.s32 $0xFFFFD800  }
0x5a: {  	_ =	swait.ge [sflag:s18], $0x280  }
0x5b: {  	s0 =	smul.u32 $0x50, s28;
	[sflag:s18] =	ssyncset.done $0x0  }
0x5c: {  	[sflag:s18] =	ssyncadd.s32 $0xFFFFFD80  }
0x5d: {  	s0 =	sadd.s32 s0, s12;
	_ =	swait.ge [sflag:s19], $0x2D00  }
0x5e: {  	s29 =	simm.s32 $0x0;
	s4 =	sshrl.u32 s0, $0x3;
	[sflag:s19] =	ssyncset.done $0x0  }
0x5f: {  	s31 =	sshll.u32 s0, $0x4;
	s4 =	sadd.s32 s6, s4;
	[sflag:s19] =	ssyncadd.s32 $0xFFFFD300  }
0x60: {  	[tilespmem:s29], [sflag:$0x1] =	stream.linear.gather [hbm4b:s4+s29], $0x50, $0x38;
	[tilespmem:$0x1E250] =	vst v63  }
0x61: {  	s4 =	sand.u32 $0x1FFFFF00, s31  }
0x62: {  	s4 =	sadd.s32 s5, s4  }
0x63: {  	[tilespmem:s16], [sflag:$0x1] =	stream.linear.gather [hbm4b:s4+s29], $0x2800, $0x38;
	[tilespmem:$0x1E250] =	vst v63  }
0x64: {  	s0 =	sadd.s32 s1, s0;
	s31 =	simm.s32 $0x0  }
0x65: {  	[tilespmem:s17], [sflag:$0x1] =	stream.linear.gather [hbm4b:s0+s29], $0x280, $0x38;
	[tilespmem:$0x1E250] =	vst v63  }
0x66: {  	v1 =	vld [tilespmem:s31+$0x5330]  }
0x67: {  	s29 =	simm.s32 $0x2910  }
0x68: {  	v2 =	vld [tilespmem:s29+$0xFFFFFF90];
	_ =	sdelay $0x2  }
0x69: {  	v3 =	vbroadcast v1, $0x0;
	_ =	sdelay $0x1  }
0x6a: {  	v2 =	vmul.f32 v3, v2  }
0x6b: {  	s30 =	simm.s32 $0x5600  }
0x6c: {  	[tilespmem:s30+$0xFFFFFFC0] =	vst v2  }
0x6d: {  	v2 =	vld [tilespmem:s29+$0xFFFFFFA0];
	_ =	sdelay $0x2  }
0x6e: {  	v3 =	vbroadcast v1, $0x1;
	_ =	sdelay $0x1  }
0x6f: {  	v2 =	vmul.f32 v2, v3;
	_ =	sdelay $0x1  }
0x70: {  	[tilespmem:s30+$0xFFFFFFD0] =	vst v2  }
0x71: {  	v2 =	vld [tilespmem:s29+$0xFFFFFFB0];
	_ =	sdelay $0x2  }
0x72: {  	v3 =	vbroadcast v1, $0x2;
	_ =	sdelay $0x1  }
0x73: {  	v2 =	vmul.f32 v2, v3;
	_ =	sdelay $0x1  }
0x74: {  	[tilespmem:s30+$0xFFFFFFE0] =	vst v2  }
0x75: {  	v2 =	vld [tilespmem:s29+$0xFFFFFFC0];
	_ =	sdelay $0x2  }
0x76: {  	v3 =	vbroadcast v1, $0x3;
	_ =	sdelay $0x1  }
0x77: {  	v2 =	vmul.f32 v2, v3;
	_ =	sdelay $0x1  }
0x78: {  	[tilespmem:s30+$0xFFFFFFF0] =	vst v2  }
0x79: {  	v2 =	vld [tilespmem:s29+$0xFFFFFFD0];
	_ =	sdelay $0x2  }
0x7a: {  	v3 =	vbroadcast v1, $0x4;
	_ =	sdelay $0x1  }
0x7b: {  	v2 =	vmul.f32 v2, v3;
	_ =	sdelay $0x1  }
0x7c: {  	[tilespmem:s30+$0x0] =	vst v2  }
0x7d: {  	v2 =	vld [tilespmem:s29+$0xFFFFFFE0];
	_ =	sdelay $0x2  }
0x7e: {  	v3 =	vbroadcast v1, $0x5;
	_ =	sdelay $0x1  }
0x7f: {  	v2 =	vmul.f32 v2, v3;
	_ =	sdelay $0x1  }
0x80: {  	[tilespmem:s30+$0x10] =	vst v2  }
0x81: {  	v2 =	vld [tilespmem:s29+$0xFFFFFFF0];
	_ =	sdelay $0x2  }
0x82: {  	v3 =	vbroadcast v1, $0x6;
	_ =	sdelay $0x1  }
0x83: {  	v2 =	vmul.f32 v2, v3;
	_ =	sdelay $0x1  }
0x84: {  	[tilespmem:s30+$0x20] =	vst v2  }
0x85: {  	v2 =	vld [tilespmem:s29+$0x0];
	_ =	sdelay $0x2  }
0x86: {  	v3 =	vbroadcast v1, $0x7;
	_ =	sdelay $0x1  }
0x87: {  	v2 =	vmul.f32 v2, v3  }
0x88: {  	[tilespmem:s30+$0x40] =	vst v1  }
0x89: {  	s4 =	simm.s32 $0x8;
	s0 =	simm.s32 $0x40;
	[tilespmem:s30+$0x30] =	vst v2  }
.LBB2_7:
0x8a: {  	p0 =	sne.s32 s0, $0x9E0;
	v1 =	vld [tilespmem:s4+$0x5330]  }
0x8b: {  	s29 =	sadd.s32 $0x80, s29  }
0x8c: {  	v2 =	vld [tilespmem:s29+$0xFFFFFF90];
	_ =	sdelay $0x2  }
0x8d: {  	v3 =	vbroadcast v1, $0x0;
	_ =	sdelay $0x1  }
0x8e: {  	v2 =	vmul.f32 v3, v2  }
0x8f: {  	s30 =	sadd.s32 $0x90, s30  }
0x90: {  	[tilespmem:s30+$0xFFFFFFC0] =	vst v2  }
0x91: {  	v2 =	vld [tilespmem:s29+$0xFFFFFFA0];
	_ =	sdelay $0x2  }
0x92: {  	v3 =	vbroadcast v1, $0x1;
	_ =	sdelay $0x1  }
0x93: {  	v2 =	vmul.f32 v2, v3;
	_ =	sdelay $0x1  }
0x94: {  	[tilespmem:s30+$0xFFFFFFD0] =	vst v2  }
0x95: {  	v2 =	vld [tilespmem:s29+$0xFFFFFFB0];
	_ =	sdelay $0x2  }
0x96: {  	v3 =	vbroadcast v1, $0x2;
	_ =	sdelay $0x1  }
0x97: {  	v2 =	vmul.f32 v2, v3;
	_ =	sdelay $0x1  }
0x98: {  	[tilespmem:s30+$0xFFFFFFE0] =	vst v2  }
0x99: {  	v2 =	vld [tilespmem:s29+$0xFFFFFFC0];
	_ =	sdelay $0x2  }
0x9a: {  	v3 =	vbroadcast v1, $0x3;
	_ =	sdelay $0x1  }
0x9b: {  	v2 =	vmul.f32 v2, v3;
	_ =	sdelay $0x1  }
0x9c: {  	[tilespmem:s30+$0xFFFFFFF0] =	vst v2  }
0x9d: {  	v2 =	vld [tilespmem:s29+$0xFFFFFFD0];
	_ =	sdelay $0x2  }
0x9e: {  	v3 =	vbroadcast v1, $0x4;
	_ =	sdelay $0x1  }
0x9f: {  	v2 =	vmul.f32 v2, v3;
	_ =	sdelay $0x1  }
0xa0: {  	[tilespmem:s30+$0x0] =	vst v2  }
0xa1: {  	v2 =	vld [tilespmem:s29+$0xFFFFFFE0];
	_ =	sdelay $0x2  }
0xa2: {  	v3 =	vbroadcast v1, $0x5;
	_ =	sdelay $0x1  }
0xa3: {  	v2 =	vmul.f32 v2, v3;
	_ =	sdelay $0x1  }
0xa4: {  	[tilespmem:s30+$0x10] =	vst v2  }
0xa5: {  	v2 =	vld [tilespmem:s29+$0xFFFFFFF0];
	_ =	sdelay $0x2  }
0xa6: {  	v3 =	vbroadcast v1, $0x6;
	_ =	sdelay $0x1  }
0xa7: {  	v2 =	vmul.f32 v2, v3;
	_ =	sdelay $0x1  }
0xa8: {  	[tilespmem:s30+$0x20] =	vst v2  }
0xa9: {  	v2 =	vld [tilespmem:s29+$0x0];
	[tilespmem:s30+$0x40] =	vst v1;
	_ =	sdelay $0x2  }
.Ltmp5:
0xaa: {  	v1 =	vbroadcast v1, $0x7;
	(pc) =	sbr.rel @p0 .LBB2_7-.Ltmp5, $3  }
0xab: {  	_ = 	snop  }
0xac: {  	v1 =	vmul.f32 v2, v1;
	_ =	sdelay $0x1  }
0xad: {  	s4 =	sshra.s32 s0, $0x2;
	s0 =	sadd.s32 $0x20, s0;
	[tilespmem:s30+$0x30] =	vst v1  }
0xae: {  	v1 =	vld [tilespmem:s4+$0x5330]  }
0xaf: {  	s0 =	sadd.s32 $0x80, s29  }
0xb0: {  	v2 =	vld [tilespmem:s0+$0xFFFFFF90];
	_ =	sdelay $0x2  }
0xb1: {  	v3 =	vbroadcast v1, $0x0;
	_ =	sdelay $0x1  }
0xb2: {  	v2 =	vmul.f32 v3, v2  }
0xb3: {  	s31 =	sadd.s32 $0x90, s30  }
0xb4: {  	[tilespmem:s31+$0xFFFFFFC0] =	vst v2  }
0xb5: {  	v2 =	vld [tilespmem:s0+$0xFFFFFFA0];
	_ =	sdelay $0x2  }
0xb6: {  	v3 =	vbroadcast v1, $0x1;
	_ =	sdelay $0x1  }
0xb7: {  	v2 =	vmul.f32 v2, v3;
	_ =	sdelay $0x1  }
0xb8: {  	[tilespmem:s31+$0xFFFFFFD0] =	vst v2  }
0xb9: {  	v2 =	vld [tilespmem:s0+$0xFFFFFFB0];
	_ =	sdelay $0x2  }
0xba: {  	v3 =	vbroadcast v1, $0x2;
	_ =	sdelay $0x1  }
0xbb: {  	v2 =	vmul.f32 v2, v3;
	_ =	sdelay $0x1  }
0xbc: {  	[tilespmem:s31+$0xFFFFFFE0] =	vst v2  }
0xbd: {  	v2 =	vld [tilespmem:s0+$0xFFFFFFC0];
	_ =	sdelay $0x2  }
0xbe: {  	v3 =	vbroadcast v1, $0x3;
	_ =	sdelay $0x1  }
0xbf: {  	v2 =	vmul.f32 v2, v3;
	_ =	sdelay $0x1  }
0xc0: {  	[tilespmem:s31+$0xFFFFFFF0] =	vst v2  }
0xc1: {  	v2 =	vld [tilespmem:s0+$0xFFFFFFD0];
	_ =	sdelay $0x2  }
0xc2: {  	v3 =	vbroadcast v1, $0x4;
	_ =	sdelay $0x1  }
0xc3: {  	v2 =	vmul.f32 v2, v3;
	_ =	sdelay $0x1  }
0xc4: {  	[tilespmem:s31+$0x0] =	vst v2  }
0xc5: {  	v2 =	vld [tilespmem:s0+$0xFFFFFFE0];
	_ =	sdelay $0x2  }
0xc6: {  	v3 =	vbroadcast v1, $0x5;
	_ =	sdelay $0x1  }
0xc7: {  	v2 =	vmul.f32 v2, v3;
	_ =	sdelay $0x1  }
0xc8: {  	[tilespmem:s31+$0x10] =	vst v2  }
0xc9: {  	v2 =	vld [tilespmem:s0+$0xFFFFFFF0];
	_ =	sdelay $0x2  }
0xca: {  	v3 =	vbroadcast v1, $0x6;
	_ =	sdelay $0x1  }
0xcb: {  	v2 =	vmul.f32 v2, v3;
	_ =	sdelay $0x1  }
0xcc: {  	[tilespmem:s31+$0x20] =	vst v2  }
0xcd: {  	v2 =	vld [tilespmem:s0+$0x0];
	_ =	sdelay $0x2  }
.Ltmp6:
0xce: {  	v3 =	vbroadcast v1, $0x7;
	(pc) =	sbr.rel .LBB2_9-.Ltmp6, $4  }
0xcf: {  	_ = 	snop  }
0xd0: {  	v2 =	vmul.f32 v2, v3  }
0xd1: {  	[tilespmem:s31+$0x40] =	vst v1  }
0xd2: {  	s29 =	simm.s32 $0x50;
	[tilespmem:s31+$0x30] =	vst v2  }
.LBB2_3:
0xd3: {  	_ =	swait.ge [sflag:s23], $0x50  }
0xd4: {  	[sflag:s23] =	ssyncset.done $0x0  }
0xd5: {  	[sflag:s23] =	ssyncadd.s32 $0xFFFFFFB0  }
0xd6: {  	_ =	swait.ge [sflag:s23], $0x2800  }
0xd7: {  	[sflag:s23] =	ssyncset.done $0x0  }
0xd8: {  	[sflag:s23] =	ssyncadd.s32 $0xFFFFD800  }
0xd9: {  	_ =	swait.ge [sflag:s23], $0x280  }
0xda: {  	p0 =	seq.s32 s28, $0x0;
	[sflag:s23] =	ssyncset.done $0x0  }
0xdb: {  	s0 =	simm.s32 @!p0 $0x3;
	[sflag:s23] =	ssyncadd.s32 $0xFFFFFD80  }
0xdc: {  	p1 =	seq.s32 @!p0 s28, $0x4A;
	_ =	swait.ge @!p0 [sflag:s0], $0x2D00  }
0xdd: {  	p1 =	por p0, !p1;
	[sflag:s0] =	ssyncset.done @!p0 $0x0  }
0xde: {  	[sflag:s0] =	ssyncadd.s32 @!p0 $0xFFFFD300;
	s0 =	smul.u32 @p1 $0x50, s28;
	_ =	sdelay $0x1  }
0xdf: {  	s0 =	sadd.s32 @p1 s0, s12  }
0xe0: {  	s4 =	sshrl.u32 @p1 s0, $0x3  }
0xe1: {  	s4 =	sadd.s32 @p1 s6, s4  }
0xe2: {  	[tilespmem:s20], [sflag:$0x2] =	stream.linear.gather @p1 [hbm4b:s4+s3], $0x50, $0x38;
	[tilespmem:$0x1E250] =	vst v63  }
0xe3: {  	s4 =	sshll.u32 @p1 s0, $0x4  }
0xe4: {  	s4 =	sand.u32 @p1 $0x1FFFFF00, s4  }
0xe5: {  	s4 =	sadd.s32 @p1 s5, s4  }
0xe6: {  	[tilespmem:s24], [sflag:$0x2] =	stream.linear.gather @p1 [hbm4b:s4+s3], $0x2800, $0x38;
	[tilespmem:$0x1E250] =	vst v63  }
0xe7: {  	s0 =	sadd.s32 @p1 s1, s0;
	s4 =	simm.s32 $0x0  }
0xe8: {  	[tilespmem:s25], [sflag:$0x2] =	stream.linear.gather @p1 [hbm4b:s0+s3], $0x280, $0x38;
	[tilespmem:$0x1E250] =	vst v63  }
0xe9: {  	v1 =	vld [tilespmem:s4+$0x50A0]  }
0xea: {  	s30 =	simm.s32 $0xE0  }
0xeb: {  	v2 =	vld [tilespmem:s30+$0xFFFFFFC0];
	_ =	sdelay $0x2  }
0xec: {  	v3 =	vbroadcast v1, $0x0;
	_ =	sdelay $0x1  }
0xed: {  	v2 =	vmul.f32 v3, v2  }
0xee: {  	s31 =	simm.s32 $0x5600  }
0xef: {  	[tilespmem:s31+$0xFFFFFFC0] =	vst v2  }
0xf0: {  	v2 =	vld [tilespmem:s30+$0xFFFFFFD0];
	_ =	sdelay $0x2  }
0xf1: {  	v3 =	vbroadcast v1, $0x1;
	_ =	sdelay $0x1  }
0xf2: {  	v2 =	vmul.f32 v2, v3;
	_ =	sdelay $0x1  }
0xf3: {  	[tilespmem:s31+$0xFFFFFFD0] =	vst v2  }
0xf4: {  	v2 =	vld [tilespmem:s30+$0xFFFFFFE0];
	_ =	sdelay $0x2  }
0xf5: {  	v3 =	vbroadcast v1, $0x2;
	_ =	sdelay $0x1  }
0xf6: {  	v2 =	vmul.f32 v2, v3;
	_ =	sdelay $0x1  }
0xf7: {  	[tilespmem:s31+$0xFFFFFFE0] =	vst v2  }
0xf8: {  	v2 =	vld [tilespmem:s30+$0xFFFFFFF0];
	_ =	sdelay $0x2  }
0xf9: {  	v3 =	vbroadcast v1, $0x3;
	_ =	sdelay $0x1  }
0xfa: {  	v2 =	vmul.f32 v2, v3;
	_ =	sdelay $0x1  }
0xfb: {  	[tilespmem:s31+$0xFFFFFFF0] =	vst v2  }
0xfc: {  	v2 =	vld [tilespmem:s30+$0x0];
	_ =	sdelay $0x2  }
0xfd: {  	v3 =	vbroadcast v1, $0x4;
	_ =	sdelay $0x1  }
0xfe: {  	v2 =	vmul.f32 v2, v3;
	_ =	sdelay $0x1  }
0xff: {  	[tilespmem:s31+$0x0] =	vst v2  }
0x100: {  	v2 =	vld [tilespmem:s30+$0x10];
	_ =	sdelay $0x2  }
0x101: {  	v3 =	vbroadcast v1, $0x5;
	_ =	sdelay $0x1  }
0x102: {  	v2 =	vmul.f32 v2, v3;
	_ =	sdelay $0x1  }
0x103: {  	[tilespmem:s31+$0x10] =	vst v2  }
0x104: {  	v2 =	vld [tilespmem:s30+$0x20];
	_ =	sdelay $0x2  }
0x105: {  	v3 =	vbroadcast v1, $0x6;
	_ =	sdelay $0x1  }
0x106: {  	v2 =	vmul.f32 v2, v3;
	_ =	sdelay $0x1  }
0x107: {  	[tilespmem:s31+$0x20] =	vst v2  }
0x108: {  	v2 =	vld [tilespmem:s30+$0x30];
	_ =	sdelay $0x2  }
0x109: {  	v3 =	vbroadcast v1, $0x7;
	_ =	sdelay $0x1  }
0x10a: {  	v2 =	vmul.f32 v2, v3  }
0x10b: {  	[tilespmem:s31+$0x40] =	vst v1  }
0x10c: {  	s29 =	simm.s32 $0x0;
	s0 =	simm.s32 $0x40;
	s4 =	simm.s32 $0x8;
	[tilespmem:s31+$0x30] =	vst v2  }
.LBB2_4:
0x10d: {  	p0 =	seq.s32 s0, $0x9E0;
	v1 =	vld [tilespmem:s4+$0x50A0]  }
0x10e: {  	s30 =	sadd.s32 $0x80, s30  }
0x10f: {  	v2 =	vld [tilespmem:s30+$0xFFFFFFC0];
	_ =	sdelay $0x2  }
0x110: {  	v3 =	vbroadcast v1, $0x0;
	_ =	sdelay $0x1  }
0x111: {  	v2 =	vmul.f32 v3, v2  }
0x112: {  	s31 =	sadd.s32 $0x90, s31  }
0x113: {  	[tilespmem:s31+$0xFFFFFFC0] =	vst v2  }
0x114: {  	v2 =	vld [tilespmem:s30+$0xFFFFFFD0];
	_ =	sdelay $0x2  }
0x115: {  	v3 =	vbroadcast v1, $0x1;
	_ =	sdelay $0x1  }
0x116: {  	v2 =	vmul.f32 v2, v3;
	_ =	sdelay $0x1  }
0x117: {  	[tilespmem:s31+$0xFFFFFFD0] =	vst v2  }
0x118: {  	v2 =	vld [tilespmem:s30+$0xFFFFFFE0];
	_ =	sdelay $0x2  }
0x119: {  	v3 =	vbroadcast v1, $0x2;
	_ =	sdelay $0x1  }
0x11a: {  	v2 =	vmul.f32 v2, v3;
	_ =	sdelay $0x1  }
0x11b: {  	[tilespmem:s31+$0xFFFFFFE0] =	vst v2  }
0x11c: {  	v2 =	vld [tilespmem:s30+$0xFFFFFFF0];
	_ =	sdelay $0x2  }
0x11d: {  	v3 =	vbroadcast v1, $0x3;
	_ =	sdelay $0x1  }
0x11e: {  	v2 =	vmul.f32 v2, v3;
	_ =	sdelay $0x1  }
0x11f: {  	[tilespmem:s31+$0xFFFFFFF0] =	vst v2  }
0x120: {  	v2 =	vld [tilespmem:s30+$0x0];
	_ =	sdelay $0x2  }
0x121: {  	v3 =	vbroadcast v1, $0x4;
	_ =	sdelay $0x1  }
0x122: {  	v2 =	vmul.f32 v2, v3;
	_ =	sdelay $0x1  }
0x123: {  	[tilespmem:s31+$0x0] =	vst v2  }
0x124: {  	v2 =	vld [tilespmem:s30+$0x10];
	_ =	sdelay $0x2  }
0x125: {  	v3 =	vbroadcast v1, $0x5;
	_ =	sdelay $0x1  }
0x126: {  	v2 =	vmul.f32 v2, v3;
	_ =	sdelay $0x1  }
0x127: {  	[tilespmem:s31+$0x10] =	vst v2  }
0x128: {  	v2 =	vld [tilespmem:s30+$0x20];
	_ =	sdelay $0x2  }
0x129: {  	v3 =	vbroadcast v1, $0x6;
	_ =	sdelay $0x1  }
0x12a: {  	v2 =	vmul.f32 v2, v3;
	_ =	sdelay $0x1  }
0x12b: {  	[tilespmem:s31+$0x20] =	vst v2  }
0x12c: {  	v2 =	vld [tilespmem:s30+$0x30];
	[tilespmem:s31+$0x40] =	vst v1;
	_ =	sdelay $0x2  }
.Ltmp7:
0x12d: {  	v1 =	vbroadcast v1, $0x7;
	(pc) =	sbr.rel @!p0 .LBB2_4-.Ltmp7, $3  }
0x12e: {  	_ = 	snop  }
0x12f: {  	v1 =	vmul.f32 v2, v1;
	_ =	sdelay $0x1  }
0x130: {  	s4 =	sshra.s32 s0, $0x2;
	s0 =	sadd.s32 $0x20, s0;
	[tilespmem:s31+$0x30] =	vst v1  }
.Ltmp8:
0x131: {  	_ = 	snop;
	(pc) =	sbr.rel .LBB2_5-.Ltmp8, $1  }
0x132: {  	_ =	sdelay $0x3  }
.LBB2_11:
0x133: {  	_ =	sfence.sel $0x180000  }
0x134: {  	[bflag:$0x0] =	sbarrier.arrive $0xFFFF  }
0x135: {  	_ =	strace $0x9000004D  }
0x136: {  	s0 =	stileid.u32;
	[bflag:$0x2] =	sbarrier.arrive $0xFFFF  }
0x137: {  	p0 =	sne.s32 s0, $0x0;
	s0 =	rddreg [dreg:$0x3]  }
0x138: {  	s0 =	sadd.s32 @!p0 $0x100000, s0  }
0x139: {  	[sflag:s0] =	ssyncadd.tile.s32 @!p0 $0x1;
	_ =	shalt  }
.Lfunc_end2:
_tile_overlayer_lowered:
.L_overlay_start_2:
0x13a: {  	(tag) =	ssettag $0x2  }
0x13b: {  	s0 =	rddreg [dreg:$0x0];
	s2 =	stileid.u32  }
0x13c: {  	s1 =	rddreg [dreg:$0x1];
	p0 =	sne.s32 s2, $0x0  }
0x13d: {  	s3 =	rddreg [dreg:$0x2];
	[bflag:$0x3] =	sbarrier.arrive $0xFFFF;
	s2 =	simm.s32 @!p0 $0x1C04  }
0x13e: {  	[timem:s3], [sflag:s2] =	dma.local @!p0 [hbm:s0], s1  }
0x13f: {  	s0 =	simm.s32 @!p0 $0x4  }
0x140: {  	_ =	swait.ge @!p0 [sflag:s0], s1  }
0x141: {  	s1 =	ssub.s32 @!p0 $0x0, s1;
	[sflag:s0] =	ssyncset.done @!p0 $0x0  }
0x142: {  	[sflag:s0] =	ssyncadd.s32 @!p0 s1  }
0x143: {  	[bflag:$0x3] =	sbarrier.arrive $0xFFFF  }
0x144: {  	_ =	shalt  }

// kernel: kernel.20.cloned.1.call-start
scs
__scs_entry_jumppad:
0x0: {  	(pc) =	sbr.rel $0x88, $3  }
0x1: {  	(tag) =	ssettag $0x0;
	lr =	simm.s32 $0x1  }
0x2: {  	[smem:$0x3F9A] =	sst lr;
	_ =	strace $0xD0000000  }
0x3: {  	_ = 	snop  }
0x4: {  	_ = 	snop  }
0x5: {  	_ = 	snop  }
0x6: {  	_ = 	snop  }
0x7: {  	_ = 	snop  }
__scs_overlays_trampoline_lowered:
0x8: {  	[smem:$0x3FA9] =	sst s0  }
0x9: {  	[smem:$0x3FAA] =	sst s1  }
0xa: {  	[smem:$0x3FAB] =	sst s2  }
0xb: {  	[smem:$0x3FAC] =	sst s3  }
0xc: {  	[smem:$0x3FAD] =	sst s4  }
0xd: {  	[smem:$0x3FAE] =	sst s5  }
0xe: {  	[smem:$0x3FAF] =	sst s6  }
0xf: {  	[smem:$0x3FB0] =	sst s7  }
0x10: {  	[smem:$0x3FB1] =	sst s8  }
0x11: {  	[smem:$0x3FB2] =	sst s9;
	s0 =	simm.s32 @!p0 $0x0  }
0x12: {  	s1 =	sld [smem:$0x3F98];
	s0 =	simm.s32 @p0 $0x1  }
0x13: {  	[smem:$0x3FB3] =	sst s0;
	s0 =	simm.s32 @!p1 $0x0  }
0x14: {  	s2 =	sld [smem:$0x3F97];
	s0 =	simm.s32 @p1 $0x1  }
0x15: {  	[smem:$0x3FB4] =	sst s0;
	s0 =	simm.s32 @!p2 $0x0  }
0x16: {  	s3 =	sld [smem:$0x3FDB];
	s0 =	simm.s32 @p2 $0x1  }
0x17: {  	s4 =	simm.s32 $0x1BF5;
	[smem:$0x3FB6] =	sst s0  }
0x18: {  	s0 =	sld [smem:$0x3F99];
	_ =	swait.ge [sflag:s4], $0x0  }
0x19: {  	s7 =	sld [smem:$0x3F9A]  }
0x1a: {  	s8 =	sadd.s32 $0xFFFFE003, lr  }
0x1b: {  	s9 =	sadd.s32 $0xFFFFFEF7, lr;
	s5 =	simm.s32 $0xFFFFFFFF;
	p2 =	slt.u32 s8, $0xFFFFF086  }
0x1c: {  	p1 =	slt.u32 s9, $0xF7A;
	s5 =	simm.s32 @!p2 $0x0  }
0x1d: {  	s5 =	simm.s32 @p1 $0x1;
	p0 =	seq.s32 s7, s2  }
0x1e: {  	s7 =	smul.u32 @!p0 $0xF7A, s2;
	p2 =	seq.s32 @!p0 s5, $0x0  }
0x1f: {  	s9 =	smul.u32 $0xF7A, s1;
	s8 =	simm.s32 @!p0 $0x1BF5;
	p2 =	por !p2, p0  }
0x20: {  	[sflag:s8] =	ssyncset.s32 @!p0 $0xFFFFF086;
	s6 =	sadd.s32 @!p0 s3, s7;
	s7 =	simm.s32 @!p0 $0x108  }
0x21: {  	s3 =	sadd.s32 s3, s9;
	s6 =	sadd.s32 @!p0 $0x88, s6;
	s7 =	simm.s32 @p2 $0x1082  }
0x22: {  	[simem:s7], [sflag:s8] =	dma.local @!p0 [hbm:s6], $0xF7A  }
0x23: {  	s9 =	sor.u32 $0xD0000000, s2;
	s6 =	simm.s32 $0x108;
	_ =	swait.ge @!p0 [sflag:s8], $0x0  }
0x24: {  	s3 =	sadd.s32 $0x88, s3;
	s6 =	simm.s32 @!p1 $0x1082;
	[sflag:s4] =	ssyncset.s32 $0xFFFFF086  }
0x25: {  	[simem:s6], [sflag:s4] =	dma.local [hbm:s3], $0xF7A  }
0x26: {  	[smem:$0x3F9A] =	sst s1;
	(tag) =	ssettag s2;
	_ =	strace s9  }
0x27: {  	s1 =	sld [smem:$0x3FAA]  }
0x28: {  	s2 =	sld [smem:$0x3FAB]  }
0x29: {  	s4 =	sld [smem:$0x3FAD]  }
0x2a: {  	p0 =	seq.s32 s5, $0x0;
	s5 =	sld [smem:$0x3FAE]  }
0x2b: {  	s6 =	sld [smem:$0x3FAF]  }
0x2c: {  	s7 =	sld [smem:$0x3FB0]  }
0x2d: {  	s3 =	simm.s32 $0x108;
	s8 =	sld [smem:$0x3FB1]  }
0x2e: {  	s3 =	simm.s32 @!p0 $0x1082;
	s9 =	sld [smem:$0x3FB2]  }
0x2f: {  	lr =	sadd.s32 s0, s3;
	s0 =	sld [smem:$0x3FA9]  }
0x30: {  	s3 =	sld [smem:$0x3FAC]  }
0x31: {  	[smem:$0x3FB5] =	sst s10  }
0x32: {  	s10 =	sld [smem:$0x3FB3];
	_ =	sdelay $0x3  }
0x33: {  	p0 =	seq.s32 s10, $0x1;
	s10 =	sld [smem:$0x3FB5];
	_ =	sdelay $0x3  }
0x34: {  	[smem:$0x3FB5] =	sst s10  }
0x35: {  	s10 =	sld [smem:$0x3FB4];
	_ =	sdelay $0x3  }
0x36: {  	p1 =	seq.s32 s10, $0x1;
	s10 =	sld [smem:$0x3FB5];
	_ =	sdelay $0x3  }
0x37: {  	[smem:$0x3FB5] =	sst s10  }
0x38: {  	s10 =	sld [smem:$0x3FB6]  }
0x39: {  	_ = 	snop;
	(pc) =	sbr.ind lr, $3  }
0x3a: {  	_ = 	snop  }
0x3b: {  	_ = 	snop  }
0x3c: {  	p2 =	seq.s32 s10, $0x1;
	s10 =	sld [smem:$0x3FB5]  }
0x3d: {  	_ =	shalt  }
0x3e: {  	_ =	shalt  }
0x3f: {  	_ =	shalt  }
0x40: {  	_ =	shalt  }
0x41: {  	_ =	shalt  }
0x42: {  	_ =	shalt  }
0x43: {  	_ =	shalt  }
0x44: {  	_ =	shalt  }
0x45: {  	_ =	shalt  }
0x46: {  	_ =	shalt  }
0x47: {  	_ =	shalt  }
0x48: {  	_ =	shalt  }
0x49: {  	_ =	shalt  }
0x4a: {  	_ =	shalt  }
0x4b: {  	_ =	shalt  }
0x4c: {  	_ =	shalt  }
0x4d: {  	_ =	shalt  }
0x4e: {  	_ =	shalt  }
0x4f: {  	_ =	shalt  }
0x50: {  	_ =	shalt  }
0x51: {  	_ =	shalt  }
0x52: {  	_ =	shalt  }
0x53: {  	_ =	shalt  }
0x54: {  	_ =	shalt  }
0x55: {  	_ =	shalt  }
0x56: {  	_ =	shalt  }
0x57: {  	_ =	shalt  }
0x58: {  	_ =	shalt  }
0x59: {  	_ =	shalt  }
0x5a: {  	_ =	shalt  }
0x5b: {  	_ =	shalt  }
0x5c: {  	_ =	shalt  }
0x5d: {  	_ =	shalt  }
0x5e: {  	_ =	shalt  }
0x5f: {  	_ =	shalt  }
0x60: {  	_ =	shalt  }
0x61: {  	_ =	shalt  }
0x62: {  	_ =	shalt  }
0x63: {  	_ =	shalt  }
0x64: {  	_ =	shalt  }
0x65: {  	_ =	shalt  }
0x66: {  	_ =	shalt  }
0x67: {  	_ =	shalt  }
0x68: {  	_ =	shalt  }
0x69: {  	_ =	shalt  }
0x6a: {  	_ =	shalt  }
0x6b: {  	_ =	shalt  }
0x6c: {  	_ =	shalt  }
0x6d: {  	_ =	shalt  }
0x6e: {  	_ =	shalt  }
0x6f: {  	_ =	shalt  }
0x70: {  	_ =	shalt  }
0x71: {  	_ =	shalt  }
0x72: {  	_ =	shalt  }
0x73: {  	_ =	shalt  }
0x74: {  	_ =	shalt  }
0x75: {  	_ =	shalt  }
0x76: {  	_ =	shalt  }
0x77: {  	_ =	shalt  }
0x78: {  	_ =	shalt  }
0x79: {  	_ =	shalt  }
0x7a: {  	_ =	shalt  }
0x7b: {  	_ =	shalt  }
0x7c: {  	_ =	shalt  }
0x7d: {  	_ =	shalt  }
0x7e: {  	_ =	shalt  }
0x7f: {  	_ =	shalt  }
0x80: {  	_ =	shalt  }
0x81: {  	_ =	shalt  }
0x82: {  	_ =	shalt  }
0x83: {  	_ =	shalt  }
0x84: {  	_ =	shalt  }
0x85: {  	_ =	shalt  }
0x86: {  	_ =	shalt  }
0x87: {  	_ =	shalt  }
.Lfunc_end0:
.L_simem_size_0:
called_computation.3_lowered:
.L_overlay_start_0:
0x88: {  	s2 =	sld [smem:$0x3FD9]  }
0x89: {  	s3 =	sld [smem:$0x3FFE];
	_ =	sdelay $0x1  }
0x8a: {  	s1 =	srdreg.scid  }
0x8b: {  	s0 =	sand.u32 $0x1, s1  }
0x8c: {  	s15 =	sshll.u32 s0, $0xA;
	s2 =	sadd.s32 s3, s2  }
0x8d: {  	s2 =	sadd.s32 s2, s15  }
0x8e: {  	[smem:$0x3FC1] =	sst s2  }
0x8f: {  	_ = 	snop  }
0x90: {  	s2 =	sld [smem:$0x3FD0];
	_ =	sdelay $0x2  }
0x91: {  	s16 =	simm.s32 $0xB;
	s4 =	simm.s32 $0x10  }
0x92: {  	[smem:s4], [sflag:s16] =	dma.local [hbm:s2], $0x1  }
0x93: {  	_ =	swait.eq [sflag:s16], $0x1  }
0x94: {  	[sflag:s16] =	ssyncset.done $0x0  }
0x95: {  	[sflag:s16] =	ssyncadd.s32 $0xFFFFFFFF  }
0x96: {  	s17 =	sld [smem:$0x10];
	(tm) =	ssettm $0x1  }
0x97: {  	s18 =	sld [smem:$0x3FFB];
	_ =	sdelay $0x3  }
0x98: {  	_ =	strace s18  }
0x99: {  	s2 =	sld [smem:$0x3FFC];
	_ =	sdelay $0x3  }
0x9a: {  	_ =	strace s2  }
0x9b: {  	s2 =	sld [smem:$0x3FFD];
	_ =	sdelay $0x3  }
0x9c: {  	_ =	strace s2  }
0x9d: {  	_ =	strace $0x8FFFFFFF  }
0x9e: {  	s19 =	sld [smem:$0x3FDB];
	_ =	sdelay $0x1  }
0x9f: {  	s20 =	simm.s32 $_scs_section_size  }
0xa0: {  	s5 =	simm.s32 $_size__tile_overlayer_lowered;
	s6 =	simm.s32 $_tile_overlayer_lowered  }
0xa1: {  	s7 =	simm.s32 $0x1BFF;
	s21 =	sshll.u32 s6, $0x1;
	s4 =	sadd.s32 s20, s19  }
0xa2: {  	s22 =	simm.s32 $0x0;
	s5 =	sshll.u32 s5, $0x1;
	s6 =	sadd.s32 s21, s4  }
0xa3: {  	[timem:s22], [sflag:s7] =	dma.local [hbm:s6], s5  }
0xa4: {  	_ =	swait.ge [sflag:s7], s5  }
0xa5: {  	s5 =	ssub.s32 $0x0, s5;
	[sflag:s7] =	ssyncset.done $0x0  }
0xa6: {  	[sflag:s7] =	ssyncadd.s32 s5;
	_ =	sdelay $0x1  }
0xa7: {  	s23 =	simm.s32 $0x1B8B  }
0xa8: {  	_ =	swait.ge [sflag:s23], $0x1  }
0xa9: {  	[sflag:s23] =	ssyncset.done $0x0  }
0xaa: {  	[sflag:s23] =	ssyncadd.s32 $0xFFFFFFFF  }
0xab: {  	s5 =	sld [smem:$0x0]  }
0xac: {  	s6 =	sand.u32 $0xFFFFFFFE, s1  }
0xad: {  	p0 =	sne.s32 s1, s6  }
0xae: {  	s6 =	sshll.u32 @p0 s6, $0xE  }
0xaf: {  	s6 =	sadd.s32 @p0 $0x11B8D, s6;
	s7 =	sshll.u32 @p0 s5, $0x11  }
0xb0: {  	s6 =	sor.u32 @p0 s7, s6  }
0xb1: {  	[sflag:s6] =	ssyncadd.remote.s32 @p0 $0x1;
	_ =	sdelay $0x1  }
0xb2: {  	s6 =	simm.s32 @p0 $0x1B8D  }
0xb3: {  	_ =	swait.eq @p0 [sflag:s6], $0x1  }
0xb4: {  	[sflag:s6] =	ssyncadd.s32 @p0 $0xFFFFFFFF  }
0xb5: {  	s7 =	sshll.u32 @!p0 s1, $0xE  }
0xb6: {  	s7 =	sor.u32 @!p0 $0x4000, s7;
	s6 =	simm.s32 @!p0 $0x1B8D  }
0xb7: {  	s5 =	sshll.u32 @!p0 s5, $0x11;
	s7 =	sadd.s32 @!p0 $0x11B8D, s7;
	_ =	swait.eq @!p0 [sflag:s6], $0x1  }
0xb8: {  	s5 =	sor.u32 @!p0 s5, s7;
	[sflag:s6] =	ssyncadd.s32 @!p0 $0xFFFFFFFF  }
0xb9: {  	s25 =	simm.s32 $0x1B8E;
	s24 =	sld [smem:$0x3FFE];
	[sflag:s5] =	ssyncadd.remote.s32 @!p0 $0x1  }
0xba: {  	s26 =	simm.s32 $execute0_lowered;
	[smem:$0x3FD2] =	sst s25  }
0xbb: {  	s6 =	sshll.u32 s26, $0x1;
	_ =	strace $0x8000004F;
	[dreg:$0x1] =	wrdreg $0xFFFFFFFF  }
0xbc: {  	s28 =	simm.s32 $_size_execute0_lowered;
	s4 =	sadd.s32 s4, s6;
	[dreg:$0x0] =	wrdreg $0x0  }
0xbd: {  	s6 =	sshll.u32 s28, $0x1;
	[dreg:$0x2] =	wrdreg s4  }
0xbe: {  	[dreg:$0x3] =	wrdreg s6  }
0xbf: {  	[dreg:$0x4] =	wrdreg $0xC0  }
0xc0: {  	_ =	task [dreg:s22], $0x5FFFF  }
0xc1: {  	[dreg:$0x1] =	wrdreg $0xFFFFFFFF  }
0xc2: {  	[dreg:$0x0] =	wrdreg $0x60  }
0xc3: {  	[dreg:$0x2] =	wrdreg s24  }
0xc4: {  	[dreg:$0x3] =	wrdreg s17  }
0xc5: {  	[dreg:$0x4] =	wrdreg $0x82C00  }
0xc6: {  	[dreg:$0x5] =	wrdreg $0x9  }
0xc7: {  	_ =	task.clear_ibuf [dreg:s22], $0x6FFFF;
	_ =	strace $0x9000004F  }
0xc8: {  	s29 =	simm.s32 $0x9;
	_ =	strace $0x80000051  }
0xc9: {  	_ =	swait.ge [sflag:s29], $0x1  }
0xca: {  	[sflag:s29] =	ssyncadd.s32 $0xFFFFFFFF  }
0xcb: {  	_ =	strace $0x90000051  }
0xcc: {  	_ =	sfence  }
0xcd: {  	s30 =	sld [smem:$0x0];
	_ =	sdelay $0x2  }
0xce: {  	s31 =	sshll.u32 s1, $0xD;
	s1 =	sshrl.u32 s1, $0x2  }
0xcf: {  	s4 =	sand.u32 $0x4000, s31;
	s1 =	sadd.s32 s1, s30  }
0xd0: {  	s0 =	sor.u32 s4, s0;
	s1 =	sshll.u32 s1, $0x11  }
0xd1: {  	s0 =	sor.u32 s1, s0  }
0xd2: {  	s0 =	sadd.s32 $0x8F2B, s0  }
0xd3: {  	[sflag:s0] =	ssyncadd.remote.s32 $0x1  }
0xd4: {  	_ =	sfence.sel $0xFFFF  }
0xd5: {  	[dreg:$0x0] =	wrdreg $0xFFFFFFFF;
	(pc) =	sbr.abs _section_cstart, $3  }
0xd6: {  	[dreg:$0x1] =	wrdreg $0xFFFFFFFF  }
0xd7: {  	_ =	task.clear_ibuf [dreg:s22], $0x2FFFF;
	_ =	strace $0x9FFFFFFF  }
0xd8: {  	(tm) =	ssettm $0x7FFFFFFF  }
0xd9: {  	_ =	shalt  }
tec
execute0_lowered:
.L_overlay_start_1:
0x0: {  	(tag) =	ssettag $0x1  }
0x1: {  	s0 =	rddreg [dreg:$0x0]  }
0x2: {  	s1 =	rddreg [dreg:$0x1]  }
0x3: {  	s2 =	rddreg [dreg:$0x2]  }
0x4: {  	s4 =	simm.s32 $0x0;
	s3 =	srdreg.scid;
	s11 =	stileid.u32  }
0x5: {  	s15 =	simm.s32 $0x4;
	s16 =	simm.s32 $0xA0;
	s17 =	simm.s32 $0x50A0  }
0x6: {  	s18 =	simm.s32 $0x2;
	s19 =	simm.s32 $0x3;
	s20 =	simm.s32 $0x50  }
0x7: {  	s21 =	simm.s32 $0x55C0;
	s23 =	simm.s32 $0x1;
	s24 =	simm.s32 $0x28A0  }
0x8: {  	s25 =	simm.s32 $0x5330;
	s26 =	simm.s32 $0x0;
	[smem:$0x7FF] =	sst s4  }
0x9: {  	s5 =	sadd.s32 $0xCC4A00, s0;
	s3 =	sand.u32 $0x1, s3;
	s7 =	sshll.u32 s11, $0x1  }
0xa: {  	s6 =	sadd.s32 $0x3C00, s0;
	s13 =	smul.u32 $0x15F90, s11;
	s30 =	sshll.u32 s11, $0x6  }
0xb: {  	_ =	strace $0x80000050;
	s8 =	smul.u32 $0x2BF20, s3;
	s9 =	sor.u32 s3, s7  }
0xc: {  	s7 =	sadd.s32 $0xEB9200, s0;
	s3 =	ssub.s32 $0x2, s3;
	s12 =	smul.u32 $0xFA0, s9  }
0xd: {  	s28 =	sshrl.u32 s3, $0x1;
	s10 =	smul.u32 $0xFA00, s9;
	s14 =	sadd.s32 s13, s2  }
.Ltmp0:
0xe: {  	s22 =	sshrl.u32 s13, $0x3;
	s0 =	sadd.s32 s8, s0;
	(pc) =	sbr.rel .LBB2_1-.Ltmp0, $4  }
0xf: {  	s3 =	ssub.s32 s3, s28;
	s8 =	sor.u32 $0x1C04, s30;
	s14 =	sshrl.u32 s14, $0x3  }
0x10: {  	s29 =	sshrl.u32 s12, $0x3;
	s10 =	sadd.s32 s5, s10;
	s11 =	sadd.s32 s1, s12  }
0x11: {  	s12 =	sadd.s32 $0x50, s12;
	s0 =	sadd.s32 $0xF13E00, s0;
	s31 =	sadd.s32 s6, s29  }
0x12: {  	v0 =	vimm.f32 $0.0e+00;
	s13 =	smax.u32 s3, $0x1;
	s22 =	sadd.s32 s22, s0;
	s9 =	sadd.s32 $0x5DC0, s31  }
.LBB2_10:
0x13: {  	_ =	swait.ge [sflag:s19], $0x2D00  }
0x14: {  	s26 =	sadd.s32 $0x1, s26;
	[sflag:s19] =	ssyncset.done $0x0  }
0x15: {  	p0 =	sne.s32 s26, s13;
	[sflag:s19] =	ssyncadd.s32 $0xFFFFD300  }
.Ltmp1:
0x16: {  	[bflag:$0x0] =	sbarrier.arrive $0xFFFF;
	(pc) =	sbr.rel @!p0 .LBB2_11-.Ltmp1, $4  }
0x17: {  	[hbm:s22], [sflag:s8] =	dma.local [spmem:s14], $0x2BF2  }
0x18: {  	_ =	swait.ge [sflag:s15], $0x2BF2  }
0x19: {  	[sflag:s15] =	ssyncset.done $0x0  }
0x1a: {  	[sflag:s15] =	ssyncadd.s32 $0xFFFFD40E  }
.LBB2_1:
0x1b: {  	[spmem:s14], [sflag:s8] =	dma.local [hbm:s7], $0x2BF2  }
0x1c: {  	_ =	swait.ge [sflag:s15], $0x2BF2  }
0x1d: {  	[sflag:s15] =	ssyncset.done $0x0  }
0x1e: {  	[sflag:s15] =	ssyncadd.s32 $0xFFFFD40E  }
0x1f: {  	[tilespmem:$0x5320] =	vst v0  }
0x20: {  	[tilespmem:$0x55B0] =	vst v0  }
0x21: {  	[bflag:$0x0] =	sbarrier.arrive $0xFFFF  }
0x22: {  	[tilespmem:s4], [sflag:$0x1] =	stream.linear.gather [hbm4b:s9+s4], $0x50, $0x38;
	[tilespmem:$0x1E250] =	vst v63  }
.Ltmp2:
0x23: {  	_ = 	snop;
	(pc) =	sbr.rel .LBB2_2-.Ltmp2, $4  }
0x24: {  	_ = 	snop  }
0x25: {  	[tilespmem:s16], [sflag:$0x1] =	stream.linear.gather [hbm4b:s10+s4], $0x2800, $0x38;
	[tilespmem:$0x1E250] =	vst v63  }
0x26: {  	s28 =	simm.s32 $0x0  }
0x27: {  	[tilespmem:s17], [sflag:$0x1] =	stream.linear.gather [hbm4b:s11+s4], $0x280, $0x38;
	[tilespmem:$0x1E250] =	vst v63  }
.LBB2_5:
0x28: {  	v1 =	vld [tilespmem:s3+$0x50A0]  }
0x29: {  	s0 =	sadd.s32 $0x80, s30  }
0x2a: {  	v2 =	vld [tilespmem:s0+$0xFFFFFFC0];
	_ =	sdelay $0x2  }
0x2b: {  	v3 =	vbroadcast v1, $0x0;
	_ =	sdelay $0x1  }
0x2c: {  	v2 =	vmul.f32 v3, v2  }
0x2d: {  	s31 =	sadd.s32 $0x90, s31  }
0x2e: {  	[tilespmem:s31+$0xFFFFFFC0] =	vst v2  }
0x2f: {  	v2 =	vld [tilespmem:s0+$0xFFFFFFD0];
	_ =	sdelay $0x2  }
0x30: {  	v3 =	vbroadcast v1, $0x1;
	_ =	sdelay $0x1  }
0x31: {  	v2 =	vmul.f32 v2, v3;
	_ =	sdelay $0x1  }
0x32: {  	[tilespmem:s31+$0xFFFFFFD0] =	vst v2  }
0x33: {  	v2 =	vld [tilespmem:s0+$0xFFFFFFE0];
	_ =	sdelay $0x2  }
0x34: {  	v3 =	vbroadcast v1, $0x2;
	_ =	sdelay $0x1  }
0x35: {  	v2 =	vmul.f32 v2, v3;
	_ =	sdelay $0x1  }
0x36: {  	[tilespmem:s31+$0xFFFFFFE0] =	vst v2  }
0x37: {  	v2 =	vld [tilespmem:s0+$0xFFFFFFF0];
	_ =	sdelay $0x2  }
0x38: {  	v3 =	vbroadcast v1, $0x3;
	_ =	sdelay $0x1  }
0x39: {  	v2 =	vmul.f32 v2, v3;
	_ =	sdelay $0x1  }
0x3a: {  	[tilespmem:s31+$0xFFFFFFF0] =	vst v2  }
0x3b: {  	v2 =	vld [tilespmem:s0+$0x0];
	_ =	sdelay $0x2  }
0x3c: {  	v3 =	vbroadcast v1, $0x4;
	_ =	sdelay $0x1  }
0x3d: {  	v2 =	vmul.f32 v2, v3;
	_ =	sdelay $0x1  }
0x3e: {  	[tilespmem:s31+$0x0] =	vst v2  }
0x3f: {  	v2 =	vld [tilespmem:s0+$0x10];
	_ =	sdelay $0x2  }
0x40: {  	v3 =	vbroadcast v1, $0x5;
	_ =	sdelay $0x1  }
0x41: {  	v2 =	vmul.f32 v2, v3;
	_ =	sdelay $0x1  }
0x42: {  	[tilespmem:s31+$0x10] =	vst v2  }
0x43: {  	v2 =	vld [tilespmem:s0+$0x20];
	_ =	sdelay $0x2  }
0x44: {  	v3 =	vbroadcast v1, $0x6;
	_ =	sdelay $0x1  }
0x45: {  	v2 =	vmul.f32 v2, v3;
	_ =	sdelay $0x1  }
0x46: {  	[tilespmem:s31+$0x20] =	vst v2  }
0x47: {  	v2 =	vld [tilespmem:s0+$0x30];
	_ =	sdelay $0x2  }
0x48: {  	v3 =	vbroadcast v1, $0x7;
	_ =	sdelay $0x1  }
0x49: {  	v2 =	vmul.f32 v2, v3  }
0x4a: {  	[tilespmem:s31+$0x40] =	vst v1  }
0x4b: {  	[tilespmem:s31+$0x30] =	vst v2  }
.LBB2_9:
0x4c: {  	s28 =	sadd.s32 $0x1, s28  }
0x4d: {  	p0 =	sne.s32 s28, $0x32  }
.Ltmp3:
0x4e: {  	_ = 	snop;
	(pc) =	sbr.rel @!p0 .LBB2_10-.Ltmp3, $2  }
0x4f: {  	_ =	sdelay $0x2  }
0x50: {  	[spmem:s2] =	stream.indirect.scatter.add.f32 [tilespmem:s21], [sflag:$0x3], $0x90, s29, s20, $0xb8;
	[tilespmem:$0x1E250] =	vst v63  }
.LBB2_2:
0x51: {  	s0 =	sand.u32 $0x1, s28  }
0x52: {  	p0 =	seq.s32 s0, $0x1  }
.Ltmp4:
0x53: {  	_ = 	snop;
	(pc) =	sbr.rel @!p0 .LBB2_3-.Ltmp4, $1  }
0x54: {  	_ =	sdelay $0x3  }
0x55: {  	_ =	swait.ge [sflag:s18], $0x50  }
0x56: {  	[sflag:s18] =	ssyncset.done $0x0  }
0x57: {  	[sflag:s18] =	ssyncadd.s32 $0xFFFFFFB0  }
0x58: {  	_ =	swait.ge [sflag:s18], $0x2800  }
0x59: {  	[sflag:s18] =	ssyncset.done $0x0  }
0x5a: {  	p0 =	seq.s32 s28, $0x31;
	[sflag:s18] =	ssyncadd.s32 $0xFFFFD800  }
0x5b: {  	s0 =	smul.u32 @!p0 $0x50, s28;
	_ =	swait.ge [sflag:s18], $0x280  }
0x5c: {  	[sflag:s18] =	ssyncset.done $0x0  }
0x5d: {  	s0 =	sadd.s32 @!p0 s0, s12;
	[sflag:s18] =	ssyncadd.s32 $0xFFFFFD80  }
0x5e: {  	s3 =	sshrl.u32 @!p0 s0, $0x3;
	_ =	swait.ge [sflag:s19], $0x2D00  }
0x5f: {  	s3 =	sadd.s32 @!p0 s6, s3;
	[sflag:s19] =	ssyncset.done $0x0  }
0x60: {  	s29 =	simm.s32 @!p0 $0x0;
	s3 =	sadd.s32 @!p0 $0x5DC0, s3;
	[sflag:s19] =	ssyncadd.s32 $0xFFFFD300  }
0x61: {  	[tilespmem:s29], [sflag:$0x1] =	stream.linear.gather @!p0 [hbm4b:s3+s29], $0x50, $0x38;
	[tilespmem:$0x1E250] =	vst v63  }
0x62: {  	s3 =	sshll.u32 @!p0 s0, $0x4  }
0x63: {  	s3 =	sand.u32 @!p0 $0x1FFFFE00, s3  }
0x64: {  	s30 =	simm.s32 @!p0 $0xA0;
	s3 =	sadd.s32 @!p0 s5, s3  }
0x65: {  	[tilespmem:s30], [sflag:$0x1] =	stream.linear.gather @!p0 [hbm4b:s3+s29], $0x2800, $0x38;
	[tilespmem:$0x1E250] =	vst v63  }
0x66: {  	s31 =	simm.s32 $0x0;
	s0 =	sadd.s32 @!p0 s1, s0;
	s3 =	simm.s32 @!p0 $0x50A0  }
0x67: {  	[tilespmem:s3], [sflag:$0x1] =	stream.linear.gather @!p0 [hbm4b:s0+s29], $0x280, $0x38;
	[tilespmem:$0x1E250] =	vst v63  }
0x68: {  	v1 =	vld [tilespmem:s31+$0x5330]  }
0x69: {  	s29 =	simm.s32 $0x2910  }
0x6a: {  	v2 =	vld [tilespmem:s29+$0xFFFFFF90];
	_ =	sdelay $0x2  }
0x6b: {  	v3 =	vbroadcast v1, $0x0;
	_ =	sdelay $0x1  }
0x6c: {  	v2 =	vmul.f32 v3, v2  }
0x6d: {  	s30 =	simm.s32 $0x5600  }
0x6e: {  	[tilespmem:s30+$0xFFFFFFC0] =	vst v2  }
0x6f: {  	v2 =	vld [tilespmem:s29+$0xFFFFFFA0];
	_ =	sdelay $0x2  }
0x70: {  	v3 =	vbroadcast v1, $0x1;
	_ =	sdelay $0x1  }
0x71: {  	v2 =	vmul.f32 v2, v3;
	_ =	sdelay $0x1  }
0x72: {  	[tilespmem:s30+$0xFFFFFFD0] =	vst v2  }
0x73: {  	v2 =	vld [tilespmem:s29+$0xFFFFFFB0];
	_ =	sdelay $0x2  }
0x74: {  	v3 =	vbroadcast v1, $0x2;
	_ =	sdelay $0x1  }
0x75: {  	v2 =	vmul.f32 v2, v3;
	_ =	sdelay $0x1  }
0x76: {  	[tilespmem:s30+$0xFFFFFFE0] =	vst v2  }
0x77: {  	v2 =	vld [tilespmem:s29+$0xFFFFFFC0];
	_ =	sdelay $0x2  }
0x78: {  	v3 =	vbroadcast v1, $0x3;
	_ =	sdelay $0x1  }
0x79: {  	v2 =	vmul.f32 v2, v3;
	_ =	sdelay $0x1  }
0x7a: {  	[tilespmem:s30+$0xFFFFFFF0] =	vst v2  }
0x7b: {  	v2 =	vld [tilespmem:s29+$0xFFFFFFD0];
	_ =	sdelay $0x2  }
0x7c: {  	v3 =	vbroadcast v1, $0x4;
	_ =	sdelay $0x1  }
0x7d: {  	v2 =	vmul.f32 v2, v3;
	_ =	sdelay $0x1  }
0x7e: {  	[tilespmem:s30+$0x0] =	vst v2  }
0x7f: {  	v2 =	vld [tilespmem:s29+$0xFFFFFFE0];
	_ =	sdelay $0x2  }
0x80: {  	v3 =	vbroadcast v1, $0x5;
	_ =	sdelay $0x1  }
0x81: {  	v2 =	vmul.f32 v2, v3;
	_ =	sdelay $0x1  }
0x82: {  	[tilespmem:s30+$0x10] =	vst v2  }
0x83: {  	v2 =	vld [tilespmem:s29+$0xFFFFFFF0];
	_ =	sdelay $0x2  }
0x84: {  	v3 =	vbroadcast v1, $0x6;
	_ =	sdelay $0x1  }
0x85: {  	v2 =	vmul.f32 v2, v3;
	_ =	sdelay $0x1  }
0x86: {  	[tilespmem:s30+$0x20] =	vst v2  }
0x87: {  	v2 =	vld [tilespmem:s29+$0x0];
	_ =	sdelay $0x2  }
0x88: {  	v3 =	vbroadcast v1, $0x7;
	_ =	sdelay $0x1  }
0x89: {  	v2 =	vmul.f32 v2, v3  }
0x8a: {  	[tilespmem:s30+$0x40] =	vst v1  }
0x8b: {  	s3 =	simm.s32 $0x8;
	s0 =	simm.s32 $0x40;
	[tilespmem:s30+$0x30] =	vst v2  }
.LBB2_7:
0x8c: {  	p0 =	sne.s32 s0, $0x9E0;
	v1 =	vld [tilespmem:s3+$0x5330]  }
0x8d: {  	s29 =	sadd.s32 $0x80, s29  }
0x8e: {  	v2 =	vld [tilespmem:s29+$0xFFFFFF90];
	_ =	sdelay $0x2  }
0x8f: {  	v3 =	vbroadcast v1, $0x0;
	_ =	sdelay $0x1  }
0x90: {  	v2 =	vmul.f32 v3, v2  }
0x91: {  	s30 =	sadd.s32 $0x90, s30  }
0x92: {  	[tilespmem:s30+$0xFFFFFFC0] =	vst v2  }
0x93: {  	v2 =	vld [tilespmem:s29+$0xFFFFFFA0];
	_ =	sdelay $0x2  }
0x94: {  	v3 =	vbroadcast v1, $0x1;
	_ =	sdelay $0x1  }
0x95: {  	v2 =	vmul.f32 v2, v3;
	_ =	sdelay $0x1  }
0x96: {  	[tilespmem:s30+$0xFFFFFFD0] =	vst v2  }
0x97: {  	v2 =	vld [tilespmem:s29+$0xFFFFFFB0];
	_ =	sdelay $0x2  }
0x98: {  	v3 =	vbroadcast v1, $0x2;
	_ =	sdelay $0x1  }
0x99: {  	v2 =	vmul.f32 v2, v3;
	_ =	sdelay $0x1  }
0x9a: {  	[tilespmem:s30+$0xFFFFFFE0] =	vst v2  }
0x9b: {  	v2 =	vld [tilespmem:s29+$0xFFFFFFC0];
	_ =	sdelay $0x2  }
0x9c: {  	v3 =	vbroadcast v1, $0x3;
	_ =	sdelay $0x1  }
0x9d: {  	v2 =	vmul.f32 v2, v3;
	_ =	sdelay $0x1  }
0x9e: {  	[tilespmem:s30+$0xFFFFFFF0] =	vst v2  }
0x9f: {  	v2 =	vld [tilespmem:s29+$0xFFFFFFD0];
	_ =	sdelay $0x2  }
0xa0: {  	v3 =	vbroadcast v1, $0x4;
	_ =	sdelay $0x1  }
0xa1: {  	v2 =	vmul.f32 v2, v3;
	_ =	sdelay $0x1  }
0xa2: {  	[tilespmem:s30+$0x0] =	vst v2  }
0xa3: {  	v2 =	vld [tilespmem:s29+$0xFFFFFFE0];
	_ =	sdelay $0x2  }
0xa4: {  	v3 =	vbroadcast v1, $0x5;
	_ =	sdelay $0x1  }
0xa5: {  	v2 =	vmul.f32 v2, v3;
	_ =	sdelay $0x1  }
0xa6: {  	[tilespmem:s30+$0x10] =	vst v2  }
0xa7: {  	v2 =	vld [tilespmem:s29+$0xFFFFFFF0];
	_ =	sdelay $0x2  }
0xa8: {  	v3 =	vbroadcast v1, $0x6;
	_ =	sdelay $0x1  }
0xa9: {  	v2 =	vmul.f32 v2, v3;
	_ =	sdelay $0x1  }
0xaa: {  	[tilespmem:s30+$0x20] =	vst v2  }
0xab: {  	v2 =	vld [tilespmem:s29+$0x0];
	[tilespmem:s30+$0x40] =	vst v1;
	_ =	sdelay $0x2  }
.Ltmp5:
0xac: {  	v1 =	vbroadcast v1, $0x7;
	(pc) =	sbr.rel @p0 .LBB2_7-.Ltmp5, $3  }
0xad: {  	_ = 	snop  }
0xae: {  	v1 =	vmul.f32 v2, v1;
	_ =	sdelay $0x1  }
0xaf: {  	s3 =	sshra.s32 s0, $0x2;
	s0 =	sadd.s32 $0x20, s0;
	[tilespmem:s30+$0x30] =	vst v1  }
0xb0: {  	v1 =	vld [tilespmem:s3+$0x5330]  }
0xb1: {  	s0 =	sadd.s32 $0x80, s29  }
0xb2: {  	v2 =	vld [tilespmem:s0+$0xFFFFFF90];
	_ =	sdelay $0x2  }
0xb3: {  	v3 =	vbroadcast v1, $0x0;
	_ =	sdelay $0x1  }
0xb4: {  	v2 =	vmul.f32 v3, v2  }
0xb5: {  	s31 =	sadd.s32 $0x90, s30  }
0xb6: {  	[tilespmem:s31+$0xFFFFFFC0] =	vst v2  }
0xb7: {  	v2 =	vld [tilespmem:s0+$0xFFFFFFA0];
	_ =	sdelay $0x2  }
0xb8: {  	v3 =	vbroadcast v1, $0x1;
	_ =	sdelay $0x1  }
0xb9: {  	v2 =	vmul.f32 v2, v3;
	_ =	sdelay $0x1  }
0xba: {  	[tilespmem:s31+$0xFFFFFFD0] =	vst v2  }
0xbb: {  	v2 =	vld [tilespmem:s0+$0xFFFFFFB0];
	_ =	sdelay $0x2  }
0xbc: {  	v3 =	vbroadcast v1, $0x2;
	_ =	sdelay $0x1  }
0xbd: {  	v2 =	vmul.f32 v2, v3;
	_ =	sdelay $0x1  }
0xbe: {  	[tilespmem:s31+$0xFFFFFFE0] =	vst v2  }
0xbf: {  	v2 =	vld [tilespmem:s0+$0xFFFFFFC0];
	_ =	sdelay $0x2  }
0xc0: {  	v3 =	vbroadcast v1, $0x3;
	_ =	sdelay $0x1  }
0xc1: {  	v2 =	vmul.f32 v2, v3;
	_ =	sdelay $0x1  }
0xc2: {  	[tilespmem:s31+$0xFFFFFFF0] =	vst v2  }
0xc3: {  	v2 =	vld [tilespmem:s0+$0xFFFFFFD0];
	_ =	sdelay $0x2  }
0xc4: {  	v3 =	vbroadcast v1, $0x4;
	_ =	sdelay $0x1  }
0xc5: {  	v2 =	vmul.f32 v2, v3;
	_ =	sdelay $0x1  }
0xc6: {  	[tilespmem:s31+$0x0] =	vst v2  }
0xc7: {  	v2 =	vld [tilespmem:s0+$0xFFFFFFE0];
	_ =	sdelay $0x2  }
0xc8: {  	v3 =	vbroadcast v1, $0x5;
	_ =	sdelay $0x1  }
0xc9: {  	v2 =	vmul.f32 v2, v3;
	_ =	sdelay $0x1  }
0xca: {  	[tilespmem:s31+$0x10] =	vst v2  }
0xcb: {  	v2 =	vld [tilespmem:s0+$0xFFFFFFF0];
	_ =	sdelay $0x2  }
0xcc: {  	v3 =	vbroadcast v1, $0x6;
	_ =	sdelay $0x1  }
0xcd: {  	v2 =	vmul.f32 v2, v3;
	_ =	sdelay $0x1  }
0xce: {  	[tilespmem:s31+$0x20] =	vst v2  }
0xcf: {  	v2 =	vld [tilespmem:s0+$0x0];
	_ =	sdelay $0x2  }
.Ltmp6:
0xd0: {  	v3 =	vbroadcast v1, $0x7;
	(pc) =	sbr.rel .LBB2_9-.Ltmp6, $4  }
0xd1: {  	_ = 	snop  }
0xd2: {  	v2 =	vmul.f32 v2, v3  }
0xd3: {  	[tilespmem:s31+$0x40] =	vst v1  }
0xd4: {  	s29 =	simm.s32 $0x50;
	[tilespmem:s31+$0x30] =	vst v2  }
.LBB2_3:
0xd5: {  	_ =	swait.ge [sflag:s23], $0x50  }
0xd6: {  	[sflag:s23] =	ssyncset.done $0x0  }
0xd7: {  	[sflag:s23] =	ssyncadd.s32 $0xFFFFFFB0  }
0xd8: {  	_ =	swait.ge [sflag:s23], $0x2800  }
0xd9: {  	[sflag:s23] =	ssyncset.done $0x0  }
0xda: {  	[sflag:s23] =	ssyncadd.s32 $0xFFFFD800  }
0xdb: {  	s0 =	smul.u32 $0x50, s28;
	_ =	swait.ge [sflag:s23], $0x280  }
0xdc: {  	p0 =	seq.s32 s28, $0x0;
	[sflag:s23] =	ssyncset.done $0x0  }
0xdd: {  	s3 =	simm.s32 @!p0 $0x3;
	s0 =	sadd.s32 s0, s12;
	[sflag:s23] =	ssyncadd.s32 $0xFFFFFD80  }
0xde: {  	s29 =	sshrl.u32 s0, $0x3;
	_ =	swait.ge @!p0 [sflag:s3], $0x2D00  }
0xdf: {  	s29 =	sadd.s32 s6, s29;
	[sflag:s3] =	ssyncset.done @!p0 $0x0  }
0xe0: {  	[sflag:s3] =	ssyncadd.s32 @!p0 $0xFFFFD300;
	s3 =	sadd.s32 $0x5DC0, s29;
	s29 =	simm.s32 $0x0  }
0xe1: {  	[tilespmem:s20], [sflag:$0x2] =	stream.linear.gather [hbm4b:s3+s29], $0x50, $0x38;
	[tilespmem:$0x1E250] =	vst v63  }
0xe2: {  	s3 =	sshll.u32 s0, $0x4  }
0xe3: {  	s3 =	sand.u32 $0x1FFFFF00, s3  }
0xe4: {  	s3 =	sadd.s32 s5, s3  }
0xe5: {  	[tilespmem:s24], [sflag:$0x2] =	stream.linear.gather [hbm4b:s3+s29], $0x2800, $0x38;
	[tilespmem:$0x1E250] =	vst v63  }
0xe6: {  	s0 =	sadd.s32 s1, s0;
	s3 =	simm.s32 $0x0  }
0xe7: {  	[tilespmem:s25], [sflag:$0x2] =	stream.linear.gather [hbm4b:s0+s29], $0x280, $0x38;
	[tilespmem:$0x1E250] =	vst v63  }
0xe8: {  	v1 =	vld [tilespmem:s3+$0x50A0]  }
0xe9: {  	s30 =	simm.s32 $0xE0  }
0xea: {  	v2 =	vld [tilespmem:s30+$0xFFFFFFC0];
	_ =	sdelay $0x2  }
0xeb: {  	v3 =	vbroadcast v1, $0x0;
	_ =	sdelay $0x1  }
0xec: {  	v2 =	vmul.f32 v3, v2  }
0xed: {  	s31 =	simm.s32 $0x5600  }
0xee: {  	[tilespmem:s31+$0xFFFFFFC0] =	vst v2  }
0xef: {  	v2 =	vld [tilespmem:s30+$0xFFFFFFD0];
	_ =	sdelay $0x2  }
0xf0: {  	v3 =	vbroadcast v1, $0x1;
	_ =	sdelay $0x1  }
0xf1: {  	v2 =	vmul.f32 v2, v3;
	_ =	sdelay $0x1  }
0xf2: {  	[tilespmem:s31+$0xFFFFFFD0] =	vst v2  }
0xf3: {  	v2 =	vld [tilespmem:s30+$0xFFFFFFE0];
	_ =	sdelay $0x2  }
0xf4: {  	v3 =	vbroadcast v1, $0x2;
	_ =	sdelay $0x1  }
0xf5: {  	v2 =	vmul.f32 v2, v3;
	_ =	sdelay $0x1  }
0xf6: {  	[tilespmem:s31+$0xFFFFFFE0] =	vst v2  }
0xf7: {  	v2 =	vld [tilespmem:s30+$0xFFFFFFF0];
	_ =	sdelay $0x2  }
0xf8: {  	v3 =	vbroadcast v1, $0x3;
	_ =	sdelay $0x1  }
0xf9: {  	v2 =	vmul.f32 v2, v3;
	_ =	sdelay $0x1  }
0xfa: {  	[tilespmem:s31+$0xFFFFFFF0] =	vst v2  }
0xfb: {  	v2 =	vld [tilespmem:s30+$0x0];
	_ =	sdelay $0x2  }
0xfc: {  	v3 =	vbroadcast v1, $0x4;
	_ =	sdelay $0x1  }
0xfd: {  	v2 =	vmul.f32 v2, v3;
	_ =	sdelay $0x1  }
0xfe: {  	[tilespmem:s31+$0x0] =	vst v2  }
0xff: {  	v2 =	vld [tilespmem:s30+$0x10];
	_ =	sdelay $0x2  }
0x100: {  	v3 =	vbroadcast v1, $0x5;
	_ =	sdelay $0x1  }
0x101: {  	v2 =	vmul.f32 v2, v3;
	_ =	sdelay $0x1  }
0x102: {  	[tilespmem:s31+$0x10] =	vst v2  }
0x103: {  	v2 =	vld [tilespmem:s30+$0x20];
	_ =	sdelay $0x2  }
0x104: {  	v3 =	vbroadcast v1, $0x6;
	_ =	sdelay $0x1  }
0x105: {  	v2 =	vmul.f32 v2, v3;
	_ =	sdelay $0x1  }
0x106: {  	[tilespmem:s31+$0x20] =	vst v2  }
0x107: {  	v2 =	vld [tilespmem:s30+$0x30];
	_ =	sdelay $0x2  }
0x108: {  	v3 =	vbroadcast v1, $0x7;
	_ =	sdelay $0x1  }
0x109: {  	v2 =	vmul.f32 v2, v3  }
0x10a: {  	[tilespmem:s31+$0x40] =	vst v1  }
0x10b: {  	s0 =	simm.s32 $0x40;
	s3 =	simm.s32 $0x8;
	[tilespmem:s31+$0x30] =	vst v2  }
.LBB2_4:
0x10c: {  	p0 =	seq.s32 s0, $0x9E0;
	v1 =	vld [tilespmem:s3+$0x50A0]  }
0x10d: {  	s30 =	sadd.s32 $0x80, s30  }
0x10e: {  	v2 =	vld [tilespmem:s30+$0xFFFFFFC0];
	_ =	sdelay $0x2  }
0x10f: {  	v3 =	vbroadcast v1, $0x0;
	_ =	sdelay $0x1  }
0x110: {  	v2 =	vmul.f32 v3, v2  }
0x111: {  	s31 =	sadd.s32 $0x90, s31  }
0x112: {  	[tilespmem:s31+$0xFFFFFFC0] =	vst v2  }
0x113: {  	v2 =	vld [tilespmem:s30+$0xFFFFFFD0];
	_ =	sdelay $0x2  }
0x114: {  	v3 =	vbroadcast v1, $0x1;
	_ =	sdelay $0x1  }
0x115: {  	v2 =	vmul.f32 v2, v3;
	_ =	sdelay $0x1  }
0x116: {  	[tilespmem:s31+$0xFFFFFFD0] =	vst v2  }
0x117: {  	v2 =	vld [tilespmem:s30+$0xFFFFFFE0];
	_ =	sdelay $0x2  }
0x118: {  	v3 =	vbroadcast v1, $0x2;
	_ =	sdelay $0x1  }
0x119: {  	v2 =	vmul.f32 v2, v3;
	_ =	sdelay $0x1  }
0x11a: {  	[tilespmem:s31+$0xFFFFFFE0] =	vst v2  }
0x11b: {  	v2 =	vld [tilespmem:s30+$0xFFFFFFF0];
	_ =	sdelay $0x2  }
0x11c: {  	v3 =	vbroadcast v1, $0x3;
	_ =	sdelay $0x1  }
0x11d: {  	v2 =	vmul.f32 v2, v3;
	_ =	sdelay $0x1  }
0x11e: {  	[tilespmem:s31+$0xFFFFFFF0] =	vst v2  }
0x11f: {  	v2 =	vld [tilespmem:s30+$0x0];
	_ =	sdelay $0x2  }
0x120: {  	v3 =	vbroadcast v1, $0x4;
	_ =	sdelay $0x1  }
0x121: {  	v2 =	vmul.f32 v2, v3;
	_ =	sdelay $0x1  }
0x122: {  	[tilespmem:s31+$0x0] =	vst v2  }
0x123: {  	v2 =	vld [tilespmem:s30+$0x10];
	_ =	sdelay $0x2  }
0x124: {  	v3 =	vbroadcast v1, $0x5;
	_ =	sdelay $0x1  }
0x125: {  	v2 =	vmul.f32 v2, v3;
	_ =	sdelay $0x1  }
0x126: {  	[tilespmem:s31+$0x10] =	vst v2  }
0x127: {  	v2 =	vld [tilespmem:s30+$0x20];
	_ =	sdelay $0x2  }
0x128: {  	v3 =	vbroadcast v1, $0x6;
	_ =	sdelay $0x1  }
0x129: {  	v2 =	vmul.f32 v2, v3;
	_ =	sdelay $0x1  }
0x12a: {  	[tilespmem:s31+$0x20] =	vst v2  }
0x12b: {  	v2 =	vld [tilespmem:s30+$0x30];
	[tilespmem:s31+$0x40] =	vst v1;
	_ =	sdelay $0x2  }
.Ltmp7:
0x12c: {  	v1 =	vbroadcast v1, $0x7;
	(pc) =	sbr.rel @!p0 .LBB2_4-.Ltmp7, $3  }
0x12d: {  	_ = 	snop  }
0x12e: {  	v1 =	vmul.f32 v2, v1;
	_ =	sdelay $0x1  }
0x12f: {  	s3 =	sshra.s32 s0, $0x2;
	s0 =	sadd.s32 $0x20, s0;
	[tilespmem:s31+$0x30] =	vst v1  }
.Ltmp8:
0x130: {  	_ = 	snop;
	(pc) =	sbr.rel .LBB2_5-.Ltmp8, $1  }
0x131: {  	_ =	sdelay $0x3  }
.LBB2_11:
0x132: {  	_ =	sfence.sel $0x180000  }
0x133: {  	[bflag:$0x0] =	sbarrier.arrive $0xFFFF  }
0x134: {  	_ =	strace $0x90000050  }
0x135: {  	s0 =	stileid.u32;
	[bflag:$0x2] =	sbarrier.arrive $0xFFFF  }
0x136: {  	p0 =	sne.s32 s0, $0x0;
	s0 =	rddreg [dreg:$0x3]  }
0x137: {  	s0 =	sadd.s32 @!p0 $0x100000, s0  }
0x138: {  	[sflag:s0] =	ssyncadd.tile.s32 @!p0 $0x1;
	_ =	shalt  }
.Lfunc_end2:
_tile_overlayer_lowered:
.L_overlay_start_2:
0x139: {  	(tag) =	ssettag $0x2  }
0x13a: {  	s0 =	rddreg [dreg:$0x0];
	s2 =	stileid.u32  }
0x13b: {  	s1 =	rddreg [dreg:$0x1];
	p0 =	sne.s32 s2, $0x0  }
0x13c: {  	s3 =	rddreg [dreg:$0x2];
	[bflag:$0x3] =	sbarrier.arrive $0xFFFF;
	s2 =	simm.s32 @!p0 $0x1C04  }
0x13d: {  	[timem:s3], [sflag:s2] =	dma.local @!p0 [hbm:s0], s1  }
0x13e: {  	s0 =	simm.s32 @!p0 $0x4  }
0x13f: {  	_ =	swait.ge @!p0 [sflag:s0], s1  }
0x140: {  	s1 =	ssub.s32 @!p0 $0x0, s1;
	[sflag:s0] =	ssyncset.done @!p0 $0x0  }
0x141: {  	[sflag:s0] =	ssyncadd.s32 @!p0 s1  }
0x142: {  	[bflag:$0x3] =	sbarrier.arrive $0xFFFF  }
0x143: {  	_ =	shalt  }

// kernel: kernel.23.cloned.1.call-start
scs
__scs_entry_jumppad:
0x0: {  	(pc) =	sbr.rel $0x88, $3  }
0x1: {  	(tag) =	ssettag $0x0;
	lr =	simm.s32 $0x1  }
0x2: {  	[smem:$0x3F9A] =	sst lr;
	_ =	strace $0xD0000000  }
0x3: {  	_ = 	snop  }
0x4: {  	_ = 	snop  }
0x5: {  	_ = 	snop  }
0x6: {  	_ = 	snop  }
0x7: {  	_ = 	snop  }
__scs_overlays_trampoline_lowered:
0x8: {  	[smem:$0x3FA9] =	sst s0  }
0x9: {  	[smem:$0x3FAA] =	sst s1  }
0xa: {  	[smem:$0x3FAB] =	sst s2  }
0xb: {  	[smem:$0x3FAC] =	sst s3  }
0xc: {  	[smem:$0x3FAD] =	sst s4  }
0xd: {  	[smem:$0x3FAE] =	sst s5  }
0xe: {  	[smem:$0x3FAF] =	sst s6  }
0xf: {  	[smem:$0x3FB0] =	sst s7  }
0x10: {  	[smem:$0x3FB1] =	sst s8  }
0x11: {  	[smem:$0x3FB2] =	sst s9;
	s0 =	simm.s32 @!p0 $0x0  }
0x12: {  	s1 =	sld [smem:$0x3F98];
	s0 =	simm.s32 @p0 $0x1  }
0x13: {  	[smem:$0x3FB3] =	sst s0;
	s0 =	simm.s32 @!p1 $0x0  }
0x14: {  	s2 =	sld [smem:$0x3F97];
	s0 =	simm.s32 @p1 $0x1  }
0x15: {  	[smem:$0x3FB4] =	sst s0;
	s0 =	simm.s32 @!p2 $0x0  }
0x16: {  	s3 =	sld [smem:$0x3FDB];
	s0 =	simm.s32 @p2 $0x1  }
0x17: {  	s4 =	simm.s32 $0x1BF5;
	[smem:$0x3FB6] =	sst s0  }
0x18: {  	s0 =	sld [smem:$0x3F99];
	_ =	swait.ge [sflag:s4], $0x0  }
0x19: {  	s7 =	sld [smem:$0x3F9A]  }
0x1a: {  	s8 =	sadd.s32 $0xFFFFE003, lr  }
0x1b: {  	s9 =	sadd.s32 $0xFFFFFEF7, lr;
	s5 =	simm.s32 $0xFFFFFFFF;
	p2 =	slt.u32 s8, $0xFFFFF086  }
0x1c: {  	p1 =	slt.u32 s9, $0xF7A;
	s5 =	simm.s32 @!p2 $0x0  }
0x1d: {  	s5 =	simm.s32 @p1 $0x1;
	p0 =	seq.s32 s7, s2  }
0x1e: {  	s7 =	smul.u32 @!p0 $0xF7A, s2;
	p2 =	seq.s32 @!p0 s5, $0x0  }
0x1f: {  	s9 =	smul.u32 $0xF7A, s1;
	s8 =	simm.s32 @!p0 $0x1BF5;
	p2 =	por !p2, p0  }
0x20: {  	[sflag:s8] =	ssyncset.s32 @!p0 $0xFFFFF086;
	s6 =	sadd.s32 @!p0 s3, s7;
	s7 =	simm.s32 @!p0 $0x108  }
0x21: {  	s3 =	sadd.s32 s3, s9;
	s6 =	sadd.s32 @!p0 $0x88, s6;
	s7 =	simm.s32 @p2 $0x1082  }
0x22: {  	[simem:s7], [sflag:s8] =	dma.local @!p0 [hbm:s6], $0xF7A  }
0x23: {  	s9 =	sor.u32 $0xD0000000, s2;
	s6 =	simm.s32 $0x108;
	_ =	swait.ge @!p0 [sflag:s8], $0x0  }
0x24: {  	s3 =	sadd.s32 $0x88, s3;
	s6 =	simm.s32 @!p1 $0x1082;
	[sflag:s4] =	ssyncset.s32 $0xFFFFF086  }
0x25: {  	[simem:s6], [sflag:s4] =	dma.local [hbm:s3], $0xF7A  }
0x26: {  	[smem:$0x3F9A] =	sst s1;
	(tag) =	ssettag s2;
	_ =	strace s9  }
0x27: {  	s1 =	sld [smem:$0x3FAA]  }
0x28: {  	s2 =	sld [smem:$0x3FAB]  }
0x29: {  	s4 =	sld [smem:$0x3FAD]  }
0x2a: {  	p0 =	seq.s32 s5, $0x0;
	s5 =	sld [smem:$0x3FAE]  }
0x2b: {  	s6 =	sld [smem:$0x3FAF]  }
0x2c: {  	s7 =	sld [smem:$0x3FB0]  }
0x2d: {  	s3 =	simm.s32 $0x108;
	s8 =	sld [smem:$0x3FB1]  }
0x2e: {  	s3 =	simm.s32 @!p0 $0x1082;
	s9 =	sld [smem:$0x3FB2]  }
0x2f: {  	lr =	sadd.s32 s0, s3;
	s0 =	sld [smem:$0x3FA9]  }
0x30: {  	s3 =	sld [smem:$0x3FAC]  }
0x31: {  	[smem:$0x3FB5] =	sst s10  }
0x32: {  	s10 =	sld [smem:$0x3FB3];
	_ =	sdelay $0x3  }
0x33: {  	p0 =	seq.s32 s10, $0x1;
	s10 =	sld [smem:$0x3FB5];
	_ =	sdelay $0x3  }
0x34: {  	[smem:$0x3FB5] =	sst s10  }
0x35: {  	s10 =	sld [smem:$0x3FB4];
	_ =	sdelay $0x3  }
0x36: {  	p1 =	seq.s32 s10, $0x1;
	s10 =	sld [smem:$0x3FB5];
	_ =	sdelay $0x3  }
0x37: {  	[smem:$0x3FB5] =	sst s10  }
0x38: {  	s10 =	sld [smem:$0x3FB6]  }
0x39: {  	_ = 	snop;
	(pc) =	sbr.ind lr, $3  }
0x3a: {  	_ = 	snop  }
0x3b: {  	_ = 	snop  }
0x3c: {  	p2 =	seq.s32 s10, $0x1;
	s10 =	sld [smem:$0x3FB5]  }
0x3d: {  	_ =	shalt  }
0x3e: {  	_ =	shalt  }
0x3f: {  	_ =	shalt  }
0x40: {  	_ =	shalt  }
0x41: {  	_ =	shalt  }
0x42: {  	_ =	shalt  }
0x43: {  	_ =	shalt  }
0x44: {  	_ =	shalt  }
0x45: {  	_ =	shalt  }
0x46: {  	_ =	shalt  }
0x47: {  	_ =	shalt  }
0x48: {  	_ =	shalt  }
0x49: {  	_ =	shalt  }
0x4a: {  	_ =	shalt  }
0x4b: {  	_ =	shalt  }
0x4c: {  	_ =	shalt  }
0x4d: {  	_ =	shalt  }
0x4e: {  	_ =	shalt  }
0x4f: {  	_ =	shalt  }
0x50: {  	_ =	shalt  }
0x51: {  	_ =	shalt  }
0x52: {  	_ =	shalt  }
0x53: {  	_ =	shalt  }
0x54: {  	_ =	shalt  }
0x55: {  	_ =	shalt  }
0x56: {  	_ =	shalt  }
0x57: {  	_ =	shalt  }
0x58: {  	_ =	shalt  }
0x59: {  	_ =	shalt  }
0x5a: {  	_ =	shalt  }
0x5b: {  	_ =	shalt  }
0x5c: {  	_ =	shalt  }
0x5d: {  	_ =	shalt  }
0x5e: {  	_ =	shalt  }
0x5f: {  	_ =	shalt  }
0x60: {  	_ =	shalt  }
0x61: {  	_ =	shalt  }
0x62: {  	_ =	shalt  }
0x63: {  	_ =	shalt  }
0x64: {  	_ =	shalt  }
0x65: {  	_ =	shalt  }
0x66: {  	_ =	shalt  }
0x67: {  	_ =	shalt  }
0x68: {  	_ =	shalt  }
0x69: {  	_ =	shalt  }
0x6a: {  	_ =	shalt  }
0x6b: {  	_ =	shalt  }
0x6c: {  	_ =	shalt  }
0x6d: {  	_ =	shalt  }
0x6e: {  	_ =	shalt  }
0x6f: {  	_ =	shalt  }
0x70: {  	_ =	shalt  }
0x71: {  	_ =	shalt  }
0x72: {  	_ =	shalt  }
0x73: {  	_ =	shalt  }
0x74: {  	_ =	shalt  }
0x75: {  	_ =	shalt  }
0x76: {  	_ =	shalt  }
0x77: {  	_ =	shalt  }
0x78: {  	_ =	shalt  }
0x79: {  	_ =	shalt  }
0x7a: {  	_ =	shalt  }
0x7b: {  	_ =	shalt  }
0x7c: {  	_ =	shalt  }
0x7d: {  	_ =	shalt  }
0x7e: {  	_ =	shalt  }
0x7f: {  	_ =	shalt  }
0x80: {  	_ =	shalt  }
0x81: {  	_ =	shalt  }
0x82: {  	_ =	shalt  }
0x83: {  	_ =	shalt  }
0x84: {  	_ =	shalt  }
0x85: {  	_ =	shalt  }
0x86: {  	_ =	shalt  }
0x87: {  	_ =	shalt  }
.Lfunc_end0:
.L_simem_size_0:
called_computation.4_lowered:
.L_overlay_start_0:
0x88: {  	s2 =	sld [smem:$0x3FD9]  }
0x89: {  	s3 =	sld [smem:$0x3FFE];
	_ =	sdelay $0x1  }
0x8a: {  	s1 =	srdreg.scid  }
0x8b: {  	s0 =	sand.u32 $0x1, s1  }
0x8c: {  	s14 =	sshll.u32 s0, $0xA;
	s2 =	sadd.s32 s3, s2  }
0x8d: {  	s2 =	sadd.s32 s2, s14  }
0x8e: {  	[smem:$0x3FC1] =	sst s2  }
0x8f: {  	_ = 	snop  }
0x90: {  	s2 =	sld [smem:$0x3FD0];
	_ =	sdelay $0x2  }
0x91: {  	s15 =	simm.s32 $0xB;
	s4 =	simm.s32 $0x10  }
0x92: {  	[smem:s4], [sflag:s15] =	dma.local [hbm:s2], $0x1  }
0x93: {  	_ =	swait.eq [sflag:s15], $0x1  }
0x94: {  	[sflag:s15] =	ssyncset.done $0x0  }
0x95: {  	[sflag:s15] =	ssyncadd.s32 $0xFFFFFFFF  }
0x96: {  	s16 =	sld [smem:$0x11];
	(tm) =	ssettm $0x1  }
0x97: {  	s17 =	sld [smem:$0x3FFB];
	_ =	sdelay $0x3  }
0x98: {  	_ =	strace s17  }
0x99: {  	s3 =	sld [smem:$0x3FFC];
	_ =	sdelay $0x3  }
0x9a: {  	_ =	strace s3  }
0x9b: {  	s3 =	sld [smem:$0x3FFD];
	_ =	sdelay $0x3  }
0x9c: {  	_ =	strace s3  }
0x9d: {  	_ =	strace $0x8FFFFFFF  }
0x9e: {  	s18 =	sld [smem:$0x3FDB];
	_ =	sdelay $0x1  }
0x9f: {  	s19 =	simm.s32 $_scs_section_size  }
0xa0: {  	s5 =	simm.s32 $_size__tile_overlayer_lowered;
	s6 =	simm.s32 $_tile_overlayer_lowered  }
0xa1: {  	s22 =	simm.s32 $0x1BFF;
	s21 =	sshll.u32 s6, $0x1;
	s3 =	sadd.s32 s19, s18  }
0xa2: {  	s7 =	simm.s32 $0x0;
	s20 =	sshll.u32 s5, $0x1;
	s5 =	sadd.s32 s21, s3  }
0xa3: {  	[timem:s7], [sflag:s22] =	dma.local [hbm:s5], s20  }
0xa4: {  	_ =	swait.ge [sflag:s22], s20  }
0xa5: {  	s4 =	ssub.s32 $0x0, s20;
	[sflag:s22] =	ssyncset.done $0x0  }
0xa6: {  	[sflag:s22] =	ssyncadd.s32 s4;
	_ =	sdelay $0x1  }
0xa7: {  	s23 =	simm.s32 $0x1B8B  }
0xa8: {  	_ =	swait.ge [sflag:s23], $0x1  }
0xa9: {  	[sflag:s23] =	ssyncset.done $0x0  }
0xaa: {  	s25 =	simm.s32 $0x1B8E;
	s24 =	sld [smem:$0x3FFE];
	[sflag:s23] =	ssyncadd.s32 $0xFFFFFFFF  }
0xab: {  	s26 =	simm.s32 $execute0_lowered;
	[smem:$0x3FD2] =	sst s25  }
0xac: {  	s5 =	sshll.u32 s26, $0x1;
	_ =	strace $0x80000052;
	[dreg:$0x1] =	wrdreg $0xFFFFFFFF  }
0xad: {  	s28 =	simm.s32 $_size_execute0_lowered;
	s3 =	sadd.s32 s3, s5;
	[dreg:$0x0] =	wrdreg $0x0  }
0xae: {  	s5 =	sshll.u32 s28, $0x1;
	[dreg:$0x2] =	wrdreg s3  }
0xaf: {  	[dreg:$0x3] =	wrdreg s5  }
0xb0: {  	[dreg:$0x4] =	wrdreg $0xC0  }
0xb1: {  	_ =	task [dreg:s7], $0x5FFFF  }
0xb2: {  	[dreg:$0x1] =	wrdreg $0xFFFFFFFF  }
0xb3: {  	[dreg:$0x0] =	wrdreg $0x60  }
0xb4: {  	[dreg:$0x2] =	wrdreg s24  }
0xb5: {  	[dreg:$0x3] =	wrdreg s16  }
0xb6: {  	[dreg:$0x4] =	wrdreg $0x9  }
0xb7: {  	_ =	task.clear_ibuf [dreg:s7], $0x5FFFF;
	_ =	strace $0x90000052  }
0xb8: {  	s29 =	simm.s32 $0x9;
	_ =	strace $0x80000054  }
0xb9: {  	_ =	swait.ge [sflag:s29], $0x1  }
0xba: {  	[sflag:s29] =	ssyncadd.s32 $0xFFFFFFFF  }
0xbb: {  	_ =	strace $0x90000054  }
0xbc: {  	_ =	sfence  }
0xbd: {  	s30 =	sld [smem:$0x0];
	_ =	sdelay $0x2  }
0xbe: {  	s31 =	sshll.u32 s1, $0xD;
	s1 =	sshrl.u32 s1, $0x2  }
0xbf: {  	s3 =	sand.u32 $0x4000, s31;
	s1 =	sadd.s32 s1, s30  }
0xc0: {  	s0 =	sor.u32 s3, s0;
	s1 =	sshll.u32 s1, $0x11  }
0xc1: {  	s0 =	sor.u32 s1, s0  }
0xc2: {  	s0 =	sadd.s32 $0x8F2B, s0  }
0xc3: {  	[sflag:s0] =	ssyncadd.remote.s32 $0x1  }
0xc4: {  	_ =	sfence.sel $0xFFFF  }
0xc5: {  	[dreg:$0x0] =	wrdreg $0xFFFFFFFF;
	(pc) =	sbr.abs _section_cstart, $3  }
0xc6: {  	[dreg:$0x1] =	wrdreg $0xFFFFFFFF  }
0xc7: {  	_ =	task.clear_ibuf [dreg:s7], $0x2FFFF;
	_ =	strace $0x9FFFFFFF  }
0xc8: {  	(tm) =	ssettm $0x7FFFFFFF  }
0xc9: {  	_ =	shalt  }
tec
execute0_lowered:
.L_overlay_start_1:
0x0: {  	(tag) =	ssettag $0x1  }
0x1: {  	s3 =	rddreg [dreg:$0x0]  }
0x2: {  	s8 =	rddreg [dreg:$0x1]  }
0x3: {  	s0 =	rddreg [dreg:$0x2]  }
0x4: {  	s4 =	srdreg.scid;
	s1 =	stileid.u32;
	s2 =	simm.s32 $0x0  }
0x5: {  	s13 =	simm.s32 $0x3;
	s14 =	simm.s32 $0x2;
	s15 =	simm.s32 $0x320  }
0x6: {  	s16 =	simm.s32 $0x6;
	s17 =	simm.s32 $0x5;
	s18 =	simm.s32 $0x0  }
0x7: {  	s4 =	sand.u32 $0x1, s4;
	s5 =	sshll.u32 s1, $0x1;
	[smem:$0x7FF] =	sst s2  }
0x8: {  	s10 =	sadd.s32 $0x3C00, s3;
	s7 =	smul.u32 $0x4E20, s1;
	s3 =	sadd.s32 $0x201A00, s3  }
0x9: {  	s5 =	sor.u32 s4, s5;
	s29 =	ssub.s32 $0x2, s4;
	s12 =	smul.u32 $0x2710, s4  }
0xa: {  	_ =	strace $0x80000053;
	s6 =	smul.u32 $0x2710, s5;
	s9 =	sshrl.u32 s29, $0x1  }
0xb: {  	s9 =	ssub.s32 s29, s9;
	s30 =	sadd.s32 s12, s7;
	s12 =	simm.s32 $0xA0  }
0xc: {  	s11 =	sshrl.u32 s6, $0x3;
	s6 =	sadd.s32 s8, s6;
	s7 =	smax.u32 s9, $0x1  }
0xd: {  	s31 =	sadd.s32 s8, s30;
	s4 =	sadd.s32 s10, s11;
	s11 =	sadd.s32 $0xF0, s30  }
0xe: {  	s9 =	sadd.s32 $0x50, s31;
	s5 =	sadd.s32 $0xA, s4;
	s11 =	sshrl.u32 s11, $0x3  }
0xf: {  	s8 =	sadd.s32 $0x14, s4;
	s10 =	sadd.s32 s11, s10;
	s11 =	simm.s32 $0x50  }
.LBB2_1:
0x10: {  	[tilespmem:s2], [sflag:$0x1] =	stream.linear.gather [hbm4b:s4+s2], $0x50, $0x38;
	[tilespmem:$0x5A0] =	vst v63  }
0x11: {  	s19 =	simm.s32 $0x1  }
0x12: {  	[tilespmem:s11], [sflag:$0x2] =	stream.linear.gather [hbm4b:s5+s2], $0x50, $0x38;
	[tilespmem:$0x5A0] =	vst v63  }
0x13: {  	_ =	swait.ge [sflag:s19], $0x50  }
0x14: {  	[sflag:s19] =	ssyncset.done $0x0  }
0x15: {  	[sflag:s19] =	ssyncadd.s32 $0xFFFFFFB0  }
0x16: {  	[tilespmem:s12], [sflag:$0x3] =	stream.indirect.gather [hbm4b:s3+s11], $0x8, s2, s11, $0xb8;
	[tilespmem:$0x5A0] =	vst v63  }
0x17: {  	_ =	swait.ge [sflag:s13], $0x280  }
0x18: {  	[sflag:s13] =	ssyncset.done $0x0  }
0x19: {  	[sflag:s13] =	ssyncadd.s32 $0xFFFFFD80  }
0x1a: {  	_ =	swait.ge [sflag:s14], $0x50  }
0x1b: {  	[sflag:s14] =	ssyncset.done $0x0  }
0x1c: {  	s19 =	sand.u32 $0x1, s19;
	[sflag:s14] =	ssyncadd.s32 $0xFFFFFFB0  }
0x1d: {  	[tilespmem:s15], [sflag:$0x4] =	stream.indirect.gather [hbm4b:s3+s11], $0x8, s11, s11, $0xb8;
	[tilespmem:$0x5A0] =	vst v63  }
0x1e: {  	p1 =	seq.s32 s19, $0x1  }
0x1f: {  	[tilespmem:s2], [sflag:$0x1] =	stream.linear.gather [hbm4b:s8+s2], $0x50, $0x38;
	[tilespmem:$0x5A0] =	vst v63  }
0x20: {  	s19 =	simm.s32 @p1 $0x4  }
0x21: {  	[hbm4b:s6+s2] =	stream.linear.scatter [tilespmem:s12], [sflag:$0x5], $0x280, $0x38;
	[tilespmem:$0x5A0] =	vst v63  }
0x22: {  	_ =	swait.ge @p1 [sflag:s19], $0x280  }
0x23: {  	[sflag:s19] =	ssyncset.done @p1 $0x0  }
0x24: {  	[sflag:s19] =	ssyncadd.s32 @p1 $0xFFFFFD80;
	s19 =	simm.s32 @p1 $0x5  }
0x25: {  	_ =	swait.ge @p1 [sflag:s19], $0x280  }
0x26: {  	p0 =	por p1, p1;
	[sflag:s19] =	ssyncset.done @p1 $0x0  }
0x27: {  	[sflag:s19] =	ssyncadd.s32 @p0 $0xFFFFFD80;
	s19 =	simm.s32 @p0 $0x1  }
0x28: {  	p2 =	por @p1 $0x0, $0x0;
	_ =	swait.ge @p0 [sflag:s19], $0x50  }
0x29: {  	p2 =	por p2, !p1;
	s20 =	simm.s32 @p0 $0xA0;
	[sflag:s19] =	ssyncset.done @p0 $0x0  }
0x2a: {  	s21 =	simm.s32 @p0 $0x0;
	[sflag:s19] =	ssyncadd.s32 @p0 $0xFFFFFFB0;
	s19 =	simm.s32 @p0 $0x50  }
0x2b: {  	[tilespmem:s20], [sflag:$0x3] =	stream.indirect.gather @p0 [hbm4b:s3+s19], $0x8, s21, s19, $0xb8;
	[tilespmem:$0x5A0] =	vst v63  }
0x2c: {  	s19 =	simm.s32 @!p2 $0x0;
	s20 =	simm.s32 @!p2 $0x50  }
0x2d: {  	[tilespmem:s20], [sflag:$0x2] =	stream.linear.gather @!p2 [hbm4b:s10+s19], $0x50, $0x38;
	[tilespmem:$0x5A0] =	vst v63  }
0x2e: {  	s19 =	simm.s32 @p0 $0x320;
	s20 =	simm.s32 @!p0 $0x3  }
0x2f: {  	[hbm4b:s9+s21] =	stream.linear.scatter @p0 [tilespmem:s19], [sflag:$0x6], $0x280, $0x38;
	[tilespmem:$0x5A0] =	vst v63  }
0x30: {  	_ =	swait.ge @!p0 [sflag:s20], $0x280  }
0x31: {  	[sflag:s20] =	ssyncset.done @!p0 $0x0  }
0x32: {  	s19 =	simm.s32 @!p0 $0x6;
	[sflag:s20] =	ssyncadd.s32 @!p0 $0xFFFFFD80  }
0x33: {  	_ =	swait.ge @!p0 [sflag:s19], $0x280  }
0x34: {  	[sflag:s19] =	ssyncset.done @!p0 $0x0  }
0x35: {  	s22 =	simm.s32 $0x3;
	[sflag:s19] =	ssyncadd.s32 @!p0 $0xFFFFFD80;
	s19 =	simm.s32 @!p0 $0x2  }
0x36: {  	s26 =	smov.u32 s9;
	p2 =	por @!p1 $0x0, $0x0;
	_ =	swait.ge @!p0 [sflag:s19], $0x50  }
0x37: {  	s23 =	simm.s32 @!p1 $0x0;
	p2 =	por p2, p1;
	[sflag:s19] =	ssyncset.done @!p0 $0x0  }
0x38: {  	s20 =	simm.s32 @!p0 $0x320;
	[sflag:s19] =	ssyncadd.s32 @!p0 $0xFFFFFFB0;
	s19 =	simm.s32 @!p0 $0x50  }
0x39: {  	[tilespmem:s20], [sflag:$0x4] =	stream.indirect.gather @!p0 [hbm4b:s3+s19], $0x8, s19, s19, $0xb8;
	[tilespmem:$0x5A0] =	vst v63  }
0x3a: {  	s24 =	simm.s32 @!p1 $0xA0;
	s19 =	simm.s32 @!p2 $0x0;
	s20 =	simm.s32 $0x2  }
0x3b: {  	[tilespmem:s19], [sflag:$0x1] =	stream.linear.gather @!p2 [hbm4b:s10+s19], $0x50, $0x38;
	[tilespmem:$0x5A0] =	vst v63  }
0x3c: {  	s21 =	smov.u32 s9;
	s28 =	sand.u32 $0x1, s20;
	s19 =	sadd.s32 $0xA, s10  }
.LBB2_2:
0x3d: {  	p4 =	seq.s32 s28, $0x1;
	s21 =	sadd.s32 $0x50, s21  }
0x3e: {  	s28 =	smov.u32 s22;
	s22 =	sadd.s32 $0x1, s22;
	s25 =	smov.u32 s19  }
0x3f: {  	s29 =	simm.s32 @p4 $0x4;
	p1 =	sgt.u32 @p4 s20, $0x7A;
	p2 =	sgt.u32 @!p4 s20, $0x7A  }
0x40: {  	[hbm4b:s26+s23] =	stream.linear.scatter @!p0 [tilespmem:s24], [sflag:$0x5], $0x280, $0x38;
	[tilespmem:$0x5A0] =	vst v63  }
0x41: {  	p3 =	por p1, !p4;
	p1 =	por p2, p4;
	_ =	swait.ge @p4 [sflag:s29], $0x280  }
0x42: {  	s23 =	simm.s32 @!p4 $0x0;
	s24 =	simm.s32 @!p4 $0xA0;
	[sflag:s29] =	ssyncset.done @p4 $0x0  }
0x43: {  	p2 =	sne.s32 s22, $0x7C;
	[sflag:s29] =	ssyncadd.s32 @p4 $0xFFFFFD80;
	s29 =	simm.s32 @p4 $0x5  }
0x44: {  	s20 =	smov.u32 s28;
	s26 =	smov.u32 s21;
	_ =	swait.ge @p4 [sflag:s29], $0x280  }
0x45: {  	p0 =	por p4, p4;
	[sflag:s29] =	ssyncset.done @p4 $0x0  }
0x46: {  	s28 =	simm.s32 @p0 $0x1;
	[sflag:s29] =	ssyncadd.s32 @p0 $0xFFFFFD80  }
0x47: {  	_ =	swait.ge @p0 [sflag:s28], $0x50  }
0x48: {  	s29 =	simm.s32 @p0 $0xA0;
	[sflag:s28] =	ssyncset.done @p0 $0x0  }
0x49: {  	s30 =	simm.s32 @p0 $0x0;
	[sflag:s28] =	ssyncadd.s32 @p0 $0xFFFFFFB0;
	s28 =	simm.s32 @p0 $0x50  }
0x4a: {  	[tilespmem:s29], [sflag:$0x3] =	stream.indirect.gather @p0 [hbm4b:s3+s28], $0x8, s30, s28, $0xb8;
	[tilespmem:$0x5A0] =	vst v63  }
0x4b: {  	s28 =	simm.s32 @!p3 $0x0;
	s29 =	simm.s32 @!p3 $0x50  }
0x4c: {  	[tilespmem:s29], [sflag:$0x2] =	stream.linear.gather @!p3 [hbm4b:s19+s28], $0x50, $0x38;
	[tilespmem:$0x5A0] =	vst v63  }
0x4d: {  	s28 =	simm.s32 @p0 $0x320;
	s29 =	simm.s32 @!p0 $0x3  }
0x4e: {  	[hbm4b:s21+s30] =	stream.linear.scatter @p0 [tilespmem:s28], [sflag:$0x6], $0x280, $0x38;
	[tilespmem:$0x5A0] =	vst v63  }
0x4f: {  	_ =	swait.ge @!p0 [sflag:s29], $0x280  }
0x50: {  	[sflag:s29] =	ssyncset.done @!p0 $0x0  }
0x51: {  	s28 =	simm.s32 @!p0 $0x6;
	[sflag:s29] =	ssyncadd.s32 @!p0 $0xFFFFFD80  }
0x52: {  	_ =	swait.ge @!p0 [sflag:s28], $0x280  }
0x53: {  	[sflag:s28] =	ssyncset.done @!p0 $0x0  }
0x54: {  	[sflag:s28] =	ssyncadd.s32 @!p0 $0xFFFFFD80;
	s28 =	simm.s32 @!p0 $0x2  }
0x55: {  	_ =	swait.ge @!p0 [sflag:s28], $0x50  }
.Ltmp0:
0x56: {  	[sflag:s28] =	ssyncset.done @!p0 $0x0;
	(pc) =	sbr.rel @p2 .LBB2_2-.Ltmp0, $4  }
0x57: {  	s29 =	simm.s32 @!p0 $0x320;
	[sflag:s28] =	ssyncadd.s32 @!p0 $0xFFFFFFB0;
	s28 =	simm.s32 @!p0 $0x50  }
0x58: {  	[tilespmem:s29], [sflag:$0x4] =	stream.indirect.gather @!p0 [hbm4b:s3+s28], $0x8, s28, s28, $0xb8;
	[tilespmem:$0x5A0] =	vst v63  }
0x59: {  	s19 =	sadd.s32 $0xA, s19;
	s28 =	sand.u32 $0x1, s20;
	s29 =	simm.s32 @!p1 $0x0  }
0x5a: {  	[tilespmem:s29], [sflag:$0x1] =	stream.linear.gather @!p1 [hbm4b:s25+s29], $0x50, $0x38;
	[tilespmem:$0x5A0] =	vst v63  }
0x5b: {  	p1 =	seq.s32 s28, $0x1  }
0x5c: {  	[hbm4b:s26+s23] =	stream.linear.scatter @!p0 [tilespmem:s24], [sflag:$0x5], $0x280, $0x38;
	[tilespmem:$0x5A0] =	vst v63  }
0x5d: {  	s22 =	simm.s32 @p1 $0x4  }
0x5e: {  	_ =	swait.ge @p1 [sflag:s22], $0x280  }
0x5f: {  	[sflag:s22] =	ssyncset.done @p1 $0x0  }
0x60: {  	[sflag:s22] =	ssyncadd.s32 @p1 $0xFFFFFD80;
	s22 =	simm.s32 @p1 $0x5  }
0x61: {  	_ =	swait.ge @p1 [sflag:s22], $0x280  }
0x62: {  	p0 =	por p1, p1;
	[sflag:s22] =	ssyncset.done @p1 $0x0  }
0x63: {  	[sflag:s22] =	ssyncadd.s32 @p0 $0xFFFFFD80;
	s22 =	simm.s32 @p0 $0x1  }
0x64: {  	p2 =	sgt.u32 @p1 s20, $0x7A;
	_ =	swait.ge @p0 [sflag:s22], $0x50  }
0x65: {  	p2 =	por p2, !p1;
	s23 =	simm.s32 @p0 $0xA0;
	[sflag:s22] =	ssyncset.done @p0 $0x0  }
0x66: {  	s24 =	simm.s32 @p0 $0x0;
	[sflag:s22] =	ssyncadd.s32 @p0 $0xFFFFFFB0;
	s22 =	simm.s32 @p0 $0x50  }
0x67: {  	[tilespmem:s23], [sflag:$0x3] =	stream.indirect.gather @p0 [hbm4b:s3+s22], $0x8, s24, s22, $0xb8;
	[tilespmem:$0x5A0] =	vst v63  }
0x68: {  	s22 =	simm.s32 @!p2 $0x0;
	s23 =	simm.s32 @!p2 $0x50  }
0x69: {  	[tilespmem:s23], [sflag:$0x2] =	stream.linear.gather @!p2 [hbm4b:s19+s22], $0x50, $0x38;
	[tilespmem:$0x5A0] =	vst v63  }
0x6a: {  	s21 =	sadd.s32 $0x50, s21;
	s22 =	simm.s32 @p0 $0x320;
	s23 =	simm.s32 @!p0 $0x3  }
0x6b: {  	[hbm4b:s21+s24] =	stream.linear.scatter @p0 [tilespmem:s22], [sflag:$0x6], $0x280, $0x38;
	[tilespmem:$0x5A0] =	vst v63  }
0x6c: {  	_ =	swait.ge @!p0 [sflag:s23], $0x280  }
0x6d: {  	[sflag:s23] =	ssyncset.done @!p0 $0x0  }
0x6e: {  	s22 =	simm.s32 @!p0 $0x6;
	[sflag:s23] =	ssyncadd.s32 @!p0 $0xFFFFFD80  }
0x6f: {  	_ =	swait.ge @!p0 [sflag:s22], $0x280  }
0x70: {  	[sflag:s22] =	ssyncset.done @!p0 $0x0  }
0x71: {  	[sflag:s22] =	ssyncadd.s32 @!p0 $0xFFFFFD80;
	s22 =	simm.s32 @!p0 $0x2  }
0x72: {  	_ =	swait.ge @!p0 [sflag:s22], $0x50  }
0x73: {  	p2 =	sgt.u32 @!p1 s20, $0x7A;
	s20 =	simm.s32 @!p0 $0x50;
	[sflag:s22] =	ssyncset.done @!p0 $0x0  }
0x74: {  	p2 =	por p2, p1;
	[sflag:s22] =	ssyncadd.s32 @!p0 $0xFFFFFFB0;
	s22 =	simm.s32 @!p0 $0x320  }
0x75: {  	[tilespmem:s22], [sflag:$0x4] =	stream.indirect.gather @!p0 [hbm4b:s3+s20], $0x8, s20, s20, $0xb8;
	[tilespmem:$0x5A0] =	vst v63  }
0x76: {  	s20 =	simm.s32 @!p2 $0x0  }
0x77: {  	[tilespmem:s20], [sflag:$0x1] =	stream.linear.gather @!p2 [hbm4b:s19+s20], $0x50, $0x38;
	[tilespmem:$0x5A0] =	vst v63  }
0x78: {  	s19 =	simm.s32 @!p1 $0x0;
	s20 =	simm.s32 @!p1 $0xA0  }
0x79: {  	[hbm4b:s21+s19] =	stream.linear.scatter @!p0 [tilespmem:s20], [sflag:$0x5], $0x280, $0x38;
	[tilespmem:$0x5A0] =	vst v63  }
0x7a: {  	_ =	swait.ge [sflag:s13], $0x280  }
0x7b: {  	[sflag:s13] =	ssyncset.done $0x0  }
0x7c: {  	[sflag:s13] =	ssyncadd.s32 $0xFFFFFD80  }
0x7d: {  	s18 =	sadd.s32 $0x1, s18;
	_ =	swait.ge [sflag:s16], $0x280  }
0x7e: {  	p0 =	sne.s32 s18, s7;
	[sflag:s16] =	ssyncset.done $0x0  }
.Ltmp1:
0x7f: {  	s31 =	sadd.s32 $0x50, s21;
	[sflag:s16] =	ssyncadd.s32 $0xFFFFFD80;
	(pc) =	sbr.rel @p0 .LBB2_1-.Ltmp1, $4  }
0x80: {  	[hbm4b:s31+s2] =	stream.linear.scatter [tilespmem:s12], [sflag:$0x5], $0x280, $0x38;
	[tilespmem:$0x5A0] =	vst v63  }
0x81: {  	_ =	swait.ge [sflag:s17], $0x280  }
0x82: {  	[sflag:s17] =	ssyncset.done $0x0  }
0x83: {  	[sflag:s17] =	ssyncadd.s32 $0xFFFFFD80  }
0x84: {  	_ =	sfence.sel $0x180000  }
0x85: {  	[bflag:$0x0] =	sbarrier.arrive $0xFFFF  }
0x86: {  	p0 =	sne.s32 s1, $0x0;
	_ =	strace $0x90000053  }
0x87: {  	s0 =	sadd.s32 @!p0 $0x100000, s0;
	[bflag:$0x2] =	sbarrier.arrive $0xFFFF  }
0x88: {  	[sflag:s0] =	ssyncadd.tile.s32 @!p0 $0x1;
	_ =	shalt  }
.Lfunc_end2:
_tile_overlayer_lowered:
.L_overlay_start_2:
0x89: {  	(tag) =	ssettag $0x2  }
0x8a: {  	s0 =	rddreg [dreg:$0x0];
	s2 =	stileid.u32  }
0x8b: {  	s1 =	rddreg [dreg:$0x1];
	p0 =	sne.s32 s2, $0x0  }
0x8c: {  	s3 =	rddreg [dreg:$0x2];
	[bflag:$0x3] =	sbarrier.arrive $0xFFFF;
	s2 =	simm.s32 @!p0 $0x1C07  }
0x8d: {  	[timem:s3], [sflag:s2] =	dma.local @!p0 [hbm:s0], s1  }
0x8e: {  	s0 =	simm.s32 @!p0 $0x7  }
0x8f: {  	_ =	swait.ge @!p0 [sflag:s0], s1  }
0x90: {  	s1 =	ssub.s32 @!p0 $0x0, s1;
	[sflag:s0] =	ssyncset.done @!p0 $0x0  }
0x91: {  	[sflag:s0] =	ssyncadd.s32 @!p0 s1  }
0x92: {  	[bflag:$0x3] =	sbarrier.arrive $0xFFFF  }
0x93: {  	_ =	shalt  }

</sc_bundles>
